<compile_context>
chip_gen: v7x
topology: tpu7x:2x2x1
jax: 0.10.2.dev20260603
libtpu: 0.0.44.dev20260713+nightly
codegen_flags: <defaults>
</compile_context>

<pallas_src>
import jax
import jax.numpy as jnp
from jax import lax
from jax.experimental import pallas as pl
from jax.experimental.pallas import tpu as pltpu
from jax.experimental.pallas import tpu_sc as plsc

_D = 128
_L = 16
_NJ = _D // _L
_NB = 200
_NPAD = 208
_NTILES = 32



def _transform_body(x_ref, m_ref, b_ref, o_ref):
    o_ref[...] = (
        jnp.dot(x_ref[...], m_ref[...], preferred_element_type=jnp.float32)
        + b_ref[...]
    )


def _transform_table(emb, m, brow, blk=2048):
    n = emb.shape[0]
    return pl.pallas_call(
        _transform_body,
        grid=(pl.cdiv(n, blk),),
        in_specs=[
            pl.BlockSpec((blk, _D), lambda i: (i, 0)),
            pl.BlockSpec((_D, 2 * _D), lambda i: (0, 0)),
            pl.BlockSpec((1, 2 * _D), lambda i: (0, 0)),
        ],
        out_specs=pl.BlockSpec((blk, 2 * _D), lambda i: (i, 0)),
        out_shape=jax.ShapeDtypeStruct((n, 2 * _D), jnp.float32),
    )(emb, m, brow)



def _sc_body(idx_hbm, table_hbm, emb_hbm, self_hbm, par_hbm, out_hbm,
             idx0_v, idx1_v, rows0_v, rows1_v, scores_v, w_v, par_v, selfidx_v,
             selfrows_v, out_v, sem_r0, sem_r1, sem_i0, sem_i1, sem_s):
    nb_total = idx_hbm.shape[0]
    b_per_w = nb_total // _NTILES
    wid = lax.axis_index("s") * 2 + lax.axis_index("c")
    base = wid * b_per_w
    ngrp = _NPAD // _L

    idx_bufs = [idx0_v, idx1_v]
    rows_bufs = [rows0_v, rows1_v]
    sem_rows = [sem_r0, sem_r1]
    sem_idxs = [sem_i0, sem_i1]

    pltpu.sync_copy(par_hbm, par_v)
    pltpu.sync_copy(self_hbm.at[pl.ds(base, b_per_w)], selfidx_v)
    pltpu.async_copy(emb_hbm.at[selfidx_v], selfrows_v, sem_s).wait()

    lanes = lax.iota(jnp.int32, _L)
    padmask = lanes < (_NB - _L * (ngrp - 1))
    lane0 = lanes < 1
    attn_regs = [par_v[0, pl.ds(j * _L, _L)] for j in range(_NJ)]
    scores_v[pl.ds(_L * (ngrp - 1), _L)] = jnp.where(
        padmask, jnp.float32(0.0), jnp.float32(-1e30))

    def fire_idx(i_next, slot):
        src = jnp.minimum(base + i_next, nb_total - 1)
        pltpu.async_copy(idx_hbm.at[src], idx_bufs[slot], sem_idxs[slot])

    def drain_idx(slot):
        pltpu.make_async_copy(
            idx_hbm.at[0], idx_bufs[slot], sem_idxs[slot]).wait()

    _chunks = ((0, 104, 0), (104, 96, 104),
               (_NB, 104, _NPAD), (_NB + 104, 96, _NPAD + 104))

    def fire_rows(slot):
        for io, sz, do in _chunks:
            pltpu.async_copy(
                table_hbm.at[idx_bufs[slot].at[pl.ds(io, sz)]],
                rows_bufs[slot].at[pl.ds(do, sz)],
                sem_rows[slot],
            )

    def drain_rows(slot):
        for io, sz, do in _chunks:
            pltpu.make_async_copy(
                table_hbm.at[idx_bufs[slot].at[pl.ds(io, sz)]],
                rows_bufs[slot].at[pl.ds(do, sz)],
                sem_rows[slot],
            ).wait()

    def compute(rows_v, i):
        def n_step(n, _):
            acc = jnp.zeros((_L,), jnp.float32)
            for j in range(_NJ):
                sl = pl.ds(j * _L, _L)
                x = rows_v[n, sl] + rows_v[_NPAD + n, sl]
                v = jnp.maximum(x, 0.01 * x)
                rows_v[n, sl] = v
                acc = acc + v * attn_regs[j]
            plsc.store_scatter(
                scores_v, [jnp.full((_L,), n, jnp.int32)],
                jnp.full((_L,), jnp.sum(acc)), mask=lane0)
            return 0

        lax.fori_loop(0, _NB, n_step, 0, unroll=4)

        svs = [scores_v[pl.ds(t * _L, _L)] for t in range(ngrp)]

        mv = svs[0]
        for t in range(1, ngrp):
            mv = jnp.maximum(mv, svs[t])
        mx = jnp.max(mv)
        sv = jnp.zeros((_L,), jnp.float32)
        for t in range(ngrp):
            wv = jnp.exp(svs[t] - mx)
            w_v[pl.ds(t * _L, _L)] = wv
            sv = sv + wv
        invv = 1.0 / jnp.full((_L,), jnp.sum(sv))

        def n_step2(n, accs):
            wn = plsc.load_gather(w_v, [jnp.full((_L,), n, jnp.int32)])
            return tuple(
                accs[j] + wn * rows_v[n, pl.ds(j * _L, _L)]
                for j in range(_NJ)
            )

        accs = lax.fori_loop(
            0, _NB, n_step2,
            tuple(jnp.zeros((_L,), jnp.float32) for _ in range(_NJ)),
            unroll=4,
        )

        g16 = jnp.zeros((_L,), jnp.float32)
        outs = []
        for j in range(_NJ):
            oa = accs[j] * invv
            outs.append(oa)
            g16 = g16 + oa * par_v[1, pl.ds(j * _L, _L)]
        gfull = jnp.full((_L,), jnp.sum(g16 + par_v[2, pl.ds(0, _L)]))
        gv = 1.0 / (1.0 + jnp.exp(-gfull))
        for j in range(_NJ):
            sl = pl.ds(j * _L, _L)
            out_v[i, sl] = outs[j] * gv + selfrows_v[i, sl] * (1.0 - gv)

    fire_idx(0, 0)
    drain_idx(0)
    fire_rows(0)
    fire_idx(1, 1)

    def b2_step(i2, carry):
        for k in range(2):
            i = 2 * i2 + k
            drain_rows(k)
            drain_idx(k ^ 1)
            fire_rows(k ^ 1)
            fire_idx(i + 2, k)
            compute(rows_bufs[k], i)
        return 0

    lax.fori_loop(0, b_per_w // 2, b2_step, 0, unroll=False)
    drain_rows(0)
    drain_idx(1)
    pltpu.sync_copy(out_v, out_hbm.at[pl.ds(base, b_per_w)])


def _sc_aggregate(idx_all, tflat, symbol_emb, entself, params):
    b = idx_all.shape[0]
    b_per_w = b // _NTILES
    mesh = plsc.VectorSubcoreMesh(core_axis_name="c", subcore_axis_name="s")
    f = pl.kernel(
        _sc_body,
        out_type=jax.ShapeDtypeStruct((b, _D), jnp.float32),
        mesh=mesh,
        scratch_types=[
            pltpu.VMEM((2 * _NB,), jnp.int32),
            pltpu.VMEM((2 * _NB,), jnp.int32),
            pltpu.VMEM((2 * _NPAD, _D), jnp.float32),
            pltpu.VMEM((2 * _NPAD, _D), jnp.float32),
            pltpu.VMEM((_NPAD,), jnp.float32),
            pltpu.VMEM((_NPAD,), jnp.float32),
            pltpu.VMEM((3, _D), jnp.float32),
            pltpu.VMEM((b_per_w,), jnp.int32),
            pltpu.VMEM((b_per_w, _D), jnp.float32),
            pltpu.VMEM((b_per_w, _D), jnp.float32),
            pltpu.SemaphoreType.DMA,
            pltpu.SemaphoreType.DMA,
            pltpu.SemaphoreType.DMA,
            pltpu.SemaphoreType.DMA,
            pltpu.SemaphoreType.DMA,
        ],
        compiler_params=pltpu.CompilerParams(needs_layout_passes=False),
    )
    return f(idx_all, tflat, symbol_emb, entself, params)


def kernel(connections, num_neighbors, istest, symbol_emb,
           gcn_w_W, gcn_w_b, gcn_b, attn_w_W, attn_w_b,
           gate_w_W, gate_w_b, gate_b):
    del num_neighbors, istest, attn_w_b
    nsym1 = symbol_emb.shape[0]
    b = connections.shape[0]

    relations = connections[:, :, 1].astype(jnp.int32)
    entities = connections[:, :, 2].astype(jnp.int32)
    entself = connections[:, 0, 0].astype(jnp.int32)

    m = jnp.concatenate([gcn_w_W[:, :_D].T, gcn_w_W[:, _D:].T], axis=1)
    brow = jnp.concatenate(
        [gcn_w_b + gcn_b, jnp.zeros((_D,), jnp.float32)]
    ).reshape(1, 2 * _D)

    tcat = _transform_table(symbol_emb, m, brow)
    tflat = tcat.reshape(2 * nsym1, _D)

    idx_all = jnp.concatenate([relations * 2, entities * 2 + 1], axis=1)

    gate_bias_row = jnp.zeros((_D,), jnp.float32).at[0].set(
        gate_w_b[0] + gate_b[0])
    params = jnp.stack([attn_w_W[0], gate_w_W[0], gate_bias_row])

    return _sc_aggregate(idx_all, tflat, symbol_emb, entself, params)

# --- scband reference (transcript-rebuilt; emitter-appended) ---
"""Pipeline reference for scband-meta-r-52767968199074 (READ-ONLY COPY).

The authoritative reference and input builder live on the scoring server;
editing this copy changes nothing except your own understanding.
"""

import jax, jax.numpy as jnp
import numpy as np

B = 2048
NB = 200
NSYM = 100000
D = 128

def setup_inputs(seed: int = 0):
    key = jax.random.key(seed)
    ks = jax.random.split(key, 8)
    connections = jax.random.randint(ks[0], (B, NB, 3), 0, NSYM)
    num_neighbors = jax.random.randint(ks[1], (B,), 1, NB)
    symbol_emb = jax.random.normal(ks[2], (NSYM + 1, D), dtype=jnp.float32) * 0.02
    lim = float(np.sqrt(6.0 / (3 * D)))
    gcn_w_W = jax.random.uniform(ks[3], (D, 2 * D), minval=-lim, maxval=lim, dtype=jnp.float32)
    gcn_w_b = jnp.zeros((D,), jnp.float32)
    gcn_b = jnp.zeros((D,), jnp.float32)
    attn_w_W = jax.random.normal(ks[4], (1, D), dtype=jnp.float32) * 0.1
    attn_w_b = jnp.zeros((1,), jnp.float32)
    gate_w_W = jax.random.normal(ks[5], (1, D), dtype=jnp.float32) * 0.1
    gate_w_b = jnp.zeros((1,), jnp.float32)
    gate_b = jnp.zeros((1,), jnp.float32)
    return {"connections": connections, "num_neighbors": num_neighbors, "istest": False,
            "symbol_emb": symbol_emb, "gcn_w_W": gcn_w_W, "gcn_w_b": gcn_w_b, "gcn_b": gcn_b,
            "attn_w_W": attn_w_W, "attn_w_b": attn_w_b, "gate_w_W": gate_w_W,
            "gate_w_b": gate_w_b, "gate_b": gate_b}

def reference(connections, num_neighbors, istest, symbol_emb, gcn_w_W, gcn_w_b, gcn_b, attn_w_W, attn_w_b, gate_w_W, gate_w_b, gate_b):
    # MetaR.neighbor_encoder (eval mode: dropout = identity)
    entself = connections[:, 0, 0]
    relations = connections[:, :, 1]
    entities = connections[:, :, 2]
    rel_embeds = jnp.take(symbol_emb, relations, axis=0)
    ent_embeds = jnp.take(symbol_emb, entities, axis=0)
    entself_embeds = jnp.take(symbol_emb, entself, axis=0)
    concat_embeds = jnp.concatenate([rel_embeds, ent_embeds], axis=-1)
    out = concat_embeds @ gcn_w_W.T + gcn_w_b + gcn_b
    out = jax.nn.leaky_relu(out, 0.01)
    attn_out = out @ attn_w_W.T + attn_w_b
    attn_weight = jax.nn.softmax(attn_out, axis=1)
    out_attn = jnp.einsum('bnd,bn->bd', out, attn_weight[:, :, 0])
    gate = jax.nn.sigmoid(out_attn @ gate_w_W.T + gate_w_b + gate_b)
    out_neigh = out_attn * gate
    out_neighbor = out_neigh + entself_embeds * (1.0 - gate)
    return out_neighbor

if __name__ == "__main__":
    import jax
    _d = setup_inputs()
    print(jax.jit(kernel)(*tuple(_d.values())))

</pallas_src>

<mosaic_0001>
#map = affine_map<(d0, d1) -> (0, 0)>
#map1 = affine_map<(d0, d1) -> (0)>
module attributes {stable_mosaic.version = 14 : i64} {
  func.func @_sc_body(%arg0: i32, %arg1: i32, %arg2: memref<2048x400xi32, #tpu.memory_space<hbm>>, %arg3: memref<200002x128xf32, #tpu.memory_space<hbm>>, %arg4: memref<100001x128xf32, #tpu.memory_space<hbm>>, %arg5: memref<2048xi32, #tpu.memory_space<hbm>>, %arg6: memref<3x128xf32, #tpu.memory_space<hbm>>, %arg7: memref<2048x128xf32, #tpu.memory_space<hbm>>, %arg8: memref<400xi32, #tpu.memory_space<vmem>>, %arg9: memref<400xi32, #tpu.memory_space<vmem>>, %arg10: memref<416x128xf32, #tpu.memory_space<vmem>>, %arg11: memref<416x128xf32, #tpu.memory_space<vmem>>, %arg12: memref<208xf32, #tpu.memory_space<vmem>>, %arg13: memref<208xf32, #tpu.memory_space<vmem>>, %arg14: memref<3x128xf32, #tpu.memory_space<vmem>>, %arg15: memref<64xi32, #tpu.memory_space<vmem>>, %arg16: memref<64x128xf32, #tpu.memory_space<vmem>>, %arg17: memref<64x128xf32, #tpu.memory_space<vmem>>, %arg18: memref<!tpu.dma_semaphore, #tpu.memory_space<semaphore_mem>>, %arg19: memref<!tpu.dma_semaphore, #tpu.memory_space<semaphore_mem>>, %arg20: memref<!tpu.dma_semaphore, #tpu.memory_space<semaphore_mem>>, %arg21: memref<!tpu.dma_semaphore, #tpu.memory_space<semaphore_mem>>, %arg22: memref<!tpu.dma_semaphore, #tpu.memory_space<semaphore_mem>>) attributes {dimension_semantics = [#tpu.dimension_semantics<core_parallel>, #tpu.dimension_semantics<subcore_parallel>], iteration_bounds = array<i64: 2, 16>, scalar_prefetch = 0 : i64, scratch_operands = 15 : i64, tpu.core_type = #tpu.core_type<sc_vector_subcore>, window_params = [{transform_indices = #map}, {transform_indices = #map}, {transform_indices = #map}, {transform_indices = #map1}, {transform_indices = #map}, {transform_indices = #map}]} {
    %mul3A = arith.constant 2 : i32
    %mul3A_0 = arith.muli %arg1, %mul3A : i32
    %add3A = arith.addi %mul3A_0, %arg0 : i32
    %mul3A_1 = arith.constant 64 : i32
    %mul3A_2 = arith.muli %add3A, %mul3A_1 : i32
    "tpu.region"() ({
      %run_scoped3A = tpu.sem_alloc : memref<!tpu.dma_semaphore, #tpu.memory_space<semaphore_mem>>
      tpu.enqueue_dma source(%arg6 : memref<3x128xf32, #tpu.memory_space<hbm>>) target(%arg14 : memref<3x128xf32, #tpu.memory_space<vmem>>) target_semaphore(%run_scoped3A : memref<!tpu.dma_semaphore, #tpu.memory_space<semaphore_mem>>)
      tpu.wait_dma2 semaphore(%run_scoped3A : memref<!tpu.dma_semaphore, #tpu.memory_space<semaphore_mem>>) src(%arg6 : memref<3x128xf32, #tpu.memory_space<hbm>>) dst(%arg14 : memref<3x128xf32, #tpu.memory_space<vmem>>)
      tpu.yield
    }) : () -> ()
    "tpu.region"() ({
      %run_scoped3A = tpu.sem_alloc : memref<!tpu.dma_semaphore, #tpu.memory_space<semaphore_mem>>
      %dma_start3A_149 = tpu.memref_slice %arg5[%mul3A_2] : memref<2048xi32, #tpu.memory_space<hbm>> -> memref<64xi32, #tpu.memory_space<hbm>>
      %dma_start3A_150 = tpu.memref_slice %arg5[%mul3A_2] : memref<2048xi32, #tpu.memory_space<hbm>> -> memref<64xi32, #tpu.memory_space<hbm>>
      tpu.enqueue_dma source(%dma_start3A_150 : memref<64xi32, #tpu.memory_space<hbm>>) target(%arg15 : memref<64xi32, #tpu.memory_space<vmem>>) target_semaphore(%run_scoped3A : memref<!tpu.dma_semaphore, #tpu.memory_space<semaphore_mem>>)
      %dma_wait3A_151 = tpu.memref_slice %arg5[%mul3A_2] : memref<2048xi32, #tpu.memory_space<hbm>> -> memref<64xi32, #tpu.memory_space<hbm>>
      %dma_wait3A_152 = tpu.memref_slice %arg5[%mul3A_2] : memref<2048xi32, #tpu.memory_space<hbm>> -> memref<64xi32, #tpu.memory_space<hbm>>
      tpu.wait_dma2 semaphore(%run_scoped3A : memref<!tpu.dma_semaphore, #tpu.memory_space<semaphore_mem>>) src(%dma_wait3A_152 : memref<64xi32, #tpu.memory_space<hbm>>) dst(%arg15 : memref<64xi32, #tpu.memory_space<vmem>>)
      tpu.yield
    }) : () -> ()
    %dma_start3A = arith.constant 0 : i32
    %dma_start3A_3 = arith.constant 0 : i32
    %dma_start3A_4 = tpu.memref_slice %arg4[%dma_start3A, %dma_start3A_3] : memref<100001x128xf32, #tpu.memory_space<hbm>> -> memref<100001x128xf32, #tpu.memory_space<hbm>>
    tpu.enqueue_indirect_dma source(%dma_start3A_4 : memref<100001x128xf32, #tpu.memory_space<hbm>>) target(%arg16 : memref<64x128xf32, #tpu.memory_space<vmem>>) offsets(%arg15 : memref<64xi32, #tpu.memory_space<vmem>>) semaphore(%arg22 : memref<!tpu.dma_semaphore, #tpu.memory_space<semaphore_mem>>)
    %dma_wait3A = arith.constant 0 : i32
    %dma_wait3A_5 = arith.constant 0 : i32
    %dma_wait3A_6 = tpu.memref_slice %arg4[%dma_wait3A, %dma_wait3A_5] : memref<100001x128xf32, #tpu.memory_space<hbm>> -> memref<100001x128xf32, #tpu.memory_space<hbm>>
    tpu.wait_indirect_dma semaphore(%arg22 : memref<!tpu.dma_semaphore, #tpu.memory_space<semaphore_mem>>) src(%dma_wait3A_6 : memref<100001x128xf32, #tpu.memory_space<hbm>>) dst(%arg16 : memref<64x128xf32, #tpu.memory_space<vmem>>)
    %iota3A = tpu.iota {dimensions = array<i32: 0>} : vector<16xi32>
    %lt3A = arith.constant 8 : i32
    %lt3A_7 = vector.broadcast %lt3A : i32 to vector<16xi32>
    %lt3A_8 = arith.cmpi slt, %iota3A, %lt3A_7 : vector<16xi32>
    %lt3A_9 = arith.constant 1 : i32
    %lt3A_10 = vector.broadcast %lt3A_9 : i32 to vector<16xi32>
    %lt3A_11 = arith.cmpi slt, %iota3A, %lt3A_10 : vector<16xi32>
    %get3A = arith.constant 0 : i32
    %get3A_12 = arith.index_cast %get3A : i32 to index
    %get3A_13 = arith.constant 0 : index
    %get3A_14 = tpu.vector_load %arg14[%get3A_12, %get3A_13] {strides = array<i32>} : memref<3x128xf32, #tpu.memory_space<vmem>>, vector<16xf32>,
    %get3A_15 = arith.constant 0 : i32
    %get3A_16 = arith.index_cast %get3A_15 : i32 to index
    %get3A_17 = arith.constant 16 : index
    %get3A_18 = tpu.vector_load %arg14[%get3A_16, %get3A_17] {strides = array<i32>} : memref<3x128xf32, #tpu.memory_space<vmem>>, vector<16xf32>,
    %get3A_19 = arith.constant 0 : i32
    %get3A_20 = arith.index_cast %get3A_19 : i32 to index
    %get3A_21 = arith.constant 32 : index
    %get3A_22 = tpu.vector_load %arg14[%get3A_20, %get3A_21] {strides = array<i32>} : memref<3x128xf32, #tpu.memory_space<vmem>>, vector<16xf32>,
    %get3A_23 = arith.constant 0 : i32
    %get3A_24 = arith.index_cast %get3A_23 : i32 to index
    %get3A_25 = arith.constant 48 : index
    %get3A_26 = tpu.vector_load %arg14[%get3A_24, %get3A_25] {strides = array<i32>} : memref<3x128xf32, #tpu.memory_space<vmem>>, vector<16xf32>,
    %get3A_27 = arith.constant 0 : i32
    %get3A_28 = arith.index_cast %get3A_27 : i32 to index
    %get3A_29 = arith.constant 64 : index
    %get3A_30 = tpu.vector_load %arg14[%get3A_28, %get3A_29] {strides = array<i32>} : memref<3x128xf32, #tpu.memory_space<vmem>>, vector<16xf32>,
    %get3A_31 = arith.constant 0 : i32
    %get3A_32 = arith.index_cast %get3A_31 : i32 to index
    %get3A_33 = arith.constant 80 : index
    %get3A_34 = tpu.vector_load %arg14[%get3A_32, %get3A_33] {strides = array<i32>} : memref<3x128xf32, #tpu.memory_space<vmem>>, vector<16xf32>,
    %get3A_35 = arith.constant 0 : i32
    %get3A_36 = arith.index_cast %get3A_35 : i32 to index
    %get3A_37 = arith.constant 96 : index
    %get3A_38 = tpu.vector_load %arg14[%get3A_36, %get3A_37] {strides = array<i32>} : memref<3x128xf32, #tpu.memory_space<vmem>>, vector<16xf32>,
    %get3A_39 = arith.constant 0 : i32
    %get3A_40 = arith.index_cast %get3A_39 : i32 to index
    %get3A_41 = arith.constant 112 : index
    %get3A_42 = tpu.vector_load %arg14[%get3A_40, %get3A_41] {strides = array<i32>} : memref<3x128xf32, #tpu.memory_space<vmem>>, vector<16xf32>,
    %jit3A = arith.constant 0.000000e+00 : f32
    %jit3A_43 = arith.constant -1.000000e+30 : f32
    %broadcast_in_dim3A = vector.broadcast %jit3A : f32 to vector<16xf32>
    %broadcast_in_dim3A_44 = vector.broadcast %jit3A_43 : f32 to vector<16xf32>
    %select_n3A = arith.select %lt3A_8, %broadcast_in_dim3A, %broadcast_in_dim3A_44 : vector<16xi1>, vector<16xf32>
    %swap3A = arith.constant 192 : index
    %swap3A_45 = tpu.vector_load %arg12[%swap3A] {strides = array<i32>} : memref<208xf32, #tpu.memory_space<vmem>>, vector<16xf32>,
    tpu.vector_store %arg12[%swap3A], %select_n3A {strides = array<i32>} : memref<208xf32, #tpu.memory_space<vmem>>, vector<16xf32>,
    %add3A_46 = arith.constant 0 : i32
    %add3A_47 = arith.addi %mul3A_2, %add3A_46 : i32
    %min3A = arith.constant 2047 : i32
    %min3A_48 = arith.minsi %add3A_47, %min3A : i32
    %dma_start3A_49 = arith.constant 0 : i32
    %dma_start3A_50 = tpu.memref_slice %arg2[%min3A_48, %dma_start3A_49] : memref<2048x400xi32, #tpu.memory_space<hbm>> -> memref<1x400xi32, #tpu.memory_space<hbm>>
    %dma_start3A_51 = tpu.memref_squeeze %dma_start3A_50 : memref<1x400xi32, #tpu.memory_space<hbm>> -> memref<400xi32, #tpu.memory_space<hbm>>
    %dma_start3A_52 = arith.constant 0 : i32
    %dma_start3A_53 = tpu.memref_slice %arg2[%min3A_48, %dma_start3A_52] : memref<2048x400xi32, #tpu.memory_space<hbm>> -> memref<1x400xi32, #tpu.memory_space<hbm>>
    %dma_start3A_54 = tpu.memref_squeeze %dma_start3A_53 : memref<1x400xi32, #tpu.memory_space<hbm>> -> memref<400xi32, #tpu.memory_space<hbm>>
    tpu.enqueue_dma source(%dma_start3A_54 : memref<400xi32, #tpu.memory_space<hbm>>) target(%arg8 : memref<400xi32, #tpu.memory_space<vmem>>) target_semaphore(%arg20 : memref<!tpu.dma_semaphore, #tpu.memory_space<semaphore_mem>>)
    %dma_wait3A_55 = arith.constant 0 : i32
    %dma_wait3A_56 = arith.constant 0 : i32
    %dma_wait3A_57 = tpu.memref_slice %arg2[%dma_wait3A_55, %dma_wait3A_56] : memref<2048x400xi32, #tpu.memory_space<hbm>> -> memref<1x400xi32, #tpu.memory_space<hbm>>
    %dma_wait3A_58 = tpu.memref_squeeze %dma_wait3A_57 : memref<1x400xi32, #tpu.memory_space<hbm>> -> memref<400xi32, #tpu.memory_space<hbm>>
    %dma_wait3A_59 = arith.constant 0 : i32
    %dma_wait3A_60 = tpu.memref_slice %arg2[%dma_wait3A_55, %dma_wait3A_59] : memref<2048x400xi32, #tpu.memory_space<hbm>> -> memref<1x400xi32, #tpu.memory_space<hbm>>
    %dma_wait3A_61 = tpu.memref_squeeze %dma_wait3A_60 : memref<1x400xi32, #tpu.memory_space<hbm>> -> memref<400xi32, #tpu.memory_space<hbm>>
    tpu.wait_dma2 semaphore(%arg20 : memref<!tpu.dma_semaphore, #tpu.memory_space<semaphore_mem>>) src(%dma_wait3A_61 : memref<400xi32, #tpu.memory_space<hbm>>) dst(%arg8 : memref<400xi32, #tpu.memory_space<vmem>>)
    %dma_start3A_62 = arith.constant 0 : i32
    %dma_start3A_63 = arith.constant 0 : i32
    %dma_start3A_64 = tpu.memref_slice %arg10[%dma_start3A_62, %dma_start3A_63] : memref<416x128xf32, #tpu.memory_space<vmem>> -> memref<104x128xf32, #tpu.memory_space<vmem>>
    %dma_start3A_65 = arith.constant 0 : i32
    %dma_start3A_66 = tpu.memref_slice %arg8[%dma_start3A_65] : memref<400xi32, #tpu.memory_space<vmem>> -> memref<104xi32, #tpu.memory_space<vmem>>
    %dma_start3A_67 = arith.constant 0 : i32
    %dma_start3A_68 = arith.constant 0 : i32
    %dma_start3A_69 = tpu.memref_slice %arg3[%dma_start3A_67, %dma_start3A_68] : memref<200002x128xf32, #tpu.memory_space<hbm>> -> memref<200002x128xf32, #tpu.memory_space<hbm>>
    tpu.enqueue_indirect_dma source(%dma_start3A_69 : memref<200002x128xf32, #tpu.memory_space<hbm>>) target(%dma_start3A_64 : memref<104x128xf32, #tpu.memory_space<vmem>>) offsets(%dma_start3A_66 : memref<104xi32, #tpu.memory_space<vmem>>) semaphore(%arg18 : memref<!tpu.dma_semaphore, #tpu.memory_space<semaphore_mem>>)
    %dma_start3A_70 = arith.constant 104 : i32
    %dma_start3A_71 = arith.constant 0 : i32
    %dma_start3A_72 = tpu.memref_slice %arg10[%dma_start3A_70, %dma_start3A_71] : memref<416x128xf32, #tpu.memory_space<vmem>> -> memref<96x128xf32, #tpu.memory_space<vmem>>
    %dma_start3A_73 = arith.constant 104 : i32
    %dma_start3A_74 = tpu.memref_slice %arg8[%dma_start3A_73] : memref<400xi32, #tpu.memory_space<vmem>> -> memref<96xi32, #tpu.memory_space<vmem>>
    %dma_start3A_75 = arith.constant 0 : i32
    %dma_start3A_76 = arith.constant 0 : i32
    %dma_start3A_77 = tpu.memref_slice %arg3[%dma_start3A_75, %dma_start3A_76] : memref<200002x128xf32, #tpu.memory_space<hbm>> -> memref<200002x128xf32, #tpu.memory_space<hbm>>
    tpu.enqueue_indirect_dma source(%dma_start3A_77 : memref<200002x128xf32, #tpu.memory_space<hbm>>) target(%dma_start3A_72 : memref<96x128xf32, #tpu.memory_space<vmem>>) offsets(%dma_start3A_74 : memref<96xi32, #tpu.memory_space<vmem>>) semaphore(%arg18 : memref<!tpu.dma_semaphore, #tpu.memory_space<semaphore_mem>>)
    %dma_start3A_78 = arith.constant 208 : i32
    %dma_start3A_79 = arith.constant 0 : i32
    %dma_start3A_80 = tpu.memref_slice %arg10[%dma_start3A_78, %dma_start3A_79] : memref<416x128xf32, #tpu.memory_space<vmem>> -> memref<104x128xf32, #tpu.memory_space<vmem>>
    %dma_start3A_81 = arith.constant 200 : i32
    %dma_start3A_82 = tpu.memref_slice %arg8[%dma_start3A_81] : memref<400xi32, #tpu.memory_space<vmem>> -> memref<104xi32, #tpu.memory_space<vmem>>
    %dma_start3A_83 = arith.constant 0 : i32
    %dma_start3A_84 = arith.constant 0 : i32
    %dma_start3A_85 = tpu.memref_slice %arg3[%dma_start3A_83, %dma_start3A_84] : memref<200002x128xf32, #tpu.memory_space<hbm>> -> memref<200002x128xf32, #tpu.memory_space<hbm>>
    tpu.enqueue_indirect_dma source(%dma_start3A_85 : memref<200002x128xf32, #tpu.memory_space<hbm>>) target(%dma_start3A_80 : memref<104x128xf32, #tpu.memory_space<vmem>>) offsets(%dma_start3A_82 : memref<104xi32, #tpu.memory_space<vmem>>) semaphore(%arg18 : memref<!tpu.dma_semaphore, #tpu.memory_space<semaphore_mem>>)
    %dma_start3A_86 = arith.constant 312 : i32
    %dma_start3A_87 = arith.constant 0 : i32
    %dma_start3A_88 = tpu.memref_slice %arg10[%dma_start3A_86, %dma_start3A_87] : memref<416x128xf32, #tpu.memory_space<vmem>> -> memref<96x128xf32, #tpu.memory_space<vmem>>
    %dma_start3A_89 = arith.constant 304 : i32
    %dma_start3A_90 = tpu.memref_slice %arg8[%dma_start3A_89] : memref<400xi32, #tpu.memory_space<vmem>> -> memref<96xi32, #tpu.memory_space<vmem>>
    %dma_start3A_91 = arith.constant 0 : i32
    %dma_start3A_92 = arith.constant 0 : i32
    %dma_start3A_93 = tpu.memref_slice %arg3[%dma_start3A_91, %dma_start3A_92] : memref<200002x128xf32, #tpu.memory_space<hbm>> -> memref<200002x128xf32, #tpu.memory_space<hbm>>
    tpu.enqueue_indirect_dma source(%dma_start3A_93 : memref<200002x128xf32, #tpu.memory_space<hbm>>) target(%dma_start3A_88 : memref<96x128xf32, #tpu.memory_space<vmem>>) offsets(%dma_start3A_90 : memref<96xi32, #tpu.memory_space<vmem>>) semaphore(%arg18 : memref<!tpu.dma_semaphore, #tpu.memory_space<semaphore_mem>>)
    %add3A_94 = arith.constant 1 : i32
    %add3A_95 = arith.addi %mul3A_2, %add3A_94 : i32
    %min3A_96 = arith.constant 2047 : i32
    %min3A_97 = arith.minsi %add3A_95, %min3A_96 : i32
    %dma_start3A_98 = arith.constant 0 : i32
    %dma_start3A_99 = tpu.memref_slice %arg2[%min3A_97, %dma_start3A_98] : memref<2048x400xi32, #tpu.memory_space<hbm>> -> memref<1x400xi32, #tpu.memory_space<hbm>>
    %dma_start3A_100 = tpu.memref_squeeze %dma_start3A_99 : memref<1x400xi32, #tpu.memory_space<hbm>> -> memref<400xi32, #tpu.memory_space<hbm>>
    %dma_start3A_101 = arith.constant 0 : i32
    %dma_start3A_102 = tpu.memref_slice %arg2[%min3A_97, %dma_start3A_101] : memref<2048x400xi32, #tpu.memory_space<hbm>> -> memref<1x400xi32, #tpu.memory_space<hbm>>
    %dma_start3A_103 = tpu.memref_squeeze %dma_start3A_102 : memref<1x400xi32, #tpu.memory_space<hbm>> -> memref<400xi32, #tpu.memory_space<hbm>>
    tpu.enqueue_dma source(%dma_start3A_103 : memref<400xi32, #tpu.memory_space<hbm>>) target(%arg9 : memref<400xi32, #tpu.memory_space<vmem>>) target_semaphore(%arg21 : memref<!tpu.dma_semaphore, #tpu.memory_space<semaphore_mem>>)
    %scan3A = arith.constant 0 : i32
    %scan3A_104 = arith.constant 0 : i32
    %scan3A_105 = arith.constant 32 : i32
    %scan3A_106 = arith.addi %scan3A_104, %scan3A_105 : i32
    %scan3A_107 = arith.constant 1 : i32
    %scan3A_108 = scf.for %scan3A_149 = %scan3A_104 to %scan3A_106 step %scan3A_107 iter_args(%scan3A_150 = %scan3A) -> (i32)  : i32 {
      %mul3A_151 = arith.constant 2 : i32
      %mul3A_152 = arith.muli %mul3A_151, %scan3A_149 : i32
      %add3A_153 = arith.constant 0 : i32
      %add3A_154 = arith.addi %mul3A_152, %add3A_153 : i32
      %dma_wait3A_155 = arith.constant 0 : i32
      %dma_wait3A_156 = arith.constant 0 : i32
      %dma_wait3A_157 = tpu.memref_slice %arg10[%dma_wait3A_155, %dma_wait3A_156] : memref<416x128xf32, #tpu.memory_space<vmem>> -> memref<104x128xf32, #tpu.memory_space<vmem>>
      %dma_wait3A_158 = arith.constant 0 : i32
      %dma_wait3A_159 = tpu.memref_slice %arg8[%dma_wait3A_158] : memref<400xi32, #tpu.memory_space<vmem>> -> memref<104xi32, #tpu.memory_space<vmem>>
      %dma_wait3A_160 = arith.constant 0 : i32
      %dma_wait3A_161 = arith.constant 0 : i32
      %dma_wait3A_162 = tpu.memref_slice %arg3[%dma_wait3A_160, %dma_wait3A_161] : memref<200002x128xf32, #tpu.memory_space<hbm>> -> memref<200002x128xf32, #tpu.memory_space<hbm>>
      tpu.wait_indirect_dma semaphore(%arg18 : memref<!tpu.dma_semaphore, #tpu.memory_space<semaphore_mem>>) src(%dma_wait3A_162 : memref<200002x128xf32, #tpu.memory_space<hbm>>) dst(%dma_wait3A_157 : memref<104x128xf32, #tpu.memory_space<vmem>>)
      %dma_wait3A_163 = arith.constant 104 : i32
      %dma_wait3A_164 = arith.constant 0 : i32
      %dma_wait3A_165 = tpu.memref_slice %arg10[%dma_wait3A_163, %dma_wait3A_164] : memref<416x128xf32, #tpu.memory_space<vmem>> -> memref<96x128xf32, #tpu.memory_space<vmem>>
      %dma_wait3A_166 = arith.constant 104 : i32
      %dma_wait3A_167 = tpu.memref_slice %arg8[%dma_wait3A_166] : memref<400xi32, #tpu.memory_space<vmem>> -> memref<96xi32, #tpu.memory_space<vmem>>
      %dma_wait3A_168 = arith.constant 0 : i32
      %dma_wait3A_169 = arith.constant 0 : i32
      %dma_wait3A_170 = tpu.memref_slice %arg3[%dma_wait3A_168, %dma_wait3A_169] : memref<200002x128xf32, #tpu.memory_space<hbm>> -> memref<200002x128xf32, #tpu.memory_space<hbm>>
      tpu.wait_indirect_dma semaphore(%arg18 : memref<!tpu.dma_semaphore, #tpu.memory_space<semaphore_mem>>) src(%dma_wait3A_170 : memref<200002x128xf32, #tpu.memory_space<hbm>>) dst(%dma_wait3A_165 : memref<96x128xf32, #tpu.memory_space<vmem>>)
      %dma_wait3A_171 = arith.constant 208 : i32
      %dma_wait3A_172 = arith.constant 0 : i32
      %dma_wait3A_173 = tpu.memref_slice %arg10[%dma_wait3A_171, %dma_wait3A_172] : memref<416x128xf32, #tpu.memory_space<vmem>> -> memref<104x128xf32, #tpu.memory_space<vmem>>
      %dma_wait3A_174 = arith.constant 200 : i32
      %dma_wait3A_175 = tpu.memref_slice %arg8[%dma_wait3A_174] : memref<400xi32, #tpu.memory_space<vmem>> -> memref<104xi32, #tpu.memory_space<vmem>>
      %dma_wait3A_176 = arith.constant 0 : i32
      %dma_wait3A_177 = arith.constant 0 : i32
      %dma_wait3A_178 = tpu.memref_slice %arg3[%dma_wait3A_176, %dma_wait3A_177] : memref<200002x128xf32, #tpu.memory_space<hbm>> -> memref<200002x128xf32, #tpu.memory_space<hbm>>
      tpu.wait_indirect_dma semaphore(%arg18 : memref<!tpu.dma_semaphore, #tpu.memory_space<semaphore_mem>>) src(%dma_wait3A_178 : memref<200002x128xf32, #tpu.memory_space<hbm>>) dst(%dma_wait3A_173 : memref<104x128xf32, #tpu.memory_space<vmem>>)
      %dma_wait3A_179 = arith.constant 312 : i32
      %dma_wait3A_180 = arith.constant 0 : i32
      %dma_wait3A_181 = tpu.memref_slice %arg10[%dma_wait3A_179, %dma_wait3A_180] : memref<416x128xf32, #tpu.memory_space<vmem>> -> memref<96x128xf32, #tpu.memory_space<vmem>>
      %dma_wait3A_182 = arith.constant 304 : i32
      %dma_wait3A_183 = tpu.memref_slice %arg8[%dma_wait3A_182] : memref<400xi32, #tpu.memory_space<vmem>> -> memref<96xi32, #tpu.memory_space<vmem>>
      %dma_wait3A_184 = arith.constant 0 : i32
      %dma_wait3A_185 = arith.constant 0 : i32
      %dma_wait3A_186 = tpu.memref_slice %arg3[%dma_wait3A_184, %dma_wait3A_185] : memref<200002x128xf32, #tpu.memory_space<hbm>> -> memref<200002x128xf32, #tpu.memory_space<hbm>>
      tpu.wait_indirect_dma semaphore(%arg18 : memref<!tpu.dma_semaphore, #tpu.memory_space<semaphore_mem>>) src(%dma_wait3A_186 : memref<200002x128xf32, #tpu.memory_space<hbm>>) dst(%dma_wait3A_181 : memref<96x128xf32, #tpu.memory_space<vmem>>)
      %dma_wait3A_187 = arith.constant 0 : i32
      %dma_wait3A_188 = arith.constant 0 : i32
      %dma_wait3A_189 = tpu.memref_slice %arg2[%dma_wait3A_187, %dma_wait3A_188] : memref<2048x400xi32, #tpu.memory_space<hbm>> -> memref<1x400xi32, #tpu.memory_space<hbm>>
      %dma_wait3A_190 = tpu.memref_squeeze %dma_wait3A_189 : memref<1x400xi32, #tpu.memory_space<hbm>> -> memref<400xi32, #tpu.memory_space<hbm>>
      %dma_wait3A_191 = arith.constant 0 : i32
      %dma_wait3A_192 = tpu.memref_slice %arg2[%dma_wait3A_187, %dma_wait3A_191] : memref<2048x400xi32, #tpu.memory_space<hbm>> -> memref<1x400xi32, #tpu.memory_space<hbm>>
      %dma_wait3A_193 = tpu.memref_squeeze %dma_wait3A_192 : memref<1x400xi32, #tpu.memory_space<hbm>> -> memref<400xi32, #tpu.memory_space<hbm>>
      tpu.wait_dma2 semaphore(%arg21 : memref<!tpu.dma_semaphore, #tpu.memory_space<semaphore_mem>>) src(%dma_wait3A_193 : memref<400xi32, #tpu.memory_space<hbm>>) dst(%arg9 : memref<400xi32, #tpu.memory_space<vmem>>)
      %dma_start3A_194 = arith.constant 0 : i32
      %dma_start3A_195 = arith.constant 0 : i32
      %dma_start3A_196 = tpu.memref_slice %arg11[%dma_start3A_194, %dma_start3A_195] : memref<416x128xf32, #tpu.memory_space<vmem>> -> memref<104x128xf32, #tpu.memory_space<vmem>>
      %dma_start3A_197 = arith.constant 0 : i32
      %dma_start3A_198 = tpu.memref_slice %arg9[%dma_start3A_197] : memref<400xi32, #tpu.memory_space<vmem>> -> memref<104xi32, #tpu.memory_space<vmem>>
      %dma_start3A_199 = arith.constant 0 : i32
      %dma_start3A_200 = arith.constant 0 : i32
      %dma_start3A_201 = tpu.memref_slice %arg3[%dma_start3A_199, %dma_start3A_200] : memref<200002x128xf32, #tpu.memory_space<hbm>> -> memref<200002x128xf32, #tpu.memory_space<hbm>>
      tpu.enqueue_indirect_dma source(%dma_start3A_201 : memref<200002x128xf32, #tpu.memory_space<hbm>>) target(%dma_start3A_196 : memref<104x128xf32, #tpu.memory_space<vmem>>) offsets(%dma_start3A_198 : memref<104xi32, #tpu.memory_space<vmem>>) semaphore(%arg19 : memref<!tpu.dma_semaphore, #tpu.memory_space<semaphore_mem>>)
      %dma_start3A_202 = arith.constant 104 : i32
      %dma_start3A_203 = arith.constant 0 : i32
      %dma_start3A_204 = tpu.memref_slice %arg11[%dma_start3A_202, %dma_start3A_203] : memref<416x128xf32, #tpu.memory_space<vmem>> -> memref<96x128xf32, #tpu.memory_space<vmem>>
      %dma_start3A_205 = arith.constant 104 : i32
      %dma_start3A_206 = tpu.memref_slice %arg9[%dma_start3A_205] : memref<400xi32, #tpu.memory_space<vmem>> -> memref<96xi32, #tpu.memory_space<vmem>>
      %dma_start3A_207 = arith.constant 0 : i32
      %dma_start3A_208 = arith.constant 0 : i32
      %dma_start3A_209 = tpu.memref_slice %arg3[%dma_start3A_207, %dma_start3A_208] : memref<200002x128xf32, #tpu.memory_space<hbm>> -> memref<200002x128xf32, #tpu.memory_space<hbm>>
      tpu.enqueue_indirect_dma source(%dma_start3A_209 : memref<200002x128xf32, #tpu.memory_space<hbm>>) target(%dma_start3A_204 : memref<96x128xf32, #tpu.memory_space<vmem>>) offsets(%dma_start3A_206 : memref<96xi32, #tpu.memory_space<vmem>>) semaphore(%arg19 : memref<!tpu.dma_semaphore, #tpu.memory_space<semaphore_mem>>)
      %dma_start3A_210 = arith.constant 208 : i32
      %dma_start3A_211 = arith.constant 0 : i32
      %dma_start3A_212 = tpu.memref_slice %arg11[%dma_start3A_210, %dma_start3A_211] : memref<416x128xf32, #tpu.memory_space<vmem>> -> memref<104x128xf32, #tpu.memory_space<vmem>>
      %dma_start3A_213 = arith.constant 200 : i32
      %dma_start3A_214 = tpu.memref_slice %arg9[%dma_start3A_213] : memref<400xi32, #tpu.memory_space<vmem>> -> memref<104xi32, #tpu.memory_space<vmem>>
      %dma_start3A_215 = arith.constant 0 : i32
      %dma_start3A_216 = arith.constant 0 : i32
      %dma_start3A_217 = tpu.memref_slice %arg3[%dma_start3A_215, %dma_start3A_216] : memref<200002x128xf32, #tpu.memory_space<hbm>> -> memref<200002x128xf32, #tpu.memory_space<hbm>>
      tpu.enqueue_indirect_dma source(%dma_start3A_217 : memref<200002x128xf32, #tpu.memory_space<hbm>>) target(%dma_start3A_212 : memref<104x128xf32, #tpu.memory_space<vmem>>) offsets(%dma_start3A_214 : memref<104xi32, #tpu.memory_space<vmem>>) semaphore(%arg19 : memref<!tpu.dma_semaphore, #tpu.memory_space<semaphore_mem>>)
      %dma_start3A_218 = arith.constant 312 : i32
      %dma_start3A_219 = arith.constant 0 : i32
      %dma_start3A_220 = tpu.memref_slice %arg11[%dma_start3A_218, %dma_start3A_219] : memref<416x128xf32, #tpu.memory_space<vmem>> -> memref<96x128xf32, #tpu.memory_space<vmem>>
      %dma_start3A_221 = arith.constant 304 : i32
      %dma_start3A_222 = tpu.memref_slice %arg9[%dma_start3A_221] : memref<400xi32, #tpu.memory_space<vmem>> -> memref<96xi32, #tpu.memory_space<vmem>>
      %dma_start3A_223 = arith.constant 0 : i32
      %dma_start3A_224 = arith.constant 0 : i32
      %dma_start3A_225 = tpu.memref_slice %arg3[%dma_start3A_223, %dma_start3A_224] : memref<200002x128xf32, #tpu.memory_space<hbm>> -> memref<200002x128xf32, #tpu.memory_space<hbm>>
      tpu.enqueue_indirect_dma source(%dma_start3A_225 : memref<200002x128xf32, #tpu.memory_space<hbm>>) target(%dma_start3A_220 : memref<96x128xf32, #tpu.memory_space<vmem>>) offsets(%dma_start3A_222 : memref<96xi32, #tpu.memory_space<vmem>>) semaphore(%arg19 : memref<!tpu.dma_semaphore, #tpu.memory_space<semaphore_mem>>)
      %add3A_226 = arith.constant 2 : i32
      %add3A_227 = arith.addi %add3A_154, %add3A_226 : i32
      %add3A_228 = arith.addi %mul3A_2, %add3A_227 : i32
      %min3A_229 = arith.constant 2047 : i32
      %min3A_230 = arith.minsi %add3A_228, %min3A_229 : i32
      %dma_start3A_231 = arith.constant 0 : i32
      %dma_start3A_232 = tpu.memref_slice %arg2[%min3A_230, %dma_start3A_231] : memref<2048x400xi32, #tpu.memory_space<hbm>> -> memref<1x400xi32, #tpu.memory_space<hbm>>
      %dma_start3A_233 = tpu.memref_squeeze %dma_start3A_232 : memref<1x400xi32, #tpu.memory_space<hbm>> -> memref<400xi32, #tpu.memory_space<hbm>>
      %dma_start3A_234 = arith.constant 0 : i32
      %dma_start3A_235 = tpu.memref_slice %arg2[%min3A_230, %dma_start3A_234] : memref<2048x400xi32, #tpu.memory_space<hbm>> -> memref<1x400xi32, #tpu.memory_space<hbm>>
      %dma_start3A_236 = tpu.memref_squeeze %dma_start3A_235 : memref<1x400xi32, #tpu.memory_space<hbm>> -> memref<400xi32, #tpu.memory_space<hbm>>
      tpu.enqueue_dma source(%dma_start3A_236 : memref<400xi32, #tpu.memory_space<hbm>>) target(%arg8 : memref<400xi32, #tpu.memory_space<vmem>>) target_semaphore(%arg20 : memref<!tpu.dma_semaphore, #tpu.memory_space<semaphore_mem>>)
      %scan3A_237 = arith.constant 0 : i32
      %scan3A_238 = arith.constant 0 : i32
      %scan3A_239 = arith.constant 200 : i32
      %scan3A_240 = arith.addi %scan3A_238, %scan3A_239 : i32
      %scan3A_241 = arith.constant 4 : i32
      %scan3A_242 = scf.for %scan3A_983 = %scan3A_238 to %scan3A_240 step %scan3A_241 iter_args(%scan3A_984 = %scan3A_237) -> (i32)  : i32 {
        %broadcast_in_dim3A_985 = arith.constant 0.000000e+00 : f32
        %broadcast_in_dim3A_986 = vector.broadcast %broadcast_in_dim3A_985 : f32 to vector<16xf32>
        %get3A_987 = arith.index_cast %scan3A_983 : i32 to index
        %get3A_988 = arith.constant 0 : index
        %get3A_989 = tpu.vector_load %arg10[%get3A_987, %get3A_988] {strides = array<i32>} : memref<416x128xf32, #tpu.memory_space<vmem>>, vector<16xf32>,
        %add3A_990 = arith.constant 208 : i32
        %add3A_991 = arith.addi %add3A_990, %scan3A_983 : i32
        %get3A_992 = arith.index_cast %add3A_991 : i32 to index
        %get3A_993 = arith.constant 0 : index
        %get3A_994 = tpu.vector_load %arg10[%get3A_992, %get3A_993] {strides = array<i32>} : memref<416x128xf32, #tpu.memory_space<vmem>>, vector<16xf32>,
        %add3A_995 = arith.addf %get3A_989, %get3A_994 : vector<16xf32>
        %mul3A_996 = arith.constant 0.00999999977 : f32
        %mul3A_997 = vector.broadcast %mul3A_996 : f32 to vector<16xf32>
        %mul3A_998 = arith.mulf %mul3A_997, %add3A_995 : vector<16xf32>
        %max3A_999 = arith.maximumf %add3A_995, %mul3A_998 : vector<16xf32>
        %swap3A_1000 = arith.index_cast %scan3A_983 : i32 to index
        %swap3A_1001 = arith.constant 0 : index
        %swap3A_1002 = tpu.vector_load %arg10[%swap3A_1000, %swap3A_1001] {strides = array<i32>} : memref<416x128xf32, #tpu.memory_space<vmem>>, vector<16xf32>,
        tpu.vector_store %arg10[%swap3A_1000, %swap3A_1001], %max3A_999 {strides = array<i32>} : memref<416x128xf32, #tpu.memory_space<vmem>>, vector<16xf32>,
        %mul3A_1003 = arith.mulf %max3A_999, %get3A_14 : vector<16xf32>
        %add3A_1004 = arith.addf %broadcast_in_dim3A_986, %mul3A_1003 : vector<16xf32>
        %get3A_1005 = arith.index_cast %scan3A_983 : i32 to index
        %get3A_1006 = arith.constant 16 : index
        %get3A_1007 = tpu.vector_load %arg10[%get3A_1005, %get3A_1006] {strides = array<i32>} : memref<416x128xf32, #tpu.memory_space<vmem>>, vector<16xf32>,
        %add3A_1008 = arith.constant 208 : i32
        %add3A_1009 = arith.addi %add3A_1008, %scan3A_983 : i32
        %get3A_1010 = arith.index_cast %add3A_1009 : i32 to index
        %get3A_1011 = arith.constant 16 : index
        %get3A_1012 = tpu.vector_load %arg10[%get3A_1010, %get3A_1011] {strides = array<i32>} : memref<416x128xf32, #tpu.memory_space<vmem>>, vector<16xf32>,
        %add3A_1013 = arith.addf %get3A_1007, %get3A_1012 : vector<16xf32>
        %mul3A_1014 = arith.constant 0.00999999977 : f32
        %mul3A_1015 = vector.broadcast %mul3A_1014 : f32 to vector<16xf32>
        %mul3A_1016 = arith.mulf %mul3A_1015, %add3A_1013 : vector<16xf32>
        %max3A_1017 = arith.maximumf %add3A_1013, %mul3A_1016 : vector<16xf32>
        %swap3A_1018 = arith.index_cast %scan3A_983 : i32 to index
        %swap3A_1019 = arith.constant 16 : index
        %swap3A_1020 = tpu.vector_load %arg10[%swap3A_1018, %swap3A_1019] {strides = array<i32>} : memref<416x128xf32, #tpu.memory_space<vmem>>, vector<16xf32>,
        tpu.vector_store %arg10[%swap3A_1018, %swap3A_1019], %max3A_1017 {strides = array<i32>} : memref<416x128xf32, #tpu.memory_space<vmem>>, vector<16xf32>,
        %mul3A_1021 = arith.mulf %max3A_1017, %get3A_18 : vector<16xf32>
        %add3A_1022 = arith.addf %add3A_1004, %mul3A_1021 : vector<16xf32>
        %get3A_1023 = arith.index_cast %scan3A_983 : i32 to index
        %get3A_1024 = arith.constant 32 : index
        %get3A_1025 = tpu.vector_load %arg10[%get3A_1023, %get3A_1024] {strides = array<i32>} : memref<416x128xf32, #tpu.memory_space<vmem>>, vector<16xf32>,
        %add3A_1026 = arith.constant 208 : i32
        %add3A_1027 = arith.addi %add3A_1026, %scan3A_983 : i32
        %get3A_1028 = arith.index_cast %add3A_1027 : i32 to index
        %get3A_1029 = arith.constant 32 : index
        %get3A_1030 = tpu.vector_load %arg10[%get3A_1028, %get3A_1029] {strides = array<i32>} : memref<416x128xf32, #tpu.memory_space<vmem>>, vector<16xf32>,
        %add3A_1031 = arith.addf %get3A_1025, %get3A_1030 : vector<16xf32>
        %mul3A_1032 = arith.constant 0.00999999977 : f32
        %mul3A_1033 = vector.broadcast %mul3A_1032 : f32 to vector<16xf32>
        %mul3A_1034 = arith.mulf %mul3A_1033, %add3A_1031 : vector<16xf32>
        %max3A_1035 = arith.maximumf %add3A_1031, %mul3A_1034 : vector<16xf32>
        %swap3A_1036 = arith.index_cast %scan3A_983 : i32 to index
        %swap3A_1037 = arith.constant 32 : index
        %swap3A_1038 = tpu.vector_load %arg10[%swap3A_1036, %swap3A_1037] {strides = array<i32>} : memref<416x128xf32, #tpu.memory_space<vmem>>, vector<16xf32>,
        tpu.vector_store %arg10[%swap3A_1036, %swap3A_1037], %max3A_1035 {strides = array<i32>} : memref<416x128xf32, #tpu.memory_space<vmem>>, vector<16xf32>,
        %mul3A_1039 = arith.mulf %max3A_1035, %get3A_22 : vector<16xf32>
        %add3A_1040 = arith.addf %add3A_1022, %mul3A_1039 : vector<16xf32>
        %get3A_1041 = arith.index_cast %scan3A_983 : i32 to index
        %get3A_1042 = arith.constant 48 : index
        %get3A_1043 = tpu.vector_load %arg10[%get3A_1041, %get3A_1042] {strides = array<i32>} : memref<416x128xf32, #tpu.memory_space<vmem>>, vector<16xf32>,
        %add3A_1044 = arith.constant 208 : i32
        %add3A_1045 = arith.addi %add3A_1044, %scan3A_983 : i32
        %get3A_1046 = arith.index_cast %add3A_1045 : i32 to index
        %get3A_1047 = arith.constant 48 : index
        %get3A_1048 = tpu.vector_load %arg10[%get3A_1046, %get3A_1047] {strides = array<i32>} : memref<416x128xf32, #tpu.memory_space<vmem>>, vector<16xf32>,
        %add3A_1049 = arith.addf %get3A_1043, %get3A_1048 : vector<16xf32>
        %mul3A_1050 = arith.constant 0.00999999977 : f32
        %mul3A_1051 = vector.broadcast %mul3A_1050 : f32 to vector<16xf32>
        %mul3A_1052 = arith.mulf %mul3A_1051, %add3A_1049 : vector<16xf32>
        %max3A_1053 = arith.maximumf %add3A_1049, %mul3A_1052 : vector<16xf32>
        %swap3A_1054 = arith.index_cast %scan3A_983 : i32 to index
        %swap3A_1055 = arith.constant 48 : index
        %swap3A_1056 = tpu.vector_load %arg10[%swap3A_1054, %swap3A_1055] {strides = array<i32>} : memref<416x128xf32, #tpu.memory_space<vmem>>, vector<16xf32>,
        tpu.vector_store %arg10[%swap3A_1054, %swap3A_1055], %max3A_1053 {strides = array<i32>} : memref<416x128xf32, #tpu.memory_space<vmem>>, vector<16xf32>,
        %mul3A_1057 = arith.mulf %max3A_1053, %get3A_26 : vector<16xf32>
        %add3A_1058 = arith.addf %add3A_1040, %mul3A_1057 : vector<16xf32>
        %get3A_1059 = arith.index_cast %scan3A_983 : i32 to index
        %get3A_1060 = arith.constant 64 : index
        %get3A_1061 = tpu.vector_load %arg10[%get3A_1059, %get3A_1060] {strides = array<i32>} : memref<416x128xf32, #tpu.memory_space<vmem>>, vector<16xf32>,
        %add3A_1062 = arith.constant 208 : i32
        %add3A_1063 = arith.addi %add3A_1062, %scan3A_983 : i32
        %get3A_1064 = arith.index_cast %add3A_1063 : i32 to index
        %get3A_1065 = arith.constant 64 : index
        %get3A_1066 = tpu.vector_load %arg10[%get3A_1064, %get3A_1065] {strides = array<i32>} : memref<416x128xf32, #tpu.memory_space<vmem>>, vector<16xf32>,
        %add3A_1067 = arith.addf %get3A_1061, %get3A_1066 : vector<16xf32>
        %mul3A_1068 = arith.constant 0.00999999977 : f32
        %mul3A_1069 = vector.broadcast %mul3A_1068 : f32 to vector<16xf32>
        %mul3A_1070 = arith.mulf %mul3A_1069, %add3A_1067 : vector<16xf32>
        %max3A_1071 = arith.maximumf %add3A_1067, %mul3A_1070 : vector<16xf32>
        %swap3A_1072 = arith.index_cast %scan3A_983 : i32 to index
        %swap3A_1073 = arith.constant 64 : index
        %swap3A_1074 = tpu.vector_load %arg10[%swap3A_1072, %swap3A_1073] {strides = array<i32>} : memref<416x128xf32, #tpu.memory_space<vmem>>, vector<16xf32>,
        tpu.vector_store %arg10[%swap3A_1072, %swap3A_1073], %max3A_1071 {strides = array<i32>} : memref<416x128xf32, #tpu.memory_space<vmem>>, vector<16xf32>,
        %mul3A_1075 = arith.mulf %max3A_1071, %get3A_30 : vector<16xf32>
        %add3A_1076 = arith.addf %add3A_1058, %mul3A_1075 : vector<16xf32>
        %get3A_1077 = arith.index_cast %scan3A_983 : i32 to index
        %get3A_1078 = arith.constant 80 : index
        %get3A_1079 = tpu.vector_load %arg10[%get3A_1077, %get3A_1078] {strides = array<i32>} : memref<416x128xf32, #tpu.memory_space<vmem>>, vector<16xf32>,
        %add3A_1080 = arith.constant 208 : i32
        %add3A_1081 = arith.addi %add3A_1080, %scan3A_983 : i32
        %get3A_1082 = arith.index_cast %add3A_1081 : i32 to index
        %get3A_1083 = arith.constant 80 : index
        %get3A_1084 = tpu.vector_load %arg10[%get3A_1082, %get3A_1083] {strides = array<i32>} : memref<416x128xf32, #tpu.memory_space<vmem>>, vector<16xf32>,
        %add3A_1085 = arith.addf %get3A_1079, %get3A_1084 : vector<16xf32>
        %mul3A_1086 = arith.constant 0.00999999977 : f32
        %mul3A_1087 = vector.broadcast %mul3A_1086 : f32 to vector<16xf32>
        %mul3A_1088 = arith.mulf %mul3A_1087, %add3A_1085 : vector<16xf32>
        %max3A_1089 = arith.maximumf %add3A_1085, %mul3A_1088 : vector<16xf32>
        %swap3A_1090 = arith.index_cast %scan3A_983 : i32 to index
        %swap3A_1091 = arith.constant 80 : index
        %swap3A_1092 = tpu.vector_load %arg10[%swap3A_1090, %swap3A_1091] {strides = array<i32>} : memref<416x128xf32, #tpu.memory_space<vmem>>, vector<16xf32>,
        tpu.vector_store %arg10[%swap3A_1090, %swap3A_1091], %max3A_1089 {strides = array<i32>} : memref<416x128xf32, #tpu.memory_space<vmem>>, vector<16xf32>,
        %mul3A_1093 = arith.mulf %max3A_1089, %get3A_34 : vector<16xf32>
        %add3A_1094 = arith.addf %add3A_1076, %mul3A_1093 : vector<16xf32>
        %get3A_1095 = arith.index_cast %scan3A_983 : i32 to index
        %get3A_1096 = arith.constant 96 : index
        %get3A_1097 = tpu.vector_load %arg10[%get3A_1095, %get3A_1096] {strides = array<i32>} : memref<416x128xf32, #tpu.memory_space<vmem>>, vector<16xf32>,
        %add3A_1098 = arith.constant 208 : i32
        %add3A_1099 = arith.addi %add3A_1098, %scan3A_983 : i32
        %get3A_1100 = arith.index_cast %add3A_1099 : i32 to index
        %get3A_1101 = arith.constant 96 : index
        %get3A_1102 = tpu.vector_load %arg10[%get3A_1100, %get3A_1101] {strides = array<i32>} : memref<416x128xf32, #tpu.memory_space<vmem>>, vector<16xf32>,
        %add3A_1103 = arith.addf %get3A_1097, %get3A_1102 : vector<16xf32>
        %mul3A_1104 = arith.constant 0.00999999977 : f32
        %mul3A_1105 = vector.broadcast %mul3A_1104 : f32 to vector<16xf32>
        %mul3A_1106 = arith.mulf %mul3A_1105, %add3A_1103 : vector<16xf32>
        %max3A_1107 = arith.maximumf %add3A_1103, %mul3A_1106 : vector<16xf32>
        %swap3A_1108 = arith.index_cast %scan3A_983 : i32 to index
        %swap3A_1109 = arith.constant 96 : index
        %swap3A_1110 = tpu.vector_load %arg10[%swap3A_1108, %swap3A_1109] {strides = array<i32>} : memref<416x128xf32, #tpu.memory_space<vmem>>, vector<16xf32>,
        tpu.vector_store %arg10[%swap3A_1108, %swap3A_1109], %max3A_1107 {strides = array<i32>} : memref<416x128xf32, #tpu.memory_space<vmem>>, vector<16xf32>,
        %mul3A_1111 = arith.mulf %max3A_1107, %get3A_38 : vector<16xf32>
        %add3A_1112 = arith.addf %add3A_1094, %mul3A_1111 : vector<16xf32>
        %get3A_1113 = arith.index_cast %scan3A_983 : i32 to index
        %get3A_1114 = arith.constant 112 : index
        %get3A_1115 = tpu.vector_load %arg10[%get3A_1113, %get3A_1114] {strides = array<i32>} : memref<416x128xf32, #tpu.memory_space<vmem>>, vector<16xf32>,
        %add3A_1116 = arith.constant 208 : i32
        %add3A_1117 = arith.addi %add3A_1116, %scan3A_983 : i32
        %get3A_1118 = arith.index_cast %add3A_1117 : i32 to index
        %get3A_1119 = arith.constant 112 : index
        %get3A_1120 = tpu.vector_load %arg10[%get3A_1118, %get3A_1119] {strides = array<i32>} : memref<416x128xf32, #tpu.memory_space<vmem>>, vector<16xf32>,
        %add3A_1121 = arith.addf %get3A_1115, %get3A_1120 : vector<16xf32>
        %mul3A_1122 = arith.constant 0.00999999977 : f32
        %mul3A_1123 = vector.broadcast %mul3A_1122 : f32 to vector<16xf32>
        %mul3A_1124 = arith.mulf %mul3A_1123, %add3A_1121 : vector<16xf32>
        %max3A_1125 = arith.maximumf %add3A_1121, %mul3A_1124 : vector<16xf32>
        %swap3A_1126 = arith.index_cast %scan3A_983 : i32 to index
        %swap3A_1127 = arith.constant 112 : index
        %swap3A_1128 = tpu.vector_load %arg10[%swap3A_1126, %swap3A_1127] {strides = array<i32>} : memref<416x128xf32, #tpu.memory_space<vmem>>, vector<16xf32>,
        tpu.vector_store %arg10[%swap3A_1126, %swap3A_1127], %max3A_1125 {strides = array<i32>} : memref<416x128xf32, #tpu.memory_space<vmem>>, vector<16xf32>,
        %mul3A_1129 = arith.mulf %max3A_1125, %get3A_42 : vector<16xf32>
        %add3A_1130 = arith.addf %add3A_1112, %mul3A_1129 : vector<16xf32>
        %broadcast_in_dim3A_1131 = vector.broadcast %scan3A_983 : i32 to vector<16xi32>
        %reduce_sum3A_1132 = arith.constant true
        %reduce_sum3A_1133 = vector.broadcast %reduce_sum3A_1132 : i1 to vector<16xi1>
        %reduce_sum3A_1134 = tpu.scan <sum>, %add3A_1130 masked %reduce_sum3A_1133 : vector<16xf32>, vector<16xi1> -> vector<16xf32>
        %reduce_sum3A_1135 = vector.extract %reduce_sum3A_1134[15] : f32 from vector<16xf32>
        %broadcast_in_dim3A_1136 = vector.broadcast %reduce_sum3A_1135 : f32 to vector<16xf32>
        tpu.vector_store_idx %arg12[%broadcast_in_dim3A_1131], %broadcast_in_dim3A_1136 masked %lt3A_11 : memref<208xf32, #tpu.memory_space<vmem>>[vector<16xi32>], vector<16xf32>, vector<16xi1>
        %scan3A_1137 = arith.constant 0 : i32
        %scan3A_1138 = arith.constant 1 : i32
        %scan3A_1139 = arith.addi %scan3A_983, %scan3A_1138 : i32
        %broadcast_in_dim3A_1140 = arith.constant 0.000000e+00 : f32
        %broadcast_in_dim3A_1141 = vector.broadcast %broadcast_in_dim3A_1140 : f32 to vector<16xf32>
        %get3A_1142 = arith.index_cast %scan3A_1139 : i32 to index
        %get3A_1143 = arith.constant 0 : index
        %get3A_1144 = tpu.vector_load %arg10[%get3A_1142, %get3A_1143] {strides = array<i32>} : memref<416x128xf32, #tpu.memory_space<vmem>>, vector<16xf32>,
        %add3A_1145 = arith.constant 208 : i32
        %add3A_1146 = arith.addi %add3A_1145, %scan3A_1139 : i32
        %get3A_1147 = arith.index_cast %add3A_1146 : i32 to index
        %get3A_1148 = arith.constant 0 : index
        %get3A_1149 = tpu.vector_load %arg10[%get3A_1147, %get3A_1148] {strides = array<i32>} : memref<416x128xf32, #tpu.memory_space<vmem>>, vector<16xf32>,
        %add3A_1150 = arith.addf %get3A_1144, %get3A_1149 : vector<16xf32>
        %mul3A_1151 = arith.constant 0.00999999977 : f32
        %mul3A_1152 = vector.broadcast %mul3A_1151 : f32 to vector<16xf32>
        %mul3A_1153 = arith.mulf %mul3A_1152, %add3A_1150 : vector<16xf32>
        %max3A_1154 = arith.maximumf %add3A_1150, %mul3A_1153 : vector<16xf32>
        %swap3A_1155 = arith.index_cast %scan3A_1139 : i32 to index
        %swap3A_1156 = arith.constant 0 : index
        %swap3A_1157 = tpu.vector_load %arg10[%swap3A_1155, %swap3A_1156] {strides = array<i32>} : memref<416x128xf32, #tpu.memory_space<vmem>>, vector<16xf32>,
        tpu.vector_store %arg10[%swap3A_1155, %swap3A_1156], %max3A_1154 {strides = array<i32>} : memref<416x128xf32, #tpu.memory_space<vmem>>, vector<16xf32>,
        %mul3A_1158 = arith.mulf %max3A_1154, %get3A_14 : vector<16xf32>
        %add3A_1159 = arith.addf %broadcast_in_dim3A_1141, %mul3A_1158 : vector<16xf32>
        %get3A_1160 = arith.index_cast %scan3A_1139 : i32 to index
        %get3A_1161 = arith.constant 16 : index
        %get3A_1162 = tpu.vector_load %arg10[%get3A_1160, %get3A_1161] {strides = array<i32>} : memref<416x128xf32, #tpu.memory_space<vmem>>, vector<16xf32>,
        %add3A_1163 = arith.constant 208 : i32
        %add3A_1164 = arith.addi %add3A_1163, %scan3A_1139 : i32
        %get3A_1165 = arith.index_cast %add3A_1164 : i32 to index
        %get3A_1166 = arith.constant 16 : index
        %get3A_1167 = tpu.vector_load %arg10[%get3A_1165, %get3A_1166] {strides = array<i32>} : memref<416x128xf32, #tpu.memory_space<vmem>>, vector<16xf32>,
        %add3A_1168 = arith.addf %get3A_1162, %get3A_1167 : vector<16xf32>
        %mul3A_1169 = arith.constant 0.00999999977 : f32
        %mul3A_1170 = vector.broadcast %mul3A_1169 : f32 to vector<16xf32>
        %mul3A_1171 = arith.mulf %mul3A_1170, %add3A_1168 : vector<16xf32>
        %max3A_1172 = arith.maximumf %add3A_1168, %mul3A_1171 : vector<16xf32>
        %swap3A_1173 = arith.index_cast %scan3A_1139 : i32 to index
        %swap3A_1174 = arith.constant 16 : index
        %swap3A_1175 = tpu.vector_load %arg10[%swap3A_1173, %swap3A_1174] {strides = array<i32>} : memref<416x128xf32, #tpu.memory_space<vmem>>, vector<16xf32>,
        tpu.vector_store %arg10[%swap3A_1173, %swap3A_1174], %max3A_1172 {strides = array<i32>} : memref<416x128xf32, #tpu.memory_space<vmem>>, vector<16xf32>,
        %mul3A_1176 = arith.mulf %max3A_1172, %get3A_18 : vector<16xf32>
        %add3A_1177 = arith.addf %add3A_1159, %mul3A_1176 : vector<16xf32>
        %get3A_1178 = arith.index_cast %scan3A_1139 : i32 to index
        %get3A_1179 = arith.constant 32 : index
        %get3A_1180 = tpu.vector_load %arg10[%get3A_1178, %get3A_1179] {strides = array<i32>} : memref<416x128xf32, #tpu.memory_space<vmem>>, vector<16xf32>,
        %add3A_1181 = arith.constant 208 : i32
        %add3A_1182 = arith.addi %add3A_1181, %scan3A_1139 : i32
        %get3A_1183 = arith.index_cast %add3A_1182 : i32 to index
        %get3A_1184 = arith.constant 32 : index
        %get3A_1185 = tpu.vector_load %arg10[%get3A_1183, %get3A_1184] {strides = array<i32>} : memref<416x128xf32, #tpu.memory_space<vmem>>, vector<16xf32>,
        %add3A_1186 = arith.addf %get3A_1180, %get3A_1185 : vector<16xf32>
        %mul3A_1187 = arith.constant 0.00999999977 : f32
        %mul3A_1188 = vector.broadcast %mul3A_1187 : f32 to vector<16xf32>
        %mul3A_1189 = arith.mulf %mul3A_1188, %add3A_1186 : vector<16xf32>
        %max3A_1190 = arith.maximumf %add3A_1186, %mul3A_1189 : vector<16xf32>
        %swap3A_1191 = arith.index_cast %scan3A_1139 : i32 to index
        %swap3A_1192 = arith.constant 32 : index
        %swap3A_1193 = tpu.vector_load %arg10[%swap3A_1191, %swap3A_1192] {strides = array<i32>} : memref<416x128xf32, #tpu.memory_space<vmem>>, vector<16xf32>,
        tpu.vector_store %arg10[%swap3A_1191, %swap3A_1192], %max3A_1190 {strides = array<i32>} : memref<416x128xf32, #tpu.memory_space<vmem>>, vector<16xf32>,
        %mul3A_1194 = arith.mulf %max3A_1190, %get3A_22 : vector<16xf32>
        %add3A_1195 = arith.addf %add3A_1177, %mul3A_1194 : vector<16xf32>
        %get3A_1196 = arith.index_cast %scan3A_1139 : i32 to index
        %get3A_1197 = arith.constant 48 : index
        %get3A_1198 = tpu.vector_load %arg10[%get3A_1196, %get3A_1197] {strides = array<i32>} : memref<416x128xf32, #tpu.memory_space<vmem>>, vector<16xf32>,
        %add3A_1199 = arith.constant 208 : i32
        %add3A_1200 = arith.addi %add3A_1199, %scan3A_1139 : i32
        %get3A_1201 = arith.index_cast %add3A_1200 : i32 to index
        %get3A_1202 = arith.constant 48 : index
        %get3A_1203 = tpu.vector_load %arg10[%get3A_1201, %get3A_1202] {strides = array<i32>} : memref<416x128xf32, #tpu.memory_space<vmem>>, vector<16xf32>,
        %add3A_1204 = arith.addf %get3A_1198, %get3A_1203 : vector<16xf32>
        %mul3A_1205 = arith.constant 0.00999999977 : f32
        %mul3A_1206 = vector.broadcast %mul3A_1205 : f32 to vector<16xf32>
        %mul3A_1207 = arith.mulf %mul3A_1206, %add3A_1204 : vector<16xf32>
        %max3A_1208 = arith.maximumf %add3A_1204, %mul3A_1207 : vector<16xf32>
        %swap3A_1209 = arith.index_cast %scan3A_1139 : i32 to index
        %swap3A_1210 = arith.constant 48 : index
        %swap3A_1211 = tpu.vector_load %arg10[%swap3A_1209, %swap3A_1210] {strides = array<i32>} : memref<416x128xf32, #tpu.memory_space<vmem>>, vector<16xf32>,
        tpu.vector_store %arg10[%swap3A_1209, %swap3A_1210], %max3A_1208 {strides = array<i32>} : memref<416x128xf32, #tpu.memory_space<vmem>>, vector<16xf32>,
        %mul3A_1212 = arith.mulf %max3A_1208, %get3A_26 : vector<16xf32>
        %add3A_1213 = arith.addf %add3A_1195, %mul3A_1212 : vector<16xf32>
        %get3A_1214 = arith.index_cast %scan3A_1139 : i32 to index
        %get3A_1215 = arith.constant 64 : index
        %get3A_1216 = tpu.vector_load %arg10[%get3A_1214, %get3A_1215] {strides = array<i32>} : memref<416x128xf32, #tpu.memory_space<vmem>>, vector<16xf32>,
        %add3A_1217 = arith.constant 208 : i32
        %add3A_1218 = arith.addi %add3A_1217, %scan3A_1139 : i32
        %get3A_1219 = arith.index_cast %add3A_1218 : i32 to index
        %get3A_1220 = arith.constant 64 : index
        %get3A_1221 = tpu.vector_load %arg10[%get3A_1219, %get3A_1220] {strides = array<i32>} : memref<416x128xf32, #tpu.memory_space<vmem>>, vector<16xf32>,
        %add3A_1222 = arith.addf %get3A_1216, %get3A_1221 : vector<16xf32>
        %mul3A_1223 = arith.constant 0.00999999977 : f32
        %mul3A_1224 = vector.broadcast %mul3A_1223 : f32 to vector<16xf32>
        %mul3A_1225 = arith.mulf %mul3A_1224, %add3A_1222 : vector<16xf32>
        %max3A_1226 = arith.maximumf %add3A_1222, %mul3A_1225 : vector<16xf32>
        %swap3A_1227 = arith.index_cast %scan3A_1139 : i32 to index
        %swap3A_1228 = arith.constant 64 : index
        %swap3A_1229 = tpu.vector_load %arg10[%swap3A_1227, %swap3A_1228] {strides = array<i32>} : memref<416x128xf32, #tpu.memory_space<vmem>>, vector<16xf32>,
        tpu.vector_store %arg10[%swap3A_1227, %swap3A_1228], %max3A_1226 {strides = array<i32>} : memref<416x128xf32, #tpu.memory_space<vmem>>, vector<16xf32>,
        %mul3A_1230 = arith.mulf %max3A_1226, %get3A_30 : vector<16xf32>
        %add3A_1231 = arith.addf %add3A_1213, %mul3A_1230 : vector<16xf32>
        %get3A_1232 = arith.index_cast %scan3A_1139 : i32 to index
        %get3A_1233 = arith.constant 80 : index
        %get3A_1234 = tpu.vector_load %arg10[%get3A_1232, %get3A_1233] {strides = array<i32>} : memref<416x128xf32, #tpu.memory_space<vmem>>, vector<16xf32>,
        %add3A_1235 = arith.constant 208 : i32
        %add3A_1236 = arith.addi %add3A_1235, %scan3A_1139 : i32
        %get3A_1237 = arith.index_cast %add3A_1236 : i32 to index
        %get3A_1238 = arith.constant 80 : index
        %get3A_1239 = tpu.vector_load %arg10[%get3A_1237, %get3A_1238] {strides = array<i32>} : memref<416x128xf32, #tpu.memory_space<vmem>>, vector<16xf32>,
        %add3A_1240 = arith.addf %get3A_1234, %get3A_1239 : vector<16xf32>
        %mul3A_1241 = arith.constant 0.00999999977 : f32
        %mul3A_1242 = vector.broadcast %mul3A_1241 : f32 to vector<16xf32>
        %mul3A_1243 = arith.mulf %mul3A_1242, %add3A_1240 : vector<16xf32>
        %max3A_1244 = arith.maximumf %add3A_1240, %mul3A_1243 : vector<16xf32>
        %swap3A_1245 = arith.index_cast %scan3A_1139 : i32 to index
        %swap3A_1246 = arith.constant 80 : index
        %swap3A_1247 = tpu.vector_load %arg10[%swap3A_1245, %swap3A_1246] {strides = array<i32>} : memref<416x128xf32, #tpu.memory_space<vmem>>, vector<16xf32>,
        tpu.vector_store %arg10[%swap3A_1245, %swap3A_1246], %max3A_1244 {strides = array<i32>} : memref<416x128xf32, #tpu.memory_space<vmem>>, vector<16xf32>,
        %mul3A_1248 = arith.mulf %max3A_1244, %get3A_34 : vector<16xf32>
        %add3A_1249 = arith.addf %add3A_1231, %mul3A_1248 : vector<16xf32>
        %get3A_1250 = arith.index_cast %scan3A_1139 : i32 to index
        %get3A_1251 = arith.constant 96 : index
        %get3A_1252 = tpu.vector_load %arg10[%get3A_1250, %get3A_1251] {strides = array<i32>} : memref<416x128xf32, #tpu.memory_space<vmem>>, vector<16xf32>,
        %add3A_1253 = arith.constant 208 : i32
        %add3A_1254 = arith.addi %add3A_1253, %scan3A_1139 : i32
        %get3A_1255 = arith.index_cast %add3A_1254 : i32 to index
        %get3A_1256 = arith.constant 96 : index
        %get3A_1257 = tpu.vector_load %arg10[%get3A_1255, %get3A_1256] {strides = array<i32>} : memref<416x128xf32, #tpu.memory_space<vmem>>, vector<16xf32>,
        %add3A_1258 = arith.addf %get3A_1252, %get3A_1257 : vector<16xf32>
        %mul3A_1259 = arith.constant 0.00999999977 : f32
        %mul3A_1260 = vector.broadcast %mul3A_1259 : f32 to vector<16xf32>
        %mul3A_1261 = arith.mulf %mul3A_1260, %add3A_1258 : vector<16xf32>
        %max3A_1262 = arith.maximumf %add3A_1258, %mul3A_1261 : vector<16xf32>
        %swap3A_1263 = arith.index_cast %scan3A_1139 : i32 to index
        %swap3A_1264 = arith.constant 96 : index
        %swap3A_1265 = tpu.vector_load %arg10[%swap3A_1263, %swap3A_1264] {strides = array<i32>} : memref<416x128xf32, #tpu.memory_space<vmem>>, vector<16xf32>,
        tpu.vector_store %arg10[%swap3A_1263, %swap3A_1264], %max3A_1262 {strides = array<i32>} : memref<416x128xf32, #tpu.memory_space<vmem>>, vector<16xf32>,
        %mul3A_1266 = arith.mulf %max3A_1262, %get3A_38 : vector<16xf32>
        %add3A_1267 = arith.addf %add3A_1249, %mul3A_1266 : vector<16xf32>
        %get3A_1268 = arith.index_cast %scan3A_1139 : i32 to index
        %get3A_1269 = arith.constant 112 : index
        %get3A_1270 = tpu.vector_load %arg10[%get3A_1268, %get3A_1269] {strides = array<i32>} : memref<416x128xf32, #tpu.memory_space<vmem>>, vector<16xf32>,
        %add3A_1271 = arith.constant 208 : i32
        %add3A_1272 = arith.addi %add3A_1271, %scan3A_1139 : i32
        %get3A_1273 = arith.index_cast %add3A_1272 : i32 to index
        %get3A_1274 = arith.constant 112 : index
        %get3A_1275 = tpu.vector_load %arg10[%get3A_1273, %get3A_1274] {strides = array<i32>} : memref<416x128xf32, #tpu.memory_space<vmem>>, vector<16xf32>,
        %add3A_1276 = arith.addf %get3A_1270, %get3A_1275 : vector<16xf32>
        %mul3A_1277 = arith.constant 0.00999999977 : f32
        %mul3A_1278 = vector.broadcast %mul3A_1277 : f32 to vector<16xf32>
        %mul3A_1279 = arith.mulf %mul3A_1278, %add3A_1276 : vector<16xf32>
        %max3A_1280 = arith.maximumf %add3A_1276, %mul3A_1279 : vector<16xf32>
        %swap3A_1281 = arith.index_cast %scan3A_1139 : i32 to index
        %swap3A_1282 = arith.constant 112 : index
        %swap3A_1283 = tpu.vector_load %arg10[%swap3A_1281, %swap3A_1282] {strides = array<i32>} : memref<416x128xf32, #tpu.memory_space<vmem>>, vector<16xf32>,
        tpu.vector_store %arg10[%swap3A_1281, %swap3A_1282], %max3A_1280 {strides = array<i32>} : memref<416x128xf32, #tpu.memory_space<vmem>>, vector<16xf32>,
        %mul3A_1284 = arith.mulf %max3A_1280, %get3A_42 : vector<16xf32>
        %add3A_1285 = arith.addf %add3A_1267, %mul3A_1284 : vector<16xf32>
        %broadcast_in_dim3A_1286 = vector.broadcast %scan3A_1139 : i32 to vector<16xi32>
        %reduce_sum3A_1287 = arith.constant true
        %reduce_sum3A_1288 = vector.broadcast %reduce_sum3A_1287 : i1 to vector<16xi1>
        %reduce_sum3A_1289 = tpu.scan <sum>, %add3A_1285 masked %reduce_sum3A_1288 : vector<16xf32>, vector<16xi1> -> vector<16xf32>
        %reduce_sum3A_1290 = vector.extract %reduce_sum3A_1289[15] : f32 from vector<16xf32>
        %broadcast_in_dim3A_1291 = vector.broadcast %reduce_sum3A_1290 : f32 to vector<16xf32>
        tpu.vector_store_idx %arg12[%broadcast_in_dim3A_1286], %broadcast_in_dim3A_1291 masked %lt3A_11 : memref<208xf32, #tpu.memory_space<vmem>>[vector<16xi32>], vector<16xf32>, vector<16xi1>
        %scan3A_1292 = arith.constant 0 : i32
        %scan3A_1293 = arith.constant 2 : i32
        %scan3A_1294 = arith.addi %scan3A_983, %scan3A_1293 : i32
        %broadcast_in_dim3A_1295 = arith.constant 0.000000e+00 : f32
        %broadcast_in_dim3A_1296 = vector.broadcast %broadcast_in_dim3A_1295 : f32 to vector<16xf32>
        %get3A_1297 = arith.index_cast %scan3A_1294 : i32 to index
        %get3A_1298 = arith.constant 0 : index
        %get3A_1299 = tpu.vector_load %arg10[%get3A_1297, %get3A_1298] {strides = array<i32>} : memref<416x128xf32, #tpu.memory_space<vmem>>, vector<16xf32>,
        %add3A_1300 = arith.constant 208 : i32
        %add3A_1301 = arith.addi %add3A_1300, %scan3A_1294 : i32
        %get3A_1302 = arith.index_cast %add3A_1301 : i32 to index
        %get3A_1303 = arith.constant 0 : index
        %get3A_1304 = tpu.vector_load %arg10[%get3A_1302, %get3A_1303] {strides = array<i32>} : memref<416x128xf32, #tpu.memory_space<vmem>>, vector<16xf32>,
        %add3A_1305 = arith.addf %get3A_1299, %get3A_1304 : vector<16xf32>
        %mul3A_1306 = arith.constant 0.00999999977 : f32
        %mul3A_1307 = vector.broadcast %mul3A_1306 : f32 to vector<16xf32>
        %mul3A_1308 = arith.mulf %mul3A_1307, %add3A_1305 : vector<16xf32>
        %max3A_1309 = arith.maximumf %add3A_1305, %mul3A_1308 : vector<16xf32>
        %swap3A_1310 = arith.index_cast %scan3A_1294 : i32 to index
        %swap3A_1311 = arith.constant 0 : index
        %swap3A_1312 = tpu.vector_load %arg10[%swap3A_1310, %swap3A_1311] {strides = array<i32>} : memref<416x128xf32, #tpu.memory_space<vmem>>, vector<16xf32>,
        tpu.vector_store %arg10[%swap3A_1310, %swap3A_1311], %max3A_1309 {strides = array<i32>} : memref<416x128xf32, #tpu.memory_space<vmem>>, vector<16xf32>,
        %mul3A_1313 = arith.mulf %max3A_1309, %get3A_14 : vector<16xf32>
        %add3A_1314 = arith.addf %broadcast_in_dim3A_1296, %mul3A_1313 : vector<16xf32>
        %get3A_1315 = arith.index_cast %scan3A_1294 : i32 to index
        %get3A_1316 = arith.constant 16 : index
        %get3A_1317 = tpu.vector_load %arg10[%get3A_1315, %get3A_1316] {strides = array<i32>} : memref<416x128xf32, #tpu.memory_space<vmem>>, vector<16xf32>,
        %add3A_1318 = arith.constant 208 : i32
        %add3A_1319 = arith.addi %add3A_1318, %scan3A_1294 : i32
        %get3A_1320 = arith.index_cast %add3A_1319 : i32 to index
        %get3A_1321 = arith.constant 16 : index
        %get3A_1322 = tpu.vector_load %arg10[%get3A_1320, %get3A_1321] {strides = array<i32>} : memref<416x128xf32, #tpu.memory_space<vmem>>, vector<16xf32>,
        %add3A_1323 = arith.addf %get3A_1317, %get3A_1322 : vector<16xf32>
        %mul3A_1324 = arith.constant 0.00999999977 : f32
        %mul3A_1325 = vector.broadcast %mul3A_1324 : f32 to vector<16xf32>
        %mul3A_1326 = arith.mulf %mul3A_1325, %add3A_1323 : vector<16xf32>
        %max3A_1327 = arith.maximumf %add3A_1323, %mul3A_1326 : vector<16xf32>
        %swap3A_1328 = arith.index_cast %scan3A_1294 : i32 to index
        %swap3A_1329 = arith.constant 16 : index
        %swap3A_1330 = tpu.vector_load %arg10[%swap3A_1328, %swap3A_1329] {strides = array<i32>} : memref<416x128xf32, #tpu.memory_space<vmem>>, vector<16xf32>,
        tpu.vector_store %arg10[%swap3A_1328, %swap3A_1329], %max3A_1327 {strides = array<i32>} : memref<416x128xf32, #tpu.memory_space<vmem>>, vector<16xf32>,
        %mul3A_1331 = arith.mulf %max3A_1327, %get3A_18 : vector<16xf32>
        %add3A_1332 = arith.addf %add3A_1314, %mul3A_1331 : vector<16xf32>
        %get3A_1333 = arith.index_cast %scan3A_1294 : i32 to index
        %get3A_1334 = arith.constant 32 : index
        %get3A_1335 = tpu.vector_load %arg10[%get3A_1333, %get3A_1334] {strides = array<i32>} : memref<416x128xf32, #tpu.memory_space<vmem>>, vector<16xf32>,
        %add3A_1336 = arith.constant 208 : i32
        %add3A_1337 = arith.addi %add3A_1336, %scan3A_1294 : i32
        %get3A_1338 = arith.index_cast %add3A_1337 : i32 to index
        %get3A_1339 = arith.constant 32 : index
        %get3A_1340 = tpu.vector_load %arg10[%get3A_1338, %get3A_1339] {strides = array<i32>} : memref<416x128xf32, #tpu.memory_space<vmem>>, vector<16xf32>,
        %add3A_1341 = arith.addf %get3A_1335, %get3A_1340 : vector<16xf32>
        %mul3A_1342 = arith.constant 0.00999999977 : f32
        %mul3A_1343 = vector.broadcast %mul3A_1342 : f32 to vector<16xf32>
        %mul3A_1344 = arith.mulf %mul3A_1343, %add3A_1341 : vector<16xf32>
        %max3A_1345 = arith.maximumf %add3A_1341, %mul3A_1344 : vector<16xf32>
        %swap3A_1346 = arith.index_cast %scan3A_1294 : i32 to index
        %swap3A_1347 = arith.constant 32 : index
        %swap3A_1348 = tpu.vector_load %arg10[%swap3A_1346, %swap3A_1347] {strides = array<i32>} : memref<416x128xf32, #tpu.memory_space<vmem>>, vector<16xf32>,
        tpu.vector_store %arg10[%swap3A_1346, %swap3A_1347], %max3A_1345 {strides = array<i32>} : memref<416x128xf32, #tpu.memory_space<vmem>>, vector<16xf32>,
        %mul3A_1349 = arith.mulf %max3A_1345, %get3A_22 : vector<16xf32>
        %add3A_1350 = arith.addf %add3A_1332, %mul3A_1349 : vector<16xf32>
        %get3A_1351 = arith.index_cast %scan3A_1294 : i32 to index
        %get3A_1352 = arith.constant 48 : index
        %get3A_1353 = tpu.vector_load %arg10[%get3A_1351, %get3A_1352] {strides = array<i32>} : memref<416x128xf32, #tpu.memory_space<vmem>>, vector<16xf32>,
        %add3A_1354 = arith.constant 208 : i32
        %add3A_1355 = arith.addi %add3A_1354, %scan3A_1294 : i32
        %get3A_1356 = arith.index_cast %add3A_1355 : i32 to index
        %get3A_1357 = arith.constant 48 : index
        %get3A_1358 = tpu.vector_load %arg10[%get3A_1356, %get3A_1357] {strides = array<i32>} : memref<416x128xf32, #tpu.memory_space<vmem>>, vector<16xf32>,
        %add3A_1359 = arith.addf %get3A_1353, %get3A_1358 : vector<16xf32>
        %mul3A_1360 = arith.constant 0.00999999977 : f32
        %mul3A_1361 = vector.broadcast %mul3A_1360 : f32 to vector<16xf32>
        %mul3A_1362 = arith.mulf %mul3A_1361, %add3A_1359 : vector<16xf32>
        %max3A_1363 = arith.maximumf %add3A_1359, %mul3A_1362 : vector<16xf32>
        %swap3A_1364 = arith.index_cast %scan3A_1294 : i32 to index
        %swap3A_1365 = arith.constant 48 : index
        %swap3A_1366 = tpu.vector_load %arg10[%swap3A_1364, %swap3A_1365] {strides = array<i32>} : memref<416x128xf32, #tpu.memory_space<vmem>>, vector<16xf32>,
        tpu.vector_store %arg10[%swap3A_1364, %swap3A_1365], %max3A_1363 {strides = array<i32>} : memref<416x128xf32, #tpu.memory_space<vmem>>, vector<16xf32>,
        %mul3A_1367 = arith.mulf %max3A_1363, %get3A_26 : vector<16xf32>
        %add3A_1368 = arith.addf %add3A_1350, %mul3A_1367 : vector<16xf32>
        %get3A_1369 = arith.index_cast %scan3A_1294 : i32 to index
        %get3A_1370 = arith.constant 64 : index
        %get3A_1371 = tpu.vector_load %arg10[%get3A_1369, %get3A_1370] {strides = array<i32>} : memref<416x128xf32, #tpu.memory_space<vmem>>, vector<16xf32>,
        %add3A_1372 = arith.constant 208 : i32
        %add3A_1373 = arith.addi %add3A_1372, %scan3A_1294 : i32
        %get3A_1374 = arith.index_cast %add3A_1373 : i32 to index
        %get3A_1375 = arith.constant 64 : index
        %get3A_1376 = tpu.vector_load %arg10[%get3A_1374, %get3A_1375] {strides = array<i32>} : memref<416x128xf32, #tpu.memory_space<vmem>>, vector<16xf32>,
        %add3A_1377 = arith.addf %get3A_1371, %get3A_1376 : vector<16xf32>
        %mul3A_1378 = arith.constant 0.00999999977 : f32
        %mul3A_1379 = vector.broadcast %mul3A_1378 : f32 to vector<16xf32>
        %mul3A_1380 = arith.mulf %mul3A_1379, %add3A_1377 : vector<16xf32>
        %max3A_1381 = arith.maximumf %add3A_1377, %mul3A_1380 : vector<16xf32>
        %swap3A_1382 = arith.index_cast %scan3A_1294 : i32 to index
        %swap3A_1383 = arith.constant 64 : index
        %swap3A_1384 = tpu.vector_load %arg10[%swap3A_1382, %swap3A_1383] {strides = array<i32>} : memref<416x128xf32, #tpu.memory_space<vmem>>, vector<16xf32>,
        tpu.vector_store %arg10[%swap3A_1382, %swap3A_1383], %max3A_1381 {strides = array<i32>} : memref<416x128xf32, #tpu.memory_space<vmem>>, vector<16xf32>,
        %mul3A_1385 = arith.mulf %max3A_1381, %get3A_30 : vector<16xf32>
        %add3A_1386 = arith.addf %add3A_1368, %mul3A_1385 : vector<16xf32>
        %get3A_1387 = arith.index_cast %scan3A_1294 : i32 to index
        %get3A_1388 = arith.constant 80 : index
        %get3A_1389 = tpu.vector_load %arg10[%get3A_1387, %get3A_1388] {strides = array<i32>} : memref<416x128xf32, #tpu.memory_space<vmem>>, vector<16xf32>,
        %add3A_1390 = arith.constant 208 : i32
        %add3A_1391 = arith.addi %add3A_1390, %scan3A_1294 : i32
        %get3A_1392 = arith.index_cast %add3A_1391 : i32 to index
        %get3A_1393 = arith.constant 80 : index
        %get3A_1394 = tpu.vector_load %arg10[%get3A_1392, %get3A_1393] {strides = array<i32>} : memref<416x128xf32, #tpu.memory_space<vmem>>, vector<16xf32>,
        %add3A_1395 = arith.addf %get3A_1389, %get3A_1394 : vector<16xf32>
        %mul3A_1396 = arith.constant 0.00999999977 : f32
        %mul3A_1397 = vector.broadcast %mul3A_1396 : f32 to vector<16xf32>
        %mul3A_1398 = arith.mulf %mul3A_1397, %add3A_1395 : vector<16xf32>
        %max3A_1399 = arith.maximumf %add3A_1395, %mul3A_1398 : vector<16xf32>
        %swap3A_1400 = arith.index_cast %scan3A_1294 : i32 to index
        %swap3A_1401 = arith.constant 80 : index
        %swap3A_1402 = tpu.vector_load %arg10[%swap3A_1400, %swap3A_1401] {strides = array<i32>} : memref<416x128xf32, #tpu.memory_space<vmem>>, vector<16xf32>,
        tpu.vector_store %arg10[%swap3A_1400, %swap3A_1401], %max3A_1399 {strides = array<i32>} : memref<416x128xf32, #tpu.memory_space<vmem>>, vector<16xf32>,
        %mul3A_1403 = arith.mulf %max3A_1399, %get3A_34 : vector<16xf32>
        %add3A_1404 = arith.addf %add3A_1386, %mul3A_1403 : vector<16xf32>
        %get3A_1405 = arith.index_cast %scan3A_1294 : i32 to index
        %get3A_1406 = arith.constant 96 : index
        %get3A_1407 = tpu.vector_load %arg10[%get3A_1405, %get3A_1406] {strides = array<i32>} : memref<416x128xf32, #tpu.memory_space<vmem>>, vector<16xf32>,
        %add3A_1408 = arith.constant 208 : i32
        %add3A_1409 = arith.addi %add3A_1408, %scan3A_1294 : i32
        %get3A_1410 = arith.index_cast %add3A_1409 : i32 to index
        %get3A_1411 = arith.constant 96 : index
        %get3A_1412 = tpu.vector_load %arg10[%get3A_1410, %get3A_1411] {strides = array<i32>} : memref<416x128xf32, #tpu.memory_space<vmem>>, vector<16xf32>,
        %add3A_1413 = arith.addf %get3A_1407, %get3A_1412 : vector<16xf32>
        %mul3A_1414 = arith.constant 0.00999999977 : f32
        %mul3A_1415 = vector.broadcast %mul3A_1414 : f32 to vector<16xf32>
        %mul3A_1416 = arith.mulf %mul3A_1415, %add3A_1413 : vector<16xf32>
        %max3A_1417 = arith.maximumf %add3A_1413, %mul3A_1416 : vector<16xf32>
        %swap3A_1418 = arith.index_cast %scan3A_1294 : i32 to index
        %swap3A_1419 = arith.constant 96 : index
        %swap3A_1420 = tpu.vector_load %arg10[%swap3A_1418, %swap3A_1419] {strides = array<i32>} : memref<416x128xf32, #tpu.memory_space<vmem>>, vector<16xf32>,
        tpu.vector_store %arg10[%swap3A_1418, %swap3A_1419], %max3A_1417 {strides = array<i32>} : memref<416x128xf32, #tpu.memory_space<vmem>>, vector<16xf32>,
        %mul3A_1421 = arith.mulf %max3A_1417, %get3A_38 : vector<16xf32>
        %add3A_1422 = arith.addf %add3A_1404, %mul3A_1421 : vector<16xf32>
        %get3A_1423 = arith.index_cast %scan3A_1294 : i32 to index
        %get3A_1424 = arith.constant 112 : index
        %get3A_1425 = tpu.vector_load %arg10[%get3A_1423, %get3A_1424] {strides = array<i32>} : memref<416x128xf32, #tpu.memory_space<vmem>>, vector<16xf32>,
        %add3A_1426 = arith.constant 208 : i32
        %add3A_1427 = arith.addi %add3A_1426, %scan3A_1294 : i32
        %get3A_1428 = arith.index_cast %add3A_1427 : i32 to index
        %get3A_1429 = arith.constant 112 : index
        %get3A_1430 = tpu.vector_load %arg10[%get3A_1428, %get3A_1429] {strides = array<i32>} : memref<416x128xf32, #tpu.memory_space<vmem>>, vector<16xf32>,
        %add3A_1431 = arith.addf %get3A_1425, %get3A_1430 : vector<16xf32>
        %mul3A_1432 = arith.constant 0.00999999977 : f32
        %mul3A_1433 = vector.broadcast %mul3A_1432 : f32 to vector<16xf32>
        %mul3A_1434 = arith.mulf %mul3A_1433, %add3A_1431 : vector<16xf32>
        %max3A_1435 = arith.maximumf %add3A_1431, %mul3A_1434 : vector<16xf32>
        %swap3A_1436 = arith.index_cast %scan3A_1294 : i32 to index
        %swap3A_1437 = arith.constant 112 : index
        %swap3A_1438 = tpu.vector_load %arg10[%swap3A_1436, %swap3A_1437] {strides = array<i32>} : memref<416x128xf32, #tpu.memory_space<vmem>>, vector<16xf32>,
        tpu.vector_store %arg10[%swap3A_1436, %swap3A_1437], %max3A_1435 {strides = array<i32>} : memref<416x128xf32, #tpu.memory_space<vmem>>, vector<16xf32>,
        %mul3A_1439 = arith.mulf %max3A_1435, %get3A_42 : vector<16xf32>
        %add3A_1440 = arith.addf %add3A_1422, %mul3A_1439 : vector<16xf32>
        %broadcast_in_dim3A_1441 = vector.broadcast %scan3A_1294 : i32 to vector<16xi32>
        %reduce_sum3A_1442 = arith.constant true
        %reduce_sum3A_1443 = vector.broadcast %reduce_sum3A_1442 : i1 to vector<16xi1>
        %reduce_sum3A_1444 = tpu.scan <sum>, %add3A_1440 masked %reduce_sum3A_1443 : vector<16xf32>, vector<16xi1> -> vector<16xf32>
        %reduce_sum3A_1445 = vector.extract %reduce_sum3A_1444[15] : f32 from vector<16xf32>
        %broadcast_in_dim3A_1446 = vector.broadcast %reduce_sum3A_1445 : f32 to vector<16xf32>
        tpu.vector_store_idx %arg12[%broadcast_in_dim3A_1441], %broadcast_in_dim3A_1446 masked %lt3A_11 : memref<208xf32, #tpu.memory_space<vmem>>[vector<16xi32>], vector<16xf32>, vector<16xi1>
        %scan3A_1447 = arith.constant 0 : i32
        %scan3A_1448 = arith.constant 3 : i32
        %scan3A_1449 = arith.addi %scan3A_983, %scan3A_1448 : i32
        %broadcast_in_dim3A_1450 = arith.constant 0.000000e+00 : f32
        %broadcast_in_dim3A_1451 = vector.broadcast %broadcast_in_dim3A_1450 : f32 to vector<16xf32>
        %get3A_1452 = arith.index_cast %scan3A_1449 : i32 to index
        %get3A_1453 = arith.constant 0 : index
        %get3A_1454 = tpu.vector_load %arg10[%get3A_1452, %get3A_1453] {strides = array<i32>} : memref<416x128xf32, #tpu.memory_space<vmem>>, vector<16xf32>,
        %add3A_1455 = arith.constant 208 : i32
        %add3A_1456 = arith.addi %add3A_1455, %scan3A_1449 : i32
        %get3A_1457 = arith.index_cast %add3A_1456 : i32 to index
        %get3A_1458 = arith.constant 0 : index
        %get3A_1459 = tpu.vector_load %arg10[%get3A_1457, %get3A_1458] {strides = array<i32>} : memref<416x128xf32, #tpu.memory_space<vmem>>, vector<16xf32>,
        %add3A_1460 = arith.addf %get3A_1454, %get3A_1459 : vector<16xf32>
        %mul3A_1461 = arith.constant 0.00999999977 : f32
        %mul3A_1462 = vector.broadcast %mul3A_1461 : f32 to vector<16xf32>
        %mul3A_1463 = arith.mulf %mul3A_1462, %add3A_1460 : vector<16xf32>
        %max3A_1464 = arith.maximumf %add3A_1460, %mul3A_1463 : vector<16xf32>
        %swap3A_1465 = arith.index_cast %scan3A_1449 : i32 to index
        %swap3A_1466 = arith.constant 0 : index
        %swap3A_1467 = tpu.vector_load %arg10[%swap3A_1465, %swap3A_1466] {strides = array<i32>} : memref<416x128xf32, #tpu.memory_space<vmem>>, vector<16xf32>,
        tpu.vector_store %arg10[%swap3A_1465, %swap3A_1466], %max3A_1464 {strides = array<i32>} : memref<416x128xf32, #tpu.memory_space<vmem>>, vector<16xf32>,
        %mul3A_1468 = arith.mulf %max3A_1464, %get3A_14 : vector<16xf32>
        %add3A_1469 = arith.addf %broadcast_in_dim3A_1451, %mul3A_1468 : vector<16xf32>
        %get3A_1470 = arith.index_cast %scan3A_1449 : i32 to index
        %get3A_1471 = arith.constant 16 : index
        %get3A_1472 = tpu.vector_load %arg10[%get3A_1470, %get3A_1471] {strides = array<i32>} : memref<416x128xf32, #tpu.memory_space<vmem>>, vector<16xf32>,
        %add3A_1473 = arith.constant 208 : i32
        %add3A_1474 = arith.addi %add3A_1473, %scan3A_1449 : i32
        %get3A_1475 = arith.index_cast %add3A_1474 : i32 to index
        %get3A_1476 = arith.constant 16 : index
        %get3A_1477 = tpu.vector_load %arg10[%get3A_1475, %get3A_1476] {strides = array<i32>} : memref<416x128xf32, #tpu.memory_space<vmem>>, vector<16xf32>,
        %add3A_1478 = arith.addf %get3A_1472, %get3A_1477 : vector<16xf32>
        %mul3A_1479 = arith.constant 0.00999999977 : f32
        %mul3A_1480 = vector.broadcast %mul3A_1479 : f32 to vector<16xf32>
        %mul3A_1481 = arith.mulf %mul3A_1480, %add3A_1478 : vector<16xf32>
        %max3A_1482 = arith.maximumf %add3A_1478, %mul3A_1481 : vector<16xf32>
        %swap3A_1483 = arith.index_cast %scan3A_1449 : i32 to index
        %swap3A_1484 = arith.constant 16 : index
        %swap3A_1485 = tpu.vector_load %arg10[%swap3A_1483, %swap3A_1484] {strides = array<i32>} : memref<416x128xf32, #tpu.memory_space<vmem>>, vector<16xf32>,
        tpu.vector_store %arg10[%swap3A_1483, %swap3A_1484], %max3A_1482 {strides = array<i32>} : memref<416x128xf32, #tpu.memory_space<vmem>>, vector<16xf32>,
        %mul3A_1486 = arith.mulf %max3A_1482, %get3A_18 : vector<16xf32>
        %add3A_1487 = arith.addf %add3A_1469, %mul3A_1486 : vector<16xf32>
        %get3A_1488 = arith.index_cast %scan3A_1449 : i32 to index
        %get3A_1489 = arith.constant 32 : index
        %get3A_1490 = tpu.vector_load %arg10[%get3A_1488, %get3A_1489] {strides = array<i32>} : memref<416x128xf32, #tpu.memory_space<vmem>>, vector<16xf32>,
        %add3A_1491 = arith.constant 208 : i32
        %add3A_1492 = arith.addi %add3A_1491, %scan3A_1449 : i32
        %get3A_1493 = arith.index_cast %add3A_1492 : i32 to index
        %get3A_1494 = arith.constant 32 : index
        %get3A_1495 = tpu.vector_load %arg10[%get3A_1493, %get3A_1494] {strides = array<i32>} : memref<416x128xf32, #tpu.memory_space<vmem>>, vector<16xf32>,
        %add3A_1496 = arith.addf %get3A_1490, %get3A_1495 : vector<16xf32>
        %mul3A_1497 = arith.constant 0.00999999977 : f32
        %mul3A_1498 = vector.broadcast %mul3A_1497 : f32 to vector<16xf32>
        %mul3A_1499 = arith.mulf %mul3A_1498, %add3A_1496 : vector<16xf32>
        %max3A_1500 = arith.maximumf %add3A_1496, %mul3A_1499 : vector<16xf32>
        %swap3A_1501 = arith.index_cast %scan3A_1449 : i32 to index
        %swap3A_1502 = arith.constant 32 : index
        %swap3A_1503 = tpu.vector_load %arg10[%swap3A_1501, %swap3A_1502] {strides = array<i32>} : memref<416x128xf32, #tpu.memory_space<vmem>>, vector<16xf32>,
        tpu.vector_store %arg10[%swap3A_1501, %swap3A_1502], %max3A_1500 {strides = array<i32>} : memref<416x128xf32, #tpu.memory_space<vmem>>, vector<16xf32>,
        %mul3A_1504 = arith.mulf %max3A_1500, %get3A_22 : vector<16xf32>
        %add3A_1505 = arith.addf %add3A_1487, %mul3A_1504 : vector<16xf32>
        %get3A_1506 = arith.index_cast %scan3A_1449 : i32 to index
        %get3A_1507 = arith.constant 48 : index
        %get3A_1508 = tpu.vector_load %arg10[%get3A_1506, %get3A_1507] {strides = array<i32>} : memref<416x128xf32, #tpu.memory_space<vmem>>, vector<16xf32>,
        %add3A_1509 = arith.constant 208 : i32
        %add3A_1510 = arith.addi %add3A_1509, %scan3A_1449 : i32
        %get3A_1511 = arith.index_cast %add3A_1510 : i32 to index
        %get3A_1512 = arith.constant 48 : index
        %get3A_1513 = tpu.vector_load %arg10[%get3A_1511, %get3A_1512] {strides = array<i32>} : memref<416x128xf32, #tpu.memory_space<vmem>>, vector<16xf32>,
        %add3A_1514 = arith.addf %get3A_1508, %get3A_1513 : vector<16xf32>
        %mul3A_1515 = arith.constant 0.00999999977 : f32
        %mul3A_1516 = vector.broadcast %mul3A_1515 : f32 to vector<16xf32>
        %mul3A_1517 = arith.mulf %mul3A_1516, %add3A_1514 : vector<16xf32>
        %max3A_1518 = arith.maximumf %add3A_1514, %mul3A_1517 : vector<16xf32>
        %swap3A_1519 = arith.index_cast %scan3A_1449 : i32 to index
        %swap3A_1520 = arith.constant 48 : index
        %swap3A_1521 = tpu.vector_load %arg10[%swap3A_1519, %swap3A_1520] {strides = array<i32>} : memref<416x128xf32, #tpu.memory_space<vmem>>, vector<16xf32>,
        tpu.vector_store %arg10[%swap3A_1519, %swap3A_1520], %max3A_1518 {strides = array<i32>} : memref<416x128xf32, #tpu.memory_space<vmem>>, vector<16xf32>,
        %mul3A_1522 = arith.mulf %max3A_1518, %get3A_26 : vector<16xf32>
        %add3A_1523 = arith.addf %add3A_1505, %mul3A_1522 : vector<16xf32>
        %get3A_1524 = arith.index_cast %scan3A_1449 : i32 to index
        %get3A_1525 = arith.constant 64 : index
        %get3A_1526 = tpu.vector_load %arg10[%get3A_1524, %get3A_1525] {strides = array<i32>} : memref<416x128xf32, #tpu.memory_space<vmem>>, vector<16xf32>,
        %add3A_1527 = arith.constant 208 : i32
        %add3A_1528 = arith.addi %add3A_1527, %scan3A_1449 : i32
        %get3A_1529 = arith.index_cast %add3A_1528 : i32 to index
        %get3A_1530 = arith.constant 64 : index
        %get3A_1531 = tpu.vector_load %arg10[%get3A_1529, %get3A_1530] {strides = array<i32>} : memref<416x128xf32, #tpu.memory_space<vmem>>, vector<16xf32>,
        %add3A_1532 = arith.addf %get3A_1526, %get3A_1531 : vector<16xf32>
        %mul3A_1533 = arith.constant 0.00999999977 : f32
        %mul3A_1534 = vector.broadcast %mul3A_1533 : f32 to vector<16xf32>
        %mul3A_1535 = arith.mulf %mul3A_1534, %add3A_1532 : vector<16xf32>
        %max3A_1536 = arith.maximumf %add3A_1532, %mul3A_1535 : vector<16xf32>
        %swap3A_1537 = arith.index_cast %scan3A_1449 : i32 to index
        %swap3A_1538 = arith.constant 64 : index
        %swap3A_1539 = tpu.vector_load %arg10[%swap3A_1537, %swap3A_1538] {strides = array<i32>} : memref<416x128xf32, #tpu.memory_space<vmem>>, vector<16xf32>,
        tpu.vector_store %arg10[%swap3A_1537, %swap3A_1538], %max3A_1536 {strides = array<i32>} : memref<416x128xf32, #tpu.memory_space<vmem>>, vector<16xf32>,
        %mul3A_1540 = arith.mulf %max3A_1536, %get3A_30 : vector<16xf32>
        %add3A_1541 = arith.addf %add3A_1523, %mul3A_1540 : vector<16xf32>
        %get3A_1542 = arith.index_cast %scan3A_1449 : i32 to index
        %get3A_1543 = arith.constant 80 : index
        %get3A_1544 = tpu.vector_load %arg10[%get3A_1542, %get3A_1543] {strides = array<i32>} : memref<416x128xf32, #tpu.memory_space<vmem>>, vector<16xf32>,
        %add3A_1545 = arith.constant 208 : i32
        %add3A_1546 = arith.addi %add3A_1545, %scan3A_1449 : i32
        %get3A_1547 = arith.index_cast %add3A_1546 : i32 to index
        %get3A_1548 = arith.constant 80 : index
        %get3A_1549 = tpu.vector_load %arg10[%get3A_1547, %get3A_1548] {strides = array<i32>} : memref<416x128xf32, #tpu.memory_space<vmem>>, vector<16xf32>,
        %add3A_1550 = arith.addf %get3A_1544, %get3A_1549 : vector<16xf32>
        %mul3A_1551 = arith.constant 0.00999999977 : f32
        %mul3A_1552 = vector.broadcast %mul3A_1551 : f32 to vector<16xf32>
        %mul3A_1553 = arith.mulf %mul3A_1552, %add3A_1550 : vector<16xf32>
        %max3A_1554 = arith.maximumf %add3A_1550, %mul3A_1553 : vector<16xf32>
        %swap3A_1555 = arith.index_cast %scan3A_1449 : i32 to index
        %swap3A_1556 = arith.constant 80 : index
        %swap3A_1557 = tpu.vector_load %arg10[%swap3A_1555, %swap3A_1556] {strides = array<i32>} : memref<416x128xf32, #tpu.memory_space<vmem>>, vector<16xf32>,
        tpu.vector_store %arg10[%swap3A_1555, %swap3A_1556], %max3A_1554 {strides = array<i32>} : memref<416x128xf32, #tpu.memory_space<vmem>>, vector<16xf32>,
        %mul3A_1558 = arith.mulf %max3A_1554, %get3A_34 : vector<16xf32>
        %add3A_1559 = arith.addf %add3A_1541, %mul3A_1558 : vector<16xf32>
        %get3A_1560 = arith.index_cast %scan3A_1449 : i32 to index
        %get3A_1561 = arith.constant 96 : index
        %get3A_1562 = tpu.vector_load %arg10[%get3A_1560, %get3A_1561] {strides = array<i32>} : memref<416x128xf32, #tpu.memory_space<vmem>>, vector<16xf32>,
        %add3A_1563 = arith.constant 208 : i32
        %add3A_1564 = arith.addi %add3A_1563, %scan3A_1449 : i32
        %get3A_1565 = arith.index_cast %add3A_1564 : i32 to index
        %get3A_1566 = arith.constant 96 : index
        %get3A_1567 = tpu.vector_load %arg10[%get3A_1565, %get3A_1566] {strides = array<i32>} : memref<416x128xf32, #tpu.memory_space<vmem>>, vector<16xf32>,
        %add3A_1568 = arith.addf %get3A_1562, %get3A_1567 : vector<16xf32>
        %mul3A_1569 = arith.constant 0.00999999977 : f32
        %mul3A_1570 = vector.broadcast %mul3A_1569 : f32 to vector<16xf32>
        %mul3A_1571 = arith.mulf %mul3A_1570, %add3A_1568 : vector<16xf32>
        %max3A_1572 = arith.maximumf %add3A_1568, %mul3A_1571 : vector<16xf32>
        %swap3A_1573 = arith.index_cast %scan3A_1449 : i32 to index
        %swap3A_1574 = arith.constant 96 : index
        %swap3A_1575 = tpu.vector_load %arg10[%swap3A_1573, %swap3A_1574] {strides = array<i32>} : memref<416x128xf32, #tpu.memory_space<vmem>>, vector<16xf32>,
        tpu.vector_store %arg10[%swap3A_1573, %swap3A_1574], %max3A_1572 {strides = array<i32>} : memref<416x128xf32, #tpu.memory_space<vmem>>, vector<16xf32>,
        %mul3A_1576 = arith.mulf %max3A_1572, %get3A_38 : vector<16xf32>
        %add3A_1577 = arith.addf %add3A_1559, %mul3A_1576 : vector<16xf32>
        %get3A_1578 = arith.index_cast %scan3A_1449 : i32 to index
        %get3A_1579 = arith.constant 112 : index
        %get3A_1580 = tpu.vector_load %arg10[%get3A_1578, %get3A_1579] {strides = array<i32>} : memref<416x128xf32, #tpu.memory_space<vmem>>, vector<16xf32>,
        %add3A_1581 = arith.constant 208 : i32
        %add3A_1582 = arith.addi %add3A_1581, %scan3A_1449 : i32
        %get3A_1583 = arith.index_cast %add3A_1582 : i32 to index
        %get3A_1584 = arith.constant 112 : index
        %get3A_1585 = tpu.vector_load %arg10[%get3A_1583, %get3A_1584] {strides = array<i32>} : memref<416x128xf32, #tpu.memory_space<vmem>>, vector<16xf32>,
        %add3A_1586 = arith.addf %get3A_1580, %get3A_1585 : vector<16xf32>
        %mul3A_1587 = arith.constant 0.00999999977 : f32
        %mul3A_1588 = vector.broadcast %mul3A_1587 : f32 to vector<16xf32>
        %mul3A_1589 = arith.mulf %mul3A_1588, %add3A_1586 : vector<16xf32>
        %max3A_1590 = arith.maximumf %add3A_1586, %mul3A_1589 : vector<16xf32>
        %swap3A_1591 = arith.index_cast %scan3A_1449 : i32 to index
        %swap3A_1592 = arith.constant 112 : index
        %swap3A_1593 = tpu.vector_load %arg10[%swap3A_1591, %swap3A_1592] {strides = array<i32>} : memref<416x128xf32, #tpu.memory_space<vmem>>, vector<16xf32>,
        tpu.vector_store %arg10[%swap3A_1591, %swap3A_1592], %max3A_1590 {strides = array<i32>} : memref<416x128xf32, #tpu.memory_space<vmem>>, vector<16xf32>,
        %mul3A_1594 = arith.mulf %max3A_1590, %get3A_42 : vector<16xf32>
        %add3A_1595 = arith.addf %add3A_1577, %mul3A_1594 : vector<16xf32>
        %broadcast_in_dim3A_1596 = vector.broadcast %scan3A_1449 : i32 to vector<16xi32>
        %reduce_sum3A_1597 = arith.constant true
        %reduce_sum3A_1598 = vector.broadcast %reduce_sum3A_1597 : i1 to vector<16xi1>
        %reduce_sum3A_1599 = tpu.scan <sum>, %add3A_1595 masked %reduce_sum3A_1598 : vector<16xf32>, vector<16xi1> -> vector<16xf32>
        %reduce_sum3A_1600 = vector.extract %reduce_sum3A_1599[15] : f32 from vector<16xf32>
        %broadcast_in_dim3A_1601 = vector.broadcast %reduce_sum3A_1600 : f32 to vector<16xf32>
        tpu.vector_store_idx %arg12[%broadcast_in_dim3A_1596], %broadcast_in_dim3A_1601 masked %lt3A_11 : memref<208xf32, #tpu.memory_space<vmem>>[vector<16xi32>], vector<16xf32>, vector<16xi1>
        %scan3A_1602 = arith.constant 0 : i32
        scf.yield %scan3A_1602 : i32
      }
      %scan3A_243 = arith.constant 200 : i32
      %get3A_244 = arith.constant 0 : index
      %get3A_245 = tpu.vector_load %arg12[%get3A_244] {strides = array<i32>} : memref<208xf32, #tpu.memory_space<vmem>>, vector<16xf32>,
      %get3A_246 = arith.constant 16 : index
      %get3A_247 = tpu.vector_load %arg12[%get3A_246] {strides = array<i32>} : memref<208xf32, #tpu.memory_space<vmem>>, vector<16xf32>,
      %get3A_248 = arith.constant 32 : index
      %get3A_249 = tpu.vector_load %arg12[%get3A_248] {strides = array<i32>} : memref<208xf32, #tpu.memory_space<vmem>>, vector<16xf32>,
      %get3A_250 = arith.constant 48 : index
      %get3A_251 = tpu.vector_load %arg12[%get3A_250] {strides = array<i32>} : memref<208xf32, #tpu.memory_space<vmem>>, vector<16xf32>,
      %get3A_252 = arith.constant 64 : index
      %get3A_253 = tpu.vector_load %arg12[%get3A_252] {strides = array<i32>} : memref<208xf32, #tpu.memory_space<vmem>>, vector<16xf32>,
      %get3A_254 = arith.constant 80 : index
      %get3A_255 = tpu.vector_load %arg12[%get3A_254] {strides = array<i32>} : memref<208xf32, #tpu.memory_space<vmem>>, vector<16xf32>,
      %get3A_256 = arith.constant 96 : index
      %get3A_257 = tpu.vector_load %arg12[%get3A_256] {strides = array<i32>} : memref<208xf32, #tpu.memory_space<vmem>>, vector<16xf32>,
      %get3A_258 = arith.constant 112 : index
      %get3A_259 = tpu.vector_load %arg12[%get3A_258] {strides = array<i32>} : memref<208xf32, #tpu.memory_space<vmem>>, vector<16xf32>,
      %get3A_260 = arith.constant 128 : index
      %get3A_261 = tpu.vector_load %arg12[%get3A_260] {strides = array<i32>} : memref<208xf32, #tpu.memory_space<vmem>>, vector<16xf32>,
      %get3A_262 = arith.constant 144 : index
      %get3A_263 = tpu.vector_load %arg12[%get3A_262] {strides = array<i32>} : memref<208xf32, #tpu.memory_space<vmem>>, vector<16xf32>,
      %get3A_264 = arith.constant 160 : index
      %get3A_265 = tpu.vector_load %arg12[%get3A_264] {strides = array<i32>} : memref<208xf32, #tpu.memory_space<vmem>>, vector<16xf32>,
      %get3A_266 = arith.constant 176 : index
      %get3A_267 = tpu.vector_load %arg12[%get3A_266] {strides = array<i32>} : memref<208xf32, #tpu.memory_space<vmem>>, vector<16xf32>,
      %get3A_268 = arith.constant 192 : index
      %get3A_269 = tpu.vector_load %arg12[%get3A_268] {strides = array<i32>} : memref<208xf32, #tpu.memory_space<vmem>>, vector<16xf32>,
      %max3A = arith.maximumf %get3A_245, %get3A_247 : vector<16xf32>
      %max3A_270 = arith.maximumf %max3A, %get3A_249 : vector<16xf32>
      %max3A_271 = arith.maximumf %max3A_270, %get3A_251 : vector<16xf32>
      %max3A_272 = arith.maximumf %max3A_271, %get3A_253 : vector<16xf32>
      %max3A_273 = arith.maximumf %max3A_272, %get3A_255 : vector<16xf32>
      %max3A_274 = arith.maximumf %max3A_273, %get3A_257 : vector<16xf32>
      %max3A_275 = arith.maximumf %max3A_274, %get3A_259 : vector<16xf32>
      %max3A_276 = arith.maximumf %max3A_275, %get3A_261 : vector<16xf32>
      %max3A_277 = arith.maximumf %max3A_276, %get3A_263 : vector<16xf32>
      %max3A_278 = arith.maximumf %max3A_277, %get3A_265 : vector<16xf32>
      %max3A_279 = arith.maximumf %max3A_278, %get3A_267 : vector<16xf32>
      %max3A_280 = arith.maximumf %max3A_279, %get3A_269 : vector<16xf32>
      %reduce_max3A = arith.constant true
      %reduce_max3A_281 = vector.broadcast %reduce_max3A : i1 to vector<16xi1>
      %reduce_max3A_282 = tpu.scan <max>, %max3A_280 masked %reduce_max3A_281 : vector<16xf32>, vector<16xi1> -> vector<16xf32>
      %reduce_max3A_283 = vector.extract %reduce_max3A_282[15] : f32 from vector<16xf32>
      %broadcast_in_dim3A_284 = arith.constant 0.000000e+00 : f32
      %broadcast_in_dim3A_285 = vector.broadcast %broadcast_in_dim3A_284 : f32 to vector<16xf32>
      %sub3A = vector.broadcast %reduce_max3A_283 : f32 to vector<16xf32>
      %sub3A_286 = arith.subf %get3A_245, %sub3A : vector<16xf32>
      %exp3A = math.exp %sub3A_286 : vector<16xf32>
      %swap3A_287 = arith.constant 0 : index
      %swap3A_288 = tpu.vector_load %arg13[%swap3A_287] {strides = array<i32>} : memref<208xf32, #tpu.memory_space<vmem>>, vector<16xf32>,
      tpu.vector_store %arg13[%swap3A_287], %exp3A {strides = array<i32>} : memref<208xf32, #tpu.memory_space<vmem>>, vector<16xf32>,
      %add3A_289 = arith.addf %broadcast_in_dim3A_285, %exp3A : vector<16xf32>
      %sub3A_290 = vector.broadcast %reduce_max3A_283 : f32 to vector<16xf32>
      %sub3A_291 = arith.subf %get3A_247, %sub3A_290 : vector<16xf32>
      %exp3A_292 = math.exp %sub3A_291 : vector<16xf32>
      %swap3A_293 = arith.constant 16 : index
      %swap3A_294 = tpu.vector_load %arg13[%swap3A_293] {strides = array<i32>} : memref<208xf32, #tpu.memory_space<vmem>>, vector<16xf32>,
      tpu.vector_store %arg13[%swap3A_293], %exp3A_292 {strides = array<i32>} : memref<208xf32, #tpu.memory_space<vmem>>, vector<16xf32>,
      %add3A_295 = arith.addf %add3A_289, %exp3A_292 : vector<16xf32>
      %sub3A_296 = vector.broadcast %reduce_max3A_283 : f32 to vector<16xf32>
      %sub3A_297 = arith.subf %get3A_249, %sub3A_296 : vector<16xf32>
      %exp3A_298 = math.exp %sub3A_297 : vector<16xf32>
      %swap3A_299 = arith.constant 32 : index
      %swap3A_300 = tpu.vector_load %arg13[%swap3A_299] {strides = array<i32>} : memref<208xf32, #tpu.memory_space<vmem>>, vector<16xf32>,
      tpu.vector_store %arg13[%swap3A_299], %exp3A_298 {strides = array<i32>} : memref<208xf32, #tpu.memory_space<vmem>>, vector<16xf32>,
      %add3A_301 = arith.addf %add3A_295, %exp3A_298 : vector<16xf32>
      %sub3A_302 = vector.broadcast %reduce_max3A_283 : f32 to vector<16xf32>
      %sub3A_303 = arith.subf %get3A_251, %sub3A_302 : vector<16xf32>
      %exp3A_304 = math.exp %sub3A_303 : vector<16xf32>
      %swap3A_305 = arith.constant 48 : index
      %swap3A_306 = tpu.vector_load %arg13[%swap3A_305] {strides = array<i32>} : memref<208xf32, #tpu.memory_space<vmem>>, vector<16xf32>,
      tpu.vector_store %arg13[%swap3A_305], %exp3A_304 {strides = array<i32>} : memref<208xf32, #tpu.memory_space<vmem>>, vector<16xf32>,
      %add3A_307 = arith.addf %add3A_301, %exp3A_304 : vector<16xf32>
      %sub3A_308 = vector.broadcast %reduce_max3A_283 : f32 to vector<16xf32>
      %sub3A_309 = arith.subf %get3A_253, %sub3A_308 : vector<16xf32>
      %exp3A_310 = math.exp %sub3A_309 : vector<16xf32>
      %swap3A_311 = arith.constant 64 : index
      %swap3A_312 = tpu.vector_load %arg13[%swap3A_311] {strides = array<i32>} : memref<208xf32, #tpu.memory_space<vmem>>, vector<16xf32>,
      tpu.vector_store %arg13[%swap3A_311], %exp3A_310 {strides = array<i32>} : memref<208xf32, #tpu.memory_space<vmem>>, vector<16xf32>,
      %add3A_313 = arith.addf %add3A_307, %exp3A_310 : vector<16xf32>
      %sub3A_314 = vector.broadcast %reduce_max3A_283 : f32 to vector<16xf32>
      %sub3A_315 = arith.subf %get3A_255, %sub3A_314 : vector<16xf32>
      %exp3A_316 = math.exp %sub3A_315 : vector<16xf32>
      %swap3A_317 = arith.constant 80 : index
      %swap3A_318 = tpu.vector_load %arg13[%swap3A_317] {strides = array<i32>} : memref<208xf32, #tpu.memory_space<vmem>>, vector<16xf32>,
      tpu.vector_store %arg13[%swap3A_317], %exp3A_316 {strides = array<i32>} : memref<208xf32, #tpu.memory_space<vmem>>, vector<16xf32>,
      %add3A_319 = arith.addf %add3A_313, %exp3A_316 : vector<16xf32>
      %sub3A_320 = vector.broadcast %reduce_max3A_283 : f32 to vector<16xf32>
      %sub3A_321 = arith.subf %get3A_257, %sub3A_320 : vector<16xf32>
      %exp3A_322 = math.exp %sub3A_321 : vector<16xf32>
      %swap3A_323 = arith.constant 96 : index
      %swap3A_324 = tpu.vector_load %arg13[%swap3A_323] {strides = array<i32>} : memref<208xf32, #tpu.memory_space<vmem>>, vector<16xf32>,
      tpu.vector_store %arg13[%swap3A_323], %exp3A_322 {strides = array<i32>} : memref<208xf32, #tpu.memory_space<vmem>>, vector<16xf32>,
      %add3A_325 = arith.addf %add3A_319, %exp3A_322 : vector<16xf32>
      %sub3A_326 = vector.broadcast %reduce_max3A_283 : f32 to vector<16xf32>
      %sub3A_327 = arith.subf %get3A_259, %sub3A_326 : vector<16xf32>
      %exp3A_328 = math.exp %sub3A_327 : vector<16xf32>
      %swap3A_329 = arith.constant 112 : index
      %swap3A_330 = tpu.vector_load %arg13[%swap3A_329] {strides = array<i32>} : memref<208xf32, #tpu.memory_space<vmem>>, vector<16xf32>,
      tpu.vector_store %arg13[%swap3A_329], %exp3A_328 {strides = array<i32>} : memref<208xf32, #tpu.memory_space<vmem>>, vector<16xf32>,
      %add3A_331 = arith.addf %add3A_325, %exp3A_328 : vector<16xf32>
      %sub3A_332 = vector.broadcast %reduce_max3A_283 : f32 to vector<16xf32>
      %sub3A_333 = arith.subf %get3A_261, %sub3A_332 : vector<16xf32>
      %exp3A_334 = math.exp %sub3A_333 : vector<16xf32>
      %swap3A_335 = arith.constant 128 : index
      %swap3A_336 = tpu.vector_load %arg13[%swap3A_335] {strides = array<i32>} : memref<208xf32, #tpu.memory_space<vmem>>, vector<16xf32>,
      tpu.vector_store %arg13[%swap3A_335], %exp3A_334 {strides = array<i32>} : memref<208xf32, #tpu.memory_space<vmem>>, vector<16xf32>,
      %add3A_337 = arith.addf %add3A_331, %exp3A_334 : vector<16xf32>
      %sub3A_338 = vector.broadcast %reduce_max3A_283 : f32 to vector<16xf32>
      %sub3A_339 = arith.subf %get3A_263, %sub3A_338 : vector<16xf32>
      %exp3A_340 = math.exp %sub3A_339 : vector<16xf32>
      %swap3A_341 = arith.constant 144 : index
      %swap3A_342 = tpu.vector_load %arg13[%swap3A_341] {strides = array<i32>} : memref<208xf32, #tpu.memory_space<vmem>>, vector<16xf32>,
      tpu.vector_store %arg13[%swap3A_341], %exp3A_340 {strides = array<i32>} : memref<208xf32, #tpu.memory_space<vmem>>, vector<16xf32>,
      %add3A_343 = arith.addf %add3A_337, %exp3A_340 : vector<16xf32>
      %sub3A_344 = vector.broadcast %reduce_max3A_283 : f32 to vector<16xf32>
      %sub3A_345 = arith.subf %get3A_265, %sub3A_344 : vector<16xf32>
      %exp3A_346 = math.exp %sub3A_345 : vector<16xf32>
      %swap3A_347 = arith.constant 160 : index
      %swap3A_348 = tpu.vector_load %arg13[%swap3A_347] {strides = array<i32>} : memref<208xf32, #tpu.memory_space<vmem>>, vector<16xf32>,
      tpu.vector_store %arg13[%swap3A_347], %exp3A_346 {strides = array<i32>} : memref<208xf32, #tpu.memory_space<vmem>>, vector<16xf32>,
      %add3A_349 = arith.addf %add3A_343, %exp3A_346 : vector<16xf32>
      %sub3A_350 = vector.broadcast %reduce_max3A_283 : f32 to vector<16xf32>
      %sub3A_351 = arith.subf %get3A_267, %sub3A_350 : vector<16xf32>
      %exp3A_352 = math.exp %sub3A_351 : vector<16xf32>
      %swap3A_353 = arith.constant 176 : index
      %swap3A_354 = tpu.vector_load %arg13[%swap3A_353] {strides = array<i32>} : memref<208xf32, #tpu.memory_space<vmem>>, vector<16xf32>,
      tpu.vector_store %arg13[%swap3A_353], %exp3A_352 {strides = array<i32>} : memref<208xf32, #tpu.memory_space<vmem>>, vector<16xf32>,
      %add3A_355 = arith.addf %add3A_349, %exp3A_352 : vector<16xf32>
      %sub3A_356 = vector.broadcast %reduce_max3A_283 : f32 to vector<16xf32>
      %sub3A_357 = arith.subf %get3A_269, %sub3A_356 : vector<16xf32>
      %exp3A_358 = math.exp %sub3A_357 : vector<16xf32>
      %swap3A_359 = arith.constant 192 : index
      %swap3A_360 = tpu.vector_load %arg13[%swap3A_359] {strides = array<i32>} : memref<208xf32, #tpu.memory_space<vmem>>, vector<16xf32>,
      tpu.vector_store %arg13[%swap3A_359], %exp3A_358 {strides = array<i32>} : memref<208xf32, #tpu.memory_space<vmem>>, vector<16xf32>,
      %add3A_361 = arith.addf %add3A_355, %exp3A_358 : vector<16xf32>
      %reduce_sum3A = arith.constant true
      %reduce_sum3A_362 = vector.broadcast %reduce_sum3A : i1 to vector<16xi1>
      %reduce_sum3A_363 = tpu.scan <sum>, %add3A_361 masked %reduce_sum3A_362 : vector<16xf32>, vector<16xi1> -> vector<16xf32>
      %reduce_sum3A_364 = vector.extract %reduce_sum3A_363[15] : f32 from vector<16xf32>
      %broadcast_in_dim3A_365 = vector.broadcast %reduce_sum3A_364 : f32 to vector<16xf32>
      %div3A = arith.constant 1.000000e+00 : f32
      %div3A_366 = vector.broadcast %div3A : f32 to vector<16xf32>
      %div3A_367 = arith.divf %div3A_366, %broadcast_in_dim3A_365 : vector<16xf32>
      %broadcast_in_dim3A_368 = arith.constant 0.000000e+00 : f32
      %broadcast_in_dim3A_369 = vector.broadcast %broadcast_in_dim3A_368 : f32 to vector<16xf32>
      %broadcast_in_dim3A_370 = arith.constant 0.000000e+00 : f32
      %broadcast_in_dim3A_371 = vector.broadcast %broadcast_in_dim3A_370 : f32 to vector<16xf32>
      %broadcast_in_dim3A_372 = arith.constant 0.000000e+00 : f32
      %broadcast_in_dim3A_373 = vector.broadcast %broadcast_in_dim3A_372 : f32 to vector<16xf32>
      %broadcast_in_dim3A_374 = arith.constant 0.000000e+00 : f32
      %broadcast_in_dim3A_375 = vector.broadcast %broadcast_in_dim3A_374 : f32 to vector<16xf32>
      %broadcast_in_dim3A_376 = arith.constant 0.000000e+00 : f32
      %broadcast_in_dim3A_377 = vector.broadcast %broadcast_in_dim3A_376 : f32 to vector<16xf32>
      %broadcast_in_dim3A_378 = arith.constant 0.000000e+00 : f32
      %broadcast_in_dim3A_379 = vector.broadcast %broadcast_in_dim3A_378 : f32 to vector<16xf32>
      %broadcast_in_dim3A_380 = arith.constant 0.000000e+00 : f32
      %broadcast_in_dim3A_381 = vector.broadcast %broadcast_in_dim3A_380 : f32 to vector<16xf32>
      %broadcast_in_dim3A_382 = arith.constant 0.000000e+00 : f32
      %broadcast_in_dim3A_383 = vector.broadcast %broadcast_in_dim3A_382 : f32 to vector<16xf32>
      %scan3A_384 = arith.constant 0 : i32
      %scan3A_385 = arith.constant 200 : i32
      %scan3A_386 = arith.addi %scan3A_384, %scan3A_385 : i32
      %scan3A_387 = arith.constant 4 : i32
      %scan3A_388:8 = scf.for %scan3A_983 = %scan3A_384 to %scan3A_386 step %scan3A_387 iter_args(%scan3A_984 = %broadcast_in_dim3A_369, %scan3A_985 = %broadcast_in_dim3A_371, %scan3A_986 = %broadcast_in_dim3A_373, %scan3A_987 = %broadcast_in_dim3A_375, %scan3A_988 = %broadcast_in_dim3A_377, %scan3A_989 = %broadcast_in_dim3A_379, %scan3A_990 = %broadcast_in_dim3A_381, %scan3A_991 = %broadcast_in_dim3A_383) -> (vector<16xf32>, vector<16xf32>, vector<16xf32>, vector<16xf32>, vector<16xf32>, vector<16xf32>, vector<16xf32>, vector<16xf32>)  : i32 {
        %broadcast_in_dim3A_992 = vector.broadcast %scan3A_983 : i32 to vector<16xi32>
        %gather3A = tpu.vector_load_idx %arg13[%broadcast_in_dim3A_992] : memref<208xf32, #tpu.memory_space<vmem>>[vector<16xi32>], vector<16xf32>,
        %get3A_993 = arith.index_cast %scan3A_983 : i32 to index
        %get3A_994 = arith.constant 0 : index
        %get3A_995 = tpu.vector_load %arg10[%get3A_993, %get3A_994] {strides = array<i32>} : memref<416x128xf32, #tpu.memory_space<vmem>>, vector<16xf32>,
        %mul3A_996 = arith.mulf %gather3A, %get3A_995 : vector<16xf32>
        %add3A_997 = arith.addf %scan3A_984, %mul3A_996 : vector<16xf32>
        %get3A_998 = arith.index_cast %scan3A_983 : i32 to index
        %get3A_999 = arith.constant 16 : index
        %get3A_1000 = tpu.vector_load %arg10[%get3A_998, %get3A_999] {strides = array<i32>} : memref<416x128xf32, #tpu.memory_space<vmem>>, vector<16xf32>,
        %mul3A_1001 = arith.mulf %gather3A, %get3A_1000 : vector<16xf32>
        %add3A_1002 = arith.addf %scan3A_985, %mul3A_1001 : vector<16xf32>
        %get3A_1003 = arith.index_cast %scan3A_983 : i32 to index
        %get3A_1004 = arith.constant 32 : index
        %get3A_1005 = tpu.vector_load %arg10[%get3A_1003, %get3A_1004] {strides = array<i32>} : memref<416x128xf32, #tpu.memory_space<vmem>>, vector<16xf32>,
        %mul3A_1006 = arith.mulf %gather3A, %get3A_1005 : vector<16xf32>
        %add3A_1007 = arith.addf %scan3A_986, %mul3A_1006 : vector<16xf32>
        %get3A_1008 = arith.index_cast %scan3A_983 : i32 to index
        %get3A_1009 = arith.constant 48 : index
        %get3A_1010 = tpu.vector_load %arg10[%get3A_1008, %get3A_1009] {strides = array<i32>} : memref<416x128xf32, #tpu.memory_space<vmem>>, vector<16xf32>,
        %mul3A_1011 = arith.mulf %gather3A, %get3A_1010 : vector<16xf32>
        %add3A_1012 = arith.addf %scan3A_987, %mul3A_1011 : vector<16xf32>
        %get3A_1013 = arith.index_cast %scan3A_983 : i32 to index
        %get3A_1014 = arith.constant 64 : index
        %get3A_1015 = tpu.vector_load %arg10[%get3A_1013, %get3A_1014] {strides = array<i32>} : memref<416x128xf32, #tpu.memory_space<vmem>>, vector<16xf32>,
        %mul3A_1016 = arith.mulf %gather3A, %get3A_1015 : vector<16xf32>
        %add3A_1017 = arith.addf %scan3A_988, %mul3A_1016 : vector<16xf32>
        %get3A_1018 = arith.index_cast %scan3A_983 : i32 to index
        %get3A_1019 = arith.constant 80 : index
        %get3A_1020 = tpu.vector_load %arg10[%get3A_1018, %get3A_1019] {strides = array<i32>} : memref<416x128xf32, #tpu.memory_space<vmem>>, vector<16xf32>,
        %mul3A_1021 = arith.mulf %gather3A, %get3A_1020 : vector<16xf32>
        %add3A_1022 = arith.addf %scan3A_989, %mul3A_1021 : vector<16xf32>
        %get3A_1023 = arith.index_cast %scan3A_983 : i32 to index
        %get3A_1024 = arith.constant 96 : index
        %get3A_1025 = tpu.vector_load %arg10[%get3A_1023, %get3A_1024] {strides = array<i32>} : memref<416x128xf32, #tpu.memory_space<vmem>>, vector<16xf32>,
        %mul3A_1026 = arith.mulf %gather3A, %get3A_1025 : vector<16xf32>
        %add3A_1027 = arith.addf %scan3A_990, %mul3A_1026 : vector<16xf32>
        %get3A_1028 = arith.index_cast %scan3A_983 : i32 to index
        %get3A_1029 = arith.constant 112 : index
        %get3A_1030 = tpu.vector_load %arg10[%get3A_1028, %get3A_1029] {strides = array<i32>} : memref<416x128xf32, #tpu.memory_space<vmem>>, vector<16xf32>,
        %mul3A_1031 = arith.mulf %gather3A, %get3A_1030 : vector<16xf32>
        %add3A_1032 = arith.addf %scan3A_991, %mul3A_1031 : vector<16xf32>
        %scan3A_1033 = arith.constant 1 : i32
        %scan3A_1034 = arith.addi %scan3A_983, %scan3A_1033 : i32
        %broadcast_in_dim3A_1035 = vector.broadcast %scan3A_1034 : i32 to vector<16xi32>
        %gather3A_1036 = tpu.vector_load_idx %arg13[%broadcast_in_dim3A_1035] : memref<208xf32, #tpu.memory_space<vmem>>[vector<16xi32>], vector<16xf32>,
        %get3A_1037 = arith.index_cast %scan3A_1034 : i32 to index
        %get3A_1038 = arith.constant 0 : index
        %get3A_1039 = tpu.vector_load %arg10[%get3A_1037, %get3A_1038] {strides = array<i32>} : memref<416x128xf32, #tpu.memory_space<vmem>>, vector<16xf32>,
        %mul3A_1040 = arith.mulf %gather3A_1036, %get3A_1039 : vector<16xf32>
        %add3A_1041 = arith.addf %add3A_997, %mul3A_1040 : vector<16xf32>
        %get3A_1042 = arith.index_cast %scan3A_1034 : i32 to index
        %get3A_1043 = arith.constant 16 : index
        %get3A_1044 = tpu.vector_load %arg10[%get3A_1042, %get3A_1043] {strides = array<i32>} : memref<416x128xf32, #tpu.memory_space<vmem>>, vector<16xf32>,
        %mul3A_1045 = arith.mulf %gather3A_1036, %get3A_1044 : vector<16xf32>
        %add3A_1046 = arith.addf %add3A_1002, %mul3A_1045 : vector<16xf32>
        %get3A_1047 = arith.index_cast %scan3A_1034 : i32 to index
        %get3A_1048 = arith.constant 32 : index
        %get3A_1049 = tpu.vector_load %arg10[%get3A_1047, %get3A_1048] {strides = array<i32>} : memref<416x128xf32, #tpu.memory_space<vmem>>, vector<16xf32>,
        %mul3A_1050 = arith.mulf %gather3A_1036, %get3A_1049 : vector<16xf32>
        %add3A_1051 = arith.addf %add3A_1007, %mul3A_1050 : vector<16xf32>
        %get3A_1052 = arith.index_cast %scan3A_1034 : i32 to index
        %get3A_1053 = arith.constant 48 : index
        %get3A_1054 = tpu.vector_load %arg10[%get3A_1052, %get3A_1053] {strides = array<i32>} : memref<416x128xf32, #tpu.memory_space<vmem>>, vector<16xf32>,
        %mul3A_1055 = arith.mulf %gather3A_1036, %get3A_1054 : vector<16xf32>
        %add3A_1056 = arith.addf %add3A_1012, %mul3A_1055 : vector<16xf32>
        %get3A_1057 = arith.index_cast %scan3A_1034 : i32 to index
        %get3A_1058 = arith.constant 64 : index
        %get3A_1059 = tpu.vector_load %arg10[%get3A_1057, %get3A_1058] {strides = array<i32>} : memref<416x128xf32, #tpu.memory_space<vmem>>, vector<16xf32>,
        %mul3A_1060 = arith.mulf %gather3A_1036, %get3A_1059 : vector<16xf32>
        %add3A_1061 = arith.addf %add3A_1017, %mul3A_1060 : vector<16xf32>
        %get3A_1062 = arith.index_cast %scan3A_1034 : i32 to index
        %get3A_1063 = arith.constant 80 : index
        %get3A_1064 = tpu.vector_load %arg10[%get3A_1062, %get3A_1063] {strides = array<i32>} : memref<416x128xf32, #tpu.memory_space<vmem>>, vector<16xf32>,
        %mul3A_1065 = arith.mulf %gather3A_1036, %get3A_1064 : vector<16xf32>
        %add3A_1066 = arith.addf %add3A_1022, %mul3A_1065 : vector<16xf32>
        %get3A_1067 = arith.index_cast %scan3A_1034 : i32 to index
        %get3A_1068 = arith.constant 96 : index
        %get3A_1069 = tpu.vector_load %arg10[%get3A_1067, %get3A_1068] {strides = array<i32>} : memref<416x128xf32, #tpu.memory_space<vmem>>, vector<16xf32>,
        %mul3A_1070 = arith.mulf %gather3A_1036, %get3A_1069 : vector<16xf32>
        %add3A_1071 = arith.addf %add3A_1027, %mul3A_1070 : vector<16xf32>
        %get3A_1072 = arith.index_cast %scan3A_1034 : i32 to index
        %get3A_1073 = arith.constant 112 : index
        %get3A_1074 = tpu.vector_load %arg10[%get3A_1072, %get3A_1073] {strides = array<i32>} : memref<416x128xf32, #tpu.memory_space<vmem>>, vector<16xf32>,
        %mul3A_1075 = arith.mulf %gather3A_1036, %get3A_1074 : vector<16xf32>
        %add3A_1076 = arith.addf %add3A_1032, %mul3A_1075 : vector<16xf32>
        %scan3A_1077 = arith.constant 2 : i32
        %scan3A_1078 = arith.addi %scan3A_983, %scan3A_1077 : i32
        %broadcast_in_dim3A_1079 = vector.broadcast %scan3A_1078 : i32 to vector<16xi32>
        %gather3A_1080 = tpu.vector_load_idx %arg13[%broadcast_in_dim3A_1079] : memref<208xf32, #tpu.memory_space<vmem>>[vector<16xi32>], vector<16xf32>,
        %get3A_1081 = arith.index_cast %scan3A_1078 : i32 to index
        %get3A_1082 = arith.constant 0 : index
        %get3A_1083 = tpu.vector_load %arg10[%get3A_1081, %get3A_1082] {strides = array<i32>} : memref<416x128xf32, #tpu.memory_space<vmem>>, vector<16xf32>,
        %mul3A_1084 = arith.mulf %gather3A_1080, %get3A_1083 : vector<16xf32>
        %add3A_1085 = arith.addf %add3A_1041, %mul3A_1084 : vector<16xf32>
        %get3A_1086 = arith.index_cast %scan3A_1078 : i32 to index
        %get3A_1087 = arith.constant 16 : index
        %get3A_1088 = tpu.vector_load %arg10[%get3A_1086, %get3A_1087] {strides = array<i32>} : memref<416x128xf32, #tpu.memory_space<vmem>>, vector<16xf32>,
        %mul3A_1089 = arith.mulf %gather3A_1080, %get3A_1088 : vector<16xf32>
        %add3A_1090 = arith.addf %add3A_1046, %mul3A_1089 : vector<16xf32>
        %get3A_1091 = arith.index_cast %scan3A_1078 : i32 to index
        %get3A_1092 = arith.constant 32 : index
        %get3A_1093 = tpu.vector_load %arg10[%get3A_1091, %get3A_1092] {strides = array<i32>} : memref<416x128xf32, #tpu.memory_space<vmem>>, vector<16xf32>,
        %mul3A_1094 = arith.mulf %gather3A_1080, %get3A_1093 : vector<16xf32>
        %add3A_1095 = arith.addf %add3A_1051, %mul3A_1094 : vector<16xf32>
        %get3A_1096 = arith.index_cast %scan3A_1078 : i32 to index
        %get3A_1097 = arith.constant 48 : index
        %get3A_1098 = tpu.vector_load %arg10[%get3A_1096, %get3A_1097] {strides = array<i32>} : memref<416x128xf32, #tpu.memory_space<vmem>>, vector<16xf32>,
        %mul3A_1099 = arith.mulf %gather3A_1080, %get3A_1098 : vector<16xf32>
        %add3A_1100 = arith.addf %add3A_1056, %mul3A_1099 : vector<16xf32>
        %get3A_1101 = arith.index_cast %scan3A_1078 : i32 to index
        %get3A_1102 = arith.constant 64 : index
        %get3A_1103 = tpu.vector_load %arg10[%get3A_1101, %get3A_1102] {strides = array<i32>} : memref<416x128xf32, #tpu.memory_space<vmem>>, vector<16xf32>,
        %mul3A_1104 = arith.mulf %gather3A_1080, %get3A_1103 : vector<16xf32>
        %add3A_1105 = arith.addf %add3A_1061, %mul3A_1104 : vector<16xf32>
        %get3A_1106 = arith.index_cast %scan3A_1078 : i32 to index
        %get3A_1107 = arith.constant 80 : index
        %get3A_1108 = tpu.vector_load %arg10[%get3A_1106, %get3A_1107] {strides = array<i32>} : memref<416x128xf32, #tpu.memory_space<vmem>>, vector<16xf32>,
        %mul3A_1109 = arith.mulf %gather3A_1080, %get3A_1108 : vector<16xf32>
        %add3A_1110 = arith.addf %add3A_1066, %mul3A_1109 : vector<16xf32>
        %get3A_1111 = arith.index_cast %scan3A_1078 : i32 to index
        %get3A_1112 = arith.constant 96 : index
        %get3A_1113 = tpu.vector_load %arg10[%get3A_1111, %get3A_1112] {strides = array<i32>} : memref<416x128xf32, #tpu.memory_space<vmem>>, vector<16xf32>,
        %mul3A_1114 = arith.mulf %gather3A_1080, %get3A_1113 : vector<16xf32>
        %add3A_1115 = arith.addf %add3A_1071, %mul3A_1114 : vector<16xf32>
        %get3A_1116 = arith.index_cast %scan3A_1078 : i32 to index
        %get3A_1117 = arith.constant 112 : index
        %get3A_1118 = tpu.vector_load %arg10[%get3A_1116, %get3A_1117] {strides = array<i32>} : memref<416x128xf32, #tpu.memory_space<vmem>>, vector<16xf32>,
        %mul3A_1119 = arith.mulf %gather3A_1080, %get3A_1118 : vector<16xf32>
        %add3A_1120 = arith.addf %add3A_1076, %mul3A_1119 : vector<16xf32>
        %scan3A_1121 = arith.constant 3 : i32
        %scan3A_1122 = arith.addi %scan3A_983, %scan3A_1121 : i32
        %broadcast_in_dim3A_1123 = vector.broadcast %scan3A_1122 : i32 to vector<16xi32>
        %gather3A_1124 = tpu.vector_load_idx %arg13[%broadcast_in_dim3A_1123] : memref<208xf32, #tpu.memory_space<vmem>>[vector<16xi32>], vector<16xf32>,
        %get3A_1125 = arith.index_cast %scan3A_1122 : i32 to index
        %get3A_1126 = arith.constant 0 : index
        %get3A_1127 = tpu.vector_load %arg10[%get3A_1125, %get3A_1126] {strides = array<i32>} : memref<416x128xf32, #tpu.memory_space<vmem>>, vector<16xf32>,
        %mul3A_1128 = arith.mulf %gather3A_1124, %get3A_1127 : vector<16xf32>
        %add3A_1129 = arith.addf %add3A_1085, %mul3A_1128 : vector<16xf32>
        %get3A_1130 = arith.index_cast %scan3A_1122 : i32 to index
        %get3A_1131 = arith.constant 16 : index
        %get3A_1132 = tpu.vector_load %arg10[%get3A_1130, %get3A_1131] {strides = array<i32>} : memref<416x128xf32, #tpu.memory_space<vmem>>, vector<16xf32>,
        %mul3A_1133 = arith.mulf %gather3A_1124, %get3A_1132 : vector<16xf32>
        %add3A_1134 = arith.addf %add3A_1090, %mul3A_1133 : vector<16xf32>
        %get3A_1135 = arith.index_cast %scan3A_1122 : i32 to index
        %get3A_1136 = arith.constant 32 : index
        %get3A_1137 = tpu.vector_load %arg10[%get3A_1135, %get3A_1136] {strides = array<i32>} : memref<416x128xf32, #tpu.memory_space<vmem>>, vector<16xf32>,
        %mul3A_1138 = arith.mulf %gather3A_1124, %get3A_1137 : vector<16xf32>
        %add3A_1139 = arith.addf %add3A_1095, %mul3A_1138 : vector<16xf32>
        %get3A_1140 = arith.index_cast %scan3A_1122 : i32 to index
        %get3A_1141 = arith.constant 48 : index
        %get3A_1142 = tpu.vector_load %arg10[%get3A_1140, %get3A_1141] {strides = array<i32>} : memref<416x128xf32, #tpu.memory_space<vmem>>, vector<16xf32>,
        %mul3A_1143 = arith.mulf %gather3A_1124, %get3A_1142 : vector<16xf32>
        %add3A_1144 = arith.addf %add3A_1100, %mul3A_1143 : vector<16xf32>
        %get3A_1145 = arith.index_cast %scan3A_1122 : i32 to index
        %get3A_1146 = arith.constant 64 : index
        %get3A_1147 = tpu.vector_load %arg10[%get3A_1145, %get3A_1146] {strides = array<i32>} : memref<416x128xf32, #tpu.memory_space<vmem>>, vector<16xf32>,
        %mul3A_1148 = arith.mulf %gather3A_1124, %get3A_1147 : vector<16xf32>
        %add3A_1149 = arith.addf %add3A_1105, %mul3A_1148 : vector<16xf32>
        %get3A_1150 = arith.index_cast %scan3A_1122 : i32 to index
        %get3A_1151 = arith.constant 80 : index
        %get3A_1152 = tpu.vector_load %arg10[%get3A_1150, %get3A_1151] {strides = array<i32>} : memref<416x128xf32, #tpu.memory_space<vmem>>, vector<16xf32>,
        %mul3A_1153 = arith.mulf %gather3A_1124, %get3A_1152 : vector<16xf32>
        %add3A_1154 = arith.addf %add3A_1110, %mul3A_1153 : vector<16xf32>
        %get3A_1155 = arith.index_cast %scan3A_1122 : i32 to index
        %get3A_1156 = arith.constant 96 : index
        %get3A_1157 = tpu.vector_load %arg10[%get3A_1155, %get3A_1156] {strides = array<i32>} : memref<416x128xf32, #tpu.memory_space<vmem>>, vector<16xf32>,
        %mul3A_1158 = arith.mulf %gather3A_1124, %get3A_1157 : vector<16xf32>
        %add3A_1159 = arith.addf %add3A_1115, %mul3A_1158 : vector<16xf32>
        %get3A_1160 = arith.index_cast %scan3A_1122 : i32 to index
        %get3A_1161 = arith.constant 112 : index
        %get3A_1162 = tpu.vector_load %arg10[%get3A_1160, %get3A_1161] {strides = array<i32>} : memref<416x128xf32, #tpu.memory_space<vmem>>, vector<16xf32>,
        %mul3A_1163 = arith.mulf %gather3A_1124, %get3A_1162 : vector<16xf32>
        %add3A_1164 = arith.addf %add3A_1120, %mul3A_1163 : vector<16xf32>
        scf.yield %add3A_1129, %add3A_1134, %add3A_1139, %add3A_1144, %add3A_1149, %add3A_1154, %add3A_1159, %add3A_1164 : vector<16xf32>, vector<16xf32>, vector<16xf32>, vector<16xf32>, vector<16xf32>, vector<16xf32>, vector<16xf32>, vector<16xf32>
      }
      %scan3A_389 = arith.constant 200 : i32
      %broadcast_in_dim3A_390 = arith.constant 0.000000e+00 : f32
      %broadcast_in_dim3A_391 = vector.broadcast %broadcast_in_dim3A_390 : f32 to vector<16xf32>
      %mul3A_392 = arith.mulf %scan3A_388#0, %div3A_367 : vector<16xf32>
      %get3A_393 = arith.constant 1 : i32
      %get3A_394 = arith.index_cast %get3A_393 : i32 to index
      %get3A_395 = arith.constant 0 : index
      %get3A_396 = tpu.vector_load %arg14[%get3A_394, %get3A_395] {strides = array<i32>} : memref<3x128xf32, #tpu.memory_space<vmem>>, vector<16xf32>,
      %mul3A_397 = arith.mulf %mul3A_392, %get3A_396 : vector<16xf32>
      %add3A_398 = arith.addf %broadcast_in_dim3A_391, %mul3A_397 : vector<16xf32>
      %mul3A_399 = arith.mulf %scan3A_388#1, %div3A_367 : vector<16xf32>
      %get3A_400 = arith.constant 1 : i32
      %get3A_401 = arith.index_cast %get3A_400 : i32 to index
      %get3A_402 = arith.constant 16 : index
      %get3A_403 = tpu.vector_load %arg14[%get3A_401, %get3A_402] {strides = array<i32>} : memref<3x128xf32, #tpu.memory_space<vmem>>, vector<16xf32>,
      %mul3A_404 = arith.mulf %mul3A_399, %get3A_403 : vector<16xf32>
      %add3A_405 = arith.addf %add3A_398, %mul3A_404 : vector<16xf32>
      %mul3A_406 = arith.mulf %scan3A_388#2, %div3A_367 : vector<16xf32>
      %get3A_407 = arith.constant 1 : i32
      %get3A_408 = arith.index_cast %get3A_407 : i32 to index
      %get3A_409 = arith.constant 32 : index
      %get3A_410 = tpu.vector_load %arg14[%get3A_408, %get3A_409] {strides = array<i32>} : memref<3x128xf32, #tpu.memory_space<vmem>>, vector<16xf32>,
      %mul3A_411 = arith.mulf %mul3A_406, %get3A_410 : vector<16xf32>
      %add3A_412 = arith.addf %add3A_405, %mul3A_411 : vector<16xf32>
      %mul3A_413 = arith.mulf %scan3A_388#3, %div3A_367 : vector<16xf32>
      %get3A_414 = arith.constant 1 : i32
      %get3A_415 = arith.index_cast %get3A_414 : i32 to index
      %get3A_416 = arith.constant 48 : index
      %get3A_417 = tpu.vector_load %arg14[%get3A_415, %get3A_416] {strides = array<i32>} : memref<3x128xf32, #tpu.memory_space<vmem>>, vector<16xf32>,
      %mul3A_418 = arith.mulf %mul3A_413, %get3A_417 : vector<16xf32>
      %add3A_419 = arith.addf %add3A_412, %mul3A_418 : vector<16xf32>
      %mul3A_420 = arith.mulf %scan3A_388#4, %div3A_367 : vector<16xf32>
      %get3A_421 = arith.constant 1 : i32
      %get3A_422 = arith.index_cast %get3A_421 : i32 to index
      %get3A_423 = arith.constant 64 : index
      %get3A_424 = tpu.vector_load %arg14[%get3A_422, %get3A_423] {strides = array<i32>} : memref<3x128xf32, #tpu.memory_space<vmem>>, vector<16xf32>,
      %mul3A_425 = arith.mulf %mul3A_420, %get3A_424 : vector<16xf32>
      %add3A_426 = arith.addf %add3A_419, %mul3A_425 : vector<16xf32>
      %mul3A_427 = arith.mulf %scan3A_388#5, %div3A_367 : vector<16xf32>
      %get3A_428 = arith.constant 1 : i32
      %get3A_429 = arith.index_cast %get3A_428 : i32 to index
      %get3A_430 = arith.constant 80 : index
      %get3A_431 = tpu.vector_load %arg14[%get3A_429, %get3A_430] {strides = array<i32>} : memref<3x128xf32, #tpu.memory_space<vmem>>, vector<16xf32>,
      %mul3A_432 = arith.mulf %mul3A_427, %get3A_431 : vector<16xf32>
      %add3A_433 = arith.addf %add3A_426, %mul3A_432 : vector<16xf32>
      %mul3A_434 = arith.mulf %scan3A_388#6, %div3A_367 : vector<16xf32>
      %get3A_435 = arith.constant 1 : i32
      %get3A_436 = arith.index_cast %get3A_435 : i32 to index
      %get3A_437 = arith.constant 96 : index
      %get3A_438 = tpu.vector_load %arg14[%get3A_436, %get3A_437] {strides = array<i32>} : memref<3x128xf32, #tpu.memory_space<vmem>>, vector<16xf32>,
      %mul3A_439 = arith.mulf %mul3A_434, %get3A_438 : vector<16xf32>
      %add3A_440 = arith.addf %add3A_433, %mul3A_439 : vector<16xf32>
      %mul3A_441 = arith.mulf %scan3A_388#7, %div3A_367 : vector<16xf32>
      %get3A_442 = arith.constant 1 : i32
      %get3A_443 = arith.index_cast %get3A_442 : i32 to index
      %get3A_444 = arith.constant 112 : index
      %get3A_445 = tpu.vector_load %arg14[%get3A_443, %get3A_444] {strides = array<i32>} : memref<3x128xf32, #tpu.memory_space<vmem>>, vector<16xf32>,
      %mul3A_446 = arith.mulf %mul3A_441, %get3A_445 : vector<16xf32>
      %add3A_447 = arith.addf %add3A_440, %mul3A_446 : vector<16xf32>
      %get3A_448 = arith.constant 2 : i32
      %get3A_449 = arith.index_cast %get3A_448 : i32 to index
      %get3A_450 = arith.constant 0 : index
      %get3A_451 = tpu.vector_load %arg14[%get3A_449, %get3A_450] {strides = array<i32>} : memref<3x128xf32, #tpu.memory_space<vmem>>, vector<16xf32>,
      %add3A_452 = arith.addf %add3A_447, %get3A_451 : vector<16xf32>
      %reduce_sum3A_453 = arith.constant true
      %reduce_sum3A_454 = vector.broadcast %reduce_sum3A_453 : i1 to vector<16xi1>
      %reduce_sum3A_455 = tpu.scan <sum>, %add3A_452 masked %reduce_sum3A_454 : vector<16xf32>, vector<16xi1> -> vector<16xf32>
      %reduce_sum3A_456 = vector.extract %reduce_sum3A_455[15] : f32 from vector<16xf32>
      %broadcast_in_dim3A_457 = vector.broadcast %reduce_sum3A_456 : f32 to vector<16xf32>
      %neg3A = arith.constant 0.000000e+00 : f32
      %neg3A_458 = vector.broadcast %neg3A : f32 to vector<16xf32>
      %neg3A_459 = arith.subf %neg3A_458, %broadcast_in_dim3A_457 : vector<16xf32>
      %exp3A_460 = math.exp %neg3A_459 : vector<16xf32>
      %add3A_461 = arith.constant 1.000000e+00 : f32
      %add3A_462 = vector.broadcast %add3A_461 : f32 to vector<16xf32>
      %add3A_463 = arith.addf %add3A_462, %exp3A_460 : vector<16xf32>
      %div3A_464 = arith.constant 1.000000e+00 : f32
      %div3A_465 = vector.broadcast %div3A_464 : f32 to vector<16xf32>
      %div3A_466 = arith.divf %div3A_465, %add3A_463 : vector<16xf32>
      %mul3A_467 = arith.mulf %mul3A_392, %div3A_466 : vector<16xf32>
      %get3A_468 = arith.index_cast %add3A_154 : i32 to index
      %get3A_469 = arith.constant 0 : index
      %get3A_470 = tpu.vector_load %arg16[%get3A_468, %get3A_469] {strides = array<i32>} : memref<64x128xf32, #tpu.memory_space<vmem>>, vector<16xf32>,
      %sub3A_471 = arith.constant 1.000000e+00 : f32
      %sub3A_472 = vector.broadcast %sub3A_471 : f32 to vector<16xf32>
      %sub3A_473 = arith.subf %sub3A_472, %div3A_466 : vector<16xf32>
      %mul3A_474 = arith.mulf %get3A_470, %sub3A_473 : vector<16xf32>
      %add3A_475 = arith.addf %mul3A_467, %mul3A_474 : vector<16xf32>
      %swap3A_476 = arith.index_cast %add3A_154 : i32 to index
      %swap3A_477 = arith.constant 0 : index
      %swap3A_478 = tpu.vector_load %arg17[%swap3A_476, %swap3A_477] {strides = array<i32>} : memref<64x128xf32, #tpu.memory_space<vmem>>, vector<16xf32>,
      tpu.vector_store %arg17[%swap3A_476, %swap3A_477], %add3A_475 {strides = array<i32>} : memref<64x128xf32, #tpu.memory_space<vmem>>, vector<16xf32>,
      %mul3A_479 = arith.mulf %mul3A_399, %div3A_466 : vector<16xf32>
      %get3A_480 = arith.index_cast %add3A_154 : i32 to index
      %get3A_481 = arith.constant 16 : index
      %get3A_482 = tpu.vector_load %arg16[%get3A_480, %get3A_481] {strides = array<i32>} : memref<64x128xf32, #tpu.memory_space<vmem>>, vector<16xf32>,
      %sub3A_483 = arith.constant 1.000000e+00 : f32
      %sub3A_484 = vector.broadcast %sub3A_483 : f32 to vector<16xf32>
      %sub3A_485 = arith.subf %sub3A_484, %div3A_466 : vector<16xf32>
      %mul3A_486 = arith.mulf %get3A_482, %sub3A_485 : vector<16xf32>
      %add3A_487 = arith.addf %mul3A_479, %mul3A_486 : vector<16xf32>
      %swap3A_488 = arith.index_cast %add3A_154 : i32 to index
      %swap3A_489 = arith.constant 16 : index
      %swap3A_490 = tpu.vector_load %arg17[%swap3A_488, %swap3A_489] {strides = array<i32>} : memref<64x128xf32, #tpu.memory_space<vmem>>, vector<16xf32>,
      tpu.vector_store %arg17[%swap3A_488, %swap3A_489], %add3A_487 {strides = array<i32>} : memref<64x128xf32, #tpu.memory_space<vmem>>, vector<16xf32>,
      %mul3A_491 = arith.mulf %mul3A_406, %div3A_466 : vector<16xf32>
      %get3A_492 = arith.index_cast %add3A_154 : i32 to index
      %get3A_493 = arith.constant 32 : index
      %get3A_494 = tpu.vector_load %arg16[%get3A_492, %get3A_493] {strides = array<i32>} : memref<64x128xf32, #tpu.memory_space<vmem>>, vector<16xf32>,
      %sub3A_495 = arith.constant 1.000000e+00 : f32
      %sub3A_496 = vector.broadcast %sub3A_495 : f32 to vector<16xf32>
      %sub3A_497 = arith.subf %sub3A_496, %div3A_466 : vector<16xf32>
      %mul3A_498 = arith.mulf %get3A_494, %sub3A_497 : vector<16xf32>
      %add3A_499 = arith.addf %mul3A_491, %mul3A_498 : vector<16xf32>
      %swap3A_500 = arith.index_cast %add3A_154 : i32 to index
      %swap3A_501 = arith.constant 32 : index
      %swap3A_502 = tpu.vector_load %arg17[%swap3A_500, %swap3A_501] {strides = array<i32>} : memref<64x128xf32, #tpu.memory_space<vmem>>, vector<16xf32>,
      tpu.vector_store %arg17[%swap3A_500, %swap3A_501], %add3A_499 {strides = array<i32>} : memref<64x128xf32, #tpu.memory_space<vmem>>, vector<16xf32>,
      %mul3A_503 = arith.mulf %mul3A_413, %div3A_466 : vector<16xf32>
      %get3A_504 = arith.index_cast %add3A_154 : i32 to index
      %get3A_505 = arith.constant 48 : index
      %get3A_506 = tpu.vector_load %arg16[%get3A_504, %get3A_505] {strides = array<i32>} : memref<64x128xf32, #tpu.memory_space<vmem>>, vector<16xf32>,
      %sub3A_507 = arith.constant 1.000000e+00 : f32
      %sub3A_508 = vector.broadcast %sub3A_507 : f32 to vector<16xf32>
      %sub3A_509 = arith.subf %sub3A_508, %div3A_466 : vector<16xf32>
      %mul3A_510 = arith.mulf %get3A_506, %sub3A_509 : vector<16xf32>
      %add3A_511 = arith.addf %mul3A_503, %mul3A_510 : vector<16xf32>
      %swap3A_512 = arith.index_cast %add3A_154 : i32 to index
      %swap3A_513 = arith.constant 48 : index
      %swap3A_514 = tpu.vector_load %arg17[%swap3A_512, %swap3A_513] {strides = array<i32>} : memref<64x128xf32, #tpu.memory_space<vmem>>, vector<16xf32>,
      tpu.vector_store %arg17[%swap3A_512, %swap3A_513], %add3A_511 {strides = array<i32>} : memref<64x128xf32, #tpu.memory_space<vmem>>, vector<16xf32>,
      %mul3A_515 = arith.mulf %mul3A_420, %div3A_466 : vector<16xf32>
      %get3A_516 = arith.index_cast %add3A_154 : i32 to index
      %get3A_517 = arith.constant 64 : index
      %get3A_518 = tpu.vector_load %arg16[%get3A_516, %get3A_517] {strides = array<i32>} : memref<64x128xf32, #tpu.memory_space<vmem>>, vector<16xf32>,
      %sub3A_519 = arith.constant 1.000000e+00 : f32
      %sub3A_520 = vector.broadcast %sub3A_519 : f32 to vector<16xf32>
      %sub3A_521 = arith.subf %sub3A_520, %div3A_466 : vector<16xf32>
      %mul3A_522 = arith.mulf %get3A_518, %sub3A_521 : vector<16xf32>
      %add3A_523 = arith.addf %mul3A_515, %mul3A_522 : vector<16xf32>
      %swap3A_524 = arith.index_cast %add3A_154 : i32 to index
      %swap3A_525 = arith.constant 64 : index
      %swap3A_526 = tpu.vector_load %arg17[%swap3A_524, %swap3A_525] {strides = array<i32>} : memref<64x128xf32, #tpu.memory_space<vmem>>, vector<16xf32>,
      tpu.vector_store %arg17[%swap3A_524, %swap3A_525], %add3A_523 {strides = array<i32>} : memref<64x128xf32, #tpu.memory_space<vmem>>, vector<16xf32>,
      %mul3A_527 = arith.mulf %mul3A_427, %div3A_466 : vector<16xf32>
      %get3A_528 = arith.index_cast %add3A_154 : i32 to index
      %get3A_529 = arith.constant 80 : index
      %get3A_530 = tpu.vector_load %arg16[%get3A_528, %get3A_529] {strides = array<i32>} : memref<64x128xf32, #tpu.memory_space<vmem>>, vector<16xf32>,
      %sub3A_531 = arith.constant 1.000000e+00 : f32
      %sub3A_532 = vector.broadcast %sub3A_531 : f32 to vector<16xf32>
      %sub3A_533 = arith.subf %sub3A_532, %div3A_466 : vector<16xf32>
      %mul3A_534 = arith.mulf %get3A_530, %sub3A_533 : vector<16xf32>
      %add3A_535 = arith.addf %mul3A_527, %mul3A_534 : vector<16xf32>
      %swap3A_536 = arith.index_cast %add3A_154 : i32 to index
      %swap3A_537 = arith.constant 80 : index
      %swap3A_538 = tpu.vector_load %arg17[%swap3A_536, %swap3A_537] {strides = array<i32>} : memref<64x128xf32, #tpu.memory_space<vmem>>, vector<16xf32>,
      tpu.vector_store %arg17[%swap3A_536, %swap3A_537], %add3A_535 {strides = array<i32>} : memref<64x128xf32, #tpu.memory_space<vmem>>, vector<16xf32>,
      %mul3A_539 = arith.mulf %mul3A_434, %div3A_466 : vector<16xf32>
      %get3A_540 = arith.index_cast %add3A_154 : i32 to index
      %get3A_541 = arith.constant 96 : index
      %get3A_542 = tpu.vector_load %arg16[%get3A_540, %get3A_541] {strides = array<i32>} : memref<64x128xf32, #tpu.memory_space<vmem>>, vector<16xf32>,
      %sub3A_543 = arith.constant 1.000000e+00 : f32
      %sub3A_544 = vector.broadcast %sub3A_543 : f32 to vector<16xf32>
      %sub3A_545 = arith.subf %sub3A_544, %div3A_466 : vector<16xf32>
      %mul3A_546 = arith.mulf %get3A_542, %sub3A_545 : vector<16xf32>
      %add3A_547 = arith.addf %mul3A_539, %mul3A_546 : vector<16xf32>
      %swap3A_548 = arith.index_cast %add3A_154 : i32 to index
      %swap3A_549 = arith.constant 96 : index
      %swap3A_550 = tpu.vector_load %arg17[%swap3A_548, %swap3A_549] {strides = array<i32>} : memref<64x128xf32, #tpu.memory_space<vmem>>, vector<16xf32>,
      tpu.vector_store %arg17[%swap3A_548, %swap3A_549], %add3A_547 {strides = array<i32>} : memref<64x128xf32, #tpu.memory_space<vmem>>, vector<16xf32>,
      %mul3A_551 = arith.mulf %mul3A_441, %div3A_466 : vector<16xf32>
      %get3A_552 = arith.index_cast %add3A_154 : i32 to index
      %get3A_553 = arith.constant 112 : index
      %get3A_554 = tpu.vector_load %arg16[%get3A_552, %get3A_553] {strides = array<i32>} : memref<64x128xf32, #tpu.memory_space<vmem>>, vector<16xf32>,
      %sub3A_555 = arith.constant 1.000000e+00 : f32
      %sub3A_556 = vector.broadcast %sub3A_555 : f32 to vector<16xf32>
      %sub3A_557 = arith.subf %sub3A_556, %div3A_466 : vector<16xf32>
      %mul3A_558 = arith.mulf %get3A_554, %sub3A_557 : vector<16xf32>
      %add3A_559 = arith.addf %mul3A_551, %mul3A_558 : vector<16xf32>
      %swap3A_560 = arith.index_cast %add3A_154 : i32 to index
      %swap3A_561 = arith.constant 112 : index
      %swap3A_562 = tpu.vector_load %arg17[%swap3A_560, %swap3A_561] {strides = array<i32>} : memref<64x128xf32, #tpu.memory_space<vmem>>, vector<16xf32>,
      tpu.vector_store %arg17[%swap3A_560, %swap3A_561], %add3A_559 {strides = array<i32>} : memref<64x128xf32, #tpu.memory_space<vmem>>, vector<16xf32>,
      %mul3A_563 = arith.constant 2 : i32
      %mul3A_564 = arith.muli %mul3A_563, %scan3A_149 : i32
      %add3A_565 = arith.constant 1 : i32
      %add3A_566 = arith.addi %mul3A_564, %add3A_565 : i32
      %dma_wait3A_567 = arith.constant 0 : i32
      %dma_wait3A_568 = arith.constant 0 : i32
      %dma_wait3A_569 = tpu.memref_slice %arg11[%dma_wait3A_567, %dma_wait3A_568] : memref<416x128xf32, #tpu.memory_space<vmem>> -> memref<104x128xf32, #tpu.memory_space<vmem>>
      %dma_wait3A_570 = arith.constant 0 : i32
      %dma_wait3A_571 = tpu.memref_slice %arg9[%dma_wait3A_570] : memref<400xi32, #tpu.memory_space<vmem>> -> memref<104xi32, #tpu.memory_space<vmem>>
      %dma_wait3A_572 = arith.constant 0 : i32
      %dma_wait3A_573 = arith.constant 0 : i32
      %dma_wait3A_574 = tpu.memref_slice %arg3[%dma_wait3A_572, %dma_wait3A_573] : memref<200002x128xf32, #tpu.memory_space<hbm>> -> memref<200002x128xf32, #tpu.memory_space<hbm>>
      tpu.wait_indirect_dma semaphore(%arg19 : memref<!tpu.dma_semaphore, #tpu.memory_space<semaphore_mem>>) src(%dma_wait3A_574 : memref<200002x128xf32, #tpu.memory_space<hbm>>) dst(%dma_wait3A_569 : memref<104x128xf32, #tpu.memory_space<vmem>>)
      %dma_wait3A_575 = arith.constant 104 : i32
      %dma_wait3A_576 = arith.constant 0 : i32
      %dma_wait3A_577 = tpu.memref_slice %arg11[%dma_wait3A_575, %dma_wait3A_576] : memref<416x128xf32, #tpu.memory_space<vmem>> -> memref<96x128xf32, #tpu.memory_space<vmem>>
      %dma_wait3A_578 = arith.constant 104 : i32
      %dma_wait3A_579 = tpu.memref_slice %arg9[%dma_wait3A_578] : memref<400xi32, #tpu.memory_space<vmem>> -> memref<96xi32, #tpu.memory_space<vmem>>
      %dma_wait3A_580 = arith.constant 0 : i32
      %dma_wait3A_581 = arith.constant 0 : i32
      %dma_wait3A_582 = tpu.memref_slice %arg3[%dma_wait3A_580, %dma_wait3A_581] : memref<200002x128xf32, #tpu.memory_space<hbm>> -> memref<200002x128xf32, #tpu.memory_space<hbm>>
      tpu.wait_indirect_dma semaphore(%arg19 : memref<!tpu.dma_semaphore, #tpu.memory_space<semaphore_mem>>) src(%dma_wait3A_582 : memref<200002x128xf32, #tpu.memory_space<hbm>>) dst(%dma_wait3A_577 : memref<96x128xf32, #tpu.memory_space<vmem>>)
      %dma_wait3A_583 = arith.constant 208 : i32
      %dma_wait3A_584 = arith.constant 0 : i32
      %dma_wait3A_585 = tpu.memref_slice %arg11[%dma_wait3A_583, %dma_wait3A_584] : memref<416x128xf32, #tpu.memory_space<vmem>> -> memref<104x128xf32, #tpu.memory_space<vmem>>
      %dma_wait3A_586 = arith.constant 200 : i32
      %dma_wait3A_587 = tpu.memref_slice %arg9[%dma_wait3A_586] : memref<400xi32, #tpu.memory_space<vmem>> -> memref<104xi32, #tpu.memory_space<vmem>>
      %dma_wait3A_588 = arith.constant 0 : i32
      %dma_wait3A_589 = arith.constant 0 : i32
      %dma_wait3A_590 = tpu.memref_slice %arg3[%dma_wait3A_588, %dma_wait3A_589] : memref<200002x128xf32, #tpu.memory_space<hbm>> -> memref<200002x128xf32, #tpu.memory_space<hbm>>
      tpu.wait_indirect_dma semaphore(%arg19 : memref<!tpu.dma_semaphore, #tpu.memory_space<semaphore_mem>>) src(%dma_wait3A_590 : memref<200002x128xf32, #tpu.memory_space<hbm>>) dst(%dma_wait3A_585 : memref<104x128xf32, #tpu.memory_space<vmem>>)
      %dma_wait3A_591 = arith.constant 312 : i32
      %dma_wait3A_592 = arith.constant 0 : i32
      %dma_wait3A_593 = tpu.memref_slice %arg11[%dma_wait3A_591, %dma_wait3A_592] : memref<416x128xf32, #tpu.memory_space<vmem>> -> memref<96x128xf32, #tpu.memory_space<vmem>>
      %dma_wait3A_594 = arith.constant 304 : i32
      %dma_wait3A_595 = tpu.memref_slice %arg9[%dma_wait3A_594] : memref<400xi32, #tpu.memory_space<vmem>> -> memref<96xi32, #tpu.memory_space<vmem>>
      %dma_wait3A_596 = arith.constant 0 : i32
      %dma_wait3A_597 = arith.constant 0 : i32
      %dma_wait3A_598 = tpu.memref_slice %arg3[%dma_wait3A_596, %dma_wait3A_597] : memref<200002x128xf32, #tpu.memory_space<hbm>> -> memref<200002x128xf32, #tpu.memory_space<hbm>>
      tpu.wait_indirect_dma semaphore(%arg19 : memref<!tpu.dma_semaphore, #tpu.memory_space<semaphore_mem>>) src(%dma_wait3A_598 : memref<200002x128xf32, #tpu.memory_space<hbm>>) dst(%dma_wait3A_593 : memref<96x128xf32, #tpu.memory_space<vmem>>)
      %dma_wait3A_599 = arith.constant 0 : i32
      %dma_wait3A_600 = arith.constant 0 : i32
      %dma_wait3A_601 = tpu.memref_slice %arg2[%dma_wait3A_599, %dma_wait3A_600] : memref<2048x400xi32, #tpu.memory_space<hbm>> -> memref<1x400xi32, #tpu.memory_space<hbm>>
      %dma_wait3A_602 = tpu.memref_squeeze %dma_wait3A_601 : memref<1x400xi32, #tpu.memory_space<hbm>> -> memref<400xi32, #tpu.memory_space<hbm>>
      %dma_wait3A_603 = arith.constant 0 : i32
      %dma_wait3A_604 = tpu.memref_slice %arg2[%dma_wait3A_599, %dma_wait3A_603] : memref<2048x400xi32, #tpu.memory_space<hbm>> -> memref<1x400xi32, #tpu.memory_space<hbm>>
      %dma_wait3A_605 = tpu.memref_squeeze %dma_wait3A_604 : memref<1x400xi32, #tpu.memory_space<hbm>> -> memref<400xi32, #tpu.memory_space<hbm>>
      tpu.wait_dma2 semaphore(%arg20 : memref<!tpu.dma_semaphore, #tpu.memory_space<semaphore_mem>>) src(%dma_wait3A_605 : memref<400xi32, #tpu.memory_space<hbm>>) dst(%arg8 : memref<400xi32, #tpu.memory_space<vmem>>)
      %dma_start3A_606 = arith.constant 0 : i32
      %dma_start3A_607 = arith.constant 0 : i32
      %dma_start3A_608 = tpu.memref_slice %arg10[%dma_start3A_606, %dma_start3A_607] : memref<416x128xf32, #tpu.memory_space<vmem>> -> memref<104x128xf32, #tpu.memory_space<vmem>>
      %dma_start3A_609 = arith.constant 0 : i32
      %dma_start3A_610 = tpu.memref_slice %arg8[%dma_start3A_609] : memref<400xi32, #tpu.memory_space<vmem>> -> memref<104xi32, #tpu.memory_space<vmem>>
      %dma_start3A_611 = arith.constant 0 : i32
      %dma_start3A_612 = arith.constant 0 : i32
      %dma_start3A_613 = tpu.memref_slice %arg3[%dma_start3A_611, %dma_start3A_612] : memref<200002x128xf32, #tpu.memory_space<hbm>> -> memref<200002x128xf32, #tpu.memory_space<hbm>>
      tpu.enqueue_indirect_dma source(%dma_start3A_613 : memref<200002x128xf32, #tpu.memory_space<hbm>>) target(%dma_start3A_608 : memref<104x128xf32, #tpu.memory_space<vmem>>) offsets(%dma_start3A_610 : memref<104xi32, #tpu.memory_space<vmem>>) semaphore(%arg18 : memref<!tpu.dma_semaphore, #tpu.memory_space<semaphore_mem>>)
      %dma_start3A_614 = arith.constant 104 : i32
      %dma_start3A_615 = arith.constant 0 : i32
      %dma_start3A_616 = tpu.memref_slice %arg10[%dma_start3A_614, %dma_start3A_615] : memref<416x128xf32, #tpu.memory_space<vmem>> -> memref<96x128xf32, #tpu.memory_space<vmem>>
      %dma_start3A_617 = arith.constant 104 : i32
      %dma_start3A_618 = tpu.memref_slice %arg8[%dma_start3A_617] : memref<400xi32, #tpu.memory_space<vmem>> -> memref<96xi32, #tpu.memory_space<vmem>>
      %dma_start3A_619 = arith.constant 0 : i32
      %dma_start3A_620 = arith.constant 0 : i32
      %dma_start3A_621 = tpu.memref_slice %arg3[%dma_start3A_619, %dma_start3A_620] : memref<200002x128xf32, #tpu.memory_space<hbm>> -> memref<200002x128xf32, #tpu.memory_space<hbm>>
      tpu.enqueue_indirect_dma source(%dma_start3A_621 : memref<200002x128xf32, #tpu.memory_space<hbm>>) target(%dma_start3A_616 : memref<96x128xf32, #tpu.memory_space<vmem>>) offsets(%dma_start3A_618 : memref<96xi32, #tpu.memory_space<vmem>>) semaphore(%arg18 : memref<!tpu.dma_semaphore, #tpu.memory_space<semaphore_mem>>)
      %dma_start3A_622 = arith.constant 208 : i32
      %dma_start3A_623 = arith.constant 0 : i32
      %dma_start3A_624 = tpu.memref_slice %arg10[%dma_start3A_622, %dma_start3A_623] : memref<416x128xf32, #tpu.memory_space<vmem>> -> memref<104x128xf32, #tpu.memory_space<vmem>>
      %dma_start3A_625 = arith.constant 200 : i32
      %dma_start3A_626 = tpu.memref_slice %arg8[%dma_start3A_625] : memref<400xi32, #tpu.memory_space<vmem>> -> memref<104xi32, #tpu.memory_space<vmem>>
      %dma_start3A_627 = arith.constant 0 : i32
      %dma_start3A_628 = arith.constant 0 : i32
      %dma_start3A_629 = tpu.memref_slice %arg3[%dma_start3A_627, %dma_start3A_628] : memref<200002x128xf32, #tpu.memory_space<hbm>> -> memref<200002x128xf32, #tpu.memory_space<hbm>>
      tpu.enqueue_indirect_dma source(%dma_start3A_629 : memref<200002x128xf32, #tpu.memory_space<hbm>>) target(%dma_start3A_624 : memref<104x128xf32, #tpu.memory_space<vmem>>) offsets(%dma_start3A_626 : memref<104xi32, #tpu.memory_space<vmem>>) semaphore(%arg18 : memref<!tpu.dma_semaphore, #tpu.memory_space<semaphore_mem>>)
      %dma_start3A_630 = arith.constant 312 : i32
      %dma_start3A_631 = arith.constant 0 : i32
      %dma_start3A_632 = tpu.memref_slice %arg10[%dma_start3A_630, %dma_start3A_631] : memref<416x128xf32, #tpu.memory_space<vmem>> -> memref<96x128xf32, #tpu.memory_space<vmem>>
      %dma_start3A_633 = arith.constant 304 : i32
      %dma_start3A_634 = tpu.memref_slice %arg8[%dma_start3A_633] : memref<400xi32, #tpu.memory_space<vmem>> -> memref<96xi32, #tpu.memory_space<vmem>>
      %dma_start3A_635 = arith.constant 0 : i32
      %dma_start3A_636 = arith.constant 0 : i32
      %dma_start3A_637 = tpu.memref_slice %arg3[%dma_start3A_635, %dma_start3A_636] : memref<200002x128xf32, #tpu.memory_space<hbm>> -> memref<200002x128xf32, #tpu.memory_space<hbm>>
      tpu.enqueue_indirect_dma source(%dma_start3A_637 : memref<200002x128xf32, #tpu.memory_space<hbm>>) target(%dma_start3A_632 : memref<96x128xf32, #tpu.memory_space<vmem>>) offsets(%dma_start3A_634 : memref<96xi32, #tpu.memory_space<vmem>>) semaphore(%arg18 : memref<!tpu.dma_semaphore, #tpu.memory_space<semaphore_mem>>)
      %add3A_638 = arith.constant 2 : i32
      %add3A_639 = arith.addi %add3A_566, %add3A_638 : i32
      %add3A_640 = arith.addi %mul3A_2, %add3A_639 : i32
      %min3A_641 = arith.constant 2047 : i32
      %min3A_642 = arith.minsi %add3A_640, %min3A_641 : i32
      %dma_start3A_643 = arith.constant 0 : i32
      %dma_start3A_644 = tpu.memref_slice %arg2[%min3A_642, %dma_start3A_643] : memref<2048x400xi32, #tpu.memory_space<hbm>> -> memref<1x400xi32, #tpu.memory_space<hbm>>
      %dma_start3A_645 = tpu.memref_squeeze %dma_start3A_644 : memref<1x400xi32, #tpu.memory_space<hbm>> -> memref<400xi32, #tpu.memory_space<hbm>>
      %dma_start3A_646 = arith.constant 0 : i32
      %dma_start3A_647 = tpu.memref_slice %arg2[%min3A_642, %dma_start3A_646] : memref<2048x400xi32, #tpu.memory_space<hbm>> -> memref<1x400xi32, #tpu.memory_space<hbm>>
      %dma_start3A_648 = tpu.memref_squeeze %dma_start3A_647 : memref<1x400xi32, #tpu.memory_space<hbm>> -> memref<400xi32, #tpu.memory_space<hbm>>
      tpu.enqueue_dma source(%dma_start3A_648 : memref<400xi32, #tpu.memory_space<hbm>>) target(%arg9 : memref<400xi32, #tpu.memory_space<vmem>>) target_semaphore(%arg21 : memref<!tpu.dma_semaphore, #tpu.memory_space<semaphore_mem>>)
      %scan3A_649 = arith.constant 0 : i32
      %scan3A_650 = arith.constant 0 : i32
      %scan3A_651 = arith.constant 200 : i32
      %scan3A_652 = arith.addi %scan3A_650, %scan3A_651 : i32
      %scan3A_653 = arith.constant 4 : i32
      %scan3A_654 = scf.for %scan3A_983 = %scan3A_650 to %scan3A_652 step %scan3A_653 iter_args(%scan3A_984 = %scan3A_649) -> (i32)  : i32 {
        %broadcast_in_dim3A_985 = arith.constant 0.000000e+00 : f32
        %broadcast_in_dim3A_986 = vector.broadcast %broadcast_in_dim3A_985 : f32 to vector<16xf32>
        %get3A_987 = arith.index_cast %scan3A_983 : i32 to index
        %get3A_988 = arith.constant 0 : index
        %get3A_989 = tpu.vector_load %arg11[%get3A_987, %get3A_988] {strides = array<i32>} : memref<416x128xf32, #tpu.memory_space<vmem>>, vector<16xf32>,
        %add3A_990 = arith.constant 208 : i32
        %add3A_991 = arith.addi %add3A_990, %scan3A_983 : i32
        %get3A_992 = arith.index_cast %add3A_991 : i32 to index
        %get3A_993 = arith.constant 0 : index
        %get3A_994 = tpu.vector_load %arg11[%get3A_992, %get3A_993] {strides = array<i32>} : memref<416x128xf32, #tpu.memory_space<vmem>>, vector<16xf32>,
        %add3A_995 = arith.addf %get3A_989, %get3A_994 : vector<16xf32>
        %mul3A_996 = arith.constant 0.00999999977 : f32
        %mul3A_997 = vector.broadcast %mul3A_996 : f32 to vector<16xf32>
        %mul3A_998 = arith.mulf %mul3A_997, %add3A_995 : vector<16xf32>
        %max3A_999 = arith.maximumf %add3A_995, %mul3A_998 : vector<16xf32>
        %swap3A_1000 = arith.index_cast %scan3A_983 : i32 to index
        %swap3A_1001 = arith.constant 0 : index
        %swap3A_1002 = tpu.vector_load %arg11[%swap3A_1000, %swap3A_1001] {strides = array<i32>} : memref<416x128xf32, #tpu.memory_space<vmem>>, vector<16xf32>,
        tpu.vector_store %arg11[%swap3A_1000, %swap3A_1001], %max3A_999 {strides = array<i32>} : memref<416x128xf32, #tpu.memory_space<vmem>>, vector<16xf32>,
        %mul3A_1003 = arith.mulf %max3A_999, %get3A_14 : vector<16xf32>
        %add3A_1004 = arith.addf %broadcast_in_dim3A_986, %mul3A_1003 : vector<16xf32>
        %get3A_1005 = arith.index_cast %scan3A_983 : i32 to index
        %get3A_1006 = arith.constant 16 : index
        %get3A_1007 = tpu.vector_load %arg11[%get3A_1005, %get3A_1006] {strides = array<i32>} : memref<416x128xf32, #tpu.memory_space<vmem>>, vector<16xf32>,
        %add3A_1008 = arith.constant 208 : i32
        %add3A_1009 = arith.addi %add3A_1008, %scan3A_983 : i32
        %get3A_1010 = arith.index_cast %add3A_1009 : i32 to index
        %get3A_1011 = arith.constant 16 : index
        %get3A_1012 = tpu.vector_load %arg11[%get3A_1010, %get3A_1011] {strides = array<i32>} : memref<416x128xf32, #tpu.memory_space<vmem>>, vector<16xf32>,
        %add3A_1013 = arith.addf %get3A_1007, %get3A_1012 : vector<16xf32>
        %mul3A_1014 = arith.constant 0.00999999977 : f32
        %mul3A_1015 = vector.broadcast %mul3A_1014 : f32 to vector<16xf32>
        %mul3A_1016 = arith.mulf %mul3A_1015, %add3A_1013 : vector<16xf32>
        %max3A_1017 = arith.maximumf %add3A_1013, %mul3A_1016 : vector<16xf32>
        %swap3A_1018 = arith.index_cast %scan3A_983 : i32 to index
        %swap3A_1019 = arith.constant 16 : index
        %swap3A_1020 = tpu.vector_load %arg11[%swap3A_1018, %swap3A_1019] {strides = array<i32>} : memref<416x128xf32, #tpu.memory_space<vmem>>, vector<16xf32>,
        tpu.vector_store %arg11[%swap3A_1018, %swap3A_1019], %max3A_1017 {strides = array<i32>} : memref<416x128xf32, #tpu.memory_space<vmem>>, vector<16xf32>,
        %mul3A_1021 = arith.mulf %max3A_1017, %get3A_18 : vector<16xf32>
        %add3A_1022 = arith.addf %add3A_1004, %mul3A_1021 : vector<16xf32>
        %get3A_1023 = arith.index_cast %scan3A_983 : i32 to index
        %get3A_1024 = arith.constant 32 : index
        %get3A_1025 = tpu.vector_load %arg11[%get3A_1023, %get3A_1024] {strides = array<i32>} : memref<416x128xf32, #tpu.memory_space<vmem>>, vector<16xf32>,
        %add3A_1026 = arith.constant 208 : i32
        %add3A_1027 = arith.addi %add3A_1026, %scan3A_983 : i32
        %get3A_1028 = arith.index_cast %add3A_1027 : i32 to index
        %get3A_1029 = arith.constant 32 : index
        %get3A_1030 = tpu.vector_load %arg11[%get3A_1028, %get3A_1029] {strides = array<i32>} : memref<416x128xf32, #tpu.memory_space<vmem>>, vector<16xf32>,
        %add3A_1031 = arith.addf %get3A_1025, %get3A_1030 : vector<16xf32>
        %mul3A_1032 = arith.constant 0.00999999977 : f32
        %mul3A_1033 = vector.broadcast %mul3A_1032 : f32 to vector<16xf32>
        %mul3A_1034 = arith.mulf %mul3A_1033, %add3A_1031 : vector<16xf32>
        %max3A_1035 = arith.maximumf %add3A_1031, %mul3A_1034 : vector<16xf32>
        %swap3A_1036 = arith.index_cast %scan3A_983 : i32 to index
        %swap3A_1037 = arith.constant 32 : index
        %swap3A_1038 = tpu.vector_load %arg11[%swap3A_1036, %swap3A_1037] {strides = array<i32>} : memref<416x128xf32, #tpu.memory_space<vmem>>, vector<16xf32>,
        tpu.vector_store %arg11[%swap3A_1036, %swap3A_1037], %max3A_1035 {strides = array<i32>} : memref<416x128xf32, #tpu.memory_space<vmem>>, vector<16xf32>,
        %mul3A_1039 = arith.mulf %max3A_1035, %get3A_22 : vector<16xf32>
        %add3A_1040 = arith.addf %add3A_1022, %mul3A_1039 : vector<16xf32>
        %get3A_1041 = arith.index_cast %scan3A_983 : i32 to index
        %get3A_1042 = arith.constant 48 : index
        %get3A_1043 = tpu.vector_load %arg11[%get3A_1041, %get3A_1042] {strides = array<i32>} : memref<416x128xf32, #tpu.memory_space<vmem>>, vector<16xf32>,
        %add3A_1044 = arith.constant 208 : i32
        %add3A_1045 = arith.addi %add3A_1044, %scan3A_983 : i32
        %get3A_1046 = arith.index_cast %add3A_1045 : i32 to index
        %get3A_1047 = arith.constant 48 : index
        %get3A_1048 = tpu.vector_load %arg11[%get3A_1046, %get3A_1047] {strides = array<i32>} : memref<416x128xf32, #tpu.memory_space<vmem>>, vector<16xf32>,
        %add3A_1049 = arith.addf %get3A_1043, %get3A_1048 : vector<16xf32>
        %mul3A_1050 = arith.constant 0.00999999977 : f32
        %mul3A_1051 = vector.broadcast %mul3A_1050 : f32 to vector<16xf32>
        %mul3A_1052 = arith.mulf %mul3A_1051, %add3A_1049 : vector<16xf32>
        %max3A_1053 = arith.maximumf %add3A_1049, %mul3A_1052 : vector<16xf32>
        %swap3A_1054 = arith.index_cast %scan3A_983 : i32 to index
        %swap3A_1055 = arith.constant 48 : index
        %swap3A_1056 = tpu.vector_load %arg11[%swap3A_1054, %swap3A_1055] {strides = array<i32>} : memref<416x128xf32, #tpu.memory_space<vmem>>, vector<16xf32>,
        tpu.vector_store %arg11[%swap3A_1054, %swap3A_1055], %max3A_1053 {strides = array<i32>} : memref<416x128xf32, #tpu.memory_space<vmem>>, vector<16xf32>,
        %mul3A_1057 = arith.mulf %max3A_1053, %get3A_26 : vector<16xf32>
        %add3A_1058 = arith.addf %add3A_1040, %mul3A_1057 : vector<16xf32>
        %get3A_1059 = arith.index_cast %scan3A_983 : i32 to index
        %get3A_1060 = arith.constant 64 : index
        %get3A_1061 = tpu.vector_load %arg11[%get3A_1059, %get3A_1060] {strides = array<i32>} : memref<416x128xf32, #tpu.memory_space<vmem>>, vector<16xf32>,
        %add3A_1062 = arith.constant 208 : i32
        %add3A_1063 = arith.addi %add3A_1062, %scan3A_983 : i32
        %get3A_1064 = arith.index_cast %add3A_1063 : i32 to index
        %get3A_1065 = arith.constant 64 : index
        %get3A_1066 = tpu.vector_load %arg11[%get3A_1064, %get3A_1065] {strides = array<i32>} : memref<416x128xf32, #tpu.memory_space<vmem>>, vector<16xf32>,
        %add3A_1067 = arith.addf %get3A_1061, %get3A_1066 : vector<16xf32>
        %mul3A_1068 = arith.constant 0.00999999977 : f32
        %mul3A_1069 = vector.broadcast %mul3A_1068 : f32 to vector<16xf32>
        %mul3A_1070 = arith.mulf %mul3A_1069, %add3A_1067 : vector<16xf32>
        %max3A_1071 = arith.maximumf %add3A_1067, %mul3A_1070 : vector<16xf32>
        %swap3A_1072 = arith.index_cast %scan3A_983 : i32 to index
        %swap3A_1073 = arith.constant 64 : index
        %swap3A_1074 = tpu.vector_load %arg11[%swap3A_1072, %swap3A_1073] {strides = array<i32>} : memref<416x128xf32, #tpu.memory_space<vmem>>, vector<16xf32>,
        tpu.vector_store %arg11[%swap3A_1072, %swap3A_1073], %max3A_1071 {strides = array<i32>} : memref<416x128xf32, #tpu.memory_space<vmem>>, vector<16xf32>,
        %mul3A_1075 = arith.mulf %max3A_1071, %get3A_30 : vector<16xf32>
        %add3A_1076 = arith.addf %add3A_1058, %mul3A_1075 : vector<16xf32>
        %get3A_1077 = arith.index_cast %scan3A_983 : i32 to index
        %get3A_1078 = arith.constant 80 : index
        %get3A_1079 = tpu.vector_load %arg11[%get3A_1077, %get3A_1078] {strides = array<i32>} : memref<416x128xf32, #tpu.memory_space<vmem>>, vector<16xf32>,
        %add3A_1080 = arith.constant 208 : i32
        %add3A_1081 = arith.addi %add3A_1080, %scan3A_983 : i32
        %get3A_1082 = arith.index_cast %add3A_1081 : i32 to index
        %get3A_1083 = arith.constant 80 : index
        %get3A_1084 = tpu.vector_load %arg11[%get3A_1082, %get3A_1083] {strides = array<i32>} : memref<416x128xf32, #tpu.memory_space<vmem>>, vector<16xf32>,
        %add3A_1085 = arith.addf %get3A_1079, %get3A_1084 : vector<16xf32>
        %mul3A_1086 = arith.constant 0.00999999977 : f32
        %mul3A_1087 = vector.broadcast %mul3A_1086 : f32 to vector<16xf32>
        %mul3A_1088 = arith.mulf %mul3A_1087, %add3A_1085 : vector<16xf32>
        %max3A_1089 = arith.maximumf %add3A_1085, %mul3A_1088 : vector<16xf32>
        %swap3A_1090 = arith.index_cast %scan3A_983 : i32 to index
        %swap3A_1091 = arith.constant 80 : index
        %swap3A_1092 = tpu.vector_load %arg11[%swap3A_1090, %swap3A_1091] {strides = array<i32>} : memref<416x128xf32, #tpu.memory_space<vmem>>, vector<16xf32>,
        tpu.vector_store %arg11[%swap3A_1090, %swap3A_1091], %max3A_1089 {strides = array<i32>} : memref<416x128xf32, #tpu.memory_space<vmem>>, vector<16xf32>,
        %mul3A_1093 = arith.mulf %max3A_1089, %get3A_34 : vector<16xf32>
        %add3A_1094 = arith.addf %add3A_1076, %mul3A_1093 : vector<16xf32>
        %get3A_1095 = arith.index_cast %scan3A_983 : i32 to index
        %get3A_1096 = arith.constant 96 : index
        %get3A_1097 = tpu.vector_load %arg11[%get3A_1095, %get3A_1096] {strides = array<i32>} : memref<416x128xf32, #tpu.memory_space<vmem>>, vector<16xf32>,
        %add3A_1098 = arith.constant 208 : i32
        %add3A_1099 = arith.addi %add3A_1098, %scan3A_983 : i32
        %get3A_1100 = arith.index_cast %add3A_1099 : i32 to index
        %get3A_1101 = arith.constant 96 : index
        %get3A_1102 = tpu.vector_load %arg11[%get3A_1100, %get3A_1101] {strides = array<i32>} : memref<416x128xf32, #tpu.memory_space<vmem>>, vector<16xf32>,
        %add3A_1103 = arith.addf %get3A_1097, %get3A_1102 : vector<16xf32>
        %mul3A_1104 = arith.constant 0.00999999977 : f32
        %mul3A_1105 = vector.broadcast %mul3A_1104 : f32 to vector<16xf32>
        %mul3A_1106 = arith.mulf %mul3A_1105, %add3A_1103 : vector<16xf32>
        %max3A_1107 = arith.maximumf %add3A_1103, %mul3A_1106 : vector<16xf32>
        %swap3A_1108 = arith.index_cast %scan3A_983 : i32 to index
        %swap3A_1109 = arith.constant 96 : index
        %swap3A_1110 = tpu.vector_load %arg11[%swap3A_1108, %swap3A_1109] {strides = array<i32>} : memref<416x128xf32, #tpu.memory_space<vmem>>, vector<16xf32>,
        tpu.vector_store %arg11[%swap3A_1108, %swap3A_1109], %max3A_1107 {strides = array<i32>} : memref<416x128xf32, #tpu.memory_space<vmem>>, vector<16xf32>,
        %mul3A_1111 = arith.mulf %max3A_1107, %get3A_38 : vector<16xf32>
        %add3A_1112 = arith.addf %add3A_1094, %mul3A_1111 : vector<16xf32>
        %get3A_1113 = arith.index_cast %scan3A_983 : i32 to index
        %get3A_1114 = arith.constant 112 : index
        %get3A_1115 = tpu.vector_load %arg11[%get3A_1113, %get3A_1114] {strides = array<i32>} : memref<416x128xf32, #tpu.memory_space<vmem>>, vector<16xf32>,
        %add3A_1116 = arith.constant 208 : i32
        %add3A_1117 = arith.addi %add3A_1116, %scan3A_983 : i32
        %get3A_1118 = arith.index_cast %add3A_1117 : i32 to index
        %get3A_1119 = arith.constant 112 : index
        %get3A_1120 = tpu.vector_load %arg11[%get3A_1118, %get3A_1119] {strides = array<i32>} : memref<416x128xf32, #tpu.memory_space<vmem>>, vector<16xf32>,
        %add3A_1121 = arith.addf %get3A_1115, %get3A_1120 : vector<16xf32>
        %mul3A_1122 = arith.constant 0.00999999977 : f32
        %mul3A_1123 = vector.broadcast %mul3A_1122 : f32 to vector<16xf32>
        %mul3A_1124 = arith.mulf %mul3A_1123, %add3A_1121 : vector<16xf32>
        %max3A_1125 = arith.maximumf %add3A_1121, %mul3A_1124 : vector<16xf32>
        %swap3A_1126 = arith.index_cast %scan3A_983 : i32 to index
        %swap3A_1127 = arith.constant 112 : index
        %swap3A_1128 = tpu.vector_load %arg11[%swap3A_1126, %swap3A_1127] {strides = array<i32>} : memref<416x128xf32, #tpu.memory_space<vmem>>, vector<16xf32>,
        tpu.vector_store %arg11[%swap3A_1126, %swap3A_1127], %max3A_1125 {strides = array<i32>} : memref<416x128xf32, #tpu.memory_space<vmem>>, vector<16xf32>,
        %mul3A_1129 = arith.mulf %max3A_1125, %get3A_42 : vector<16xf32>
        %add3A_1130 = arith.addf %add3A_1112, %mul3A_1129 : vector<16xf32>
        %broadcast_in_dim3A_1131 = vector.broadcast %scan3A_983 : i32 to vector<16xi32>
        %reduce_sum3A_1132 = arith.constant true
        %reduce_sum3A_1133 = vector.broadcast %reduce_sum3A_1132 : i1 to vector<16xi1>
        %reduce_sum3A_1134 = tpu.scan <sum>, %add3A_1130 masked %reduce_sum3A_1133 : vector<16xf32>, vector<16xi1> -> vector<16xf32>
        %reduce_sum3A_1135 = vector.extract %reduce_sum3A_1134[15] : f32 from vector<16xf32>
        %broadcast_in_dim3A_1136 = vector.broadcast %reduce_sum3A_1135 : f32 to vector<16xf32>
        tpu.vector_store_idx %arg12[%broadcast_in_dim3A_1131], %broadcast_in_dim3A_1136 masked %lt3A_11 : memref<208xf32, #tpu.memory_space<vmem>>[vector<16xi32>], vector<16xf32>, vector<16xi1>
        %scan3A_1137 = arith.constant 0 : i32
        %scan3A_1138 = arith.constant 1 : i32
        %scan3A_1139 = arith.addi %scan3A_983, %scan3A_1138 : i32
        %broadcast_in_dim3A_1140 = arith.constant 0.000000e+00 : f32
        %broadcast_in_dim3A_1141 = vector.broadcast %broadcast_in_dim3A_1140 : f32 to vector<16xf32>
        %get3A_1142 = arith.index_cast %scan3A_1139 : i32 to index
        %get3A_1143 = arith.constant 0 : index
        %get3A_1144 = tpu.vector_load %arg11[%get3A_1142, %get3A_1143] {strides = array<i32>} : memref<416x128xf32, #tpu.memory_space<vmem>>, vector<16xf32>,
        %add3A_1145 = arith.constant 208 : i32
        %add3A_1146 = arith.addi %add3A_1145, %scan3A_1139 : i32
        %get3A_1147 = arith.index_cast %add3A_1146 : i32 to index
        %get3A_1148 = arith.constant 0 : index
        %get3A_1149 = tpu.vector_load %arg11[%get3A_1147, %get3A_1148] {strides = array<i32>} : memref<416x128xf32, #tpu.memory_space<vmem>>, vector<16xf32>,
        %add3A_1150 = arith.addf %get3A_1144, %get3A_1149 : vector<16xf32>
        %mul3A_1151 = arith.constant 0.00999999977 : f32
        %mul3A_1152 = vector.broadcast %mul3A_1151 : f32 to vector<16xf32>
        %mul3A_1153 = arith.mulf %mul3A_1152, %add3A_1150 : vector<16xf32>
        %max3A_1154 = arith.maximumf %add3A_1150, %mul3A_1153 : vector<16xf32>
        %swap3A_1155 = arith.index_cast %scan3A_1139 : i32 to index
        %swap3A_1156 = arith.constant 0 : index
        %swap3A_1157 = tpu.vector_load %arg11[%swap3A_1155, %swap3A_1156] {strides = array<i32>} : memref<416x128xf32, #tpu.memory_space<vmem>>, vector<16xf32>,
        tpu.vector_store %arg11[%swap3A_1155, %swap3A_1156], %max3A_1154 {strides = array<i32>} : memref<416x128xf32, #tpu.memory_space<vmem>>, vector<16xf32>,
        %mul3A_1158 = arith.mulf %max3A_1154, %get3A_14 : vector<16xf32>
        %add3A_1159 = arith.addf %broadcast_in_dim3A_1141, %mul3A_1158 : vector<16xf32>
        %get3A_1160 = arith.index_cast %scan3A_1139 : i32 to index
        %get3A_1161 = arith.constant 16 : index
        %get3A_1162 = tpu.vector_load %arg11[%get3A_1160, %get3A_1161] {strides = array<i32>} : memref<416x128xf32, #tpu.memory_space<vmem>>, vector<16xf32>,
        %add3A_1163 = arith.constant 208 : i32
        %add3A_1164 = arith.addi %add3A_1163, %scan3A_1139 : i32
        %get3A_1165 = arith.index_cast %add3A_1164 : i32 to index
        %get3A_1166 = arith.constant 16 : index
        %get3A_1167 = tpu.vector_load %arg11[%get3A_1165, %get3A_1166] {strides = array<i32>} : memref<416x128xf32, #tpu.memory_space<vmem>>, vector<16xf32>,
        %add3A_1168 = arith.addf %get3A_1162, %get3A_1167 : vector<16xf32>
        %mul3A_1169 = arith.constant 0.00999999977 : f32
        %mul3A_1170 = vector.broadcast %mul3A_1169 : f32 to vector<16xf32>
        %mul3A_1171 = arith.mulf %mul3A_1170, %add3A_1168 : vector<16xf32>
        %max3A_1172 = arith.maximumf %add3A_1168, %mul3A_1171 : vector<16xf32>
        %swap3A_1173 = arith.index_cast %scan3A_1139 : i32 to index
        %swap3A_1174 = arith.constant 16 : index
        %swap3A_1175 = tpu.vector_load %arg11[%swap3A_1173, %swap3A_1174] {strides = array<i32>} : memref<416x128xf32, #tpu.memory_space<vmem>>, vector<16xf32>,
        tpu.vector_store %arg11[%swap3A_1173, %swap3A_1174], %max3A_1172 {strides = array<i32>} : memref<416x128xf32, #tpu.memory_space<vmem>>, vector<16xf32>,
        %mul3A_1176 = arith.mulf %max3A_1172, %get3A_18 : vector<16xf32>
        %add3A_1177 = arith.addf %add3A_1159, %mul3A_1176 : vector<16xf32>
        %get3A_1178 = arith.index_cast %scan3A_1139 : i32 to index
        %get3A_1179 = arith.constant 32 : index
        %get3A_1180 = tpu.vector_load %arg11[%get3A_1178, %get3A_1179] {strides = array<i32>} : memref<416x128xf32, #tpu.memory_space<vmem>>, vector<16xf32>,
        %add3A_1181 = arith.constant 208 : i32
        %add3A_1182 = arith.addi %add3A_1181, %scan3A_1139 : i32
        %get3A_1183 = arith.index_cast %add3A_1182 : i32 to index
        %get3A_1184 = arith.constant 32 : index
        %get3A_1185 = tpu.vector_load %arg11[%get3A_1183, %get3A_1184] {strides = array<i32>} : memref<416x128xf32, #tpu.memory_space<vmem>>, vector<16xf32>,
        %add3A_1186 = arith.addf %get3A_1180, %get3A_1185 : vector<16xf32>
        %mul3A_1187 = arith.constant 0.00999999977 : f32
        %mul3A_1188 = vector.broadcast %mul3A_1187 : f32 to vector<16xf32>
        %mul3A_1189 = arith.mulf %mul3A_1188, %add3A_1186 : vector<16xf32>
        %max3A_1190 = arith.maximumf %add3A_1186, %mul3A_1189 : vector<16xf32>
        %swap3A_1191 = arith.index_cast %scan3A_1139 : i32 to index
        %swap3A_1192 = arith.constant 32 : index
        %swap3A_1193 = tpu.vector_load %arg11[%swap3A_1191, %swap3A_1192] {strides = array<i32>} : memref<416x128xf32, #tpu.memory_space<vmem>>, vector<16xf32>,
        tpu.vector_store %arg11[%swap3A_1191, %swap3A_1192], %max3A_1190 {strides = array<i32>} : memref<416x128xf32, #tpu.memory_space<vmem>>, vector<16xf32>,
        %mul3A_1194 = arith.mulf %max3A_1190, %get3A_22 : vector<16xf32>
        %add3A_1195 = arith.addf %add3A_1177, %mul3A_1194 : vector<16xf32>
        %get3A_1196 = arith.index_cast %scan3A_1139 : i32 to index
        %get3A_1197 = arith.constant 48 : index
        %get3A_1198 = tpu.vector_load %arg11[%get3A_1196, %get3A_1197] {strides = array<i32>} : memref<416x128xf32, #tpu.memory_space<vmem>>, vector<16xf32>,
        %add3A_1199 = arith.constant 208 : i32
        %add3A_1200 = arith.addi %add3A_1199, %scan3A_1139 : i32
        %get3A_1201 = arith.index_cast %add3A_1200 : i32 to index
        %get3A_1202 = arith.constant 48 : index
        %get3A_1203 = tpu.vector_load %arg11[%get3A_1201, %get3A_1202] {strides = array<i32>} : memref<416x128xf32, #tpu.memory_space<vmem>>, vector<16xf32>,
        %add3A_1204 = arith.addf %get3A_1198, %get3A_1203 : vector<16xf32>
        %mul3A_1205 = arith.constant 0.00999999977 : f32
        %mul3A_1206 = vector.broadcast %mul3A_1205 : f32 to vector<16xf32>
        %mul3A_1207 = arith.mulf %mul3A_1206, %add3A_1204 : vector<16xf32>
        %max3A_1208 = arith.maximumf %add3A_1204, %mul3A_1207 : vector<16xf32>
        %swap3A_1209 = arith.index_cast %scan3A_1139 : i32 to index
        %swap3A_1210 = arith.constant 48 : index
        %swap3A_1211 = tpu.vector_load %arg11[%swap3A_1209, %swap3A_1210] {strides = array<i32>} : memref<416x128xf32, #tpu.memory_space<vmem>>, vector<16xf32>,
        tpu.vector_store %arg11[%swap3A_1209, %swap3A_1210], %max3A_1208 {strides = array<i32>} : memref<416x128xf32, #tpu.memory_space<vmem>>, vector<16xf32>,
        %mul3A_1212 = arith.mulf %max3A_1208, %get3A_26 : vector<16xf32>
        %add3A_1213 = arith.addf %add3A_1195, %mul3A_1212 : vector<16xf32>
        %get3A_1214 = arith.index_cast %scan3A_1139 : i32 to index
        %get3A_1215 = arith.constant 64 : index
        %get3A_1216 = tpu.vector_load %arg11[%get3A_1214, %get3A_1215] {strides = array<i32>} : memref<416x128xf32, #tpu.memory_space<vmem>>, vector<16xf32>,
        %add3A_1217 = arith.constant 208 : i32
        %add3A_1218 = arith.addi %add3A_1217, %scan3A_1139 : i32
        %get3A_1219 = arith.index_cast %add3A_1218 : i32 to index
        %get3A_1220 = arith.constant 64 : index
        %get3A_1221 = tpu.vector_load %arg11[%get3A_1219, %get3A_1220] {strides = array<i32>} : memref<416x128xf32, #tpu.memory_space<vmem>>, vector<16xf32>,
        %add3A_1222 = arith.addf %get3A_1216, %get3A_1221 : vector<16xf32>
        %mul3A_1223 = arith.constant 0.00999999977 : f32
        %mul3A_1224 = vector.broadcast %mul3A_1223 : f32 to vector<16xf32>
        %mul3A_1225 = arith.mulf %mul3A_1224, %add3A_1222 : vector<16xf32>
        %max3A_1226 = arith.maximumf %add3A_1222, %mul3A_1225 : vector<16xf32>
        %swap3A_1227 = arith.index_cast %scan3A_1139 : i32 to index
        %swap3A_1228 = arith.constant 64 : index
        %swap3A_1229 = tpu.vector_load %arg11[%swap3A_1227, %swap3A_1228] {strides = array<i32>} : memref<416x128xf32, #tpu.memory_space<vmem>>, vector<16xf32>,
        tpu.vector_store %arg11[%swap3A_1227, %swap3A_1228], %max3A_1226 {strides = array<i32>} : memref<416x128xf32, #tpu.memory_space<vmem>>, vector<16xf32>,
        %mul3A_1230 = arith.mulf %max3A_1226, %get3A_30 : vector<16xf32>
        %add3A_1231 = arith.addf %add3A_1213, %mul3A_1230 : vector<16xf32>
        %get3A_1232 = arith.index_cast %scan3A_1139 : i32 to index
        %get3A_1233 = arith.constant 80 : index
        %get3A_1234 = tpu.vector_load %arg11[%get3A_1232, %get3A_1233] {strides = array<i32>} : memref<416x128xf32, #tpu.memory_space<vmem>>, vector<16xf32>,
        %add3A_1235 = arith.constant 208 : i32
        %add3A_1236 = arith.addi %add3A_1235, %scan3A_1139 : i32
        %get3A_1237 = arith.index_cast %add3A_1236 : i32 to index
        %get3A_1238 = arith.constant 80 : index
        %get3A_1239 = tpu.vector_load %arg11[%get3A_1237, %get3A_1238] {strides = array<i32>} : memref<416x128xf32, #tpu.memory_space<vmem>>, vector<16xf32>,
        %add3A_1240 = arith.addf %get3A_1234, %get3A_1239 : vector<16xf32>
        %mul3A_1241 = arith.constant 0.00999999977 : f32
        %mul3A_1242 = vector.broadcast %mul3A_1241 : f32 to vector<16xf32>
        %mul3A_1243 = arith.mulf %mul3A_1242, %add3A_1240 : vector<16xf32>
        %max3A_1244 = arith.maximumf %add3A_1240, %mul3A_1243 : vector<16xf32>
        %swap3A_1245 = arith.index_cast %scan3A_1139 : i32 to index
        %swap3A_1246 = arith.constant 80 : index
        %swap3A_1247 = tpu.vector_load %arg11[%swap3A_1245, %swap3A_1246] {strides = array<i32>} : memref<416x128xf32, #tpu.memory_space<vmem>>, vector<16xf32>,
        tpu.vector_store %arg11[%swap3A_1245, %swap3A_1246], %max3A_1244 {strides = array<i32>} : memref<416x128xf32, #tpu.memory_space<vmem>>, vector<16xf32>,
        %mul3A_1248 = arith.mulf %max3A_1244, %get3A_34 : vector<16xf32>
        %add3A_1249 = arith.addf %add3A_1231, %mul3A_1248 : vector<16xf32>
        %get3A_1250 = arith.index_cast %scan3A_1139 : i32 to index
        %get3A_1251 = arith.constant 96 : index
        %get3A_1252 = tpu.vector_load %arg11[%get3A_1250, %get3A_1251] {strides = array<i32>} : memref<416x128xf32, #tpu.memory_space<vmem>>, vector<16xf32>,
        %add3A_1253 = arith.constant 208 : i32
        %add3A_1254 = arith.addi %add3A_1253, %scan3A_1139 : i32
        %get3A_1255 = arith.index_cast %add3A_1254 : i32 to index
        %get3A_1256 = arith.constant 96 : index
        %get3A_1257 = tpu.vector_load %arg11[%get3A_1255, %get3A_1256] {strides = array<i32>} : memref<416x128xf32, #tpu.memory_space<vmem>>, vector<16xf32>,
        %add3A_1258 = arith.addf %get3A_1252, %get3A_1257 : vector<16xf32>
        %mul3A_1259 = arith.constant 0.00999999977 : f32
        %mul3A_1260 = vector.broadcast %mul3A_1259 : f32 to vector<16xf32>
        %mul3A_1261 = arith.mulf %mul3A_1260, %add3A_1258 : vector<16xf32>
        %max3A_1262 = arith.maximumf %add3A_1258, %mul3A_1261 : vector<16xf32>
        %swap3A_1263 = arith.index_cast %scan3A_1139 : i32 to index
        %swap3A_1264 = arith.constant 96 : index
        %swap3A_1265 = tpu.vector_load %arg11[%swap3A_1263, %swap3A_1264] {strides = array<i32>} : memref<416x128xf32, #tpu.memory_space<vmem>>, vector<16xf32>,
        tpu.vector_store %arg11[%swap3A_1263, %swap3A_1264], %max3A_1262 {strides = array<i32>} : memref<416x128xf32, #tpu.memory_space<vmem>>, vector<16xf32>,
        %mul3A_1266 = arith.mulf %max3A_1262, %get3A_38 : vector<16xf32>
        %add3A_1267 = arith.addf %add3A_1249, %mul3A_1266 : vector<16xf32>
        %get3A_1268 = arith.index_cast %scan3A_1139 : i32 to index
        %get3A_1269 = arith.constant 112 : index
        %get3A_1270 = tpu.vector_load %arg11[%get3A_1268, %get3A_1269] {strides = array<i32>} : memref<416x128xf32, #tpu.memory_space<vmem>>, vector<16xf32>,
        %add3A_1271 = arith.constant 208 : i32
        %add3A_1272 = arith.addi %add3A_1271, %scan3A_1139 : i32
        %get3A_1273 = arith.index_cast %add3A_1272 : i32 to index
        %get3A_1274 = arith.constant 112 : index
        %get3A_1275 = tpu.vector_load %arg11[%get3A_1273, %get3A_1274] {strides = array<i32>} : memref<416x128xf32, #tpu.memory_space<vmem>>, vector<16xf32>,
        %add3A_1276 = arith.addf %get3A_1270, %get3A_1275 : vector<16xf32>
        %mul3A_1277 = arith.constant 0.00999999977 : f32
        %mul3A_1278 = vector.broadcast %mul3A_1277 : f32 to vector<16xf32>
        %mul3A_1279 = arith.mulf %mul3A_1278, %add3A_1276 : vector<16xf32>
        %max3A_1280 = arith.maximumf %add3A_1276, %mul3A_1279 : vector<16xf32>
        %swap3A_1281 = arith.index_cast %scan3A_1139 : i32 to index
        %swap3A_1282 = arith.constant 112 : index
        %swap3A_1283 = tpu.vector_load %arg11[%swap3A_1281, %swap3A_1282] {strides = array<i32>} : memref<416x128xf32, #tpu.memory_space<vmem>>, vector<16xf32>,
        tpu.vector_store %arg11[%swap3A_1281, %swap3A_1282], %max3A_1280 {strides = array<i32>} : memref<416x128xf32, #tpu.memory_space<vmem>>, vector<16xf32>,
        %mul3A_1284 = arith.mulf %max3A_1280, %get3A_42 : vector<16xf32>
        %add3A_1285 = arith.addf %add3A_1267, %mul3A_1284 : vector<16xf32>
        %broadcast_in_dim3A_1286 = vector.broadcast %scan3A_1139 : i32 to vector<16xi32>
        %reduce_sum3A_1287 = arith.constant true
        %reduce_sum3A_1288 = vector.broadcast %reduce_sum3A_1287 : i1 to vector<16xi1>
        %reduce_sum3A_1289 = tpu.scan <sum>, %add3A_1285 masked %reduce_sum3A_1288 : vector<16xf32>, vector<16xi1> -> vector<16xf32>
        %reduce_sum3A_1290 = vector.extract %reduce_sum3A_1289[15] : f32 from vector<16xf32>
        %broadcast_in_dim3A_1291 = vector.broadcast %reduce_sum3A_1290 : f32 to vector<16xf32>
        tpu.vector_store_idx %arg12[%broadcast_in_dim3A_1286], %broadcast_in_dim3A_1291 masked %lt3A_11 : memref<208xf32, #tpu.memory_space<vmem>>[vector<16xi32>], vector<16xf32>, vector<16xi1>
        %scan3A_1292 = arith.constant 0 : i32
        %scan3A_1293 = arith.constant 2 : i32
        %scan3A_1294 = arith.addi %scan3A_983, %scan3A_1293 : i32
        %broadcast_in_dim3A_1295 = arith.constant 0.000000e+00 : f32
        %broadcast_in_dim3A_1296 = vector.broadcast %broadcast_in_dim3A_1295 : f32 to vector<16xf32>
        %get3A_1297 = arith.index_cast %scan3A_1294 : i32 to index
        %get3A_1298 = arith.constant 0 : index
        %get3A_1299 = tpu.vector_load %arg11[%get3A_1297, %get3A_1298] {strides = array<i32>} : memref<416x128xf32, #tpu.memory_space<vmem>>, vector<16xf32>,
        %add3A_1300 = arith.constant 208 : i32
        %add3A_1301 = arith.addi %add3A_1300, %scan3A_1294 : i32
        %get3A_1302 = arith.index_cast %add3A_1301 : i32 to index
        %get3A_1303 = arith.constant 0 : index
        %get3A_1304 = tpu.vector_load %arg11[%get3A_1302, %get3A_1303] {strides = array<i32>} : memref<416x128xf32, #tpu.memory_space<vmem>>, vector<16xf32>,
        %add3A_1305 = arith.addf %get3A_1299, %get3A_1304 : vector<16xf32>
        %mul3A_1306 = arith.constant 0.00999999977 : f32
        %mul3A_1307 = vector.broadcast %mul3A_1306 : f32 to vector<16xf32>
        %mul3A_1308 = arith.mulf %mul3A_1307, %add3A_1305 : vector<16xf32>
        %max3A_1309 = arith.maximumf %add3A_1305, %mul3A_1308 : vector<16xf32>
        %swap3A_1310 = arith.index_cast %scan3A_1294 : i32 to index
        %swap3A_1311 = arith.constant 0 : index
        %swap3A_1312 = tpu.vector_load %arg11[%swap3A_1310, %swap3A_1311] {strides = array<i32>} : memref<416x128xf32, #tpu.memory_space<vmem>>, vector<16xf32>,
        tpu.vector_store %arg11[%swap3A_1310, %swap3A_1311], %max3A_1309 {strides = array<i32>} : memref<416x128xf32, #tpu.memory_space<vmem>>, vector<16xf32>,
        %mul3A_1313 = arith.mulf %max3A_1309, %get3A_14 : vector<16xf32>
        %add3A_1314 = arith.addf %broadcast_in_dim3A_1296, %mul3A_1313 : vector<16xf32>
        %get3A_1315 = arith.index_cast %scan3A_1294 : i32 to index
        %get3A_1316 = arith.constant 16 : index
        %get3A_1317 = tpu.vector_load %arg11[%get3A_1315, %get3A_1316] {strides = array<i32>} : memref<416x128xf32, #tpu.memory_space<vmem>>, vector<16xf32>,
        %add3A_1318 = arith.constant 208 : i32
        %add3A_1319 = arith.addi %add3A_1318, %scan3A_1294 : i32
        %get3A_1320 = arith.index_cast %add3A_1319 : i32 to index
        %get3A_1321 = arith.constant 16 : index
        %get3A_1322 = tpu.vector_load %arg11[%get3A_1320, %get3A_1321] {strides = array<i32>} : memref<416x128xf32, #tpu.memory_space<vmem>>, vector<16xf32>,
        %add3A_1323 = arith.addf %get3A_1317, %get3A_1322 : vector<16xf32>
        %mul3A_1324 = arith.constant 0.00999999977 : f32
        %mul3A_1325 = vector.broadcast %mul3A_1324 : f32 to vector<16xf32>
        %mul3A_1326 = arith.mulf %mul3A_1325, %add3A_1323 : vector<16xf32>
        %max3A_1327 = arith.maximumf %add3A_1323, %mul3A_1326 : vector<16xf32>
        %swap3A_1328 = arith.index_cast %scan3A_1294 : i32 to index
        %swap3A_1329 = arith.constant 16 : index
        %swap3A_1330 = tpu.vector_load %arg11[%swap3A_1328, %swap3A_1329] {strides = array<i32>} : memref<416x128xf32, #tpu.memory_space<vmem>>, vector<16xf32>,
        tpu.vector_store %arg11[%swap3A_1328, %swap3A_1329], %max3A_1327 {strides = array<i32>} : memref<416x128xf32, #tpu.memory_space<vmem>>, vector<16xf32>,
        %mul3A_1331 = arith.mulf %max3A_1327, %get3A_18 : vector<16xf32>
        %add3A_1332 = arith.addf %add3A_1314, %mul3A_1331 : vector<16xf32>
        %get3A_1333 = arith.index_cast %scan3A_1294 : i32 to index
        %get3A_1334 = arith.constant 32 : index
        %get3A_1335 = tpu.vector_load %arg11[%get3A_1333, %get3A_1334] {strides = array<i32>} : memref<416x128xf32, #tpu.memory_space<vmem>>, vector<16xf32>,
        %add3A_1336 = arith.constant 208 : i32
        %add3A_1337 = arith.addi %add3A_1336, %scan3A_1294 : i32
        %get3A_1338 = arith.index_cast %add3A_1337 : i32 to index
        %get3A_1339 = arith.constant 32 : index
        %get3A_1340 = tpu.vector_load %arg11[%get3A_1338, %get3A_1339] {strides = array<i32>} : memref<416x128xf32, #tpu.memory_space<vmem>>, vector<16xf32>,
        %add3A_1341 = arith.addf %get3A_1335, %get3A_1340 : vector<16xf32>
        %mul3A_1342 = arith.constant 0.00999999977 : f32
        %mul3A_1343 = vector.broadcast %mul3A_1342 : f32 to vector<16xf32>
        %mul3A_1344 = arith.mulf %mul3A_1343, %add3A_1341 : vector<16xf32>
        %max3A_1345 = arith.maximumf %add3A_1341, %mul3A_1344 : vector<16xf32>
        %swap3A_1346 = arith.index_cast %scan3A_1294 : i32 to index
        %swap3A_1347 = arith.constant 32 : index
        %swap3A_1348 = tpu.vector_load %arg11[%swap3A_1346, %swap3A_1347] {strides = array<i32>} : memref<416x128xf32, #tpu.memory_space<vmem>>, vector<16xf32>,
        tpu.vector_store %arg11[%swap3A_1346, %swap3A_1347], %max3A_1345 {strides = array<i32>} : memref<416x128xf32, #tpu.memory_space<vmem>>, vector<16xf32>,
        %mul3A_1349 = arith.mulf %max3A_1345, %get3A_22 : vector<16xf32>
        %add3A_1350 = arith.addf %add3A_1332, %mul3A_1349 : vector<16xf32>
        %get3A_1351 = arith.index_cast %scan3A_1294 : i32 to index
        %get3A_1352 = arith.constant 48 : index
        %get3A_1353 = tpu.vector_load %arg11[%get3A_1351, %get3A_1352] {strides = array<i32>} : memref<416x128xf32, #tpu.memory_space<vmem>>, vector<16xf32>,
        %add3A_1354 = arith.constant 208 : i32
        %add3A_1355 = arith.addi %add3A_1354, %scan3A_1294 : i32
        %get3A_1356 = arith.index_cast %add3A_1355 : i32 to index
        %get3A_1357 = arith.constant 48 : index
        %get3A_1358 = tpu.vector_load %arg11[%get3A_1356, %get3A_1357] {strides = array<i32>} : memref<416x128xf32, #tpu.memory_space<vmem>>, vector<16xf32>,
        %add3A_1359 = arith.addf %get3A_1353, %get3A_1358 : vector<16xf32>
        %mul3A_1360 = arith.constant 0.00999999977 : f32
        %mul3A_1361 = vector.broadcast %mul3A_1360 : f32 to vector<16xf32>
        %mul3A_1362 = arith.mulf %mul3A_1361, %add3A_1359 : vector<16xf32>
        %max3A_1363 = arith.maximumf %add3A_1359, %mul3A_1362 : vector<16xf32>
        %swap3A_1364 = arith.index_cast %scan3A_1294 : i32 to index
        %swap3A_1365 = arith.constant 48 : index
        %swap3A_1366 = tpu.vector_load %arg11[%swap3A_1364, %swap3A_1365] {strides = array<i32>} : memref<416x128xf32, #tpu.memory_space<vmem>>, vector<16xf32>,
        tpu.vector_store %arg11[%swap3A_1364, %swap3A_1365], %max3A_1363 {strides = array<i32>} : memref<416x128xf32, #tpu.memory_space<vmem>>, vector<16xf32>,
        %mul3A_1367 = arith.mulf %max3A_1363, %get3A_26 : vector<16xf32>
        %add3A_1368 = arith.addf %add3A_1350, %mul3A_1367 : vector<16xf32>
        %get3A_1369 = arith.index_cast %scan3A_1294 : i32 to index
        %get3A_1370 = arith.constant 64 : index
        %get3A_1371 = tpu.vector_load %arg11[%get3A_1369, %get3A_1370] {strides = array<i32>} : memref<416x128xf32, #tpu.memory_space<vmem>>, vector<16xf32>,
        %add3A_1372 = arith.constant 208 : i32
        %add3A_1373 = arith.addi %add3A_1372, %scan3A_1294 : i32
        %get3A_1374 = arith.index_cast %add3A_1373 : i32 to index
        %get3A_1375 = arith.constant 64 : index
        %get3A_1376 = tpu.vector_load %arg11[%get3A_1374, %get3A_1375] {strides = array<i32>} : memref<416x128xf32, #tpu.memory_space<vmem>>, vector<16xf32>,
        %add3A_1377 = arith.addf %get3A_1371, %get3A_1376 : vector<16xf32>
        %mul3A_1378 = arith.constant 0.00999999977 : f32
        %mul3A_1379 = vector.broadcast %mul3A_1378 : f32 to vector<16xf32>
        %mul3A_1380 = arith.mulf %mul3A_1379, %add3A_1377 : vector<16xf32>
        %max3A_1381 = arith.maximumf %add3A_1377, %mul3A_1380 : vector<16xf32>
        %swap3A_1382 = arith.index_cast %scan3A_1294 : i32 to index
        %swap3A_1383 = arith.constant 64 : index
        %swap3A_1384 = tpu.vector_load %arg11[%swap3A_1382, %swap3A_1383] {strides = array<i32>} : memref<416x128xf32, #tpu.memory_space<vmem>>, vector<16xf32>,
        tpu.vector_store %arg11[%swap3A_1382, %swap3A_1383], %max3A_1381 {strides = array<i32>} : memref<416x128xf32, #tpu.memory_space<vmem>>, vector<16xf32>,
        %mul3A_1385 = arith.mulf %max3A_1381, %get3A_30 : vector<16xf32>
        %add3A_1386 = arith.addf %add3A_1368, %mul3A_1385 : vector<16xf32>
        %get3A_1387 = arith.index_cast %scan3A_1294 : i32 to index
        %get3A_1388 = arith.constant 80 : index
        %get3A_1389 = tpu.vector_load %arg11[%get3A_1387, %get3A_1388] {strides = array<i32>} : memref<416x128xf32, #tpu.memory_space<vmem>>, vector<16xf32>,
        %add3A_1390 = arith.constant 208 : i32
        %add3A_1391 = arith.addi %add3A_1390, %scan3A_1294 : i32
        %get3A_1392 = arith.index_cast %add3A_1391 : i32 to index
        %get3A_1393 = arith.constant 80 : index
        %get3A_1394 = tpu.vector_load %arg11[%get3A_1392, %get3A_1393] {strides = array<i32>} : memref<416x128xf32, #tpu.memory_space<vmem>>, vector<16xf32>,
        %add3A_1395 = arith.addf %get3A_1389, %get3A_1394 : vector<16xf32>
        %mul3A_1396 = arith.constant 0.00999999977 : f32
        %mul3A_1397 = vector.broadcast %mul3A_1396 : f32 to vector<16xf32>
        %mul3A_1398 = arith.mulf %mul3A_1397, %add3A_1395 : vector<16xf32>
        %max3A_1399 = arith.maximumf %add3A_1395, %mul3A_1398 : vector<16xf32>
        %swap3A_1400 = arith.index_cast %scan3A_1294 : i32 to index
        %swap3A_1401 = arith.constant 80 : index
        %swap3A_1402 = tpu.vector_load %arg11[%swap3A_1400, %swap3A_1401] {strides = array<i32>} : memref<416x128xf32, #tpu.memory_space<vmem>>, vector<16xf32>,
        tpu.vector_store %arg11[%swap3A_1400, %swap3A_1401], %max3A_1399 {strides = array<i32>} : memref<416x128xf32, #tpu.memory_space<vmem>>, vector<16xf32>,
        %mul3A_1403 = arith.mulf %max3A_1399, %get3A_34 : vector<16xf32>
        %add3A_1404 = arith.addf %add3A_1386, %mul3A_1403 : vector<16xf32>
        %get3A_1405 = arith.index_cast %scan3A_1294 : i32 to index
        %get3A_1406 = arith.constant 96 : index
        %get3A_1407 = tpu.vector_load %arg11[%get3A_1405, %get3A_1406] {strides = array<i32>} : memref<416x128xf32, #tpu.memory_space<vmem>>, vector<16xf32>,
        %add3A_1408 = arith.constant 208 : i32
        %add3A_1409 = arith.addi %add3A_1408, %scan3A_1294 : i32
        %get3A_1410 = arith.index_cast %add3A_1409 : i32 to index
        %get3A_1411 = arith.constant 96 : index
        %get3A_1412 = tpu.vector_load %arg11[%get3A_1410, %get3A_1411] {strides = array<i32>} : memref<416x128xf32, #tpu.memory_space<vmem>>, vector<16xf32>,
        %add3A_1413 = arith.addf %get3A_1407, %get3A_1412 : vector<16xf32>
        %mul3A_1414 = arith.constant 0.00999999977 : f32
        %mul3A_1415 = vector.broadcast %mul3A_1414 : f32 to vector<16xf32>
        %mul3A_1416 = arith.mulf %mul3A_1415, %add3A_1413 : vector<16xf32>
        %max3A_1417 = arith.maximumf %add3A_1413, %mul3A_1416 : vector<16xf32>
        %swap3A_1418 = arith.index_cast %scan3A_1294 : i32 to index
        %swap3A_1419 = arith.constant 96 : index
        %swap3A_1420 = tpu.vector_load %arg11[%swap3A_1418, %swap3A_1419] {strides = array<i32>} : memref<416x128xf32, #tpu.memory_space<vmem>>, vector<16xf32>,
        tpu.vector_store %arg11[%swap3A_1418, %swap3A_1419], %max3A_1417 {strides = array<i32>} : memref<416x128xf32, #tpu.memory_space<vmem>>, vector<16xf32>,
        %mul3A_1421 = arith.mulf %max3A_1417, %get3A_38 : vector<16xf32>
        %add3A_1422 = arith.addf %add3A_1404, %mul3A_1421 : vector<16xf32>
        %get3A_1423 = arith.index_cast %scan3A_1294 : i32 to index
        %get3A_1424 = arith.constant 112 : index
        %get3A_1425 = tpu.vector_load %arg11[%get3A_1423, %get3A_1424] {strides = array<i32>} : memref<416x128xf32, #tpu.memory_space<vmem>>, vector<16xf32>,
        %add3A_1426 = arith.constant 208 : i32
        %add3A_1427 = arith.addi %add3A_1426, %scan3A_1294 : i32
        %get3A_1428 = arith.index_cast %add3A_1427 : i32 to index
        %get3A_1429 = arith.constant 112 : index
        %get3A_1430 = tpu.vector_load %arg11[%get3A_1428, %get3A_1429] {strides = array<i32>} : memref<416x128xf32, #tpu.memory_space<vmem>>, vector<16xf32>,
        %add3A_1431 = arith.addf %get3A_1425, %get3A_1430 : vector<16xf32>
        %mul3A_1432 = arith.constant 0.00999999977 : f32
        %mul3A_1433 = vector.broadcast %mul3A_1432 : f32 to vector<16xf32>
        %mul3A_1434 = arith.mulf %mul3A_1433, %add3A_1431 : vector<16xf32>
        %max3A_1435 = arith.maximumf %add3A_1431, %mul3A_1434 : vector<16xf32>
        %swap3A_1436 = arith.index_cast %scan3A_1294 : i32 to index
        %swap3A_1437 = arith.constant 112 : index
        %swap3A_1438 = tpu.vector_load %arg11[%swap3A_1436, %swap3A_1437] {strides = array<i32>} : memref<416x128xf32, #tpu.memory_space<vmem>>, vector<16xf32>,
        tpu.vector_store %arg11[%swap3A_1436, %swap3A_1437], %max3A_1435 {strides = array<i32>} : memref<416x128xf32, #tpu.memory_space<vmem>>, vector<16xf32>,
        %mul3A_1439 = arith.mulf %max3A_1435, %get3A_42 : vector<16xf32>
        %add3A_1440 = arith.addf %add3A_1422, %mul3A_1439 : vector<16xf32>
        %broadcast_in_dim3A_1441 = vector.broadcast %scan3A_1294 : i32 to vector<16xi32>
        %reduce_sum3A_1442 = arith.constant true
        %reduce_sum3A_1443 = vector.broadcast %reduce_sum3A_1442 : i1 to vector<16xi1>
        %reduce_sum3A_1444 = tpu.scan <sum>, %add3A_1440 masked %reduce_sum3A_1443 : vector<16xf32>, vector<16xi1> -> vector<16xf32>
        %reduce_sum3A_1445 = vector.extract %reduce_sum3A_1444[15] : f32 from vector<16xf32>
        %broadcast_in_dim3A_1446 = vector.broadcast %reduce_sum3A_1445 : f32 to vector<16xf32>
        tpu.vector_store_idx %arg12[%broadcast_in_dim3A_1441], %broadcast_in_dim3A_1446 masked %lt3A_11 : memref<208xf32, #tpu.memory_space<vmem>>[vector<16xi32>], vector<16xf32>, vector<16xi1>
        %scan3A_1447 = arith.constant 0 : i32
        %scan3A_1448 = arith.constant 3 : i32
        %scan3A_1449 = arith.addi %scan3A_983, %scan3A_1448 : i32
        %broadcast_in_dim3A_1450 = arith.constant 0.000000e+00 : f32
        %broadcast_in_dim3A_1451 = vector.broadcast %broadcast_in_dim3A_1450 : f32 to vector<16xf32>
        %get3A_1452 = arith.index_cast %scan3A_1449 : i32 to index
        %get3A_1453 = arith.constant 0 : index
        %get3A_1454 = tpu.vector_load %arg11[%get3A_1452, %get3A_1453] {strides = array<i32>} : memref<416x128xf32, #tpu.memory_space<vmem>>, vector<16xf32>,
        %add3A_1455 = arith.constant 208 : i32
        %add3A_1456 = arith.addi %add3A_1455, %scan3A_1449 : i32
        %get3A_1457 = arith.index_cast %add3A_1456 : i32 to index
        %get3A_1458 = arith.constant 0 : index
        %get3A_1459 = tpu.vector_load %arg11[%get3A_1457, %get3A_1458] {strides = array<i32>} : memref<416x128xf32, #tpu.memory_space<vmem>>, vector<16xf32>,
        %add3A_1460 = arith.addf %get3A_1454, %get3A_1459 : vector<16xf32>
        %mul3A_1461 = arith.constant 0.00999999977 : f32
        %mul3A_1462 = vector.broadcast %mul3A_1461 : f32 to vector<16xf32>
        %mul3A_1463 = arith.mulf %mul3A_1462, %add3A_1460 : vector<16xf32>
        %max3A_1464 = arith.maximumf %add3A_1460, %mul3A_1463 : vector<16xf32>
        %swap3A_1465 = arith.index_cast %scan3A_1449 : i32 to index
        %swap3A_1466 = arith.constant 0 : index
        %swap3A_1467 = tpu.vector_load %arg11[%swap3A_1465, %swap3A_1466] {strides = array<i32>} : memref<416x128xf32, #tpu.memory_space<vmem>>, vector<16xf32>,
        tpu.vector_store %arg11[%swap3A_1465, %swap3A_1466], %max3A_1464 {strides = array<i32>} : memref<416x128xf32, #tpu.memory_space<vmem>>, vector<16xf32>,
        %mul3A_1468 = arith.mulf %max3A_1464, %get3A_14 : vector<16xf32>
        %add3A_1469 = arith.addf %broadcast_in_dim3A_1451, %mul3A_1468 : vector<16xf32>
        %get3A_1470 = arith.index_cast %scan3A_1449 : i32 to index
        %get3A_1471 = arith.constant 16 : index
        %get3A_1472 = tpu.vector_load %arg11[%get3A_1470, %get3A_1471] {strides = array<i32>} : memref<416x128xf32, #tpu.memory_space<vmem>>, vector<16xf32>,
        %add3A_1473 = arith.constant 208 : i32
        %add3A_1474 = arith.addi %add3A_1473, %scan3A_1449 : i32
        %get3A_1475 = arith.index_cast %add3A_1474 : i32 to index
        %get3A_1476 = arith.constant 16 : index
        %get3A_1477 = tpu.vector_load %arg11[%get3A_1475, %get3A_1476] {strides = array<i32>} : memref<416x128xf32, #tpu.memory_space<vmem>>, vector<16xf32>,
        %add3A_1478 = arith.addf %get3A_1472, %get3A_1477 : vector<16xf32>
        %mul3A_1479 = arith.constant 0.00999999977 : f32
        %mul3A_1480 = vector.broadcast %mul3A_1479 : f32 to vector<16xf32>
        %mul3A_1481 = arith.mulf %mul3A_1480, %add3A_1478 : vector<16xf32>
        %max3A_1482 = arith.maximumf %add3A_1478, %mul3A_1481 : vector<16xf32>
        %swap3A_1483 = arith.index_cast %scan3A_1449 : i32 to index
        %swap3A_1484 = arith.constant 16 : index
        %swap3A_1485 = tpu.vector_load %arg11[%swap3A_1483, %swap3A_1484] {strides = array<i32>} : memref<416x128xf32, #tpu.memory_space<vmem>>, vector<16xf32>,
        tpu.vector_store %arg11[%swap3A_1483, %swap3A_1484], %max3A_1482 {strides = array<i32>} : memref<416x128xf32, #tpu.memory_space<vmem>>, vector<16xf32>,
        %mul3A_1486 = arith.mulf %max3A_1482, %get3A_18 : vector<16xf32>
        %add3A_1487 = arith.addf %add3A_1469, %mul3A_1486 : vector<16xf32>
        %get3A_1488 = arith.index_cast %scan3A_1449 : i32 to index
        %get3A_1489 = arith.constant 32 : index
        %get3A_1490 = tpu.vector_load %arg11[%get3A_1488, %get3A_1489] {strides = array<i32>} : memref<416x128xf32, #tpu.memory_space<vmem>>, vector<16xf32>,
        %add3A_1491 = arith.constant 208 : i32
        %add3A_1492 = arith.addi %add3A_1491, %scan3A_1449 : i32
        %get3A_1493 = arith.index_cast %add3A_1492 : i32 to index
        %get3A_1494 = arith.constant 32 : index
        %get3A_1495 = tpu.vector_load %arg11[%get3A_1493, %get3A_1494] {strides = array<i32>} : memref<416x128xf32, #tpu.memory_space<vmem>>, vector<16xf32>,
        %add3A_1496 = arith.addf %get3A_1490, %get3A_1495 : vector<16xf32>
        %mul3A_1497 = arith.constant 0.00999999977 : f32
        %mul3A_1498 = vector.broadcast %mul3A_1497 : f32 to vector<16xf32>
        %mul3A_1499 = arith.mulf %mul3A_1498, %add3A_1496 : vector<16xf32>
        %max3A_1500 = arith.maximumf %add3A_1496, %mul3A_1499 : vector<16xf32>
        %swap3A_1501 = arith.index_cast %scan3A_1449 : i32 to index
        %swap3A_1502 = arith.constant 32 : index
        %swap3A_1503 = tpu.vector_load %arg11[%swap3A_1501, %swap3A_1502] {strides = array<i32>} : memref<416x128xf32, #tpu.memory_space<vmem>>, vector<16xf32>,
        tpu.vector_store %arg11[%swap3A_1501, %swap3A_1502], %max3A_1500 {strides = array<i32>} : memref<416x128xf32, #tpu.memory_space<vmem>>, vector<16xf32>,
        %mul3A_1504 = arith.mulf %max3A_1500, %get3A_22 : vector<16xf32>
        %add3A_1505 = arith.addf %add3A_1487, %mul3A_1504 : vector<16xf32>
        %get3A_1506 = arith.index_cast %scan3A_1449 : i32 to index
        %get3A_1507 = arith.constant 48 : index
        %get3A_1508 = tpu.vector_load %arg11[%get3A_1506, %get3A_1507] {strides = array<i32>} : memref<416x128xf32, #tpu.memory_space<vmem>>, vector<16xf32>,
        %add3A_1509 = arith.constant 208 : i32
        %add3A_1510 = arith.addi %add3A_1509, %scan3A_1449 : i32
        %get3A_1511 = arith.index_cast %add3A_1510 : i32 to index
        %get3A_1512 = arith.constant 48 : index
        %get3A_1513 = tpu.vector_load %arg11[%get3A_1511, %get3A_1512] {strides = array<i32>} : memref<416x128xf32, #tpu.memory_space<vmem>>, vector<16xf32>,
        %add3A_1514 = arith.addf %get3A_1508, %get3A_1513 : vector<16xf32>
        %mul3A_1515 = arith.constant 0.00999999977 : f32
        %mul3A_1516 = vector.broadcast %mul3A_1515 : f32 to vector<16xf32>
        %mul3A_1517 = arith.mulf %mul3A_1516, %add3A_1514 : vector<16xf32>
        %max3A_1518 = arith.maximumf %add3A_1514, %mul3A_1517 : vector<16xf32>
        %swap3A_1519 = arith.index_cast %scan3A_1449 : i32 to index
        %swap3A_1520 = arith.constant 48 : index
        %swap3A_1521 = tpu.vector_load %arg11[%swap3A_1519, %swap3A_1520] {strides = array<i32>} : memref<416x128xf32, #tpu.memory_space<vmem>>, vector<16xf32>,
        tpu.vector_store %arg11[%swap3A_1519, %swap3A_1520], %max3A_1518 {strides = array<i32>} : memref<416x128xf32, #tpu.memory_space<vmem>>, vector<16xf32>,
        %mul3A_1522 = arith.mulf %max3A_1518, %get3A_26 : vector<16xf32>
        %add3A_1523 = arith.addf %add3A_1505, %mul3A_1522 : vector<16xf32>
        %get3A_1524 = arith.index_cast %scan3A_1449 : i32 to index
        %get3A_1525 = arith.constant 64 : index
        %get3A_1526 = tpu.vector_load %arg11[%get3A_1524, %get3A_1525] {strides = array<i32>} : memref<416x128xf32, #tpu.memory_space<vmem>>, vector<16xf32>,
        %add3A_1527 = arith.constant 208 : i32
        %add3A_1528 = arith.addi %add3A_1527, %scan3A_1449 : i32
        %get3A_1529 = arith.index_cast %add3A_1528 : i32 to index
        %get3A_1530 = arith.constant 64 : index
        %get3A_1531 = tpu.vector_load %arg11[%get3A_1529, %get3A_1530] {strides = array<i32>} : memref<416x128xf32, #tpu.memory_space<vmem>>, vector<16xf32>,
        %add3A_1532 = arith.addf %get3A_1526, %get3A_1531 : vector<16xf32>
        %mul3A_1533 = arith.constant 0.00999999977 : f32
        %mul3A_1534 = vector.broadcast %mul3A_1533 : f32 to vector<16xf32>
        %mul3A_1535 = arith.mulf %mul3A_1534, %add3A_1532 : vector<16xf32>
        %max3A_1536 = arith.maximumf %add3A_1532, %mul3A_1535 : vector<16xf32>
        %swap3A_1537 = arith.index_cast %scan3A_1449 : i32 to index
        %swap3A_1538 = arith.constant 64 : index
        %swap3A_1539 = tpu.vector_load %arg11[%swap3A_1537, %swap3A_1538] {strides = array<i32>} : memref<416x128xf32, #tpu.memory_space<vmem>>, vector<16xf32>,
        tpu.vector_store %arg11[%swap3A_1537, %swap3A_1538], %max3A_1536 {strides = array<i32>} : memref<416x128xf32, #tpu.memory_space<vmem>>, vector<16xf32>,
        %mul3A_1540 = arith.mulf %max3A_1536, %get3A_30 : vector<16xf32>
        %add3A_1541 = arith.addf %add3A_1523, %mul3A_1540 : vector<16xf32>
        %get3A_1542 = arith.index_cast %scan3A_1449 : i32 to index
        %get3A_1543 = arith.constant 80 : index
        %get3A_1544 = tpu.vector_load %arg11[%get3A_1542, %get3A_1543] {strides = array<i32>} : memref<416x128xf32, #tpu.memory_space<vmem>>, vector<16xf32>,
        %add3A_1545 = arith.constant 208 : i32
        %add3A_1546 = arith.addi %add3A_1545, %scan3A_1449 : i32
        %get3A_1547 = arith.index_cast %add3A_1546 : i32 to index
        %get3A_1548 = arith.constant 80 : index
        %get3A_1549 = tpu.vector_load %arg11[%get3A_1547, %get3A_1548] {strides = array<i32>} : memref<416x128xf32, #tpu.memory_space<vmem>>, vector<16xf32>,
        %add3A_1550 = arith.addf %get3A_1544, %get3A_1549 : vector<16xf32>
        %mul3A_1551 = arith.constant 0.00999999977 : f32
        %mul3A_1552 = vector.broadcast %mul3A_1551 : f32 to vector<16xf32>
        %mul3A_1553 = arith.mulf %mul3A_1552, %add3A_1550 : vector<16xf32>
        %max3A_1554 = arith.maximumf %add3A_1550, %mul3A_1553 : vector<16xf32>
        %swap3A_1555 = arith.index_cast %scan3A_1449 : i32 to index
        %swap3A_1556 = arith.constant 80 : index
        %swap3A_1557 = tpu.vector_load %arg11[%swap3A_1555, %swap3A_1556] {strides = array<i32>} : memref<416x128xf32, #tpu.memory_space<vmem>>, vector<16xf32>,
        tpu.vector_store %arg11[%swap3A_1555, %swap3A_1556], %max3A_1554 {strides = array<i32>} : memref<416x128xf32, #tpu.memory_space<vmem>>, vector<16xf32>,
        %mul3A_1558 = arith.mulf %max3A_1554, %get3A_34 : vector<16xf32>
        %add3A_1559 = arith.addf %add3A_1541, %mul3A_1558 : vector<16xf32>
        %get3A_1560 = arith.index_cast %scan3A_1449 : i32 to index
        %get3A_1561 = arith.constant 96 : index
        %get3A_1562 = tpu.vector_load %arg11[%get3A_1560, %get3A_1561] {strides = array<i32>} : memref<416x128xf32, #tpu.memory_space<vmem>>, vector<16xf32>,
        %add3A_1563 = arith.constant 208 : i32
        %add3A_1564 = arith.addi %add3A_1563, %scan3A_1449 : i32
        %get3A_1565 = arith.index_cast %add3A_1564 : i32 to index
        %get3A_1566 = arith.constant 96 : index
        %get3A_1567 = tpu.vector_load %arg11[%get3A_1565, %get3A_1566] {strides = array<i32>} : memref<416x128xf32, #tpu.memory_space<vmem>>, vector<16xf32>,
        %add3A_1568 = arith.addf %get3A_1562, %get3A_1567 : vector<16xf32>
        %mul3A_1569 = arith.constant 0.00999999977 : f32
        %mul3A_1570 = vector.broadcast %mul3A_1569 : f32 to vector<16xf32>
        %mul3A_1571 = arith.mulf %mul3A_1570, %add3A_1568 : vector<16xf32>
        %max3A_1572 = arith.maximumf %add3A_1568, %mul3A_1571 : vector<16xf32>
        %swap3A_1573 = arith.index_cast %scan3A_1449 : i32 to index
        %swap3A_1574 = arith.constant 96 : index
        %swap3A_1575 = tpu.vector_load %arg11[%swap3A_1573, %swap3A_1574] {strides = array<i32>} : memref<416x128xf32, #tpu.memory_space<vmem>>, vector<16xf32>,
        tpu.vector_store %arg11[%swap3A_1573, %swap3A_1574], %max3A_1572 {strides = array<i32>} : memref<416x128xf32, #tpu.memory_space<vmem>>, vector<16xf32>,
        %mul3A_1576 = arith.mulf %max3A_1572, %get3A_38 : vector<16xf32>
        %add3A_1577 = arith.addf %add3A_1559, %mul3A_1576 : vector<16xf32>
        %get3A_1578 = arith.index_cast %scan3A_1449 : i32 to index
        %get3A_1579 = arith.constant 112 : index
        %get3A_1580 = tpu.vector_load %arg11[%get3A_1578, %get3A_1579] {strides = array<i32>} : memref<416x128xf32, #tpu.memory_space<vmem>>, vector<16xf32>,
        %add3A_1581 = arith.constant 208 : i32
        %add3A_1582 = arith.addi %add3A_1581, %scan3A_1449 : i32
        %get3A_1583 = arith.index_cast %add3A_1582 : i32 to index
        %get3A_1584 = arith.constant 112 : index
        %get3A_1585 = tpu.vector_load %arg11[%get3A_1583, %get3A_1584] {strides = array<i32>} : memref<416x128xf32, #tpu.memory_space<vmem>>, vector<16xf32>,
        %add3A_1586 = arith.addf %get3A_1580, %get3A_1585 : vector<16xf32>
        %mul3A_1587 = arith.constant 0.00999999977 : f32
        %mul3A_1588 = vector.broadcast %mul3A_1587 : f32 to vector<16xf32>
        %mul3A_1589 = arith.mulf %mul3A_1588, %add3A_1586 : vector<16xf32>
        %max3A_1590 = arith.maximumf %add3A_1586, %mul3A_1589 : vector<16xf32>
        %swap3A_1591 = arith.index_cast %scan3A_1449 : i32 to index
        %swap3A_1592 = arith.constant 112 : index
        %swap3A_1593 = tpu.vector_load %arg11[%swap3A_1591, %swap3A_1592] {strides = array<i32>} : memref<416x128xf32, #tpu.memory_space<vmem>>, vector<16xf32>,
        tpu.vector_store %arg11[%swap3A_1591, %swap3A_1592], %max3A_1590 {strides = array<i32>} : memref<416x128xf32, #tpu.memory_space<vmem>>, vector<16xf32>,
        %mul3A_1594 = arith.mulf %max3A_1590, %get3A_42 : vector<16xf32>
        %add3A_1595 = arith.addf %add3A_1577, %mul3A_1594 : vector<16xf32>
        %broadcast_in_dim3A_1596 = vector.broadcast %scan3A_1449 : i32 to vector<16xi32>
        %reduce_sum3A_1597 = arith.constant true
        %reduce_sum3A_1598 = vector.broadcast %reduce_sum3A_1597 : i1 to vector<16xi1>
        %reduce_sum3A_1599 = tpu.scan <sum>, %add3A_1595 masked %reduce_sum3A_1598 : vector<16xf32>, vector<16xi1> -> vector<16xf32>
        %reduce_sum3A_1600 = vector.extract %reduce_sum3A_1599[15] : f32 from vector<16xf32>
        %broadcast_in_dim3A_1601 = vector.broadcast %reduce_sum3A_1600 : f32 to vector<16xf32>
        tpu.vector_store_idx %arg12[%broadcast_in_dim3A_1596], %broadcast_in_dim3A_1601 masked %lt3A_11 : memref<208xf32, #tpu.memory_space<vmem>>[vector<16xi32>], vector<16xf32>, vector<16xi1>
        %scan3A_1602 = arith.constant 0 : i32
        scf.yield %scan3A_1602 : i32
      }
      %scan3A_655 = arith.constant 200 : i32
      %get3A_656 = arith.constant 0 : index
      %get3A_657 = tpu.vector_load %arg12[%get3A_656] {strides = array<i32>} : memref<208xf32, #tpu.memory_space<vmem>>, vector<16xf32>,
      %get3A_658 = arith.constant 16 : index
      %get3A_659 = tpu.vector_load %arg12[%get3A_658] {strides = array<i32>} : memref<208xf32, #tpu.memory_space<vmem>>, vector<16xf32>,
      %get3A_660 = arith.constant 32 : index
      %get3A_661 = tpu.vector_load %arg12[%get3A_660] {strides = array<i32>} : memref<208xf32, #tpu.memory_space<vmem>>, vector<16xf32>,
      %get3A_662 = arith.constant 48 : index
      %get3A_663 = tpu.vector_load %arg12[%get3A_662] {strides = array<i32>} : memref<208xf32, #tpu.memory_space<vmem>>, vector<16xf32>,
      %get3A_664 = arith.constant 64 : index
      %get3A_665 = tpu.vector_load %arg12[%get3A_664] {strides = array<i32>} : memref<208xf32, #tpu.memory_space<vmem>>, vector<16xf32>,
      %get3A_666 = arith.constant 80 : index
      %get3A_667 = tpu.vector_load %arg12[%get3A_666] {strides = array<i32>} : memref<208xf32, #tpu.memory_space<vmem>>, vector<16xf32>,
      %get3A_668 = arith.constant 96 : index
      %get3A_669 = tpu.vector_load %arg12[%get3A_668] {strides = array<i32>} : memref<208xf32, #tpu.memory_space<vmem>>, vector<16xf32>,
      %get3A_670 = arith.constant 112 : index
      %get3A_671 = tpu.vector_load %arg12[%get3A_670] {strides = array<i32>} : memref<208xf32, #tpu.memory_space<vmem>>, vector<16xf32>,
      %get3A_672 = arith.constant 128 : index
      %get3A_673 = tpu.vector_load %arg12[%get3A_672] {strides = array<i32>} : memref<208xf32, #tpu.memory_space<vmem>>, vector<16xf32>,
      %get3A_674 = arith.constant 144 : index
      %get3A_675 = tpu.vector_load %arg12[%get3A_674] {strides = array<i32>} : memref<208xf32, #tpu.memory_space<vmem>>, vector<16xf32>,
      %get3A_676 = arith.constant 160 : index
      %get3A_677 = tpu.vector_load %arg12[%get3A_676] {strides = array<i32>} : memref<208xf32, #tpu.memory_space<vmem>>, vector<16xf32>,
      %get3A_678 = arith.constant 176 : index
      %get3A_679 = tpu.vector_load %arg12[%get3A_678] {strides = array<i32>} : memref<208xf32, #tpu.memory_space<vmem>>, vector<16xf32>,
      %get3A_680 = arith.constant 192 : index
      %get3A_681 = tpu.vector_load %arg12[%get3A_680] {strides = array<i32>} : memref<208xf32, #tpu.memory_space<vmem>>, vector<16xf32>,
      %max3A_682 = arith.maximumf %get3A_657, %get3A_659 : vector<16xf32>
      %max3A_683 = arith.maximumf %max3A_682, %get3A_661 : vector<16xf32>
      %max3A_684 = arith.maximumf %max3A_683, %get3A_663 : vector<16xf32>
      %max3A_685 = arith.maximumf %max3A_684, %get3A_665 : vector<16xf32>
      %max3A_686 = arith.maximumf %max3A_685, %get3A_667 : vector<16xf32>
      %max3A_687 = arith.maximumf %max3A_686, %get3A_669 : vector<16xf32>
      %max3A_688 = arith.maximumf %max3A_687, %get3A_671 : vector<16xf32>
      %max3A_689 = arith.maximumf %max3A_688, %get3A_673 : vector<16xf32>
      %max3A_690 = arith.maximumf %max3A_689, %get3A_675 : vector<16xf32>
      %max3A_691 = arith.maximumf %max3A_690, %get3A_677 : vector<16xf32>
      %max3A_692 = arith.maximumf %max3A_691, %get3A_679 : vector<16xf32>
      %max3A_693 = arith.maximumf %max3A_692, %get3A_681 : vector<16xf32>
      %reduce_max3A_694 = arith.constant true
      %reduce_max3A_695 = vector.broadcast %reduce_max3A_694 : i1 to vector<16xi1>
      %reduce_max3A_696 = tpu.scan <max>, %max3A_693 masked %reduce_max3A_695 : vector<16xf32>, vector<16xi1> -> vector<16xf32>
      %reduce_max3A_697 = vector.extract %reduce_max3A_696[15] : f32 from vector<16xf32>
      %broadcast_in_dim3A_698 = arith.constant 0.000000e+00 : f32
      %broadcast_in_dim3A_699 = vector.broadcast %broadcast_in_dim3A_698 : f32 to vector<16xf32>
      %sub3A_700 = vector.broadcast %reduce_max3A_697 : f32 to vector<16xf32>
      %sub3A_701 = arith.subf %get3A_657, %sub3A_700 : vector<16xf32>
      %exp3A_702 = math.exp %sub3A_701 : vector<16xf32>
      %swap3A_703 = arith.constant 0 : index
      %swap3A_704 = tpu.vector_load %arg13[%swap3A_703] {strides = array<i32>} : memref<208xf32, #tpu.memory_space<vmem>>, vector<16xf32>,
      tpu.vector_store %arg13[%swap3A_703], %exp3A_702 {strides = array<i32>} : memref<208xf32, #tpu.memory_space<vmem>>, vector<16xf32>,
      %add3A_705 = arith.addf %broadcast_in_dim3A_699, %exp3A_702 : vector<16xf32>
      %sub3A_706 = vector.broadcast %reduce_max3A_697 : f32 to vector<16xf32>
      %sub3A_707 = arith.subf %get3A_659, %sub3A_706 : vector<16xf32>
      %exp3A_708 = math.exp %sub3A_707 : vector<16xf32>
      %swap3A_709 = arith.constant 16 : index
      %swap3A_710 = tpu.vector_load %arg13[%swap3A_709] {strides = array<i32>} : memref<208xf32, #tpu.memory_space<vmem>>, vector<16xf32>,
      tpu.vector_store %arg13[%swap3A_709], %exp3A_708 {strides = array<i32>} : memref<208xf32, #tpu.memory_space<vmem>>, vector<16xf32>,
      %add3A_711 = arith.addf %add3A_705, %exp3A_708 : vector<16xf32>
      %sub3A_712 = vector.broadcast %reduce_max3A_697 : f32 to vector<16xf32>
      %sub3A_713 = arith.subf %get3A_661, %sub3A_712 : vector<16xf32>
      %exp3A_714 = math.exp %sub3A_713 : vector<16xf32>
      %swap3A_715 = arith.constant 32 : index
      %swap3A_716 = tpu.vector_load %arg13[%swap3A_715] {strides = array<i32>} : memref<208xf32, #tpu.memory_space<vmem>>, vector<16xf32>,
      tpu.vector_store %arg13[%swap3A_715], %exp3A_714 {strides = array<i32>} : memref<208xf32, #tpu.memory_space<vmem>>, vector<16xf32>,
      %add3A_717 = arith.addf %add3A_711, %exp3A_714 : vector<16xf32>
      %sub3A_718 = vector.broadcast %reduce_max3A_697 : f32 to vector<16xf32>
      %sub3A_719 = arith.subf %get3A_663, %sub3A_718 : vector<16xf32>
      %exp3A_720 = math.exp %sub3A_719 : vector<16xf32>
      %swap3A_721 = arith.constant 48 : index
      %swap3A_722 = tpu.vector_load %arg13[%swap3A_721] {strides = array<i32>} : memref<208xf32, #tpu.memory_space<vmem>>, vector<16xf32>,
      tpu.vector_store %arg13[%swap3A_721], %exp3A_720 {strides = array<i32>} : memref<208xf32, #tpu.memory_space<vmem>>, vector<16xf32>,
      %add3A_723 = arith.addf %add3A_717, %exp3A_720 : vector<16xf32>
      %sub3A_724 = vector.broadcast %reduce_max3A_697 : f32 to vector<16xf32>
      %sub3A_725 = arith.subf %get3A_665, %sub3A_724 : vector<16xf32>
      %exp3A_726 = math.exp %sub3A_725 : vector<16xf32>
      %swap3A_727 = arith.constant 64 : index
      %swap3A_728 = tpu.vector_load %arg13[%swap3A_727] {strides = array<i32>} : memref<208xf32, #tpu.memory_space<vmem>>, vector<16xf32>,
      tpu.vector_store %arg13[%swap3A_727], %exp3A_726 {strides = array<i32>} : memref<208xf32, #tpu.memory_space<vmem>>, vector<16xf32>,
      %add3A_729 = arith.addf %add3A_723, %exp3A_726 : vector<16xf32>
      %sub3A_730 = vector.broadcast %reduce_max3A_697 : f32 to vector<16xf32>
      %sub3A_731 = arith.subf %get3A_667, %sub3A_730 : vector<16xf32>
      %exp3A_732 = math.exp %sub3A_731 : vector<16xf32>
      %swap3A_733 = arith.constant 80 : index
      %swap3A_734 = tpu.vector_load %arg13[%swap3A_733] {strides = array<i32>} : memref<208xf32, #tpu.memory_space<vmem>>, vector<16xf32>,
      tpu.vector_store %arg13[%swap3A_733], %exp3A_732 {strides = array<i32>} : memref<208xf32, #tpu.memory_space<vmem>>, vector<16xf32>,
      %add3A_735 = arith.addf %add3A_729, %exp3A_732 : vector<16xf32>
      %sub3A_736 = vector.broadcast %reduce_max3A_697 : f32 to vector<16xf32>
      %sub3A_737 = arith.subf %get3A_669, %sub3A_736 : vector<16xf32>
      %exp3A_738 = math.exp %sub3A_737 : vector<16xf32>
      %swap3A_739 = arith.constant 96 : index
      %swap3A_740 = tpu.vector_load %arg13[%swap3A_739] {strides = array<i32>} : memref<208xf32, #tpu.memory_space<vmem>>, vector<16xf32>,
      tpu.vector_store %arg13[%swap3A_739], %exp3A_738 {strides = array<i32>} : memref<208xf32, #tpu.memory_space<vmem>>, vector<16xf32>,
      %add3A_741 = arith.addf %add3A_735, %exp3A_738 : vector<16xf32>
      %sub3A_742 = vector.broadcast %reduce_max3A_697 : f32 to vector<16xf32>
      %sub3A_743 = arith.subf %get3A_671, %sub3A_742 : vector<16xf32>
      %exp3A_744 = math.exp %sub3A_743 : vector<16xf32>
      %swap3A_745 = arith.constant 112 : index
      %swap3A_746 = tpu.vector_load %arg13[%swap3A_745] {strides = array<i32>} : memref<208xf32, #tpu.memory_space<vmem>>, vector<16xf32>,
      tpu.vector_store %arg13[%swap3A_745], %exp3A_744 {strides = array<i32>} : memref<208xf32, #tpu.memory_space<vmem>>, vector<16xf32>,
      %add3A_747 = arith.addf %add3A_741, %exp3A_744 : vector<16xf32>
      %sub3A_748 = vector.broadcast %reduce_max3A_697 : f32 to vector<16xf32>
      %sub3A_749 = arith.subf %get3A_673, %sub3A_748 : vector<16xf32>
      %exp3A_750 = math.exp %sub3A_749 : vector<16xf32>
      %swap3A_751 = arith.constant 128 : index
      %swap3A_752 = tpu.vector_load %arg13[%swap3A_751] {strides = array<i32>} : memref<208xf32, #tpu.memory_space<vmem>>, vector<16xf32>,
      tpu.vector_store %arg13[%swap3A_751], %exp3A_750 {strides = array<i32>} : memref<208xf32, #tpu.memory_space<vmem>>, vector<16xf32>,
      %add3A_753 = arith.addf %add3A_747, %exp3A_750 : vector<16xf32>
      %sub3A_754 = vector.broadcast %reduce_max3A_697 : f32 to vector<16xf32>
      %sub3A_755 = arith.subf %get3A_675, %sub3A_754 : vector<16xf32>
      %exp3A_756 = math.exp %sub3A_755 : vector<16xf32>
      %swap3A_757 = arith.constant 144 : index
      %swap3A_758 = tpu.vector_load %arg13[%swap3A_757] {strides = array<i32>} : memref<208xf32, #tpu.memory_space<vmem>>, vector<16xf32>,
      tpu.vector_store %arg13[%swap3A_757], %exp3A_756 {strides = array<i32>} : memref<208xf32, #tpu.memory_space<vmem>>, vector<16xf32>,
      %add3A_759 = arith.addf %add3A_753, %exp3A_756 : vector<16xf32>
      %sub3A_760 = vector.broadcast %reduce_max3A_697 : f32 to vector<16xf32>
      %sub3A_761 = arith.subf %get3A_677, %sub3A_760 : vector<16xf32>
      %exp3A_762 = math.exp %sub3A_761 : vector<16xf32>
      %swap3A_763 = arith.constant 160 : index
      %swap3A_764 = tpu.vector_load %arg13[%swap3A_763] {strides = array<i32>} : memref<208xf32, #tpu.memory_space<vmem>>, vector<16xf32>,
      tpu.vector_store %arg13[%swap3A_763], %exp3A_762 {strides = array<i32>} : memref<208xf32, #tpu.memory_space<vmem>>, vector<16xf32>,
      %add3A_765 = arith.addf %add3A_759, %exp3A_762 : vector<16xf32>
      %sub3A_766 = vector.broadcast %reduce_max3A_697 : f32 to vector<16xf32>
      %sub3A_767 = arith.subf %get3A_679, %sub3A_766 : vector<16xf32>
      %exp3A_768 = math.exp %sub3A_767 : vector<16xf32>
      %swap3A_769 = arith.constant 176 : index
      %swap3A_770 = tpu.vector_load %arg13[%swap3A_769] {strides = array<i32>} : memref<208xf32, #tpu.memory_space<vmem>>, vector<16xf32>,
      tpu.vector_store %arg13[%swap3A_769], %exp3A_768 {strides = array<i32>} : memref<208xf32, #tpu.memory_space<vmem>>, vector<16xf32>,
      %add3A_771 = arith.addf %add3A_765, %exp3A_768 : vector<16xf32>
      %sub3A_772 = vector.broadcast %reduce_max3A_697 : f32 to vector<16xf32>
      %sub3A_773 = arith.subf %get3A_681, %sub3A_772 : vector<16xf32>
      %exp3A_774 = math.exp %sub3A_773 : vector<16xf32>
      %swap3A_775 = arith.constant 192 : index
      %swap3A_776 = tpu.vector_load %arg13[%swap3A_775] {strides = array<i32>} : memref<208xf32, #tpu.memory_space<vmem>>, vector<16xf32>,
      tpu.vector_store %arg13[%swap3A_775], %exp3A_774 {strides = array<i32>} : memref<208xf32, #tpu.memory_space<vmem>>, vector<16xf32>,
      %add3A_777 = arith.addf %add3A_771, %exp3A_774 : vector<16xf32>
      %reduce_sum3A_778 = arith.constant true
      %reduce_sum3A_779 = vector.broadcast %reduce_sum3A_778 : i1 to vector<16xi1>
      %reduce_sum3A_780 = tpu.scan <sum>, %add3A_777 masked %reduce_sum3A_779 : vector<16xf32>, vector<16xi1> -> vector<16xf32>
      %reduce_sum3A_781 = vector.extract %reduce_sum3A_780[15] : f32 from vector<16xf32>
      %broadcast_in_dim3A_782 = vector.broadcast %reduce_sum3A_781 : f32 to vector<16xf32>
      %div3A_783 = arith.constant 1.000000e+00 : f32
      %div3A_784 = vector.broadcast %div3A_783 : f32 to vector<16xf32>
      %div3A_785 = arith.divf %div3A_784, %broadcast_in_dim3A_782 : vector<16xf32>
      %broadcast_in_dim3A_786 = arith.constant 0.000000e+00 : f32
      %broadcast_in_dim3A_787 = vector.broadcast %broadcast_in_dim3A_786 : f32 to vector<16xf32>
      %broadcast_in_dim3A_788 = arith.constant 0.000000e+00 : f32
      %broadcast_in_dim3A_789 = vector.broadcast %broadcast_in_dim3A_788 : f32 to vector<16xf32>
      %broadcast_in_dim3A_790 = arith.constant 0.000000e+00 : f32
      %broadcast_in_dim3A_791 = vector.broadcast %broadcast_in_dim3A_790 : f32 to vector<16xf32>
      %broadcast_in_dim3A_792 = arith.constant 0.000000e+00 : f32
      %broadcast_in_dim3A_793 = vector.broadcast %broadcast_in_dim3A_792 : f32 to vector<16xf32>
      %broadcast_in_dim3A_794 = arith.constant 0.000000e+00 : f32
      %broadcast_in_dim3A_795 = vector.broadcast %broadcast_in_dim3A_794 : f32 to vector<16xf32>
      %broadcast_in_dim3A_796 = arith.constant 0.000000e+00 : f32
      %broadcast_in_dim3A_797 = vector.broadcast %broadcast_in_dim3A_796 : f32 to vector<16xf32>
      %broadcast_in_dim3A_798 = arith.constant 0.000000e+00 : f32
      %broadcast_in_dim3A_799 = vector.broadcast %broadcast_in_dim3A_798 : f32 to vector<16xf32>
      %broadcast_in_dim3A_800 = arith.constant 0.000000e+00 : f32
      %broadcast_in_dim3A_801 = vector.broadcast %broadcast_in_dim3A_800 : f32 to vector<16xf32>
      %scan3A_802 = arith.constant 0 : i32
      %scan3A_803 = arith.constant 200 : i32
      %scan3A_804 = arith.addi %scan3A_802, %scan3A_803 : i32
      %scan3A_805 = arith.constant 4 : i32
      %scan3A_806:8 = scf.for %scan3A_983 = %scan3A_802 to %scan3A_804 step %scan3A_805 iter_args(%scan3A_984 = %broadcast_in_dim3A_787, %scan3A_985 = %broadcast_in_dim3A_789, %scan3A_986 = %broadcast_in_dim3A_791, %scan3A_987 = %broadcast_in_dim3A_793, %scan3A_988 = %broadcast_in_dim3A_795, %scan3A_989 = %broadcast_in_dim3A_797, %scan3A_990 = %broadcast_in_dim3A_799, %scan3A_991 = %broadcast_in_dim3A_801) -> (vector<16xf32>, vector<16xf32>, vector<16xf32>, vector<16xf32>, vector<16xf32>, vector<16xf32>, vector<16xf32>, vector<16xf32>)  : i32 {
        %broadcast_in_dim3A_992 = vector.broadcast %scan3A_983 : i32 to vector<16xi32>
        %gather3A = tpu.vector_load_idx %arg13[%broadcast_in_dim3A_992] : memref<208xf32, #tpu.memory_space<vmem>>[vector<16xi32>], vector<16xf32>,
        %get3A_993 = arith.index_cast %scan3A_983 : i32 to index
        %get3A_994 = arith.constant 0 : index
        %get3A_995 = tpu.vector_load %arg11[%get3A_993, %get3A_994] {strides = array<i32>} : memref<416x128xf32, #tpu.memory_space<vmem>>, vector<16xf32>,
        %mul3A_996 = arith.mulf %gather3A, %get3A_995 : vector<16xf32>
        %add3A_997 = arith.addf %scan3A_984, %mul3A_996 : vector<16xf32>
        %get3A_998 = arith.index_cast %scan3A_983 : i32 to index
        %get3A_999 = arith.constant 16 : index
        %get3A_1000 = tpu.vector_load %arg11[%get3A_998, %get3A_999] {strides = array<i32>} : memref<416x128xf32, #tpu.memory_space<vmem>>, vector<16xf32>,
        %mul3A_1001 = arith.mulf %gather3A, %get3A_1000 : vector<16xf32>
        %add3A_1002 = arith.addf %scan3A_985, %mul3A_1001 : vector<16xf32>
        %get3A_1003 = arith.index_cast %scan3A_983 : i32 to index
        %get3A_1004 = arith.constant 32 : index
        %get3A_1005 = tpu.vector_load %arg11[%get3A_1003, %get3A_1004] {strides = array<i32>} : memref<416x128xf32, #tpu.memory_space<vmem>>, vector<16xf32>,
        %mul3A_1006 = arith.mulf %gather3A, %get3A_1005 : vector<16xf32>
        %add3A_1007 = arith.addf %scan3A_986, %mul3A_1006 : vector<16xf32>
        %get3A_1008 = arith.index_cast %scan3A_983 : i32 to index
        %get3A_1009 = arith.constant 48 : index
        %get3A_1010 = tpu.vector_load %arg11[%get3A_1008, %get3A_1009] {strides = array<i32>} : memref<416x128xf32, #tpu.memory_space<vmem>>, vector<16xf32>,
        %mul3A_1011 = arith.mulf %gather3A, %get3A_1010 : vector<16xf32>
        %add3A_1012 = arith.addf %scan3A_987, %mul3A_1011 : vector<16xf32>
        %get3A_1013 = arith.index_cast %scan3A_983 : i32 to index
        %get3A_1014 = arith.constant 64 : index
        %get3A_1015 = tpu.vector_load %arg11[%get3A_1013, %get3A_1014] {strides = array<i32>} : memref<416x128xf32, #tpu.memory_space<vmem>>, vector<16xf32>,
        %mul3A_1016 = arith.mulf %gather3A, %get3A_1015 : vector<16xf32>
        %add3A_1017 = arith.addf %scan3A_988, %mul3A_1016 : vector<16xf32>
        %get3A_1018 = arith.index_cast %scan3A_983 : i32 to index
        %get3A_1019 = arith.constant 80 : index
        %get3A_1020 = tpu.vector_load %arg11[%get3A_1018, %get3A_1019] {strides = array<i32>} : memref<416x128xf32, #tpu.memory_space<vmem>>, vector<16xf32>,
        %mul3A_1021 = arith.mulf %gather3A, %get3A_1020 : vector<16xf32>
        %add3A_1022 = arith.addf %scan3A_989, %mul3A_1021 : vector<16xf32>
        %get3A_1023 = arith.index_cast %scan3A_983 : i32 to index
        %get3A_1024 = arith.constant 96 : index
        %get3A_1025 = tpu.vector_load %arg11[%get3A_1023, %get3A_1024] {strides = array<i32>} : memref<416x128xf32, #tpu.memory_space<vmem>>, vector<16xf32>,
        %mul3A_1026 = arith.mulf %gather3A, %get3A_1025 : vector<16xf32>
        %add3A_1027 = arith.addf %scan3A_990, %mul3A_1026 : vector<16xf32>
        %get3A_1028 = arith.index_cast %scan3A_983 : i32 to index
        %get3A_1029 = arith.constant 112 : index
        %get3A_1030 = tpu.vector_load %arg11[%get3A_1028, %get3A_1029] {strides = array<i32>} : memref<416x128xf32, #tpu.memory_space<vmem>>, vector<16xf32>,
        %mul3A_1031 = arith.mulf %gather3A, %get3A_1030 : vector<16xf32>
        %add3A_1032 = arith.addf %scan3A_991, %mul3A_1031 : vector<16xf32>
        %scan3A_1033 = arith.constant 1 : i32
        %scan3A_1034 = arith.addi %scan3A_983, %scan3A_1033 : i32
        %broadcast_in_dim3A_1035 = vector.broadcast %scan3A_1034 : i32 to vector<16xi32>
        %gather3A_1036 = tpu.vector_load_idx %arg13[%broadcast_in_dim3A_1035] : memref<208xf32, #tpu.memory_space<vmem>>[vector<16xi32>], vector<16xf32>,
        %get3A_1037 = arith.index_cast %scan3A_1034 : i32 to index
        %get3A_1038 = arith.constant 0 : index
        %get3A_1039 = tpu.vector_load %arg11[%get3A_1037, %get3A_1038] {strides = array<i32>} : memref<416x128xf32, #tpu.memory_space<vmem>>, vector<16xf32>,
        %mul3A_1040 = arith.mulf %gather3A_1036, %get3A_1039 : vector<16xf32>
        %add3A_1041 = arith.addf %add3A_997, %mul3A_1040 : vector<16xf32>
        %get3A_1042 = arith.index_cast %scan3A_1034 : i32 to index
        %get3A_1043 = arith.constant 16 : index
        %get3A_1044 = tpu.vector_load %arg11[%get3A_1042, %get3A_1043] {strides = array<i32>} : memref<416x128xf32, #tpu.memory_space<vmem>>, vector<16xf32>,
        %mul3A_1045 = arith.mulf %gather3A_1036, %get3A_1044 : vector<16xf32>
        %add3A_1046 = arith.addf %add3A_1002, %mul3A_1045 : vector<16xf32>
        %get3A_1047 = arith.index_cast %scan3A_1034 : i32 to index
        %get3A_1048 = arith.constant 32 : index
        %get3A_1049 = tpu.vector_load %arg11[%get3A_1047, %get3A_1048] {strides = array<i32>} : memref<416x128xf32, #tpu.memory_space<vmem>>, vector<16xf32>,
        %mul3A_1050 = arith.mulf %gather3A_1036, %get3A_1049 : vector<16xf32>
        %add3A_1051 = arith.addf %add3A_1007, %mul3A_1050 : vector<16xf32>
        %get3A_1052 = arith.index_cast %scan3A_1034 : i32 to index
        %get3A_1053 = arith.constant 48 : index
        %get3A_1054 = tpu.vector_load %arg11[%get3A_1052, %get3A_1053] {strides = array<i32>} : memref<416x128xf32, #tpu.memory_space<vmem>>, vector<16xf32>,
        %mul3A_1055 = arith.mulf %gather3A_1036, %get3A_1054 : vector<16xf32>
        %add3A_1056 = arith.addf %add3A_1012, %mul3A_1055 : vector<16xf32>
        %get3A_1057 = arith.index_cast %scan3A_1034 : i32 to index
        %get3A_1058 = arith.constant 64 : index
        %get3A_1059 = tpu.vector_load %arg11[%get3A_1057, %get3A_1058] {strides = array<i32>} : memref<416x128xf32, #tpu.memory_space<vmem>>, vector<16xf32>,
        %mul3A_1060 = arith.mulf %gather3A_1036, %get3A_1059 : vector<16xf32>
        %add3A_1061 = arith.addf %add3A_1017, %mul3A_1060 : vector<16xf32>
        %get3A_1062 = arith.index_cast %scan3A_1034 : i32 to index
        %get3A_1063 = arith.constant 80 : index
        %get3A_1064 = tpu.vector_load %arg11[%get3A_1062, %get3A_1063] {strides = array<i32>} : memref<416x128xf32, #tpu.memory_space<vmem>>, vector<16xf32>,
        %mul3A_1065 = arith.mulf %gather3A_1036, %get3A_1064 : vector<16xf32>
        %add3A_1066 = arith.addf %add3A_1022, %mul3A_1065 : vector<16xf32>
        %get3A_1067 = arith.index_cast %scan3A_1034 : i32 to index
        %get3A_1068 = arith.constant 96 : index
        %get3A_1069 = tpu.vector_load %arg11[%get3A_1067, %get3A_1068] {strides = array<i32>} : memref<416x128xf32, #tpu.memory_space<vmem>>, vector<16xf32>,
        %mul3A_1070 = arith.mulf %gather3A_1036, %get3A_1069 : vector<16xf32>
        %add3A_1071 = arith.addf %add3A_1027, %mul3A_1070 : vector<16xf32>
        %get3A_1072 = arith.index_cast %scan3A_1034 : i32 to index
        %get3A_1073 = arith.constant 112 : index
        %get3A_1074 = tpu.vector_load %arg11[%get3A_1072, %get3A_1073] {strides = array<i32>} : memref<416x128xf32, #tpu.memory_space<vmem>>, vector<16xf32>,
        %mul3A_1075 = arith.mulf %gather3A_1036, %get3A_1074 : vector<16xf32>
        %add3A_1076 = arith.addf %add3A_1032, %mul3A_1075 : vector<16xf32>
        %scan3A_1077 = arith.constant 2 : i32
        %scan3A_1078 = arith.addi %scan3A_983, %scan3A_1077 : i32
        %broadcast_in_dim3A_1079 = vector.broadcast %scan3A_1078 : i32 to vector<16xi32>
        %gather3A_1080 = tpu.vector_load_idx %arg13[%broadcast_in_dim3A_1079] : memref<208xf32, #tpu.memory_space<vmem>>[vector<16xi32>], vector<16xf32>,
        %get3A_1081 = arith.index_cast %scan3A_1078 : i32 to index
        %get3A_1082 = arith.constant 0 : index
        %get3A_1083 = tpu.vector_load %arg11[%get3A_1081, %get3A_1082] {strides = array<i32>} : memref<416x128xf32, #tpu.memory_space<vmem>>, vector<16xf32>,
        %mul3A_1084 = arith.mulf %gather3A_1080, %get3A_1083 : vector<16xf32>
        %add3A_1085 = arith.addf %add3A_1041, %mul3A_1084 : vector<16xf32>
        %get3A_1086 = arith.index_cast %scan3A_1078 : i32 to index
        %get3A_1087 = arith.constant 16 : index
        %get3A_1088 = tpu.vector_load %arg11[%get3A_1086, %get3A_1087] {strides = array<i32>} : memref<416x128xf32, #tpu.memory_space<vmem>>, vector<16xf32>,
        %mul3A_1089 = arith.mulf %gather3A_1080, %get3A_1088 : vector<16xf32>
        %add3A_1090 = arith.addf %add3A_1046, %mul3A_1089 : vector<16xf32>
        %get3A_1091 = arith.index_cast %scan3A_1078 : i32 to index
        %get3A_1092 = arith.constant 32 : index
        %get3A_1093 = tpu.vector_load %arg11[%get3A_1091, %get3A_1092] {strides = array<i32>} : memref<416x128xf32, #tpu.memory_space<vmem>>, vector<16xf32>,
        %mul3A_1094 = arith.mulf %gather3A_1080, %get3A_1093 : vector<16xf32>
        %add3A_1095 = arith.addf %add3A_1051, %mul3A_1094 : vector<16xf32>
        %get3A_1096 = arith.index_cast %scan3A_1078 : i32 to index
        %get3A_1097 = arith.constant 48 : index
        %get3A_1098 = tpu.vector_load %arg11[%get3A_1096, %get3A_1097] {strides = array<i32>} : memref<416x128xf32, #tpu.memory_space<vmem>>, vector<16xf32>,
        %mul3A_1099 = arith.mulf %gather3A_1080, %get3A_1098 : vector<16xf32>
        %add3A_1100 = arith.addf %add3A_1056, %mul3A_1099 : vector<16xf32>
        %get3A_1101 = arith.index_cast %scan3A_1078 : i32 to index
        %get3A_1102 = arith.constant 64 : index
        %get3A_1103 = tpu.vector_load %arg11[%get3A_1101, %get3A_1102] {strides = array<i32>} : memref<416x128xf32, #tpu.memory_space<vmem>>, vector<16xf32>,
        %mul3A_1104 = arith.mulf %gather3A_1080, %get3A_1103 : vector<16xf32>
        %add3A_1105 = arith.addf %add3A_1061, %mul3A_1104 : vector<16xf32>
        %get3A_1106 = arith.index_cast %scan3A_1078 : i32 to index
        %get3A_1107 = arith.constant 80 : index
        %get3A_1108 = tpu.vector_load %arg11[%get3A_1106, %get3A_1107] {strides = array<i32>} : memref<416x128xf32, #tpu.memory_space<vmem>>, vector<16xf32>,
        %mul3A_1109 = arith.mulf %gather3A_1080, %get3A_1108 : vector<16xf32>
        %add3A_1110 = arith.addf %add3A_1066, %mul3A_1109 : vector<16xf32>
        %get3A_1111 = arith.index_cast %scan3A_1078 : i32 to index
        %get3A_1112 = arith.constant 96 : index
        %get3A_1113 = tpu.vector_load %arg11[%get3A_1111, %get3A_1112] {strides = array<i32>} : memref<416x128xf32, #tpu.memory_space<vmem>>, vector<16xf32>,
        %mul3A_1114 = arith.mulf %gather3A_1080, %get3A_1113 : vector<16xf32>
        %add3A_1115 = arith.addf %add3A_1071, %mul3A_1114 : vector<16xf32>
        %get3A_1116 = arith.index_cast %scan3A_1078 : i32 to index
        %get3A_1117 = arith.constant 112 : index
        %get3A_1118 = tpu.vector_load %arg11[%get3A_1116, %get3A_1117] {strides = array<i32>} : memref<416x128xf32, #tpu.memory_space<vmem>>, vector<16xf32>,
        %mul3A_1119 = arith.mulf %gather3A_1080, %get3A_1118 : vector<16xf32>
        %add3A_1120 = arith.addf %add3A_1076, %mul3A_1119 : vector<16xf32>
        %scan3A_1121 = arith.constant 3 : i32
        %scan3A_1122 = arith.addi %scan3A_983, %scan3A_1121 : i32
        %broadcast_in_dim3A_1123 = vector.broadcast %scan3A_1122 : i32 to vector<16xi32>
        %gather3A_1124 = tpu.vector_load_idx %arg13[%broadcast_in_dim3A_1123] : memref<208xf32, #tpu.memory_space<vmem>>[vector<16xi32>], vector<16xf32>,
        %get3A_1125 = arith.index_cast %scan3A_1122 : i32 to index
        %get3A_1126 = arith.constant 0 : index
        %get3A_1127 = tpu.vector_load %arg11[%get3A_1125, %get3A_1126] {strides = array<i32>} : memref<416x128xf32, #tpu.memory_space<vmem>>, vector<16xf32>,
        %mul3A_1128 = arith.mulf %gather3A_1124, %get3A_1127 : vector<16xf32>
        %add3A_1129 = arith.addf %add3A_1085, %mul3A_1128 : vector<16xf32>
        %get3A_1130 = arith.index_cast %scan3A_1122 : i32 to index
        %get3A_1131 = arith.constant 16 : index
        %get3A_1132 = tpu.vector_load %arg11[%get3A_1130, %get3A_1131] {strides = array<i32>} : memref<416x128xf32, #tpu.memory_space<vmem>>, vector<16xf32>,
        %mul3A_1133 = arith.mulf %gather3A_1124, %get3A_1132 : vector<16xf32>
        %add3A_1134 = arith.addf %add3A_1090, %mul3A_1133 : vector<16xf32>
        %get3A_1135 = arith.index_cast %scan3A_1122 : i32 to index
        %get3A_1136 = arith.constant 32 : index
        %get3A_1137 = tpu.vector_load %arg11[%get3A_1135, %get3A_1136] {strides = array<i32>} : memref<416x128xf32, #tpu.memory_space<vmem>>, vector<16xf32>,
        %mul3A_1138 = arith.mulf %gather3A_1124, %get3A_1137 : vector<16xf32>
        %add3A_1139 = arith.addf %add3A_1095, %mul3A_1138 : vector<16xf32>
        %get3A_1140 = arith.index_cast %scan3A_1122 : i32 to index
        %get3A_1141 = arith.constant 48 : index
        %get3A_1142 = tpu.vector_load %arg11[%get3A_1140, %get3A_1141] {strides = array<i32>} : memref<416x128xf32, #tpu.memory_space<vmem>>, vector<16xf32>,
        %mul3A_1143 = arith.mulf %gather3A_1124, %get3A_1142 : vector<16xf32>
        %add3A_1144 = arith.addf %add3A_1100, %mul3A_1143 : vector<16xf32>
        %get3A_1145 = arith.index_cast %scan3A_1122 : i32 to index
        %get3A_1146 = arith.constant 64 : index
        %get3A_1147 = tpu.vector_load %arg11[%get3A_1145, %get3A_1146] {strides = array<i32>} : memref<416x128xf32, #tpu.memory_space<vmem>>, vector<16xf32>,
        %mul3A_1148 = arith.mulf %gather3A_1124, %get3A_1147 : vector<16xf32>
        %add3A_1149 = arith.addf %add3A_1105, %mul3A_1148 : vector<16xf32>
        %get3A_1150 = arith.index_cast %scan3A_1122 : i32 to index
        %get3A_1151 = arith.constant 80 : index
        %get3A_1152 = tpu.vector_load %arg11[%get3A_1150, %get3A_1151] {strides = array<i32>} : memref<416x128xf32, #tpu.memory_space<vmem>>, vector<16xf32>,
        %mul3A_1153 = arith.mulf %gather3A_1124, %get3A_1152 : vector<16xf32>
        %add3A_1154 = arith.addf %add3A_1110, %mul3A_1153 : vector<16xf32>
        %get3A_1155 = arith.index_cast %scan3A_1122 : i32 to index
        %get3A_1156 = arith.constant 96 : index
        %get3A_1157 = tpu.vector_load %arg11[%get3A_1155, %get3A_1156] {strides = array<i32>} : memref<416x128xf32, #tpu.memory_space<vmem>>, vector<16xf32>,
        %mul3A_1158 = arith.mulf %gather3A_1124, %get3A_1157 : vector<16xf32>
        %add3A_1159 = arith.addf %add3A_1115, %mul3A_1158 : vector<16xf32>
        %get3A_1160 = arith.index_cast %scan3A_1122 : i32 to index
        %get3A_1161 = arith.constant 112 : index
        %get3A_1162 = tpu.vector_load %arg11[%get3A_1160, %get3A_1161] {strides = array<i32>} : memref<416x128xf32, #tpu.memory_space<vmem>>, vector<16xf32>,
        %mul3A_1163 = arith.mulf %gather3A_1124, %get3A_1162 : vector<16xf32>
        %add3A_1164 = arith.addf %add3A_1120, %mul3A_1163 : vector<16xf32>
        scf.yield %add3A_1129, %add3A_1134, %add3A_1139, %add3A_1144, %add3A_1149, %add3A_1154, %add3A_1159, %add3A_1164 : vector<16xf32>, vector<16xf32>, vector<16xf32>, vector<16xf32>, vector<16xf32>, vector<16xf32>, vector<16xf32>, vector<16xf32>
      }
      %scan3A_807 = arith.constant 200 : i32
      %broadcast_in_dim3A_808 = arith.constant 0.000000e+00 : f32
      %broadcast_in_dim3A_809 = vector.broadcast %broadcast_in_dim3A_808 : f32 to vector<16xf32>
      %mul3A_810 = arith.mulf %scan3A_806#0, %div3A_785 : vector<16xf32>
      %get3A_811 = arith.constant 1 : i32
      %get3A_812 = arith.index_cast %get3A_811 : i32 to index
      %get3A_813 = arith.constant 0 : index
      %get3A_814 = tpu.vector_load %arg14[%get3A_812, %get3A_813] {strides = array<i32>} : memref<3x128xf32, #tpu.memory_space<vmem>>, vector<16xf32>,
      %mul3A_815 = arith.mulf %mul3A_810, %get3A_814 : vector<16xf32>
      %add3A_816 = arith.addf %broadcast_in_dim3A_809, %mul3A_815 : vector<16xf32>
      %mul3A_817 = arith.mulf %scan3A_806#1, %div3A_785 : vector<16xf32>
      %get3A_818 = arith.constant 1 : i32
      %get3A_819 = arith.index_cast %get3A_818 : i32 to index
      %get3A_820 = arith.constant 16 : index
      %get3A_821 = tpu.vector_load %arg14[%get3A_819, %get3A_820] {strides = array<i32>} : memref<3x128xf32, #tpu.memory_space<vmem>>, vector<16xf32>,
      %mul3A_822 = arith.mulf %mul3A_817, %get3A_821 : vector<16xf32>
      %add3A_823 = arith.addf %add3A_816, %mul3A_822 : vector<16xf32>
      %mul3A_824 = arith.mulf %scan3A_806#2, %div3A_785 : vector<16xf32>
      %get3A_825 = arith.constant 1 : i32
      %get3A_826 = arith.index_cast %get3A_825 : i32 to index
      %get3A_827 = arith.constant 32 : index
      %get3A_828 = tpu.vector_load %arg14[%get3A_826, %get3A_827] {strides = array<i32>} : memref<3x128xf32, #tpu.memory_space<vmem>>, vector<16xf32>,
      %mul3A_829 = arith.mulf %mul3A_824, %get3A_828 : vector<16xf32>
      %add3A_830 = arith.addf %add3A_823, %mul3A_829 : vector<16xf32>
      %mul3A_831 = arith.mulf %scan3A_806#3, %div3A_785 : vector<16xf32>
      %get3A_832 = arith.constant 1 : i32
      %get3A_833 = arith.index_cast %get3A_832 : i32 to index
      %get3A_834 = arith.constant 48 : index
      %get3A_835 = tpu.vector_load %arg14[%get3A_833, %get3A_834] {strides = array<i32>} : memref<3x128xf32, #tpu.memory_space<vmem>>, vector<16xf32>,
      %mul3A_836 = arith.mulf %mul3A_831, %get3A_835 : vector<16xf32>
      %add3A_837 = arith.addf %add3A_830, %mul3A_836 : vector<16xf32>
      %mul3A_838 = arith.mulf %scan3A_806#4, %div3A_785 : vector<16xf32>
      %get3A_839 = arith.constant 1 : i32
      %get3A_840 = arith.index_cast %get3A_839 : i32 to index
      %get3A_841 = arith.constant 64 : index
      %get3A_842 = tpu.vector_load %arg14[%get3A_840, %get3A_841] {strides = array<i32>} : memref<3x128xf32, #tpu.memory_space<vmem>>, vector<16xf32>,
      %mul3A_843 = arith.mulf %mul3A_838, %get3A_842 : vector<16xf32>
      %add3A_844 = arith.addf %add3A_837, %mul3A_843 : vector<16xf32>
      %mul3A_845 = arith.mulf %scan3A_806#5, %div3A_785 : vector<16xf32>
      %get3A_846 = arith.constant 1 : i32
      %get3A_847 = arith.index_cast %get3A_846 : i32 to index
      %get3A_848 = arith.constant 80 : index
      %get3A_849 = tpu.vector_load %arg14[%get3A_847, %get3A_848] {strides = array<i32>} : memref<3x128xf32, #tpu.memory_space<vmem>>, vector<16xf32>,
      %mul3A_850 = arith.mulf %mul3A_845, %get3A_849 : vector<16xf32>
      %add3A_851 = arith.addf %add3A_844, %mul3A_850 : vector<16xf32>
      %mul3A_852 = arith.mulf %scan3A_806#6, %div3A_785 : vector<16xf32>
      %get3A_853 = arith.constant 1 : i32
      %get3A_854 = arith.index_cast %get3A_853 : i32 to index
      %get3A_855 = arith.constant 96 : index
      %get3A_856 = tpu.vector_load %arg14[%get3A_854, %get3A_855] {strides = array<i32>} : memref<3x128xf32, #tpu.memory_space<vmem>>, vector<16xf32>,
      %mul3A_857 = arith.mulf %mul3A_852, %get3A_856 : vector<16xf32>
      %add3A_858 = arith.addf %add3A_851, %mul3A_857 : vector<16xf32>
      %mul3A_859 = arith.mulf %scan3A_806#7, %div3A_785 : vector<16xf32>
      %get3A_860 = arith.constant 1 : i32
      %get3A_861 = arith.index_cast %get3A_860 : i32 to index
      %get3A_862 = arith.constant 112 : index
      %get3A_863 = tpu.vector_load %arg14[%get3A_861, %get3A_862] {strides = array<i32>} : memref<3x128xf32, #tpu.memory_space<vmem>>, vector<16xf32>,
      %mul3A_864 = arith.mulf %mul3A_859, %get3A_863 : vector<16xf32>
      %add3A_865 = arith.addf %add3A_858, %mul3A_864 : vector<16xf32>
      %get3A_866 = arith.constant 2 : i32
      %get3A_867 = arith.index_cast %get3A_866 : i32 to index
      %get3A_868 = arith.constant 0 : index
      %get3A_869 = tpu.vector_load %arg14[%get3A_867, %get3A_868] {strides = array<i32>} : memref<3x128xf32, #tpu.memory_space<vmem>>, vector<16xf32>,
      %add3A_870 = arith.addf %add3A_865, %get3A_869 : vector<16xf32>
      %reduce_sum3A_871 = arith.constant true
      %reduce_sum3A_872 = vector.broadcast %reduce_sum3A_871 : i1 to vector<16xi1>
      %reduce_sum3A_873 = tpu.scan <sum>, %add3A_870 masked %reduce_sum3A_872 : vector<16xf32>, vector<16xi1> -> vector<16xf32>
      %reduce_sum3A_874 = vector.extract %reduce_sum3A_873[15] : f32 from vector<16xf32>
      %broadcast_in_dim3A_875 = vector.broadcast %reduce_sum3A_874 : f32 to vector<16xf32>
      %neg3A_876 = arith.constant 0.000000e+00 : f32
      %neg3A_877 = vector.broadcast %neg3A_876 : f32 to vector<16xf32>
      %neg3A_878 = arith.subf %neg3A_877, %broadcast_in_dim3A_875 : vector<16xf32>
      %exp3A_879 = math.exp %neg3A_878 : vector<16xf32>
      %add3A_880 = arith.constant 1.000000e+00 : f32
      %add3A_881 = vector.broadcast %add3A_880 : f32 to vector<16xf32>
      %add3A_882 = arith.addf %add3A_881, %exp3A_879 : vector<16xf32>
      %div3A_883 = arith.constant 1.000000e+00 : f32
      %div3A_884 = vector.broadcast %div3A_883 : f32 to vector<16xf32>
      %div3A_885 = arith.divf %div3A_884, %add3A_882 : vector<16xf32>
      %mul3A_886 = arith.mulf %mul3A_810, %div3A_885 : vector<16xf32>
      %get3A_887 = arith.index_cast %add3A_566 : i32 to index
      %get3A_888 = arith.constant 0 : index
      %get3A_889 = tpu.vector_load %arg16[%get3A_887, %get3A_888] {strides = array<i32>} : memref<64x128xf32, #tpu.memory_space<vmem>>, vector<16xf32>,
      %sub3A_890 = arith.constant 1.000000e+00 : f32
      %sub3A_891 = vector.broadcast %sub3A_890 : f32 to vector<16xf32>
      %sub3A_892 = arith.subf %sub3A_891, %div3A_885 : vector<16xf32>
      %mul3A_893 = arith.mulf %get3A_889, %sub3A_892 : vector<16xf32>
      %add3A_894 = arith.addf %mul3A_886, %mul3A_893 : vector<16xf32>
      %swap3A_895 = arith.index_cast %add3A_566 : i32 to index
      %swap3A_896 = arith.constant 0 : index
      %swap3A_897 = tpu.vector_load %arg17[%swap3A_895, %swap3A_896] {strides = array<i32>} : memref<64x128xf32, #tpu.memory_space<vmem>>, vector<16xf32>,
      tpu.vector_store %arg17[%swap3A_895, %swap3A_896], %add3A_894 {strides = array<i32>} : memref<64x128xf32, #tpu.memory_space<vmem>>, vector<16xf32>,
      %mul3A_898 = arith.mulf %mul3A_817, %div3A_885 : vector<16xf32>
      %get3A_899 = arith.index_cast %add3A_566 : i32 to index
      %get3A_900 = arith.constant 16 : index
      %get3A_901 = tpu.vector_load %arg16[%get3A_899, %get3A_900] {strides = array<i32>} : memref<64x128xf32, #tpu.memory_space<vmem>>, vector<16xf32>,
      %sub3A_902 = arith.constant 1.000000e+00 : f32
      %sub3A_903 = vector.broadcast %sub3A_902 : f32 to vector<16xf32>
      %sub3A_904 = arith.subf %sub3A_903, %div3A_885 : vector<16xf32>
      %mul3A_905 = arith.mulf %get3A_901, %sub3A_904 : vector<16xf32>
      %add3A_906 = arith.addf %mul3A_898, %mul3A_905 : vector<16xf32>
      %swap3A_907 = arith.index_cast %add3A_566 : i32 to index
      %swap3A_908 = arith.constant 16 : index
      %swap3A_909 = tpu.vector_load %arg17[%swap3A_907, %swap3A_908] {strides = array<i32>} : memref<64x128xf32, #tpu.memory_space<vmem>>, vector<16xf32>,
      tpu.vector_store %arg17[%swap3A_907, %swap3A_908], %add3A_906 {strides = array<i32>} : memref<64x128xf32, #tpu.memory_space<vmem>>, vector<16xf32>,
      %mul3A_910 = arith.mulf %mul3A_824, %div3A_885 : vector<16xf32>
      %get3A_911 = arith.index_cast %add3A_566 : i32 to index
      %get3A_912 = arith.constant 32 : index
      %get3A_913 = tpu.vector_load %arg16[%get3A_911, %get3A_912] {strides = array<i32>} : memref<64x128xf32, #tpu.memory_space<vmem>>, vector<16xf32>,
      %sub3A_914 = arith.constant 1.000000e+00 : f32
      %sub3A_915 = vector.broadcast %sub3A_914 : f32 to vector<16xf32>
      %sub3A_916 = arith.subf %sub3A_915, %div3A_885 : vector<16xf32>
      %mul3A_917 = arith.mulf %get3A_913, %sub3A_916 : vector<16xf32>
      %add3A_918 = arith.addf %mul3A_910, %mul3A_917 : vector<16xf32>
      %swap3A_919 = arith.index_cast %add3A_566 : i32 to index
      %swap3A_920 = arith.constant 32 : index
      %swap3A_921 = tpu.vector_load %arg17[%swap3A_919, %swap3A_920] {strides = array<i32>} : memref<64x128xf32, #tpu.memory_space<vmem>>, vector<16xf32>,
      tpu.vector_store %arg17[%swap3A_919, %swap3A_920], %add3A_918 {strides = array<i32>} : memref<64x128xf32, #tpu.memory_space<vmem>>, vector<16xf32>,
      %mul3A_922 = arith.mulf %mul3A_831, %div3A_885 : vector<16xf32>
      %get3A_923 = arith.index_cast %add3A_566 : i32 to index
      %get3A_924 = arith.constant 48 : index
      %get3A_925 = tpu.vector_load %arg16[%get3A_923, %get3A_924] {strides = array<i32>} : memref<64x128xf32, #tpu.memory_space<vmem>>, vector<16xf32>,
      %sub3A_926 = arith.constant 1.000000e+00 : f32
      %sub3A_927 = vector.broadcast %sub3A_926 : f32 to vector<16xf32>
      %sub3A_928 = arith.subf %sub3A_927, %div3A_885 : vector<16xf32>
      %mul3A_929 = arith.mulf %get3A_925, %sub3A_928 : vector<16xf32>
      %add3A_930 = arith.addf %mul3A_922, %mul3A_929 : vector<16xf32>
      %swap3A_931 = arith.index_cast %add3A_566 : i32 to index
      %swap3A_932 = arith.constant 48 : index
      %swap3A_933 = tpu.vector_load %arg17[%swap3A_931, %swap3A_932] {strides = array<i32>} : memref<64x128xf32, #tpu.memory_space<vmem>>, vector<16xf32>,
      tpu.vector_store %arg17[%swap3A_931, %swap3A_932], %add3A_930 {strides = array<i32>} : memref<64x128xf32, #tpu.memory_space<vmem>>, vector<16xf32>,
      %mul3A_934 = arith.mulf %mul3A_838, %div3A_885 : vector<16xf32>
      %get3A_935 = arith.index_cast %add3A_566 : i32 to index
      %get3A_936 = arith.constant 64 : index
      %get3A_937 = tpu.vector_load %arg16[%get3A_935, %get3A_936] {strides = array<i32>} : memref<64x128xf32, #tpu.memory_space<vmem>>, vector<16xf32>,
      %sub3A_938 = arith.constant 1.000000e+00 : f32
      %sub3A_939 = vector.broadcast %sub3A_938 : f32 to vector<16xf32>
      %sub3A_940 = arith.subf %sub3A_939, %div3A_885 : vector<16xf32>
      %mul3A_941 = arith.mulf %get3A_937, %sub3A_940 : vector<16xf32>
      %add3A_942 = arith.addf %mul3A_934, %mul3A_941 : vector<16xf32>
      %swap3A_943 = arith.index_cast %add3A_566 : i32 to index
      %swap3A_944 = arith.constant 64 : index
      %swap3A_945 = tpu.vector_load %arg17[%swap3A_943, %swap3A_944] {strides = array<i32>} : memref<64x128xf32, #tpu.memory_space<vmem>>, vector<16xf32>,
      tpu.vector_store %arg17[%swap3A_943, %swap3A_944], %add3A_942 {strides = array<i32>} : memref<64x128xf32, #tpu.memory_space<vmem>>, vector<16xf32>,
      %mul3A_946 = arith.mulf %mul3A_845, %div3A_885 : vector<16xf32>
      %get3A_947 = arith.index_cast %add3A_566 : i32 to index
      %get3A_948 = arith.constant 80 : index
      %get3A_949 = tpu.vector_load %arg16[%get3A_947, %get3A_948] {strides = array<i32>} : memref<64x128xf32, #tpu.memory_space<vmem>>, vector<16xf32>,
      %sub3A_950 = arith.constant 1.000000e+00 : f32
      %sub3A_951 = vector.broadcast %sub3A_950 : f32 to vector<16xf32>
      %sub3A_952 = arith.subf %sub3A_951, %div3A_885 : vector<16xf32>
      %mul3A_953 = arith.mulf %get3A_949, %sub3A_952 : vector<16xf32>
      %add3A_954 = arith.addf %mul3A_946, %mul3A_953 : vector<16xf32>
      %swap3A_955 = arith.index_cast %add3A_566 : i32 to index
      %swap3A_956 = arith.constant 80 : index
      %swap3A_957 = tpu.vector_load %arg17[%swap3A_955, %swap3A_956] {strides = array<i32>} : memref<64x128xf32, #tpu.memory_space<vmem>>, vector<16xf32>,
      tpu.vector_store %arg17[%swap3A_955, %swap3A_956], %add3A_954 {strides = array<i32>} : memref<64x128xf32, #tpu.memory_space<vmem>>, vector<16xf32>,
      %mul3A_958 = arith.mulf %mul3A_852, %div3A_885 : vector<16xf32>
      %get3A_959 = arith.index_cast %add3A_566 : i32 to index
      %get3A_960 = arith.constant 96 : index
      %get3A_961 = tpu.vector_load %arg16[%get3A_959, %get3A_960] {strides = array<i32>} : memref<64x128xf32, #tpu.memory_space<vmem>>, vector<16xf32>,
      %sub3A_962 = arith.constant 1.000000e+00 : f32
      %sub3A_963 = vector.broadcast %sub3A_962 : f32 to vector<16xf32>
      %sub3A_964 = arith.subf %sub3A_963, %div3A_885 : vector<16xf32>
      %mul3A_965 = arith.mulf %get3A_961, %sub3A_964 : vector<16xf32>
      %add3A_966 = arith.addf %mul3A_958, %mul3A_965 : vector<16xf32>
      %swap3A_967 = arith.index_cast %add3A_566 : i32 to index
      %swap3A_968 = arith.constant 96 : index
      %swap3A_969 = tpu.vector_load %arg17[%swap3A_967, %swap3A_968] {strides = array<i32>} : memref<64x128xf32, #tpu.memory_space<vmem>>, vector<16xf32>,
      tpu.vector_store %arg17[%swap3A_967, %swap3A_968], %add3A_966 {strides = array<i32>} : memref<64x128xf32, #tpu.memory_space<vmem>>, vector<16xf32>,
      %mul3A_970 = arith.mulf %mul3A_859, %div3A_885 : vector<16xf32>
      %get3A_971 = arith.index_cast %add3A_566 : i32 to index
      %get3A_972 = arith.constant 112 : index
      %get3A_973 = tpu.vector_load %arg16[%get3A_971, %get3A_972] {strides = array<i32>} : memref<64x128xf32, #tpu.memory_space<vmem>>, vector<16xf32>,
      %sub3A_974 = arith.constant 1.000000e+00 : f32
      %sub3A_975 = vector.broadcast %sub3A_974 : f32 to vector<16xf32>
      %sub3A_976 = arith.subf %sub3A_975, %div3A_885 : vector<16xf32>
      %mul3A_977 = arith.mulf %get3A_973, %sub3A_976 : vector<16xf32>
      %add3A_978 = arith.addf %mul3A_970, %mul3A_977 : vector<16xf32>
      %swap3A_979 = arith.index_cast %add3A_566 : i32 to index
      %swap3A_980 = arith.constant 112 : index
      %swap3A_981 = tpu.vector_load %arg17[%swap3A_979, %swap3A_980] {strides = array<i32>} : memref<64x128xf32, #tpu.memory_space<vmem>>, vector<16xf32>,
      tpu.vector_store %arg17[%swap3A_979, %swap3A_980], %add3A_978 {strides = array<i32>} : memref<64x128xf32, #tpu.memory_space<vmem>>, vector<16xf32>,
      %scan3A_982 = arith.constant 0 : i32
      scf.yield %scan3A_982 : i32
    }
    %scan3A_109 = arith.constant 32 : i32
    %dma_wait3A_110 = arith.constant 0 : i32
    %dma_wait3A_111 = arith.constant 0 : i32
    %dma_wait3A_112 = tpu.memref_slice %arg10[%dma_wait3A_110, %dma_wait3A_111] : memref<416x128xf32, #tpu.memory_space<vmem>> -> memref<104x128xf32, #tpu.memory_space<vmem>>
    %dma_wait3A_113 = arith.constant 0 : i32
    %dma_wait3A_114 = tpu.memref_slice %arg8[%dma_wait3A_113] : memref<400xi32, #tpu.memory_space<vmem>> -> memref<104xi32, #tpu.memory_space<vmem>>
    %dma_wait3A_115 = arith.constant 0 : i32
    %dma_wait3A_116 = arith.constant 0 : i32
    %dma_wait3A_117 = tpu.memref_slice %arg3[%dma_wait3A_115, %dma_wait3A_116] : memref<200002x128xf32, #tpu.memory_space<hbm>> -> memref<200002x128xf32, #tpu.memory_space<hbm>>
    tpu.wait_indirect_dma semaphore(%arg18 : memref<!tpu.dma_semaphore, #tpu.memory_space<semaphore_mem>>) src(%dma_wait3A_117 : memref<200002x128xf32, #tpu.memory_space<hbm>>) dst(%dma_wait3A_112 : memref<104x128xf32, #tpu.memory_space<vmem>>)
    %dma_wait3A_118 = arith.constant 104 : i32
    %dma_wait3A_119 = arith.constant 0 : i32
    %dma_wait3A_120 = tpu.memref_slice %arg10[%dma_wait3A_118, %dma_wait3A_119] : memref<416x128xf32, #tpu.memory_space<vmem>> -> memref<96x128xf32, #tpu.memory_space<vmem>>
    %dma_wait3A_121 = arith.constant 104 : i32
    %dma_wait3A_122 = tpu.memref_slice %arg8[%dma_wait3A_121] : memref<400xi32, #tpu.memory_space<vmem>> -> memref<96xi32, #tpu.memory_space<vmem>>
    %dma_wait3A_123 = arith.constant 0 : i32
    %dma_wait3A_124 = arith.constant 0 : i32
    %dma_wait3A_125 = tpu.memref_slice %arg3[%dma_wait3A_123, %dma_wait3A_124] : memref<200002x128xf32, #tpu.memory_space<hbm>> -> memref<200002x128xf32, #tpu.memory_space<hbm>>
    tpu.wait_indirect_dma semaphore(%arg18 : memref<!tpu.dma_semaphore, #tpu.memory_space<semaphore_mem>>) src(%dma_wait3A_125 : memref<200002x128xf32, #tpu.memory_space<hbm>>) dst(%dma_wait3A_120 : memref<96x128xf32, #tpu.memory_space<vmem>>)
    %dma_wait3A_126 = arith.constant 208 : i32
    %dma_wait3A_127 = arith.constant 0 : i32
    %dma_wait3A_128 = tpu.memref_slice %arg10[%dma_wait3A_126, %dma_wait3A_127] : memref<416x128xf32, #tpu.memory_space<vmem>> -> memref<104x128xf32, #tpu.memory_space<vmem>>
    %dma_wait3A_129 = arith.constant 200 : i32
    %dma_wait3A_130 = tpu.memref_slice %arg8[%dma_wait3A_129] : memref<400xi32, #tpu.memory_space<vmem>> -> memref<104xi32, #tpu.memory_space<vmem>>
    %dma_wait3A_131 = arith.constant 0 : i32
    %dma_wait3A_132 = arith.constant 0 : i32
    %dma_wait3A_133 = tpu.memref_slice %arg3[%dma_wait3A_131, %dma_wait3A_132] : memref<200002x128xf32, #tpu.memory_space<hbm>> -> memref<200002x128xf32, #tpu.memory_space<hbm>>
    tpu.wait_indirect_dma semaphore(%arg18 : memref<!tpu.dma_semaphore, #tpu.memory_space<semaphore_mem>>) src(%dma_wait3A_133 : memref<200002x128xf32, #tpu.memory_space<hbm>>) dst(%dma_wait3A_128 : memref<104x128xf32, #tpu.memory_space<vmem>>)
    %dma_wait3A_134 = arith.constant 312 : i32
    %dma_wait3A_135 = arith.constant 0 : i32
    %dma_wait3A_136 = tpu.memref_slice %arg10[%dma_wait3A_134, %dma_wait3A_135] : memref<416x128xf32, #tpu.memory_space<vmem>> -> memref<96x128xf32, #tpu.memory_space<vmem>>
    %dma_wait3A_137 = arith.constant 304 : i32
    %dma_wait3A_138 = tpu.memref_slice %arg8[%dma_wait3A_137] : memref<400xi32, #tpu.memory_space<vmem>> -> memref<96xi32, #tpu.memory_space<vmem>>
    %dma_wait3A_139 = arith.constant 0 : i32
    %dma_wait3A_140 = arith.constant 0 : i32
    %dma_wait3A_141 = tpu.memref_slice %arg3[%dma_wait3A_139, %dma_wait3A_140] : memref<200002x128xf32, #tpu.memory_space<hbm>> -> memref<200002x128xf32, #tpu.memory_space<hbm>>
    tpu.wait_indirect_dma semaphore(%arg18 : memref<!tpu.dma_semaphore, #tpu.memory_space<semaphore_mem>>) src(%dma_wait3A_141 : memref<200002x128xf32, #tpu.memory_space<hbm>>) dst(%dma_wait3A_136 : memref<96x128xf32, #tpu.memory_space<vmem>>)
    %dma_wait3A_142 = arith.constant 0 : i32
    %dma_wait3A_143 = arith.constant 0 : i32
    %dma_wait3A_144 = tpu.memref_slice %arg2[%dma_wait3A_142, %dma_wait3A_143] : memref<2048x400xi32, #tpu.memory_space<hbm>> -> memref<1x400xi32, #tpu.memory_space<hbm>>
    %dma_wait3A_145 = tpu.memref_squeeze %dma_wait3A_144 : memref<1x400xi32, #tpu.memory_space<hbm>> -> memref<400xi32, #tpu.memory_space<hbm>>
    %dma_wait3A_146 = arith.constant 0 : i32
    %dma_wait3A_147 = tpu.memref_slice %arg2[%dma_wait3A_142, %dma_wait3A_146] : memref<2048x400xi32, #tpu.memory_space<hbm>> -> memref<1x400xi32, #tpu.memory_space<hbm>>
    %dma_wait3A_148 = tpu.memref_squeeze %dma_wait3A_147 : memref<1x400xi32, #tpu.memory_space<hbm>> -> memref<400xi32, #tpu.memory_space<hbm>>
    tpu.wait_dma2 semaphore(%arg21 : memref<!tpu.dma_semaphore, #tpu.memory_space<semaphore_mem>>) src(%dma_wait3A_148 : memref<400xi32, #tpu.memory_space<hbm>>) dst(%arg9 : memref<400xi32, #tpu.memory_space<vmem>>)
    "tpu.region"() ({
      %run_scoped3A = tpu.sem_alloc : memref<!tpu.dma_semaphore, #tpu.memory_space<semaphore_mem>>
      %dma_start3A_149 = arith.constant 0 : i32
      %dma_start3A_150 = tpu.memref_slice %arg7[%mul3A_2, %dma_start3A_149] : memref<2048x128xf32, #tpu.memory_space<hbm>> -> memref<64x128xf32, #tpu.memory_space<hbm>>
      %dma_start3A_151 = arith.constant 0 : i32
      %dma_start3A_152 = tpu.memref_slice %arg7[%mul3A_2, %dma_start3A_151] : memref<2048x128xf32, #tpu.memory_space<hbm>> -> memref<64x128xf32, #tpu.memory_space<hbm>>
      tpu.enqueue_dma source(%arg17 : memref<64x128xf32, #tpu.memory_space<vmem>>) target(%dma_start3A_152 : memref<64x128xf32, #tpu.memory_space<hbm>>) target_semaphore(%run_scoped3A : memref<!tpu.dma_semaphore, #tpu.memory_space<semaphore_mem>>)
      %dma_wait3A_153 = arith.constant 0 : i32
      %dma_wait3A_154 = tpu.memref_slice %arg7[%mul3A_2, %dma_wait3A_153] : memref<2048x128xf32, #tpu.memory_space<hbm>> -> memref<64x128xf32, #tpu.memory_space<hbm>>
      %dma_wait3A_155 = arith.constant 0 : i32
      %dma_wait3A_156 = tpu.memref_slice %arg7[%mul3A_2, %dma_wait3A_155] : memref<2048x128xf32, #tpu.memory_space<hbm>> -> memref<64x128xf32, #tpu.memory_space<hbm>>
      tpu.wait_dma2 semaphore(%run_scoped3A : memref<!tpu.dma_semaphore, #tpu.memory_space<semaphore_mem>>) src(%arg17 : memref<64x128xf32, #tpu.memory_space<vmem>>) dst(%dma_wait3A_156 : memref<64x128xf32, #tpu.memory_space<hbm>>)
      tpu.yield
    }) : () -> ()
    return
  }
}

module attributes {stable_mosaic.version = 14 : i64} {
  func.func @_transform_body(%arg0: i32, %arg1: memref<2048x128xf32, #tpu.memory_space<vmem>>, %arg2: memref<128x256xf32, #tpu.memory_space<vmem>>, %arg3: memref<1x256xf32, #tpu.memory_space<vmem>>, %arg4: memref<2048x256xf32, #tpu.memory_space<vmem>>) attributes {dimension_semantics = [#tpu.dimension_semantics<arbitrary>], iteration_bounds = array<i64: 49>, scalar_prefetch = 0 : i64, scratch_operands = 0 : i64, tpu.core_type = #tpu.core_type<tc>, window_params = [{transform_indices = @transform_0, window_bounds = array<i64: 2048, 128>}, {pipeline_mode = #tpu.pipeline_mode<synchronous>, transform_indices = @transform_1, window_bounds = array<i64: 128, 256>}, {pipeline_mode = #tpu.pipeline_mode<synchronous>, transform_indices = @transform_2, window_bounds = array<i64: 1, 256>}, {transform_indices = @transform_3, window_bounds = array<i64: 2048, 256>}]} {
    %get3A = arith.constant 0 : index
    %get3A_0 = arith.constant 0 : index
    %get3A_1 = vector.load %arg1[%get3A, %get3A_0] : memref<2048x128xf32, #tpu.memory_space<vmem>>, vector<2048x128xf32>
    %get3A_2 = arith.constant 0 : index
    %get3A_3 = arith.constant 0 : index
    %get3A_4 = vector.load %arg2[%get3A_2, %get3A_3] : memref<128x256xf32, #tpu.memory_space<vmem>>, vector<128x256xf32>
    %dot_general3A = arith.constant dense<0.000000e+00> : vector<2048x256xf32>
    %dot_general3A_5 = tpu.matmul %get3A_1, %get3A_4, %dot_general3A {dimension_numbers = #tpu.dot_dimension_numbers<[1], [0], [0], [1], [0, 0, 1, 1], [], []>, transpose_lhs_hint = false} : vector<2048x128xf32>, vector<128x256xf32>, vector<2048x256xf32> -> vector<2048x256xf32>
    %get3A_6 = arith.constant 0 : index
    %get3A_7 = arith.constant 0 : index
    %get3A_8 = vector.load %arg3[%get3A_6, %get3A_7] : memref<1x256xf32, #tpu.memory_space<vmem>>, vector<1x256xf32>
    %add3A = vector.broadcast %get3A_8 : vector<1x256xf32> to vector<2048x256xf32>
    %add3A_9 = arith.addf %dot_general3A_5, %add3A : vector<2048x256xf32>
    %swap3A = arith.constant 0 : index
    %swap3A_10 = arith.constant 0 : index
    %swap3A_11 = vector.load %arg4[%swap3A, %swap3A_10] : memref<2048x256xf32, #tpu.memory_space<vmem>>, vector<2048x256xf32>
    tpu.vector_store %arg4[%swap3A, %swap3A_10], %add3A_9 {strides = array<i32>} : memref<2048x256xf32, #tpu.memory_space<vmem>>, vector<2048x256xf32>,
    return
  }
  func.func @transform_0(%arg0: i32) -> (i32, i32) {
    %c0_i32 = arith.constant 0 : i32
    %c0_i32_0 = arith.constant 0 : i32
    return %arg0, %c0_i32 : i32, i32
  }
  func.func @transform_1(%arg0: i32) -> (i32, i32) {
    %c0_i32 = arith.constant 0 : i32
    %c0_i32_0 = arith.constant 0 : i32
    %c0_i32_1 = arith.constant 0 : i32
    return %c0_i32, %c0_i32_0 : i32, i32
  }
  func.func @transform_2(%arg0: i32) -> (i32, i32) {
    %c0_i32 = arith.constant 0 : i32
    %c0_i32_0 = arith.constant 0 : i32
    %c0_i32_1 = arith.constant 0 : i32
    return %c0_i32, %c0_i32_0 : i32, i32
  }
  func.func @transform_3(%arg0: i32) -> (i32, i32) {
    %c0_i32 = arith.constant 0 : i32
    %c0_i32_0 = arith.constant 0 : i32
    return %arg0, %c0_i32 : i32, i32
  }
}

</mosaic_0001>

<sc_bundles>
// kernel: kernel.4.cloned.1.call-start
scs
__scs_entry_jumppad:
0x0: {  	(pc) =	sbr.rel $0x88, $3  }
0x1: {  	(tag) =	ssettag $0x0;
	lr =	simm.s32 $0x1  }
0x2: {  	[smem:$0x3F98] =	sst lr;
	_ =	strace $0xD0000000  }
0x3: {  	_ = 	snop  }
0x4: {  	_ = 	snop  }
0x5: {  	_ = 	snop  }
0x6: {  	_ = 	snop  }
0x7: {  	_ = 	snop  }
__scs_overlays_trampoline_lowered:
0x8: {  	[smem:$0x3FA7] =	sst s0  }
0x9: {  	[smem:$0x3FA8] =	sst s1  }
0xa: {  	[smem:$0x3FA9] =	sst s2  }
0xb: {  	[smem:$0x3FAA] =	sst s3  }
0xc: {  	[smem:$0x3FAB] =	sst s4  }
0xd: {  	[smem:$0x3FAC] =	sst s5  }
0xe: {  	[smem:$0x3FAD] =	sst s6  }
0xf: {  	[smem:$0x3FAE] =	sst s7  }
0x10: {  	[smem:$0x3FAF] =	sst s8  }
0x11: {  	[smem:$0x3FB0] =	sst s9;
	s0 =	simm.s32 @!p0 $0x0  }
0x12: {  	s1 =	sld [smem:$0x3F96];
	s0 =	simm.s32 @p0 $0x1  }
0x13: {  	[smem:$0x3FB1] =	sst s0;
	s0 =	simm.s32 @!p1 $0x0  }
0x14: {  	s2 =	sld [smem:$0x3F95];
	s0 =	simm.s32 @p1 $0x1  }
0x15: {  	[smem:$0x3FB2] =	sst s0;
	s0 =	simm.s32 @!p2 $0x0  }
0x16: {  	s3 =	sld [smem:$0x3FDB];
	s0 =	simm.s32 @p2 $0x1  }
0x17: {  	s4 =	simm.s32 $0x1BF5;
	[smem:$0x3FB4] =	sst s0  }
0x18: {  	s0 =	sld [smem:$0x3F97];
	_ =	swait.ge [sflag:s4], $0x0  }
0x19: {  	s7 =	sld [smem:$0x3F98]  }
0x1a: {  	s8 =	sadd.s32 $0xFFFFE003, lr  }
0x1b: {  	s9 =	sadd.s32 $0xFFFFFEF7, lr;
	s5 =	simm.s32 $0xFFFFFFFF;
	p2 =	slt.u32 s8, $0xFFFFF086  }
0x1c: {  	p1 =	slt.u32 s9, $0xF7A;
	s5 =	simm.s32 @!p2 $0x0  }
0x1d: {  	s5 =	simm.s32 @p1 $0x1;
	p0 =	seq.s32 s7, s2  }
0x1e: {  	s7 =	smul.u32 @!p0 $0xF7A, s2;
	p2 =	seq.s32 @!p0 s5, $0x0  }
0x1f: {  	s9 =	smul.u32 $0xF7A, s1;
	s8 =	simm.s32 @!p0 $0x1BF5;
	p2 =	por !p2, p0  }
0x20: {  	[sflag:s8] =	ssyncset.s32 @!p0 $0xFFFFF086;
	s6 =	sadd.s32 @!p0 s3, s7;
	s7 =	simm.s32 @!p0 $0x108  }
0x21: {  	s3 =	sadd.s32 s3, s9;
	s6 =	sadd.s32 @!p0 $0x88, s6;
	s7 =	simm.s32 @p2 $0x1082  }
0x22: {  	[simem:s7], [sflag:s8] =	dma.local @!p0 [hbm:s6], $0xF7A  }
0x23: {  	s9 =	sor.u32 $0xD0000000, s2;
	s6 =	simm.s32 $0x108;
	_ =	swait.ge @!p0 [sflag:s8], $0x0  }
0x24: {  	s3 =	sadd.s32 $0x88, s3;
	s6 =	simm.s32 @!p1 $0x1082;
	[sflag:s4] =	ssyncset.s32 $0xFFFFF086  }
0x25: {  	[simem:s6], [sflag:s4] =	dma.local [hbm:s3], $0xF7A  }
0x26: {  	[smem:$0x3F98] =	sst s1;
	(tag) =	ssettag s2;
	_ =	strace s9  }
0x27: {  	s1 =	sld [smem:$0x3FA8]  }
0x28: {  	s2 =	sld [smem:$0x3FA9]  }
0x29: {  	s4 =	sld [smem:$0x3FAB]  }
0x2a: {  	p0 =	seq.s32 s5, $0x0;
	s5 =	sld [smem:$0x3FAC]  }
0x2b: {  	s6 =	sld [smem:$0x3FAD]  }
0x2c: {  	s7 =	sld [smem:$0x3FAE]  }
0x2d: {  	s3 =	simm.s32 $0x108;
	s8 =	sld [smem:$0x3FAF]  }
0x2e: {  	s3 =	simm.s32 @!p0 $0x1082;
	s9 =	sld [smem:$0x3FB0]  }
0x2f: {  	lr =	sadd.s32 s0, s3;
	s0 =	sld [smem:$0x3FA7]  }
0x30: {  	s3 =	sld [smem:$0x3FAA]  }
0x31: {  	[smem:$0x3FB3] =	sst s10  }
0x32: {  	s10 =	sld [smem:$0x3FB1];
	_ =	sdelay $0x3  }
0x33: {  	p0 =	seq.s32 s10, $0x1;
	s10 =	sld [smem:$0x3FB3];
	_ =	sdelay $0x3  }
0x34: {  	[smem:$0x3FB3] =	sst s10  }
0x35: {  	s10 =	sld [smem:$0x3FB2];
	_ =	sdelay $0x3  }
0x36: {  	p1 =	seq.s32 s10, $0x1;
	s10 =	sld [smem:$0x3FB3];
	_ =	sdelay $0x3  }
0x37: {  	[smem:$0x3FB3] =	sst s10  }
0x38: {  	s10 =	sld [smem:$0x3FB4]  }
0x39: {  	_ = 	snop;
	(pc) =	sbr.ind lr, $3  }
0x3a: {  	_ = 	snop  }
0x3b: {  	_ = 	snop  }
0x3c: {  	p2 =	seq.s32 s10, $0x1;
	s10 =	sld [smem:$0x3FB3]  }
0x3d: {  	_ =	shalt  }
0x3e: {  	_ =	shalt  }
0x3f: {  	_ =	shalt  }
0x40: {  	_ =	shalt  }
0x41: {  	_ =	shalt  }
0x42: {  	_ =	shalt  }
0x43: {  	_ =	shalt  }
0x44: {  	_ =	shalt  }
0x45: {  	_ =	shalt  }
0x46: {  	_ =	shalt  }
0x47: {  	_ =	shalt  }
0x48: {  	_ =	shalt  }
0x49: {  	_ =	shalt  }
0x4a: {  	_ =	shalt  }
0x4b: {  	_ =	shalt  }
0x4c: {  	_ =	shalt  }
0x4d: {  	_ =	shalt  }
0x4e: {  	_ =	shalt  }
0x4f: {  	_ =	shalt  }
0x50: {  	_ =	shalt  }
0x51: {  	_ =	shalt  }
0x52: {  	_ =	shalt  }
0x53: {  	_ =	shalt  }
0x54: {  	_ =	shalt  }
0x55: {  	_ =	shalt  }
0x56: {  	_ =	shalt  }
0x57: {  	_ =	shalt  }
0x58: {  	_ =	shalt  }
0x59: {  	_ =	shalt  }
0x5a: {  	_ =	shalt  }
0x5b: {  	_ =	shalt  }
0x5c: {  	_ =	shalt  }
0x5d: {  	_ =	shalt  }
0x5e: {  	_ =	shalt  }
0x5f: {  	_ =	shalt  }
0x60: {  	_ =	shalt  }
0x61: {  	_ =	shalt  }
0x62: {  	_ =	shalt  }
0x63: {  	_ =	shalt  }
0x64: {  	_ =	shalt  }
0x65: {  	_ =	shalt  }
0x66: {  	_ =	shalt  }
0x67: {  	_ =	shalt  }
0x68: {  	_ =	shalt  }
0x69: {  	_ =	shalt  }
0x6a: {  	_ =	shalt  }
0x6b: {  	_ =	shalt  }
0x6c: {  	_ =	shalt  }
0x6d: {  	_ =	shalt  }
0x6e: {  	_ =	shalt  }
0x6f: {  	_ =	shalt  }
0x70: {  	_ =	shalt  }
0x71: {  	_ =	shalt  }
0x72: {  	_ =	shalt  }
0x73: {  	_ =	shalt  }
0x74: {  	_ =	shalt  }
0x75: {  	_ =	shalt  }
0x76: {  	_ =	shalt  }
0x77: {  	_ =	shalt  }
0x78: {  	_ =	shalt  }
0x79: {  	_ =	shalt  }
0x7a: {  	_ =	shalt  }
0x7b: {  	_ =	shalt  }
0x7c: {  	_ =	shalt  }
0x7d: {  	_ =	shalt  }
0x7e: {  	_ =	shalt  }
0x7f: {  	_ =	shalt  }
0x80: {  	_ =	shalt  }
0x81: {  	_ =	shalt  }
0x82: {  	_ =	shalt  }
0x83: {  	_ =	shalt  }
0x84: {  	_ =	shalt  }
0x85: {  	_ =	shalt  }
0x86: {  	_ =	shalt  }
0x87: {  	_ =	shalt  }
.Lfunc_end0:
.L_simem_size_0:
called_computation_lowered:
.L_overlay_start_0:
0x88: {  	s2 =	sld [smem:$0x3FD9]  }
0x89: {  	s3 =	sld [smem:$0x3FFE];
	_ =	sdelay $0x1  }
0x8a: {  	s1 =	srdreg.scid  }
0x8b: {  	s0 =	sand.u32 $0x1, s1  }
0x8c: {  	s17 =	sshll.u32 s0, $0xA;
	s2 =	sadd.s32 s3, s2  }
0x8d: {  	s2 =	sadd.s32 s2, s17  }
0x8e: {  	[smem:$0x3FBF] =	sst s2  }
0x8f: {  	_ = 	snop  }
0x90: {  	s2 =	sld [smem:$0x3FC8]  }
0x91: {  	s18 =	sld [smem:$0x3FD0];
	(tm) =	ssettm $0x1  }
0x92: {  	s4 =	sld [smem:$0x3FFB];
	_ =	sdelay $0x3  }
0x93: {  	_ =	strace s4  }
0x94: {  	s4 =	sld [smem:$0x3FFC];
	_ =	sdelay $0x3  }
0x95: {  	_ =	strace s4  }
0x96: {  	s4 =	sld [smem:$0x3FFD];
	_ =	sdelay $0x3  }
0x97: {  	_ =	strace s4  }
0x98: {  	_ =	strace $0x8FFFFFFF  }
0x99: {  	s19 =	sld [smem:$0x3FDB];
	_ =	sdelay $0x1  }
0x9a: {  	s5 =	simm.s32 $_scs_section_size  }
0x9b: {  	s6 =	simm.s32 $_size__tile_overlayer_lowered;
	s7 =	simm.s32 $_tile_overlayer_lowered  }
0x9c: {  	s22 =	simm.s32 $0x1BFF;
	s21 =	sshll.u32 s7, $0x1;
	s4 =	sadd.s32 s5, s19  }
0x9d: {  	s8 =	simm.s32 $0x0;
	s20 =	sshll.u32 s6, $0x1;
	s6 =	sadd.s32 s21, s4  }
0x9e: {  	[timem:s8], [sflag:s22] =	dma.local [hbm:s6], s20  }
0x9f: {  	_ =	swait.ge [sflag:s22], s20  }
0xa0: {  	s5 =	ssub.s32 $0x0, s20;
	[sflag:s22] =	ssyncset.done $0x0  }
0xa1: {  	[sflag:s22] =	ssyncadd.s32 s5;
	_ =	sdelay $0x1  }
0xa2: {  	s23 =	simm.s32 $0x1B8B  }
0xa3: {  	_ =	swait.ge [sflag:s23], $0x1  }
0xa4: {  	[sflag:s23] =	ssyncset.done $0x0  }
0xa5: {  	s25 =	simm.s32 $0x1B8E;
	s24 =	sld [smem:$0x3FFE];
	[sflag:s23] =	ssyncadd.s32 $0xFFFFFFFF  }
0xa6: {  	s26 =	simm.s32 $execute0_lowered;
	[smem:$0x3FD2] =	sst s25  }
0xa7: {  	s6 =	sshll.u32 s26, $0x1;
	_ =	strace $0x80000046;
	[dreg:$0x1] =	wrdreg $0xFFFFFFFF  }
0xa8: {  	s28 =	simm.s32 $_size_execute0_lowered;
	s4 =	sadd.s32 s4, s6;
	[dreg:$0x0] =	wrdreg $0x0  }
0xa9: {  	s6 =	sshll.u32 s28, $0x1;
	[dreg:$0x2] =	wrdreg s4  }
0xaa: {  	[dreg:$0x3] =	wrdreg s6  }
0xab: {  	[dreg:$0x4] =	wrdreg $0xC0  }
0xac: {  	_ =	task [dreg:s8], $0x5FFFF  }
0xad: {  	[dreg:$0x1] =	wrdreg $0xFFFFFFFF  }
0xae: {  	[dreg:$0x0] =	wrdreg $0x60  }
0xaf: {  	[dreg:$0x2] =	wrdreg s24  }
0xb0: {  	[dreg:$0x3] =	wrdreg s2  }
0xb1: {  	[dreg:$0x4] =	wrdreg s18  }
0xb2: {  	[dreg:$0x5] =	wrdreg $0x9  }
0xb3: {  	_ =	task.clear_ibuf [dreg:s8], $0x6FFFF;
	_ =	strace $0x90000046  }
0xb4: {  	s29 =	simm.s32 $0x9;
	_ =	strace $0x80000048  }
0xb5: {  	_ =	swait.ge [sflag:s29], $0x1  }
0xb6: {  	[sflag:s29] =	ssyncadd.s32 $0xFFFFFFFF  }
0xb7: {  	_ =	strace $0x90000048  }
0xb8: {  	_ =	sfence  }
0xb9: {  	s30 =	sld [smem:$0x0];
	_ =	sdelay $0x2  }
0xba: {  	s31 =	sshll.u32 s1, $0xD;
	s1 =	sshrl.u32 s1, $0x2  }
0xbb: {  	s3 =	sand.u32 $0x4000, s31;
	s1 =	sadd.s32 s1, s30  }
0xbc: {  	s0 =	sor.u32 s3, s0;
	s1 =	sshll.u32 s1, $0x11  }
0xbd: {  	s0 =	sor.u32 s1, s0  }
0xbe: {  	s0 =	sadd.s32 $0x8F2B, s0  }
0xbf: {  	[sflag:s0] =	ssyncadd.remote.s32 $0x1  }
0xc0: {  	_ =	sfence.sel $0xFFFF  }
0xc1: {  	[dreg:$0x0] =	wrdreg $0xFFFFFFFF;
	(pc) =	sbr.abs _section_cstart, $3  }
0xc2: {  	[dreg:$0x1] =	wrdreg $0xFFFFFFFF  }
0xc3: {  	_ =	task.clear_ibuf [dreg:s8], $0x2FFFF;
	_ =	strace $0x9FFFFFFF  }
0xc4: {  	(tm) =	ssettm $0x7FFFFFFF  }
0xc5: {  	_ =	shalt  }
tec
execute0_lowered:
.L_overlay_start_1:
0x0: {  	(tag) =	ssettag $0x1  }
0x1: {  	s0 =	rddreg [dreg:$0x0]  }
0x2: {  	s1 =	rddreg [dreg:$0x2];
	s2 =	srdreg.scid;
	s8 =	simm.s32 $0x0  }
0x3: {  	s3 =	stileid.u32;
	s14 =	simm.s32 $0x6;
	s20 =	simm.s32 $0x80  }
0x4: {  	s21 =	simm.s32 $0x400;
	s22 =	simm.s32 $0x3;
	s23 =	simm.s32 $0x68  }
0x5: {  	s28 =	simm.s32 $0x6C00;
	s29 =	simm.s32 $0x130;
	s30 =	simm.s32 $0xA000  }
0x6: {  	s31 =	simm.s32 $0x200;
	s16 =	simm.s32 $0x13C00;
	s9 =	simm.s32 $0x1A400  }
0x7: {  	s12 =	simm.s32 $0x1A500;
	s13 =	simm.s32 $0x2;
	s2 =	sand.u32 $0x1, s2  }
0x8: {  	[smem:$0x7FF] =	sst s8;
	s3 =	sshll.u32 s3, $0x7;
	s5 =	sadd.s32 $0x30EC00, s0  }
0x9: {  	s4 =	sshll.u32 s2, $0x6;
	_ =	strace $0x80000047;
	s2 =	ssub.s32 $0x2, s2  }
0xa: {  	s3 =	sor.u32 s4, s3;
	s4 =	sadd.s32 $0x1600, s0;
	s7 =	sshrl.u32 s2, $0x1  }
0xb: {  	s6 =	sshrl.u32 s3, $0x3;
	s24 =	ssub.s32 s2, s7;
	s25 =	sshll.u32 s3, $0x6  }
0xc: {  	s26 =	sshll.u32 s3, $0x4;
	s6 =	sadd.s32 s6, s0;
	s0 =	sadd.s32 $0x21600, s0  }
0xd: {  	s10 =	sor.u32 $0x2, s3;
	s2 =	sadd.s32 s4, s25;
	[dreg:$0x4] =	wrdreg s0  }
0xe: {  	s11 =	sor.u32 $0x3, s3;
	s1 =	sadd.s32 s1, s26;
	[dreg:$0x6] =	wrdreg s2  }
0xf: {  	s7 =	simm.s32 $0x17000;
	s6 =	sadd.s32 $0x1400, s6;
	[dreg:$0x8] =	wrdreg s1  }
0x10: {  	s3 =	simm.s32 $0x0;
	s2 =	sadd.s32 $0x10, s2;
	[dreg:$0x5] =	wrdreg s6  }
0x11: {  	s25 =	simm.s32 $0x3800;
	s0 =	smax.u32 s24, $0x1;
	[dreg:$0x7] =	wrdreg s2  }
0x12: {  	v0 =	vimm.f32 $-1.000000020e+30;
	vm0 =	vcmask $0x1F00;
	s26 =	simm.s32 $0xC8;
	s24 =	simm.s32 $0x60;
	[dreg:$0x9] =	wrdreg s0  }
0x13: {  	v0 =	vsel vm0, $0x0, v0;
	s0 =	simm.s32 $0x1;
	s2 =	simm.s32 $0x4;
	s6 =	simm.s32 $0x330  }
.LBB2_1:
0x14: {  	[dreg:$0xa] =	wrdreg s3  }
0x15: {  	s1 =	rddreg [dreg:$0x4];
	s19 =	simm.s32 $0x1A600  }
0x16: {  	[tilespmem:s19], [sflag:$0x6] =	stream.linear.gather [hbm4b:s1+s8], $0x180, $0x38;
	[tilespmem:$0x1E880] =	vst v63  }
0x17: {  	_ =	swait.ge [sflag:s14], $0x180  }
0x18: {  	[sflag:s14] =	ssyncset.done $0x0  }
0x19: {  	s17 =	simm.s32 $0x1A800;
	s15 =	rddreg [dreg:$0x5];
	[sflag:s14] =	ssyncadd.s32 $0xFFFFFE80  }
0x1a: {  	[tilespmem:s17], [sflag:$0x6] =	stream.linear.gather [hbm4b:s15+s8], $0x40, $0x38;
	[tilespmem:$0x1E880] =	vst v63  }
0x1b: {  	_ =	swait.ge [sflag:s14], $0x40  }
0x1c: {  	[sflag:s14] =	ssyncset.done $0x0  }
0x1d: {  	[sflag:s14] =	ssyncadd.s32 $0xFFFFFFC0  }
0x1e: {  	s19 =	simm.s32 $0x40;
	s15 =	simm.s32 $0x1A880;
	s18 =	rddreg [dreg:$0x1]  }
0x1f: {  	[tilespmem:s15], [sflag:$0x5] =	stream.indirect.gather [hbm4b:s18+s19], $0x80, s17, s19, $0xb8;
	[tilespmem:$0x1E880] =	vst v63  }
0x20: {  	s17 =	simm.s32 $0x5  }
0x21: {  	_ =	swait.ge [sflag:s17], $0x2000  }
0x22: {  	[sflag:s17] =	ssyncset.done $0x0  }
0x23: {  	[sflag:s17] =	ssyncadd.s32 $0xFFFFE000  }
0x24: {  	v1 =	vld [tilespmem:$0x1A600]  }
0x25: {  	v2 =	vld [tilespmem:$0x1A610]  }
0x26: {  	v3 =	vld [tilespmem:$0x1A620]  }
0x27: {  	v4 =	vld [tilespmem:$0x1A630]  }
0x28: {  	v5 =	vld [tilespmem:$0x1A640]  }
0x29: {  	v6 =	vld [tilespmem:$0x1A650]  }
0x2a: {  	s18 =	rddreg [dreg:$0x6];
	v7 =	vld [tilespmem:$0x1A660];
	[tilespmem:$0x1A4C0] =	vst v0  }
0x2b: {  	v8 =	vld [tilespmem:$0x1A670];
	[tilespmem:s8], [sflag:$0x3] =	stream.strided.gather [hbm4b:s18+s20], $0x200, s21, s20, $0x38  }
0x2c: {  	_ =	swait.ge [sflag:s22], $0x200  }
0x2d: {  	[sflag:s22] =	ssyncset.done $0x0  }
0x2e: {  	[sflag:s22] =	ssyncadd.s32 $0xFFFFFE00  }
0x2f: {  	[tilespmem:s21], [sflag:$0x1] =	stream.indirect.gather [hbm4b:s5+s23], $0x80, s8, s23, $0xb8;
	[tilespmem:$0x1E880] =	vst v63  }
0x30: {  	_ = 	snop  }
0x31: {  	[tilespmem:s25], [sflag:$0x1] =	stream.indirect.gather [hbm4b:s5+s24], $0x80, s23, s24, $0xb8;
	[tilespmem:$0x1E880] =	vst v63  }
0x32: {  	_ = 	snop  }
0x33: {  	[tilespmem:s28], [sflag:$0x1] =	stream.indirect.gather [hbm4b:s5+s23], $0x80, s26, s23, $0xb8;
	[tilespmem:$0x1E880] =	vst v63  }
0x34: {  	_ = 	snop  }
0x35: {  	[tilespmem:s30], [sflag:$0x1] =	stream.indirect.gather [hbm4b:s5+s24], $0x80, s29, s24, $0xb8;
	[tilespmem:$0x1E880] =	vst v63  }
0x36: {  	s19 =	rddreg [dreg:$0x7]  }
0x37: {  	[tilespmem:s31], [sflag:$0x4] =	stream.strided.gather [hbm4b:s19+s20], $0x200, s21, s20, $0x38;
	[tilespmem:$0x1E880] =	vst v63  }
0x38: {  	s19 =	simm.s32 $0x0  }
.LBB2_2:
0x39: {  	_ =	swait.ge [sflag:s0], $0x3400  }
0x3a: {  	[sflag:s0] =	ssyncset.done $0x0  }
0x3b: {  	[sflag:s0] =	ssyncadd.s32 $0xFFFFCC00  }
0x3c: {  	_ =	swait.ge [sflag:s0], $0x3000  }
0x3d: {  	[sflag:s0] =	ssyncset.done $0x0  }
0x3e: {  	[sflag:s0] =	ssyncadd.s32 $0xFFFFD000  }
0x3f: {  	_ =	swait.ge [sflag:s0], $0x3400  }
0x40: {  	[sflag:s0] =	ssyncset.done $0x0  }
0x41: {  	[sflag:s0] =	ssyncadd.s32 $0xFFFFCC00  }
0x42: {  	_ =	swait.ge [sflag:s0], $0x3000  }
0x43: {  	[sflag:s0] =	ssyncset.done $0x0  }
0x44: {  	[sflag:s0] =	ssyncadd.s32 $0xFFFFD000  }
0x45: {  	_ =	swait.ge [sflag:s2], $0x200  }
0x46: {  	s15 =	sshll.u32 s19, $0x1;
	[sflag:s2] =	ssyncset.done $0x0  }
0x47: {  	s1 =	simm.s32 $0xD400;
	s8 =	sadd.s32 s15, s10;
	[sflag:s2] =	ssyncadd.s32 $0xFFFFFE00  }
0x48: {  	[tilespmem:s1], [sflag:$0x2] =	stream.indirect.gather [hbm4b:s5+s23], $0x80, s31, s23, $0xb8;
	[tilespmem:$0x1E880] =	vst v63  }
0x49: {  	s18 =	simm.s32 $0x268;
	s3 =	simm.s32 $0x10800;
	s1 =	smin.u32 s8, $0x7FF  }
0x4a: {  	[tilespmem:s3], [sflag:$0x2] =	stream.indirect.gather [hbm4b:s5+s24], $0x80, s18, s24, $0xb8;
	[tilespmem:$0x1E880] =	vst v63  }
0x4b: {  	s14 =	sshll.u32 s1, $0x4;
	s3 =	simm.s32 $0x2C8  }
0x4c: {  	[tilespmem:s16], [sflag:$0x2] =	stream.indirect.gather [hbm4b:s5+s23], $0x80, s3, s23, $0xb8;
	[tilespmem:$0x1E880] =	vst v63  }
0x4d: {  	s1 =	sshll.u32 s1, $0x6;
	s3 =	sand.u32 $0x70, s14  }
0x4e: {  	s1 =	sand.u32 $0x1FE00, s1;
	s3 =	sadd.s32 s4, s3  }
0x4f: {  	[tilespmem:s7], [sflag:$0x2] =	stream.indirect.gather [hbm4b:s5+s24], $0x80, s6, s24, $0xb8;
	[tilespmem:$0x1E880] =	vst v63  }
0x50: {  	s8 =	simm.s32 $0x400;
	s1 =	sadd.s32 s1, s3;
	s3 =	simm.s32 $0x0  }
0x51: {  	[tilespmem:s3], [sflag:$0x3] =	stream.strided.gather [hbm4b:s1+s20], $0x200, s8, s20, $0x38;
	[tilespmem:$0x1E880] =	vst v63  }
0x52: {  	v9 =	vld [tilespmem:s8+$0x6800]  }
0x53: {  	v10 =	vld [tilespmem:s8+$0x0]  }
0x54: {  	v11 =	vld [tilespmem:s8+$0x6810]  }
0x55: {  	v12 =	vld [tilespmem:s8+$0x10]  }
0x56: {  	v13 =	vld [tilespmem:s8+$0x6820]  }
0x57: {  	v14 =	vld [tilespmem:s8+$0x20]  }
0x58: {  	v15 =	vld [tilespmem:s8+$0x30];
	v9 =	vadd.f32 v9, v10  }
0x59: {  	v10 =	vld [tilespmem:s8+$0x6830]  }
0x5a: {  	v28 =	vld [tilespmem:s8+$0x6840];
	v11 =	vadd.f32 v11, v12;
	v16 =	vmul.f32 $9.999999770e-03, v9  }
0x5b: {  	v17 =	vld [tilespmem:s8+$0x40]  }
0x5c: {  	v30 =	vld [tilespmem:s8+$0x6850];
	v13 =	vadd.f32 v13, v14;
	v29 =	vmul.f32 $9.999999770e-03, v11;
	v9 =	vmax.f32 v9, v16  }
0x5d: {  	v19 =	vld [tilespmem:s8+$0x50];
	v18 =	vmul.f32 v9, v1  }
0x5e: {  	v32 =	vld [tilespmem:s8+$0x6860];
	v31 =	vmul.f32 $9.999999770e-03, v13;
	v11 =	vmax.f32 v11, v29;
	v10 =	vadd.f32 v10, v15  }
0x5f: {  	v21 =	vld [tilespmem:s8+$0x60];
	v20 =	vmul.f32 v11, v2;
	v18 =	vadd.f32 $0.0e+00, v18  }
0x60: {  	v34 =	vld [tilespmem:s8+$0x6870];
	v12 =	vadd.f32 v28, v17;
	v13 =	vmax.f32 v13, v31;
	v33 =	vmul.f32 $9.999999770e-03, v10  }
0x61: {  	v22 =	vld [tilespmem:s8+$0x70];
	v35 =	vmul.f32 v13, v3;
	v18 =	vadd.f32 v20, v18  }
0x62: {  	v14 =	vadd.f32 v30, v19;
	v36 =	vmul.f32 $9.999999770e-03, v12;
	v10 =	vmax.f32 v10, v33  }
0x63: {  	v37 =	vmul.f32 v10, v4;
	v18 =	vadd.f32 v35, v18  }
0x64: {  	v38 =	vmul.f32 $9.999999770e-03, v14;
	v12 =	vmax.f32 v12, v36;
	v15 =	vadd.f32 v32, v21  }
0x65: {  	v39 =	vmul.f32 v12, v5;
	v18 =	vadd.f32 v37, v18  }
0x66: {  	v17 =	vadd.f32 v34, v22;
	v14 =	vmax.f32 v14, v38;
	v40 =	vmul.f32 $9.999999770e-03, v15  }
0x67: {  	v41 =	vmul.f32 v14, v6;
	v18 =	vadd.f32 v39, v18  }
0x68: {  	v42 =	vmul.f32 $9.999999770e-03, v17;
	v15 =	vmax.f32 v15, v40  }
0x69: {  	v43 =	vmul.f32 v15, v7;
	v18 =	vadd.f32 v41, v18  }
0x6a: {  	v16 =	vmax.f32 v17, v42  }
0x6b: {  	v45 =	vmul.f32 v16, v8;
	v44 =	vadd.f32 v43, v18;
	_ =	sdelay $0x1  }
0x6c: {  	v17 =	vadd.f32 v45, v44;
	_ =	sdelay $0x1  }
0x6d: {  	(xrf2) =	vadd.scan.msk.f32 $0xffff, v17;
	_ =	sdelay $0x4  }
0x6e: {  	[tilespmem:s8+$0x0] =	vst v9;
	v9 =	vmov s3  }
0x6f: {  	[tilespmem:s8+$0x10] =	vst v11;
	v9 =	vand.u32 $0xFFFFFFFC, v9  }
0x70: {  	[tilespmem:s8+$0x20] =	vst v13;
	v9 =	vbroadcast v9, $0x0  }
0x71: {  	[tilespmem:s8+$0x40] =	vst v12  }
0x72: {  	[tilespmem:s8+$0x50] =	vst v14  }
0x73: {  	[tilespmem:s8+$0x30] =	vst v10;
	v10, _, _ =	vpop (xrf2)  }
0x74: {  	[tilespmem:s8+$0x70] =	vst v16;
	v10 =	vbroadcast v10, $0xF  }
0x75: {  	[tilespmem:s8+$0x60] =	vst v15  }
0x76: {  	[tilespmem:v9+s9+$0x0] =	vst.idx.msk $0x1, v10  }
0x77: {  	v9 =	vld [tilespmem:s8+$0x80]  }
0x78: {  	v10 =	vld [tilespmem:s8+$0x6880]  }
0x79: {  	v11 =	vld [tilespmem:s8+$0x90]  }
0x7a: {  	v46 =	vld [tilespmem:s8+$0x6890]  }
0x7b: {  	v47 =	vld [tilespmem:s8+$0x68A0]  }
0x7c: {  	v48 =	vld [tilespmem:s8+$0xA0]  }
0x7d: {  	v49 =	vld [tilespmem:s8+$0xB0];
	v9 =	vadd.f32 v10, v9  }
0x7e: {  	v10 =	vld [tilespmem:s8+$0x68B0]  }
0x7f: {  	v51 =	vld [tilespmem:s8+$0x68C0];
	v11 =	vadd.f32 v46, v11;
	v50 =	vmul.f32 $9.999999770e-03, v9  }
0x80: {  	v52 =	vld [tilespmem:s8+$0xC0]  }
0x81: {  	v54 =	vld [tilespmem:s8+$0x68D0];
	v13 =	vadd.f32 v47, v48;
	v53 =	vmul.f32 $9.999999770e-03, v11;
	v9 =	vmax.f32 v9, v50  }
0x82: {  	v56 =	vld [tilespmem:s8+$0xD0];
	v55 =	vmul.f32 v9, v1  }
0x83: {  	v58 =	vld [tilespmem:s8+$0x68E0];
	v57 =	vmul.f32 $9.999999770e-03, v13;
	v11 =	vmax.f32 v11, v53;
	v10 =	vadd.f32 v10, v49  }
0x84: {  	v60 =	vld [tilespmem:s8+$0xE0];
	v59 =	vmul.f32 v11, v2;
	v18 =	vadd.f32 $0.0e+00, v55  }
0x85: {  	v62 =	vld [tilespmem:s8+$0x68F0];
	v12 =	vadd.f32 v51, v52;
	v13 =	vmax.f32 v13, v57;
	v61 =	vmul.f32 $9.999999770e-03, v10  }
0x86: {  	v24 =	vld [tilespmem:s8+$0xF0];
	v63 =	vmul.f32 v13, v3;
	v18 =	vadd.f32 v59, v18  }
0x87: {  	v14 =	vadd.f32 v54, v56;
	v25 =	vmul.f32 $9.999999770e-03, v12;
	v10 =	vmax.f32 v10, v61  }
0x88: {  	v26 =	vmul.f32 v10, v4;
	v18 =	vadd.f32 v63, v18  }
0x89: {  	v15 =	vadd.f32 v58, v60;
	v27 =	vmul.f32 $9.999999770e-03, v14;
	v12 =	vmax.f32 v12, v25  }
0x8a: {  	v28 =	vmul.f32 v12, v5;
	v18 =	vadd.f32 v26, v18  }
0x8b: {  	v17 =	vadd.f32 v62, v24;
	v29 =	vmul.f32 $9.999999770e-03, v15;
	v14 =	vmax.f32 v14, v27  }
0x8c: {  	v30 =	vmul.f32 v14, v6;
	v18 =	vadd.f32 v28, v18  }
0x8d: {  	v31 =	vmul.f32 $9.999999770e-03, v17;
	v15 =	vmax.f32 v15, v29  }
0x8e: {  	v32 =	vmul.f32 v15, v7;
	v18 =	vadd.f32 v30, v18  }
0x8f: {  	v16 =	vmax.f32 v17, v31  }
0x90: {  	v34 =	vmul.f32 v16, v8;
	v33 =	vadd.f32 v32, v18;
	_ =	sdelay $0x1  }
0x91: {  	v17 =	vadd.f32 v34, v33;
	_ =	sdelay $0x1  }
0x92: {  	(xrf2) =	vadd.scan.msk.f32 $0xffff, v17;
	_ =	sdelay $0x3  }
0x93: {  	s17 =	simm.s32 $0x1  }
0x94: {  	[tilespmem:s8+$0x80] =	vst v9;
	v9 =	vmov s17  }
0x95: {  	[tilespmem:s8+$0x90] =	vst v11;
	v9 =	vand.u32 $0xFFFFFFFD, v9  }
0x96: {  	[tilespmem:s8+$0xA0] =	vst v13;
	v9 =	vbroadcast v9, $0x0  }
0x97: {  	[tilespmem:s8+$0xE0] =	vst v15  }
0x98: {  	[tilespmem:s8+$0xC0] =	vst v12  }
0x99: {  	[tilespmem:s8+$0xB0] =	vst v10;
	v10, _, _ =	vpop (xrf2)  }
0x9a: {  	[tilespmem:s8+$0xD0] =	vst v14;
	v10 =	vbroadcast v10, $0xF  }
0x9b: {  	[tilespmem:s8+$0xF0] =	vst v16  }
0x9c: {  	[tilespmem:v9+s9+$0x0] =	vst.idx.msk $0x1, v10  }
0x9d: {  	v9 =	vld [tilespmem:s8+$0x6900]  }
0x9e: {  	v10 =	vld [tilespmem:s8+$0x100]  }
0x9f: {  	v11 =	vld [tilespmem:s8+$0x6910]  }
0xa0: {  	v35 =	vld [tilespmem:s8+$0x110]  }
0xa1: {  	v36 =	vld [tilespmem:s8+$0x6920]  }
0xa2: {  	v37 =	vld [tilespmem:s8+$0x120]  }
0xa3: {  	v38 =	vld [tilespmem:s8+$0x130];
	v9 =	vadd.f32 v9, v10  }
0xa4: {  	v10 =	vld [tilespmem:s8+$0x6930]  }
0xa5: {  	v40 =	vld [tilespmem:s8+$0x6940];
	v11 =	vadd.f32 v11, v35;
	v39 =	vmul.f32 $9.999999770e-03, v9  }
0xa6: {  	v41 =	vld [tilespmem:s8+$0x140]  }
0xa7: {  	v43 =	vld [tilespmem:s8+$0x6950];
	v13 =	vadd.f32 v36, v37;
	v42 =	vmul.f32 $9.999999770e-03, v11;
	v9 =	vmax.f32 v9, v39  }
0xa8: {  	v45 =	vld [tilespmem:s8+$0x150];
	v44 =	vmul.f32 v9, v1  }
0xa9: {  	v47 =	vld [tilespmem:s8+$0x6960];
	v46 =	vmul.f32 $9.999999770e-03, v13;
	v11 =	vmax.f32 v11, v42;
	v10 =	vadd.f32 v10, v38  }
0xaa: {  	v49 =	vld [tilespmem:s8+$0x160];
	v48 =	vmul.f32 v11, v2;
	v18 =	vadd.f32 $0.0e+00, v44  }
0xab: {  	v51 =	vld [tilespmem:s8+$0x6970];
	v12 =	vadd.f32 v40, v41;
	v13 =	vmax.f32 v13, v46;
	v50 =	vmul.f32 $9.999999770e-03, v10  }
0xac: {  	v53 =	vld [tilespmem:s8+$0x170];
	v52 =	vmul.f32 v13, v3;
	v18 =	vadd.f32 v48, v18  }
0xad: {  	v14 =	vadd.f32 v43, v45;
	v54 =	vmul.f32 $9.999999770e-03, v12;
	v10 =	vmax.f32 v10, v50  }
0xae: {  	v55 =	vmul.f32 v10, v4;
	v18 =	vadd.f32 v52, v18  }
0xaf: {  	v15 =	vadd.f32 v47, v49;
	v56 =	vmul.f32 $9.999999770e-03, v14;
	v12 =	vmax.f32 v12, v54  }
0xb0: {  	v57 =	vmul.f32 v12, v5;
	v18 =	vadd.f32 v55, v18  }
0xb1: {  	v17 =	vadd.f32 v51, v53;
	v58 =	vmul.f32 $9.999999770e-03, v15;
	v14 =	vmax.f32 v14, v56  }
0xb2: {  	v59 =	vmul.f32 v14, v6;
	v18 =	vadd.f32 v57, v18  }
0xb3: {  	v60 =	vmul.f32 $9.999999770e-03, v17;
	v15 =	vmax.f32 v15, v58  }
0xb4: {  	v61 =	vmul.f32 v15, v7;
	v18 =	vadd.f32 v59, v18  }
0xb5: {  	v16 =	vmax.f32 v17, v60  }
0xb6: {  	v63 =	vmul.f32 v16, v8;
	v62 =	vadd.f32 v61, v18;
	_ =	sdelay $0x1  }
0xb7: {  	v17 =	vadd.f32 v63, v62;
	_ =	sdelay $0x1  }
0xb8: {  	(xrf2) =	vadd.scan.msk.f32 $0xffff, v17;
	_ =	sdelay $0x3  }
0xb9: {  	s18 =	simm.s32 $0x2  }
0xba: {  	[tilespmem:s8+$0x100] =	vst v9;
	v9 =	vmov s18  }
0xbb: {  	[tilespmem:s8+$0x110] =	vst v11;
	v9 =	vand.u32 $0xFFFFFFFE, v9  }
0xbc: {  	[tilespmem:s8+$0x120] =	vst v13;
	v9 =	vbroadcast v9, $0x0  }
0xbd: {  	[tilespmem:s8+$0x140] =	vst v12  }
0xbe: {  	[tilespmem:s8+$0x150] =	vst v14  }
0xbf: {  	[tilespmem:s8+$0x130] =	vst v10;
	v10, _, _ =	vpop (xrf2)  }
0xc0: {  	[tilespmem:s8+$0x160] =	vst v15;
	v10 =	vbroadcast v10, $0xF  }
0xc1: {  	[tilespmem:s8+$0x170] =	vst v16  }
0xc2: {  	s14 =	simm.s32 $0x4;
	s1 =	simm.s32 $0x400;
	[tilespmem:v9+s9+$0x0] =	vst.idx.msk $0x1, v10  }
.LBB2_3:
0xc3: {  	p0 =	slt.u32 s14, $0xC4  }
0xc4: {  	s8 =	sadd.s32 $0x200, s8;
	s17 =	smov.u32 s14;
	s14 =	sadd.s32 $0x4, s14  }
0xc5: {  	v9 =	vld [tilespmem:s1+$0x6980]  }
0xc6: {  	v10 =	vld [tilespmem:s1+$0x180]  }
0xc7: {  	v11 =	vld [tilespmem:s1+$0x6990]  }
0xc8: {  	v12 =	vld [tilespmem:s1+$0x190]  }
0xc9: {  	v13 =	vld [tilespmem:s1+$0x69A0]  }
0xca: {  	v14 =	vld [tilespmem:s1+$0x1A0]  }
0xcb: {  	v9 =	vadd.f32 v9, v10;
	v10 =	vld [tilespmem:s1+$0x69B0]  }
0xcc: {  	v15 =	vld [tilespmem:s1+$0x1B0]  }
0xcd: {  	v16 =	vmul.f32 $9.999999770e-03, v9;
	v11 =	vadd.f32 v11, v12;
	v12 =	vld [tilespmem:s1+$0x69C0]  }
0xce: {  	v17 =	vld [tilespmem:s1+$0x1C0]  }
0xcf: {  	v9 =	vmax.f32 v9, v16;
	v16 =	vmul.f32 $9.999999770e-03, v11;
	v13 =	vadd.f32 v13, v14;
	v14 =	vld [tilespmem:s1+$0x69D0]  }
0xd0: {  	[tilespmem:s1+$0x180] =	vst v9;
	v9 =	vmul.f32 v9, v1;
	v18 =	vld [tilespmem:s1+$0x1D0]  }
0xd1: {  	v11 =	vmax.f32 v11, v16;
	v16 =	vmul.f32 $9.999999770e-03, v13;
	v10 =	vadd.f32 v10, v15;
	v15 =	vld [tilespmem:s1+$0x69E0]  }
0xd2: {  	v9 =	vadd.f32 $0.0e+00, v9;
	[tilespmem:s1+$0x190] =	vst v11;
	v11 =	vmul.f32 v11, v2;
	v19 =	vld [tilespmem:s1+$0x1E0]  }
0xd3: {  	v13 =	vmax.f32 v13, v16;
	v16 =	vmul.f32 $9.999999770e-03, v10;
	v12 =	vadd.f32 v12, v17;
	v17 =	vld [tilespmem:s1+$0x69F0]  }
0xd4: {  	v9 =	vadd.f32 v11, v9;
	[tilespmem:s1+$0x1A0] =	vst v13;
	v11 =	vmul.f32 v13, v3;
	v13 =	vld [tilespmem:s1+$0x1F0]  }
0xd5: {  	v10 =	vmax.f32 v10, v16;
	v16 =	vmul.f32 $9.999999770e-03, v12;
	v14 =	vadd.f32 v14, v18  }
0xd6: {  	v9 =	vadd.f32 v11, v9;
	[tilespmem:s1+$0x1B0] =	vst v10;
	v10 =	vmul.f32 v10, v4  }
0xd7: {  	v11 =	vmax.f32 v12, v16;
	v12 =	vmul.f32 $9.999999770e-03, v14;
	v15 =	vadd.f32 v15, v19  }
0xd8: {  	v9 =	vadd.f32 v10, v9;
	[tilespmem:s1+$0x1C0] =	vst v11;
	v10 =	vmul.f32 v11, v5  }
0xd9: {  	v11 =	vmax.f32 v14, v12;
	v12 =	vmul.f32 $9.999999770e-03, v15;
	v13 =	vadd.f32 v17, v13  }
0xda: {  	v9 =	vadd.f32 v10, v9;
	[tilespmem:s1+$0x1D0] =	vst v11;
	v10 =	vmul.f32 v11, v6  }
0xdb: {  	v11 =	vmax.f32 v15, v12;
	v12 =	vmul.f32 $9.999999770e-03, v13  }
0xdc: {  	v9 =	vadd.f32 v10, v9;
	[tilespmem:s1+$0x1E0] =	vst v11;
	v10 =	vmul.f32 v11, v7  }
0xdd: {  	v11 =	vmax.f32 v13, v12  }
0xde: {  	v9 =	vadd.f32 v10, v9;
	[tilespmem:s1+$0x1F0] =	vst v11;
	v10 =	vmul.f32 v11, v8;
	s1 =	smov.u32 s8;
	_ =	sdelay $0x1  }
0xdf: {  	v9 =	vadd.f32 v10, v9;
	_ =	sdelay $0x1  }
0xe0: {  	(xrf2) =	vadd.scan.msk.f32 $0xffff, v9;
	_ =	sdelay $0x6  }
0xe1: {  	s18 =	sadd.s32 $0x3, s3;
	s3 =	smov.u32 s17  }
0xe2: {  	v9 =	vmov s18;
	_ =	sdelay $0x1  }
0xe3: {  	v10, _, _ =	vpop (xrf2)  }
0xe4: {  	v10 =	vbroadcast v10, $0xF;
	_ =	sdelay $0x1  }
0xe5: {  	[tilespmem:v9+s9+$0x0] =	vst.idx.msk $0x1, v10  }
0xe6: {  	v9 =	vld [tilespmem:s8+$0x6800]  }
0xe7: {  	v10 =	vld [tilespmem:s8+$0x0]  }
0xe8: {  	v11 =	vld [tilespmem:s8+$0x6810]  }
0xe9: {  	v12 =	vld [tilespmem:s8+$0x10]  }
0xea: {  	v13 =	vld [tilespmem:s8+$0x6820]  }
0xeb: {  	v14 =	vld [tilespmem:s8+$0x20]  }
0xec: {  	v9 =	vadd.f32 v9, v10;
	v10 =	vld [tilespmem:s8+$0x6830]  }
0xed: {  	v15 =	vld [tilespmem:s8+$0x30]  }
0xee: {  	v16 =	vmul.f32 $9.999999770e-03, v9;
	v11 =	vadd.f32 v11, v12;
	v12 =	vld [tilespmem:s8+$0x6840]  }
0xef: {  	v17 =	vld [tilespmem:s8+$0x40]  }
0xf0: {  	v9 =	vmax.f32 v9, v16;
	v16 =	vmul.f32 $9.999999770e-03, v11;
	v13 =	vadd.f32 v13, v14;
	v14 =	vld [tilespmem:s8+$0x6850]  }
0xf1: {  	v18 =	vmul.f32 v9, v1;
	v19 =	vld [tilespmem:s8+$0x50]  }
0xf2: {  	v11 =	vmax.f32 v11, v16;
	v16 =	vmul.f32 $9.999999770e-03, v13;
	v10 =	vadd.f32 v10, v15;
	v15 =	vld [tilespmem:s8+$0x6860]  }
0xf3: {  	v18 =	vadd.f32 $0.0e+00, v18;
	v20 =	vmul.f32 v11, v2;
	v21 =	vld [tilespmem:s8+$0x60]  }
0xf4: {  	v13 =	vmax.f32 v13, v16;
	v16 =	vmul.f32 $9.999999770e-03, v10;
	v12 =	vadd.f32 v12, v17;
	v17 =	vld [tilespmem:s8+$0x6870]  }
0xf5: {  	v18 =	vadd.f32 v20, v18;
	v20 =	vmul.f32 v13, v3;
	v22 =	vld [tilespmem:s8+$0x70]  }
0xf6: {  	v10 =	vmax.f32 v10, v16;
	v16 =	vmul.f32 $9.999999770e-03, v12;
	v14 =	vadd.f32 v14, v19  }
0xf7: {  	v18 =	vadd.f32 v20, v18;
	v19 =	vmul.f32 v10, v4  }
0xf8: {  	v12 =	vmax.f32 v12, v16;
	v16 =	vmul.f32 $9.999999770e-03, v14;
	v15 =	vadd.f32 v15, v21  }
0xf9: {  	v18 =	vadd.f32 v19, v18;
	v19 =	vmul.f32 v12, v5  }
0xfa: {  	v14 =	vmax.f32 v14, v16;
	v16 =	vmul.f32 $9.999999770e-03, v15;
	v17 =	vadd.f32 v17, v22  }
0xfb: {  	v18 =	vadd.f32 v19, v18;
	v19 =	vmul.f32 v14, v6  }
0xfc: {  	v15 =	vmax.f32 v15, v16;
	v16 =	vmul.f32 $9.999999770e-03, v17  }
0xfd: {  	v18 =	vadd.f32 v19, v18;
	v19 =	vmul.f32 v15, v7  }
0xfe: {  	v16 =	vmax.f32 v17, v16  }
0xff: {  	v17 =	vadd.f32 v19, v18;
	v18 =	vmul.f32 v16, v8;
	_ =	sdelay $0x1  }
0x100: {  	v17 =	vadd.f32 v18, v17;
	_ =	sdelay $0x1  }
0x101: {  	(xrf2) =	vadd.scan.msk.f32 $0xffff, v17;
	_ =	sdelay $0x4  }
0x102: {  	[tilespmem:s8+$0x0] =	vst v9;
	v9 =	vmov s3  }
0x103: {  	[tilespmem:s8+$0x10] =	vst v11;
	v9 =	vand.u32 $0xFFFFFFFC, v9  }
0x104: {  	[tilespmem:s8+$0x20] =	vst v13;
	v9 =	vbroadcast v9, $0x0  }
0x105: {  	[tilespmem:s8+$0x30] =	vst v10  }
0x106: {  	[tilespmem:s8+$0x40] =	vst v12  }
0x107: {  	[tilespmem:s8+$0x50] =	vst v14;
	v10, _, _ =	vpop (xrf2)  }
0x108: {  	[tilespmem:s8+$0x60] =	vst v15;
	v10 =	vbroadcast v10, $0xF  }
0x109: {  	[tilespmem:s8+$0x70] =	vst v16  }
0x10a: {  	[tilespmem:v9+s9+$0x0] =	vst.idx.msk $0x1, v10  }
0x10b: {  	v9 =	vld [tilespmem:s8+$0x80]  }
0x10c: {  	v10 =	vld [tilespmem:s8+$0x6880]  }
0x10d: {  	v11 =	vld [tilespmem:s8+$0x90]  }
0x10e: {  	v12 =	vld [tilespmem:s8+$0x6890]  }
0x10f: {  	v13 =	vld [tilespmem:s8+$0x68A0]  }
0x110: {  	v14 =	vld [tilespmem:s8+$0xA0]  }
0x111: {  	v9 =	vadd.f32 v10, v9;
	v10 =	vld [tilespmem:s8+$0x68B0]  }
0x112: {  	v15 =	vld [tilespmem:s8+$0xB0]  }
0x113: {  	v16 =	vmul.f32 $9.999999770e-03, v9;
	v11 =	vadd.f32 v12, v11;
	v12 =	vld [tilespmem:s8+$0x68C0]  }
0x114: {  	v17 =	vld [tilespmem:s8+$0xC0]  }
0x115: {  	v9 =	vmax.f32 v9, v16;
	v16 =	vmul.f32 $9.999999770e-03, v11;
	v13 =	vadd.f32 v13, v14;
	v14 =	vld [tilespmem:s8+$0x68D0]  }
0x116: {  	v18 =	vmul.f32 v9, v1;
	v19 =	vld [tilespmem:s8+$0xD0]  }
0x117: {  	v11 =	vmax.f32 v11, v16;
	v16 =	vmul.f32 $9.999999770e-03, v13;
	v10 =	vadd.f32 v10, v15;
	v15 =	vld [tilespmem:s8+$0x68E0]  }
0x118: {  	v18 =	vadd.f32 $0.0e+00, v18;
	v20 =	vmul.f32 v11, v2;
	v21 =	vld [tilespmem:s8+$0xE0]  }
0x119: {  	v13 =	vmax.f32 v13, v16;
	v16 =	vmul.f32 $9.999999770e-03, v10;
	v12 =	vadd.f32 v12, v17;
	v17 =	vld [tilespmem:s8+$0x68F0]  }
0x11a: {  	v18 =	vadd.f32 v20, v18;
	v20 =	vmul.f32 v13, v3;
	v22 =	vld [tilespmem:s8+$0xF0]  }
0x11b: {  	v10 =	vmax.f32 v10, v16;
	v16 =	vmul.f32 $9.999999770e-03, v12;
	v14 =	vadd.f32 v14, v19  }
0x11c: {  	v18 =	vadd.f32 v20, v18;
	v19 =	vmul.f32 v10, v4  }
0x11d: {  	v12 =	vmax.f32 v12, v16;
	v16 =	vmul.f32 $9.999999770e-03, v14;
	v15 =	vadd.f32 v15, v21  }
0x11e: {  	v18 =	vadd.f32 v19, v18;
	v19 =	vmul.f32 v12, v5  }
0x11f: {  	v14 =	vmax.f32 v14, v16;
	v16 =	vmul.f32 $9.999999770e-03, v15;
	v17 =	vadd.f32 v17, v22  }
0x120: {  	v18 =	vadd.f32 v19, v18;
	v19 =	vmul.f32 v14, v6  }
0x121: {  	v15 =	vmax.f32 v15, v16;
	v16 =	vmul.f32 $9.999999770e-03, v17  }
0x122: {  	v18 =	vadd.f32 v19, v18;
	v19 =	vmul.f32 v15, v7  }
0x123: {  	v16 =	vmax.f32 v17, v16  }
0x124: {  	v17 =	vadd.f32 v19, v18;
	v18 =	vmul.f32 v16, v8;
	_ =	sdelay $0x1  }
0x125: {  	v17 =	vadd.f32 v18, v17;
	_ =	sdelay $0x1  }
0x126: {  	(xrf2) =	vadd.scan.msk.f32 $0xffff, v17;
	_ =	sdelay $0x3  }
0x127: {  	s17 =	sadd.s32 $0x1, s3  }
0x128: {  	[tilespmem:s8+$0x80] =	vst v9;
	v9 =	vmov s17  }
0x129: {  	[tilespmem:s8+$0x90] =	vst v11;
	v9 =	vand.u32 $0xFFFFFFFD, v9  }
0x12a: {  	[tilespmem:s8+$0xA0] =	vst v13;
	v9 =	vbroadcast v9, $0x0  }
0x12b: {  	[tilespmem:s8+$0xB0] =	vst v10  }
0x12c: {  	[tilespmem:s8+$0xE0] =	vst v15  }
0x12d: {  	[tilespmem:s8+$0xC0] =	vst v12;
	v10, _, _ =	vpop (xrf2)  }
0x12e: {  	[tilespmem:s8+$0xD0] =	vst v14;
	v10 =	vbroadcast v10, $0xF  }
0x12f: {  	[tilespmem:s8+$0xF0] =	vst v16  }
0x130: {  	[tilespmem:v9+s9+$0x0] =	vst.idx.msk $0x1, v10  }
0x131: {  	v9 =	vld [tilespmem:s8+$0x6900]  }
0x132: {  	v10 =	vld [tilespmem:s8+$0x100]  }
0x133: {  	v11 =	vld [tilespmem:s8+$0x6910]  }
0x134: {  	v12 =	vld [tilespmem:s8+$0x110]  }
0x135: {  	v13 =	vld [tilespmem:s8+$0x6920]  }
0x136: {  	v14 =	vld [tilespmem:s8+$0x120]  }
0x137: {  	v9 =	vadd.f32 v9, v10;
	v10 =	vld [tilespmem:s8+$0x6930]  }
0x138: {  	v15 =	vld [tilespmem:s8+$0x130]  }
0x139: {  	v16 =	vmul.f32 $9.999999770e-03, v9;
	v11 =	vadd.f32 v11, v12;
	v12 =	vld [tilespmem:s8+$0x6940]  }
0x13a: {  	v17 =	vld [tilespmem:s8+$0x140]  }
0x13b: {  	v9 =	vmax.f32 v9, v16;
	v16 =	vmul.f32 $9.999999770e-03, v11;
	v13 =	vadd.f32 v13, v14;
	v14 =	vld [tilespmem:s8+$0x6950]  }
0x13c: {  	[tilespmem:s8+$0x100] =	vst v9;
	v9 =	vmul.f32 v9, v1;
	v18 =	vld [tilespmem:s8+$0x150]  }
0x13d: {  	v11 =	vmax.f32 v11, v16;
	v16 =	vmul.f32 $9.999999770e-03, v13;
	v10 =	vadd.f32 v10, v15;
	v15 =	vld [tilespmem:s8+$0x6960]  }
0x13e: {  	v9 =	vadd.f32 $0.0e+00, v9;
	[tilespmem:s8+$0x110] =	vst v11;
	v11 =	vmul.f32 v11, v2;
	v19 =	vld [tilespmem:s8+$0x160]  }
0x13f: {  	v13 =	vmax.f32 v13, v16;
	v16 =	vmul.f32 $9.999999770e-03, v10;
	v12 =	vadd.f32 v12, v17;
	v17 =	vld [tilespmem:s8+$0x6970]  }
0x140: {  	v9 =	vadd.f32 v11, v9;
	[tilespmem:s8+$0x120] =	vst v13;
	v11 =	vmul.f32 v13, v3;
	v13 =	vld [tilespmem:s8+$0x170]  }
0x141: {  	v10 =	vmax.f32 v10, v16;
	v16 =	vmul.f32 $9.999999770e-03, v12;
	v14 =	vadd.f32 v14, v18  }
0x142: {  	v9 =	vadd.f32 v11, v9;
	[tilespmem:s8+$0x130] =	vst v10;
	v10 =	vmul.f32 v10, v4  }
0x143: {  	v11 =	vmax.f32 v12, v16;
	v12 =	vmul.f32 $9.999999770e-03, v14;
	v15 =	vadd.f32 v15, v19  }
0x144: {  	v9 =	vadd.f32 v10, v9;
	[tilespmem:s8+$0x140] =	vst v11;
	v10 =	vmul.f32 v11, v5  }
0x145: {  	v11 =	vmax.f32 v14, v12;
	v12 =	vmul.f32 $9.999999770e-03, v15;
	v13 =	vadd.f32 v17, v13  }
0x146: {  	v9 =	vadd.f32 v10, v9;
	[tilespmem:s8+$0x150] =	vst v11;
	v10 =	vmul.f32 v11, v6  }
0x147: {  	v11 =	vmax.f32 v15, v12;
	v12 =	vmul.f32 $9.999999770e-03, v13  }
0x148: {  	v9 =	vadd.f32 v10, v9;
	[tilespmem:s8+$0x160] =	vst v11;
	v10 =	vmul.f32 v11, v7  }
0x149: {  	v11 =	vmax.f32 v13, v12  }
0x14a: {  	v9 =	vadd.f32 v10, v9;
	[tilespmem:s8+$0x170] =	vst v11;
	v10 =	vmul.f32 v11, v8;
	_ =	sdelay $0x1  }
0x14b: {  	v9 =	vadd.f32 v10, v9;
	_ =	sdelay $0x1  }
0x14c: {  	(xrf2) =	vadd.scan.msk.f32 $0xffff, v9;
	_ =	sdelay $0x3  }
0x14d: {  	s17 =	sadd.s32 $0x2, s3  }
0x14e: {  	v9 =	vmov s17  }
0x14f: {  	v9 =	vand.u32 $0xFFFFFFFE, v9  }
0x150: {  	v9 =	vbroadcast v9, $0x0;
	_ =	sdelay $0x1  }
.Ltmp0:
0x151: {  	(pc) =	sbr.rel @p0 .LBB2_3-.Ltmp0, $3  }
0x152: {  	v10, _, _ =	vpop (xrf2)  }
0x153: {  	v10 =	vbroadcast v10, $0xF;
	_ =	sdelay $0x1  }
0x154: {  	[tilespmem:v9+s9+$0x0] =	vst.idx.msk $0x1, v10  }
0x155: {  	v9 =	vld [tilespmem:s1+$0x6980]  }
0x156: {  	v10 =	vld [tilespmem:s1+$0x180]  }
0x157: {  	v11 =	vld [tilespmem:s1+$0x6990]  }
0x158: {  	v12 =	vld [tilespmem:s1+$0x190]  }
0x159: {  	v13 =	vld [tilespmem:s1+$0x69A0]  }
0x15a: {  	v14 =	vld [tilespmem:s1+$0x1A0]  }
0x15b: {  	v15 =	vld [tilespmem:s1+$0x1B0];
	v9 =	vadd.f32 v9, v10  }
0x15c: {  	v10 =	vld [tilespmem:s1+$0x69B0]  }
0x15d: {  	v17 =	vld [tilespmem:s1+$0x1C0];
	v11 =	vadd.f32 v11, v12;
	v16 =	vmul.f32 $9.999999770e-03, v9  }
0x15e: {  	v12 =	vld [tilespmem:s1+$0x69C0]  }
0x15f: {  	v19 =	vld [tilespmem:s1+$0x1D0];
	v13 =	vadd.f32 v13, v14;
	v9 =	vmax.f32 v9, v16;
	v16 =	vmul.f32 $9.999999770e-03, v11  }
0x160: {  	v14 =	vld [tilespmem:s1+$0x69D0];
	v18 =	vmul.f32 v9, v1  }
0x161: {  	v21 =	vld [tilespmem:s1+$0x1E0];
	v10 =	vadd.f32 v10, v15;
	v11 =	vmax.f32 v11, v16;
	v16 =	vmul.f32 $9.999999770e-03, v13  }
0x162: {  	v15 =	vld [tilespmem:s1+$0x69E0];
	v18 =	vadd.f32 $0.0e+00, v18;
	v20 =	vmul.f32 v11, v2  }
0x163: {  	v22 =	vld [tilespmem:s1+$0x1F0];
	v12 =	vadd.f32 v12, v17;
	v13 =	vmax.f32 v13, v16;
	v16 =	vmul.f32 $9.999999770e-03, v10  }
0x164: {  	v17 =	vld [tilespmem:s1+$0x69F0];
	v18 =	vadd.f32 v20, v18;
	v20 =	vmul.f32 v13, v3  }
0x165: {  	v14 =	vadd.f32 v14, v19;
	v10 =	vmax.f32 v10, v16;
	v16 =	vmul.f32 $9.999999770e-03, v12  }
0x166: {  	v18 =	vadd.f32 v20, v18;
	v19 =	vmul.f32 v10, v4  }
0x167: {  	v15 =	vadd.f32 v15, v21;
	v12 =	vmax.f32 v12, v16;
	v16 =	vmul.f32 $9.999999770e-03, v14  }
0x168: {  	v18 =	vadd.f32 v19, v18;
	v19 =	vmul.f32 v12, v5  }
0x169: {  	v17 =	vadd.f32 v17, v22;
	v14 =	vmax.f32 v14, v16;
	v16 =	vmul.f32 $9.999999770e-03, v15  }
0x16a: {  	v18 =	vadd.f32 v19, v18;
	v19 =	vmul.f32 v14, v6  }
0x16b: {  	v15 =	vmax.f32 v15, v16;
	v16 =	vmul.f32 $9.999999770e-03, v17  }
0x16c: {  	v18 =	vadd.f32 v19, v18;
	v19 =	vmul.f32 v15, v7  }
0x16d: {  	v16 =	vmax.f32 v17, v16  }
0x16e: {  	v17 =	vadd.f32 v19, v18;
	v18 =	vmul.f32 v16, v8;
	_ =	sdelay $0x1  }
0x16f: {  	v17 =	vadd.f32 v18, v17;
	_ =	sdelay $0x1  }
0x170: {  	(xrf2) =	vadd.scan.msk.f32 $0xffff, v17;
	_ =	sdelay $0x4  }
0x171: {  	[tilespmem:s1+$0x180] =	vst v9  }
0x172: {  	[tilespmem:s1+$0x190] =	vst v11  }
0x173: {  	s3 =	sadd.s32 $0x3, s3;
	[tilespmem:s1+$0x1A0] =	vst v13  }
0x174: {  	v9 =	vmov s3;
	[tilespmem:s1+$0x1B0] =	vst v10  }
0x175: {  	[tilespmem:s1+$0x1C0] =	vst v12  }
0x176: {  	[tilespmem:s1+$0x1D0] =	vst v14;
	v10, _, _ =	vpop (xrf2)  }
0x177: {  	[tilespmem:s1+$0x1E0] =	vst v15;
	v10 =	vbroadcast v10, $0xF  }
0x178: {  	[tilespmem:s1+$0x1F0] =	vst v16  }
0x179: {  	[tilespmem:v9+s9+$0x0] =	vst.idx.msk $0x1, v10  }
0x17a: {  	v9 =	vld [tilespmem:$0x1A400]  }
0x17b: {  	v10 =	vld [tilespmem:$0x1A410]  }
0x17c: {  	v11 =	vld [tilespmem:$0x1A420]  }
0x17d: {  	v12 =	vld [tilespmem:$0x1A430]  }
0x17e: {  	v13 =	vld [tilespmem:$0x1A440]  }
0x17f: {  	v14 =	vld [tilespmem:$0x1A450]  }
0x180: {  	v15 =	vld [tilespmem:$0x1A460];
	v16 =	vmax.f32 v9, v10  }
0x181: {  	v17 =	vld [tilespmem:$0x1A470];
	v16 =	vmax.f32 v16, v11  }
0x182: {  	v18 =	vld [tilespmem:$0x1A480];
	v16 =	vmax.f32 v16, v12  }
0x183: {  	v19 =	vld [tilespmem:$0x1A490];
	v16 =	vmax.f32 v16, v13  }
0x184: {  	v20 =	vld [tilespmem:$0x1A4A0];
	v16 =	vmax.f32 v16, v14  }
0x185: {  	v21 =	vld [tilespmem:$0x1A4B0];
	v16 =	vmax.f32 v16, v15  }
0x186: {  	v22 =	vld [tilespmem:$0x1A4C0];
	v16 =	vmax.f32 v16, v17  }
0x187: {  	v16 =	vmax.f32 v16, v18  }
0x188: {  	v16 =	vmax.f32 v16, v19  }
0x189: {  	v16 =	vmax.f32 v16, v20  }
0x18a: {  	v16 =	vmax.f32 v16, v21  }
0x18b: {  	v16 =	vmax.f32 v16, v22  }
0x18c: {  	(xrf0) =	vmax.scan.msk.f32 $0xffff, v16;
	_ =	sdelay $0x5  }
0x18d: {  	v16, _, _ =	vpop (xrf0)  }
0x18e: {  	v16 =	vbroadcast v16, $0xF;
	_ =	sdelay $0x1  }
0x18f: {  	v9 =	vsub.f32 v9, v16  }
0x190: {  	v10 =	vsub.f32 v10, v16  }
0x191: {  	v11 =	vsub.f32 v11, v16;
	v9 =	vmul.f32 $1.442695020e+00, v9  }
0x192: {  	v10 =	vmul.f32 $1.442695020e+00, v10  }
0x193: {  	v12 =	vsub.f32 v12, v16;
	(erf) = vpow2.f32 v9;
	v9 =	vmul.f32 $1.442695020e+00, v11  }
0x194: {  	v11 =	vsub.f32 v13, v16;
	v13 =	vsub.f32 v21, v16;
	(erf) = vpow2.f32 v10  }
0x195: {  	v10 =	vmul.f32 $1.442695020e+00, v12;
	v12 =	vsub.f32 v14, v16;
	(erf) = vpow2.f32 v9  }
0x196: {  	v9 =	vmul.f32 $1.442695020e+00, v11;
	v11 =	vsub.f32 v15, v16;
	v13 =	vmul.f32 $1.442695020e+00, v13  }
0x197: {  	(erf) = vpow2.f32 v10;
	v10 =	vmul.f32 $1.442695020e+00, v12;
	v12 =	vsub.f32 v17, v16  }
0x198: {  	(erf) = vpow2.f32 v9;
	v9 =	vmul.f32 $1.442695020e+00, v11;
	v11 =	vsub.f32 v18, v16  }
0x199: {  	(erf) = vpow2.f32 v10;
	v10 =	vmul.f32 $1.442695020e+00, v12;
	v12 =	vsub.f32 v19, v16  }
0x19a: {  	(erf) = vpow2.f32 v9;
	v9 =	vmul.f32 $1.442695020e+00, v11;
	v11 =	vsub.f32 v20, v16  }
0x19b: {  	(erf) = vpow2.f32 v10;
	v12 =	vmul.f32 $1.442695020e+00, v12  }
0x19c: {  	v14 =	vsub.f32 v22, v16;
	(erf) = vpow2.f32 v9;
	v9 =	vmul.f32 $1.442695020e+00, v11  }
0x19d: {  	v10 =	vpop (erf);
	(erf) = vpow2.f32 v12  }
0x19e: {  	[tilespmem:$0x1A500] =	vst v10;
	v11 =	vpop (erf);
	(erf) = vpow2.f32 v9;
	v9 =	vmul.f32 $1.442695020e+00, v14  }
0x19f: {  	[tilespmem:$0x1A510] =	vst v11;
	v12 =	vpop (erf);
	(erf) = vpow2.f32 v13  }
0x1a0: {  	[tilespmem:$0x1A520] =	vst v12;
	v13 =	vpop (erf);
	(erf) = vpow2.f32 v9  }
0x1a1: {  	v14 =	vpop (erf);
	[tilespmem:$0x1A530] =	vst v13  }
0x1a2: {  	v15 =	vpop (erf);
	[tilespmem:$0x1A540] =	vst v14  }
0x1a3: {  	v16 =	vpop (erf);
	[tilespmem:$0x1A550] =	vst v15  }
0x1a4: {  	v17 =	vpop (erf);
	[tilespmem:$0x1A560] =	vst v16  }
0x1a5: {  	v18 =	vpop (erf);
	[tilespmem:$0x1A570] =	vst v17  }
0x1a6: {  	v19 =	vpop (erf);
	[tilespmem:$0x1A580] =	vst v18  }
0x1a7: {  	v20 =	vpop (erf);
	[tilespmem:$0x1A590] =	vst v19  }
0x1a8: {  	v21 =	vpop (erf);
	[tilespmem:$0x1A5A0] =	vst v20  }
0x1a9: {  	[tilespmem:$0x1A5B0] =	vst v21;
	v22 =	vpop (erf)  }
0x1aa: {  	s1 =	simm.s32 $0x500;
	[tilespmem:$0x1A5C0] =	vst v22  }
0x1ab: {  	v23 =	vld [tilespmem:s1+$0x80]  }
0x1ac: {  	v24 =	vld [tilespmem:s1+$0x90]  }
0x1ad: {  	v25 =	vld [tilespmem:s1+$0xA0]  }
0x1ae: {  	v26 =	vld [tilespmem:s1+$0xB0]  }
0x1af: {  	v27 =	vld [tilespmem:s1+$0xC0]  }
0x1b0: {  	s14 =	simm.s32 $0x3;
	v28 =	vld [tilespmem:s1+$0xD0]  }
0x1b1: {  	s8 =	simm.s32 $0x0;
	v9 =	vmov s14;
	v39 =	vld [tilespmem:s1+$0x0]  }
0x1b2: {  	v29 =	vmov s8;
	v40 =	vld [tilespmem:s1+$0x10]  }
0x1b3: {  	v29 =	vand.u32 $0xFFFFFFFC, v29;
	v41 =	vld [tilespmem:s1+$0xFFFFFF80]  }
0x1b4: {  	v29 =	vbroadcast v29, $0x0;
	v42 =	vld [tilespmem:s1+$0xFFFFFF00]  }
0x1b5: {  	s17 =	simm.s32 $0x2;
	v43 =	vld [tilespmem:s1+$0xFFFFFF10]  }
0x1b6: {  	s18 =	simm.s32 $0x1;
	v30 =	vmov s17;
	v9 =	vld.idx.msk [tilespmem:v9+s12+$0x0], $0xffff  }
0x1b7: {  	v31 =	vmov s18;
	v30 =	vand.u32 $0xFFFFFFFE, v30;
	v44 =	vld [tilespmem:s1+$0xFFFFFF20]  }
0x1b8: {  	v31 =	vand.u32 $0xFFFFFFFD, v31;
	v32 =	vbroadcast v30, $0x0;
	v46 =	vld [tilespmem:s1+$0xFFFFFF30]  }
0x1b9: {  	v34 =	vbroadcast v31, $0x0;
	v47 =	vld [tilespmem:s1+$0xFFFFFF40]  }
0x1ba: {  	v45 =	vld.idx.msk [tilespmem:v29+s12+$0x0], $0xffff  }
0x1bb: {  	v33 =	vimm.f32 $0.0e+00;
	v30 =	vimm.f32 $0.0e+00;
	v48 =	vld [tilespmem:s1+$0xFFFFFF50]  }
0x1bc: {  	v31 =	vimm.f32 $0.0e+00;
	v49 =	vld [tilespmem:s1+$0xFFFFFF60];
	v37 =	vmul.f32 v23, v9;
	v38 =	vmul.f32 v24, v9  }
0x1bd: {  	v50 =	vld [tilespmem:s1+$0xFFFFFF70];
	v29 =	vimm.f32 $0.0e+00;
	v35 =	vmul.f32 v25, v9;
	v36 =	vmul.f32 v26, v9  }
0x1be: {  	v24 =	vmul.f32 v27, v9;
	v23 =	vmul.f32 v28, v9;
	v27 =	vld.idx.msk [tilespmem:v32+s12+$0x0], $0xffff;
	v32 =	vimm.f32 $0.0e+00  }
0x1bf: {  	s3 =	simm.s32 $0x4;
	v34 =	vld.idx.msk [tilespmem:v34+s12+$0x0], $0xffff;
	v28 =	vimm.f32 $0.0e+00;
	v25 =	vimm.f32 $0.0e+00;
	v26 =	vimm.f32 $0.0e+00  }
.LBB2_5:
0x1c0: {  	p0 =	slt.u32 s3, $0xC4;
	v42 =	vmul.f32 v42, v45;
	v43 =	vmul.f32 v43, v45;
	v51 =	vld [tilespmem:s1+$0xFFFFFF90]  }
0x1c1: {  	v44 =	vmul.f32 v44, v45;
	v46 =	vmul.f32 v46, v45;
	v52 =	vld [tilespmem:s1+$0xFFFFFFA0]  }
0x1c2: {  	v47 =	vmul.f32 v47, v45;
	v48 =	vmul.f32 v48, v45;
	v53 =	vld [tilespmem:s1+$0xFFFFFFB0]  }
0x1c3: {  	v49 =	vmul.f32 v49, v45;
	v45 =	vmul.f32 v50, v45;
	v50 =	vld [tilespmem:s1+$0x20]  }
0x1c4: {  	v39 =	vmul.f32 v39, v27;
	v40 =	vmul.f32 v40, v27;
	v54 =	vld [tilespmem:s1+$0x30]  }
0x1c5: {  	v41 =	vmul.f32 v41, v34;
	v51 =	vmul.f32 v51, v34;
	v55 =	vld [tilespmem:s1+$0x40]  }
0x1c6: {  	v30 =	vadd.f32 v42, v30;
	v33 =	vadd.f32 v43, v33;
	v42 =	vmul.f32 v52, v34;
	v43 =	vld [tilespmem:s1+$0x50]  }
0x1c7: {  	v31 =	vadd.f32 v44, v31;
	v32 =	vadd.f32 v46, v32;
	v44 =	vmul.f32 v53, v34;
	v46 =	vld [tilespmem:s1+$0xFFFFFFC0]  }
0x1c8: {  	v30 =	vadd.f32 v41, v30;
	v33 =	vadd.f32 v51, v33;
	v41 =	vld [tilespmem:s1+$0xFFFFFFD0];
	v50 =	vmul.f32 v50, v27  }
0x1c9: {  	v31 =	vadd.f32 v42, v31;
	v32 =	vadd.f32 v44, v32;
	v42 =	vld [tilespmem:s1+$0xFFFFFFE0];
	v44 =	vmul.f32 v54, v27  }
0x1ca: {  	v30 =	vadd.f32 v39, v30;
	v33 =	vadd.f32 v40, v33;
	v51 =	vld [tilespmem:s1+$0xFFFFFFF0];
	v39 =	vmul.f32 v55, v27  }
0x1cb: {  	v31 =	vadd.f32 v50, v31;
	v32 =	vadd.f32 v44, v32;
	v40 =	vmul.f32 v43, v27;
	v43 =	vld [tilespmem:s1+$0x60]  }
0x1cc: {  	v30 =	vadd.f32 v37, v30;
	v33 =	vadd.f32 v38, v33;
	v44 =	vmul.f32 v46, v34;
	v46 =	vld [tilespmem:s1+$0x70]  }
0x1cd: {  	v31 =	vadd.f32 v35, v31;
	v37 =	vmul.f32 v41, v34;
	v32 =	vadd.f32 v36, v32;
	v35 =	vld [tilespmem:s1+$0xE0]  }
0x1ce: {  	v28 =	vadd.f32 v47, v28;
	v29 =	vadd.f32 v48, v29;
	v36 =	vmul.f32 v42, v34;
	v38 =	vld [tilespmem:s1+$0xF0];
	s1 =	sadd.s32 $0x200, s1  }
0x1cf: {  	v25 =	vadd.f32 v49, v25;
	v26 =	vadd.f32 v45, v26;
	v52 =	vld [tilespmem:s1+$0x80];
	v34 =	vmul.f32 v51, v34  }
0x1d0: {  	v28 =	vadd.f32 v44, v28;
	v29 =	vadd.f32 v37, v29;
	v51 =	vld [tilespmem:s1+$0x90];
	v37 =	vmul.f32 v43, v27  }
0x1d1: {  	v25 =	vadd.f32 v36, v25;
	v53 =	vld [tilespmem:s1+$0xA0];
	v26 =	vadd.f32 v34, v26;
	v27 =	vmul.f32 v46, v27  }
0x1d2: {  	v28 =	vadd.f32 v39, v28;
	v29 =	vadd.f32 v40, v29;
	v34 =	vld [tilespmem:s1+$0xB0];
	v35 =	vmul.f32 v35, v9  }
0x1d3: {  	v25 =	vadd.f32 v37, v25;
	v54 =	vld [tilespmem:s1+$0xC0];
	v26 =	vadd.f32 v27, v26;
	v9 =	vmul.f32 v38, v9  }
0x1d4: {  	v28 =	vadd.f32 v24, v28;
	v29 =	vadd.f32 v23, v29;
	v55 =	vld [tilespmem:s1+$0xD0]  }
0x1d5: {  	s8 =	sadd.s32 $0x3, s3;
	v25 =	vadd.f32 v35, v25;
	v39 =	vld [tilespmem:s1+$0x0];
	v26 =	vadd.f32 v9, v26  }
0x1d6: {  	v23 =	vmov s8;
	v9 =	vmov s3;
	v40 =	vld [tilespmem:s1+$0x10]  }
0x1d7: {  	v9 =	vand.u32 $0xFFFFFFFC, v9;
	v41 =	vld [tilespmem:s1+$0xFFFFFF80]  }
0x1d8: {  	v24 =	vbroadcast v9, $0x0;
	v42 =	vld [tilespmem:s1+$0xFFFFFF00]  }
0x1d9: {  	s8 =	sadd.s32 $0x2, s3;
	v43 =	vld [tilespmem:s1+$0xFFFFFF10]  }
0x1da: {  	s14 =	sadd.s32 $0x1, s3;
	v9 =	vmov s8;
	v44 =	vld [tilespmem:s1+$0xFFFFFF20]  }
0x1db: {  	v27 =	vmov s14;
	v35 =	vand.u32 $0xFFFFFFFE, v9;
	v9 =	vld.idx.msk [tilespmem:v23+s12+$0x0], $0xffff  }
0x1dc: {  	v23 =	vand.u32 $0xFFFFFFFD, v27;
	v27 =	vbroadcast v35, $0x0;
	v46 =	vld [tilespmem:s1+$0xFFFFFF30]  }
0x1dd: {  	v23 =	vbroadcast v23, $0x0;
	v47 =	vld [tilespmem:s1+$0xFFFFFF40]  }
0x1de: {  	v45 =	vld.idx.msk [tilespmem:v24+s12+$0x0], $0xffff  }
.Ltmp1:
0x1df: {  	v48 =	vld [tilespmem:s1+$0xFFFFFF50];
	(pc) =	sbr.rel @p0 .LBB2_5-.Ltmp1, $4  }
0x1e0: {  	v49 =	vld [tilespmem:s1+$0xFFFFFF60]  }
0x1e1: {  	v37 =	vmul.f32 v52, v9;
	v38 =	vmul.f32 v51, v9;
	v50 =	vld [tilespmem:s1+$0xFFFFFF70]  }
0x1e2: {  	v35 =	vmul.f32 v53, v9;
	v36 =	vmul.f32 v34, v9;
	v27 =	vld.idx.msk [tilespmem:v27+s12+$0x0], $0xffff  }
0x1e3: {  	s3 =	sadd.s32 $0x4, s3;
	v24 =	vmul.f32 v54, v9;
	v34 =	vld.idx.msk [tilespmem:v23+s12+$0x0], $0xffff;
	v23 =	vmul.f32 v55, v9  }
0x1e4: {  	v10 =	vadd.f32 $0.0e+00, v10;
	_ =	sdelay $0x1  }
0x1e5: {  	v10 =	vadd.f32 v10, v11;
	_ =	sdelay $0x1  }
0x1e6: {  	v10 =	vadd.f32 v10, v12;
	_ =	sdelay $0x1  }
0x1e7: {  	v10 =	vadd.f32 v10, v13;
	_ =	sdelay $0x1  }
0x1e8: {  	v10 =	vadd.f32 v10, v14;
	_ =	sdelay $0x1  }
0x1e9: {  	v10 =	vadd.f32 v10, v15;
	_ =	sdelay $0x1  }
0x1ea: {  	v10 =	vadd.f32 v10, v16;
	_ =	sdelay $0x1  }
0x1eb: {  	v10 =	vadd.f32 v10, v17;
	_ =	sdelay $0x1  }
0x1ec: {  	v10 =	vadd.f32 v10, v18;
	_ =	sdelay $0x1  }
0x1ed: {  	v10 =	vadd.f32 v10, v19;
	_ =	sdelay $0x1  }
0x1ee: {  	v10 =	vadd.f32 v10, v20;
	_ =	sdelay $0x1  }
0x1ef: {  	v10 =	vadd.f32 v10, v21;
	_ =	sdelay $0x1  }
0x1f0: {  	v10 =	vadd.f32 v10, v22;
	_ =	sdelay $0x1  }
0x1f1: {  	(xrf2) =	vadd.scan.msk.f32 $0xffff, v10;
	_ =	sdelay $0x6  }
0x1f2: {  	v62 =	vld [tilespmem:s1+$0xFFFFFF90];
	v63 =	vmul.f32 v44, v45  }
0x1f3: {  	v51 =	vmul.f32 v46, v45;
	v53 =	vmul.f32 v47, v45  }
0x1f4: {  	v54 =	vmul.f32 v48, v45;
	v60 =	vld [tilespmem:s1+$0x30];
	v56 =	vmul.f32 v49, v45  }
0x1f5: {  	v61 =	vld [tilespmem:s1+$0x40];
	v11 =	vmul.f32 v43, v45;
	v57 =	vmul.f32 v50, v45;
	v58, _, _ =	vpop (xrf2)  }
0x1f6: {  	v52 =	vld [tilespmem:s1+$0xFFFFFFA0];
	v39 =	vmul.f32 v39, v27;
	v21 =	vbroadcast v58, $0xF  }
0x1f7: {  	v11 =	vadd.f32 v11, v33;
	v12 =	vmul.f32 v62, v34;
	v13 =	vadd.f32 v63, v31;
	v63 =	vld [tilespmem:s1+$0xFFFFFFC0]  }
0x1f8: {  	v44 =	vld [tilespmem:s1+$0xFFFFFFD0];
	v10 =	vmul.f32 v42, v45;
	(erf) = vrcp.f32 v21  }
0x1f9: {  	v40 =	vmul.f32 v40, v27;
	v41 =	vmul.f32 v41, v34;
	v62 =	vld [tilespmem:s1+$0x50];
	v11 =	vadd.f32 v12, v11  }
0x1fa: {  	v55 =	vld [tilespmem:s1+$0xFFFFFFB0];
	v46 =	vmul.f32 v60, v27;
	v47 =	vmul.f32 v61, v27;
	v10 =	vadd.f32 v10, v30  }
0x1fb: {  	v59 =	vld [tilespmem:s1+$0x20];
	v14 =	vadd.f32 v51, v32;
	v11 =	vadd.f32 v40, v11;
	v15 =	vmul.f32 v52, v34  }
0x1fc: {  	v52 =	vld [tilespmem:s1+$0x60];
	v50 =	vmul.f32 v63, v34;
	v16 =	vadd.f32 v53, v28;
	v10 =	vadd.f32 v41, v10  }
0x1fd: {  	v12 =	vmul.f32 v44, v34;
	v11 =	vadd.f32 v38, v11;
	v17 =	vadd.f32 v54, v29  }
0x1fe: {  	v49 =	vmul.f32 v62, v27;
	v16 =	vadd.f32 v50, v16;
	v45 =	vld [tilespmem:s1+$0xFFFFFFE0];
	v10 =	vadd.f32 v39, v10  }
0x1ff: {  	v51 =	vld [tilespmem:$0x1A680];
	v13 =	vadd.f32 v15, v13;
	v18 =	vmul.f32 v55, v34;
	v12 =	vadd.f32 v12, v17  }
0x200: {  	v48 =	vld [tilespmem:s1+$0xFFFFFFF0];
	v16 =	vadd.f32 v47, v16;
	v22 =	vmul.f32 v59, v27;
	v10 =	vadd.f32 v37, v10  }
0x201: {  	v54 =	vld [tilespmem:$0x1A690];
	v60 =	vmul.f32 v52, v27;
	v14 =	vadd.f32 v18, v14;
	v19 =	vadd.f32 v56, v25;
	v53 =	vpop (erf)  }
0x202: {  	v55 =	vld [tilespmem:s1+$0x70];
	v12 =	vadd.f32 v49, v12;
	v13 =	vadd.f32 v22, v13;
	v10 =	vmul.f32 v10, v53  }
0x203: {  	v14 =	vadd.f32 v46, v14;
	v20 =	vadd.f32 v57, v26;
	v57 =	vld [tilespmem:$0x1A6A0];
	v15 =	vmul.f32 v45, v34  }
0x204: {  	v13 =	vadd.f32 v35, v13;
	v58 =	vld [tilespmem:s1+$0xE0];
	v11 =	vmul.f32 v11, v53;
	v59 =	vmul.f32 v51, v10  }
0x205: {  	v61 =	vld [tilespmem:$0x1A6B0];
	v56 =	vmul.f32 v48, v34;
	v14 =	vadd.f32 v36, v14;
	v15 =	vadd.f32 v15, v19  }
0x206: {  	v62 =	vld [tilespmem:s1+$0xF0];
	v13 =	vmul.f32 v13, v53;
	v29 =	vmul.f32 v54, v11;
	v19 =	vadd.f32 $0.0e+00, v59  }
0x207: {  	v16 =	vadd.f32 v24, v16;
	v12 =	vadd.f32 v23, v12;
	v63 =	vmul.f32 v55, v27;
	v30 =	vld [tilespmem:$0x1A6C0]  }
0x208: {  	v14 =	vmul.f32 v14, v53;
	v17 =	vmul.f32 v57, v13;
	v19 =	vadd.f32 v29, v19  }
0x209: {  	v31 =	vld [tilespmem:$0x1A6D0];
	v20 =	vadd.f32 v56, v20;
	v15 =	vadd.f32 v60, v15;
	v21 =	vmul.f32 v58, v9  }
0x20a: {  	v16 =	vmul.f32 v16, v53;
	v32 =	vmul.f32 v61, v14;
	v17 =	vadd.f32 v17, v19  }
0x20b: {  	v33 =	vld [tilespmem:$0x1A6E0];
	v20 =	vadd.f32 v63, v20;
	v9 =	vmul.f32 v62, v9;
	v15 =	vadd.f32 v21, v15  }
0x20c: {  	v12 =	vmul.f32 v12, v53;
	v18 =	vmul.f32 v30, v16;
	v17 =	vadd.f32 v32, v17  }
0x20d: {  	v34 =	vld [tilespmem:$0x1A6F0];
	v9 =	vadd.f32 v9, v20  }
0x20e: {  	v15 =	vmul.f32 v15, v53;
	v35 =	vmul.f32 v31, v12;
	v17 =	vadd.f32 v18, v17;
	_ =	sdelay $0x1  }
0x20f: {  	v9 =	vmul.f32 v9, v53;
	v36 =	vmul.f32 v33, v15;
	v17 =	vadd.f32 v35, v17  }
0x210: {  	v37 =	vld [tilespmem:$0x1A700]  }
0x211: {  	v38 =	vmul.f32 v34, v9;
	v17 =	vadd.f32 v36, v17;
	_ =	sdelay $0x1  }
0x212: {  	v17 =	vadd.f32 v38, v17;
	_ =	sdelay $0x1  }
0x213: {  	v17 =	vadd.f32 v17, v37;
	_ =	sdelay $0x1  }
0x214: {  	(xrf2) =	vadd.scan.msk.f32 $0xffff, v17;
	_ =	sdelay $0x9  }
0x215: {  	v17, _, _ =	vpop (xrf2)  }
0x216: {  	v17 =	vsub.f32 $0.0e+00, v17;
	_ =	sdelay $0x1  }
0x217: {  	v17 =	vmul.f32 $1.442695020e+00, v17;
	_ =	sdelay $0x1  }
0x218: {  	v17 =	vbroadcast v17, $0xF;
	_ =	sdelay $0x1  }
0x219: {  	(erf) = vpow2.f32 v17;
	_ =	sdelay $0x8  }
0x21a: {  	v17 =	vpop (erf)  }
0x21b: {  	v17 =	vadd.f32 $1.000000000e+00, v17;
	_ =	sdelay $0x1  }
0x21c: {  	(erf) = vrcp.f32 v17;
	_ =	sdelay $0x5  }
0x21d: {  	s3 =	sshll.u32 s19, $0x8  }
0x21e: {  	v39 =	vld [tilespmem:s3+$0x1A880]  }
0x21f: {  	v40 =	vld [tilespmem:s3+$0x1A890]  }
0x220: {  	v49 =	vld [tilespmem:s3+$0x1A8F0];
	v41 =	vpop (erf)  }
0x221: {  	v42 =	vld [tilespmem:s3+$0x1A8A0];
	v43 =	vsub.f32 $1.000000000e+00, v41  }
0x222: {  	v44 =	vld [tilespmem:s3+$0x1A8B0]  }
0x223: {  	v45 =	vld [tilespmem:s3+$0x1A8C0];
	v10 =	vmul.f32 v41, v10;
	v17 =	vmul.f32 v43, v39  }
0x224: {  	v46 =	vld [tilespmem:s3+$0x1A8D0];
	v11 =	vmul.f32 v41, v11;
	v18 =	vmul.f32 v43, v40  }
0x225: {  	v47 =	vld [tilespmem:s3+$0x1A8E0];
	v9 =	vmul.f32 v41, v9;
	v56 =	vmul.f32 v49, v43;
	v10 =	vadd.f32 v17, v10  }
0x226: {  	v13 =	vmul.f32 v41, v13;
	v48 =	vmul.f32 v43, v42;
	v11 =	vadd.f32 v18, v11  }
0x227: {  	v14 =	vmul.f32 v41, v14;
	v50 =	vmul.f32 v43, v44;
	v9 =	vadd.f32 v56, v9;
	[tilespmem:s3+$0x1C880] =	vst v10  }
0x228: {  	v51 =	vmul.f32 v41, v16;
	v52 =	vmul.f32 v43, v45;
	v10 =	vadd.f32 v48, v13;
	[tilespmem:s3+$0x1C890] =	vst v11  }
0x229: {  	v12 =	vmul.f32 v41, v12;
	v53 =	vmul.f32 v43, v46;
	v11 =	vadd.f32 v50, v14;
	[tilespmem:s3+$0x1C8F0] =	vst v9  }
0x22a: {  	v54 =	vmul.f32 v41, v15;
	v55 =	vmul.f32 v47, v43;
	[tilespmem:s3+$0x1C8A0] =	vst v10;
	v10 =	vadd.f32 v52, v51  }
0x22b: {  	[tilespmem:s3+$0x1C8B0] =	vst v11;
	v11 =	vadd.f32 v53, v12  }
0x22c: {  	[tilespmem:s3+$0x1C8C0] =	vst v10;
	v10 =	vadd.f32 v55, v54  }
0x22d: {  	[tilespmem:s3+$0x1C8D0] =	vst v11  }
0x22e: {  	[tilespmem:s3+$0x1C8E0] =	vst v10  }
0x22f: {  	_ =	swait.ge [sflag:s13], $0x3400  }
0x230: {  	[sflag:s13] =	ssyncset.done $0x0  }
0x231: {  	[sflag:s13] =	ssyncadd.s32 $0xFFFFCC00  }
0x232: {  	_ =	swait.ge [sflag:s13], $0x3000  }
0x233: {  	[sflag:s13] =	ssyncset.done $0x0  }
0x234: {  	[sflag:s13] =	ssyncadd.s32 $0xFFFFD000  }
0x235: {  	_ =	swait.ge [sflag:s13], $0x3400  }
0x236: {  	[sflag:s13] =	ssyncset.done $0x0  }
0x237: {  	[sflag:s13] =	ssyncadd.s32 $0xFFFFCC00  }
0x238: {  	_ =	swait.ge [sflag:s13], $0x3000  }
0x239: {  	[sflag:s13] =	ssyncset.done $0x0  }
0x23a: {  	[sflag:s13] =	ssyncadd.s32 $0xFFFFD000  }
0x23b: {  	_ =	swait.ge [sflag:s22], $0x200  }
0x23c: {  	s15 =	sadd.s32 s15, s11;
	[sflag:s22] =	ssyncset.done $0x0  }
0x23d: {  	s8 =	simm.s32 $0x0;
	s1 =	smin.u32 s15, $0x7FF;
	[sflag:s22] =	ssyncadd.s32 $0xFFFFFE00  }
0x23e: {  	[tilespmem:s21], [sflag:$0x1] =	stream.indirect.gather [hbm4b:s5+s23], $0x80, s8, s23, $0xb8;
	[tilespmem:$0x1E880] =	vst v63  }
0x23f: {  	s14 =	sshll.u32 s1, $0x4  }
0x240: {  	[tilespmem:s25], [sflag:$0x1] =	stream.indirect.gather [hbm4b:s5+s24], $0x80, s23, s24, $0xb8;
	[tilespmem:$0x1E880] =	vst v63  }
0x241: {  	s1 =	sshll.u32 s1, $0x6;
	s14 =	sand.u32 $0x70, s14  }
0x242: {  	[tilespmem:s28], [sflag:$0x1] =	stream.indirect.gather [hbm4b:s5+s23], $0x80, s26, s23, $0xb8;
	[tilespmem:$0x1E880] =	vst v63  }
0x243: {  	s1 =	sand.u32 $0x1FE00, s1;
	s14 =	sadd.s32 s4, s14  }
0x244: {  	[tilespmem:s30], [sflag:$0x1] =	stream.indirect.gather [hbm4b:s5+s24], $0x80, s29, s24, $0xb8;
	[tilespmem:$0x1E880] =	vst v63  }
0x245: {  	s15 =	simm.s32 $0xD400;
	s1 =	sadd.s32 s1, s14  }
0x246: {  	[tilespmem:s31], [sflag:$0x4] =	stream.strided.gather [hbm4b:s1+s20], $0x200, s21, s20, $0x38;
	[tilespmem:$0x1E880] =	vst v63  }
0x247: {  	v9 =	vld [tilespmem:s15+$0x6800]  }
0x248: {  	v10 =	vld [tilespmem:s15+$0x0]  }
0x249: {  	v11 =	vld [tilespmem:s15+$0x6810]  }
0x24a: {  	v57 =	vld [tilespmem:s15+$0x10]  }
0x24b: {  	v58 =	vld [tilespmem:s15+$0x6820]  }
0x24c: {  	v59 =	vld [tilespmem:s15+$0x20]  }
0x24d: {  	v60 =	vld [tilespmem:s15+$0x30];
	v9 =	vadd.f32 v9, v10  }
0x24e: {  	v10 =	vld [tilespmem:s15+$0x6830]  }
0x24f: {  	v62 =	vld [tilespmem:s15+$0x6840];
	v11 =	vadd.f32 v11, v57;
	v61 =	vmul.f32 $9.999999770e-03, v9  }
0x250: {  	v63 =	vld [tilespmem:s15+$0x40]  }
0x251: {  	v25 =	vld [tilespmem:s15+$0x6850];
	v13 =	vadd.f32 v58, v59;
	v24 =	vmul.f32 $9.999999770e-03, v11;
	v9 =	vmax.f32 v9, v61  }
0x252: {  	v27 =	vld [tilespmem:s15+$0x50];
	v26 =	vmul.f32 v9, v1  }
0x253: {  	v29 =	vld [tilespmem:s15+$0x6860];
	v28 =	vmul.f32 $9.999999770e-03, v13;
	v11 =	vmax.f32 v11, v24;
	v10 =	vadd.f32 v10, v60  }
0x254: {  	v31 =	vld [tilespmem:s15+$0x60];
	v30 =	vmul.f32 v11, v2;
	v18 =	vadd.f32 $0.0e+00, v26  }
0x255: {  	v33 =	vld [tilespmem:s15+$0x6870];
	v12 =	vadd.f32 v62, v63;
	v13 =	vmax.f32 v13, v28;
	v32 =	vmul.f32 $9.999999770e-03, v10  }
0x256: {  	v35 =	vld [tilespmem:s15+$0x70];
	v34 =	vmul.f32 v13, v3;
	v18 =	vadd.f32 v30, v18  }
0x257: {  	v14 =	vadd.f32 v25, v27;
	v36 =	vmul.f32 $9.999999770e-03, v12;
	v10 =	vmax.f32 v10, v32  }
0x258: {  	v37 =	vmul.f32 v10, v4;
	v18 =	vadd.f32 v34, v18  }
0x259: {  	v15 =	vadd.f32 v29, v31;
	v38 =	vmul.f32 $9.999999770e-03, v14;
	v12 =	vmax.f32 v12, v36  }
0x25a: {  	v39 =	vmul.f32 v12, v5;
	v18 =	vadd.f32 v37, v18  }
0x25b: {  	v17 =	vadd.f32 v33, v35;
	v40 =	vmul.f32 $9.999999770e-03, v15;
	v14 =	vmax.f32 v14, v38  }
0x25c: {  	v41 =	vmul.f32 v14, v6;
	v18 =	vadd.f32 v39, v18  }
0x25d: {  	v42 =	vmul.f32 $9.999999770e-03, v17;
	v15 =	vmax.f32 v15, v40  }
0x25e: {  	v43 =	vmul.f32 v15, v7;
	v18 =	vadd.f32 v41, v18  }
0x25f: {  	v16 =	vmax.f32 v17, v42  }
0x260: {  	v45 =	vmul.f32 v16, v8;
	v44 =	vadd.f32 v43, v18;
	_ =	sdelay $0x1  }
0x261: {  	v17 =	vadd.f32 v45, v44;
	_ =	sdelay $0x1  }
0x262: {  	(xrf2) =	vadd.scan.msk.f32 $0xffff, v17;
	_ =	sdelay $0x4  }
0x263: {  	[tilespmem:s15+$0x0] =	vst v9;
	v9 =	vmov s8  }
0x264: {  	[tilespmem:s15+$0x10] =	vst v11;
	v9 =	vand.u32 $0xFFFFFFFC, v9  }
0x265: {  	[tilespmem:s15+$0x20] =	vst v13;
	v9 =	vbroadcast v9, $0x0  }
0x266: {  	[tilespmem:s15+$0x40] =	vst v12  }
0x267: {  	[tilespmem:s15+$0x50] =	vst v14  }
0x268: {  	[tilespmem:s15+$0x30] =	vst v10;
	v10, _, _ =	vpop (xrf2)  }
0x269: {  	[tilespmem:s15+$0x60] =	vst v15;
	v10 =	vbroadcast v10, $0xF  }
0x26a: {  	[tilespmem:s15+$0x70] =	vst v16  }
0x26b: {  	[tilespmem:v9+s9+$0x0] =	vst.idx.msk $0x1, v10  }
0x26c: {  	v9 =	vld [tilespmem:s15+$0x80]  }
0x26d: {  	v10 =	vld [tilespmem:s15+$0x6880]  }
0x26e: {  	v11 =	vld [tilespmem:s15+$0x90]  }
0x26f: {  	v46 =	vld [tilespmem:s15+$0x6890]  }
0x270: {  	v47 =	vld [tilespmem:s15+$0x68A0]  }
0x271: {  	v48 =	vld [tilespmem:s15+$0xA0]  }
0x272: {  	v49 =	vld [tilespmem:s15+$0xB0];
	v9 =	vadd.f32 v10, v9  }
0x273: {  	v10 =	vld [tilespmem:s15+$0x68B0]  }
0x274: {  	v51 =	vld [tilespmem:s15+$0x68C0];
	v11 =	vadd.f32 v46, v11;
	v50 =	vmul.f32 $9.999999770e-03, v9  }
0x275: {  	v52 =	vld [tilespmem:s15+$0xC0]  }
0x276: {  	v54 =	vld [tilespmem:s15+$0x68D0];
	v13 =	vadd.f32 v47, v48;
	v53 =	vmul.f32 $9.999999770e-03, v11;
	v9 =	vmax.f32 v9, v50  }
0x277: {  	v56 =	vld [tilespmem:s15+$0xD0];
	v55 =	vmul.f32 v9, v1  }
0x278: {  	v58 =	vld [tilespmem:s15+$0x68E0];
	v57 =	vmul.f32 $9.999999770e-03, v13;
	v11 =	vmax.f32 v11, v53;
	v10 =	vadd.f32 v10, v49  }
0x279: {  	v60 =	vld [tilespmem:s15+$0xE0];
	v59 =	vmul.f32 v11, v2;
	v18 =	vadd.f32 $0.0e+00, v55  }
0x27a: {  	v62 =	vld [tilespmem:s15+$0x68F0];
	v12 =	vadd.f32 v51, v52;
	v13 =	vmax.f32 v13, v57;
	v61 =	vmul.f32 $9.999999770e-03, v10  }
0x27b: {  	v24 =	vld [tilespmem:s15+$0xF0];
	v63 =	vmul.f32 v13, v3;
	v18 =	vadd.f32 v59, v18  }
0x27c: {  	v14 =	vadd.f32 v54, v56;
	v25 =	vmul.f32 $9.999999770e-03, v12;
	v10 =	vmax.f32 v10, v61  }
0x27d: {  	v26 =	vmul.f32 v10, v4;
	v18 =	vadd.f32 v63, v18  }
0x27e: {  	v15 =	vadd.f32 v58, v60;
	v27 =	vmul.f32 $9.999999770e-03, v14;
	v12 =	vmax.f32 v12, v25  }
0x27f: {  	v28 =	vmul.f32 v12, v5;
	v18 =	vadd.f32 v26, v18  }
0x280: {  	v17 =	vadd.f32 v62, v24;
	v29 =	vmul.f32 $9.999999770e-03, v15;
	v14 =	vmax.f32 v14, v27  }
0x281: {  	v30 =	vmul.f32 v14, v6;
	v18 =	vadd.f32 v28, v18  }
0x282: {  	v31 =	vmul.f32 $9.999999770e-03, v17;
	v15 =	vmax.f32 v15, v29  }
0x283: {  	v32 =	vmul.f32 v15, v7;
	v18 =	vadd.f32 v30, v18  }
0x284: {  	v16 =	vmax.f32 v17, v31  }
0x285: {  	v34 =	vmul.f32 v16, v8;
	v33 =	vadd.f32 v32, v18;
	_ =	sdelay $0x1  }
0x286: {  	v17 =	vadd.f32 v34, v33;
	_ =	sdelay $0x1  }
0x287: {  	(xrf2) =	vadd.scan.msk.f32 $0xffff, v17;
	_ =	sdelay $0x3  }
0x288: {  	s17 =	simm.s32 $0x1  }
0x289: {  	[tilespmem:s15+$0x80] =	vst v9;
	v9 =	vmov s17  }
0x28a: {  	[tilespmem:s15+$0x90] =	vst v11;
	v9 =	vand.u32 $0xFFFFFFFD, v9  }
0x28b: {  	[tilespmem:s15+$0xA0] =	vst v13;
	v9 =	vbroadcast v9, $0x0  }
0x28c: {  	[tilespmem:s15+$0xE0] =	vst v15  }
0x28d: {  	[tilespmem:s15+$0xC0] =	vst v12  }
0x28e: {  	[tilespmem:s15+$0xB0] =	vst v10;
	v10, _, _ =	vpop (xrf2)  }
0x28f: {  	[tilespmem:s15+$0xD0] =	vst v14;
	v10 =	vbroadcast v10, $0xF  }
0x290: {  	[tilespmem:s15+$0xF0] =	vst v16  }
0x291: {  	[tilespmem:v9+s9+$0x0] =	vst.idx.msk $0x1, v10  }
0x292: {  	v9 =	vld [tilespmem:s15+$0x6900]  }
0x293: {  	v10 =	vld [tilespmem:s15+$0x100]  }
0x294: {  	v11 =	vld [tilespmem:s15+$0x6910]  }
0x295: {  	v35 =	vld [tilespmem:s15+$0x110]  }
0x296: {  	v36 =	vld [tilespmem:s15+$0x6920]  }
0x297: {  	v37 =	vld [tilespmem:s15+$0x120]  }
0x298: {  	v38 =	vld [tilespmem:s15+$0x130];
	v9 =	vadd.f32 v9, v10  }
0x299: {  	v10 =	vld [tilespmem:s15+$0x6930]  }
0x29a: {  	v40 =	vld [tilespmem:s15+$0x6940];
	v11 =	vadd.f32 v11, v35;
	v39 =	vmul.f32 $9.999999770e-03, v9  }
0x29b: {  	v41 =	vld [tilespmem:s15+$0x140]  }
0x29c: {  	v43 =	vld [tilespmem:s15+$0x6950];
	v13 =	vadd.f32 v36, v37;
	v42 =	vmul.f32 $9.999999770e-03, v11;
	v9 =	vmax.f32 v9, v39  }
0x29d: {  	v45 =	vld [tilespmem:s15+$0x150];
	v44 =	vmul.f32 v9, v1  }
0x29e: {  	v47 =	vld [tilespmem:s15+$0x6960];
	v46 =	vmul.f32 $9.999999770e-03, v13;
	v11 =	vmax.f32 v11, v42;
	v10 =	vadd.f32 v10, v38  }
0x29f: {  	v49 =	vld [tilespmem:s15+$0x160];
	v48 =	vmul.f32 v11, v2;
	v18 =	vadd.f32 $0.0e+00, v44  }
0x2a0: {  	v51 =	vld [tilespmem:s15+$0x6970];
	v12 =	vadd.f32 v40, v41;
	v13 =	vmax.f32 v13, v46;
	v50 =	vmul.f32 $9.999999770e-03, v10  }
0x2a1: {  	v53 =	vld [tilespmem:s15+$0x170];
	v52 =	vmul.f32 v13, v3;
	v18 =	vadd.f32 v48, v18  }
0x2a2: {  	v14 =	vadd.f32 v43, v45;
	v54 =	vmul.f32 $9.999999770e-03, v12;
	v10 =	vmax.f32 v10, v50  }
0x2a3: {  	v55 =	vmul.f32 v10, v4;
	v18 =	vadd.f32 v52, v18  }
0x2a4: {  	v15 =	vadd.f32 v47, v49;
	v56 =	vmul.f32 $9.999999770e-03, v14;
	v12 =	vmax.f32 v12, v54  }
0x2a5: {  	v57 =	vmul.f32 v12, v5;
	v18 =	vadd.f32 v55, v18  }
0x2a6: {  	v17 =	vadd.f32 v51, v53;
	v58 =	vmul.f32 $9.999999770e-03, v15;
	v14 =	vmax.f32 v14, v56  }
0x2a7: {  	v59 =	vmul.f32 v14, v6;
	v18 =	vadd.f32 v57, v18  }
0x2a8: {  	v60 =	vmul.f32 $9.999999770e-03, v17;
	v15 =	vmax.f32 v15, v58  }
0x2a9: {  	v61 =	vmul.f32 v15, v7;
	v18 =	vadd.f32 v59, v18  }
0x2aa: {  	v16 =	vmax.f32 v17, v60  }
0x2ab: {  	v63 =	vmul.f32 v16, v8;
	v62 =	vadd.f32 v61, v18;
	_ =	sdelay $0x1  }
0x2ac: {  	v17 =	vadd.f32 v63, v62;
	_ =	sdelay $0x1  }
0x2ad: {  	(xrf2) =	vadd.scan.msk.f32 $0xffff, v17;
	_ =	sdelay $0x3  }
0x2ae: {  	s18 =	simm.s32 $0x2  }
0x2af: {  	[tilespmem:s15+$0x100] =	vst v9;
	v9 =	vmov s18  }
0x2b0: {  	[tilespmem:s15+$0x110] =	vst v11;
	v9 =	vand.u32 $0xFFFFFFFE, v9  }
0x2b1: {  	[tilespmem:s15+$0x120] =	vst v13;
	v9 =	vbroadcast v9, $0x0  }
0x2b2: {  	[tilespmem:s15+$0x140] =	vst v12  }
0x2b3: {  	[tilespmem:s15+$0x150] =	vst v14  }
0x2b4: {  	[tilespmem:s15+$0x130] =	vst v10;
	v10, _, _ =	vpop (xrf2)  }
0x2b5: {  	[tilespmem:s15+$0x160] =	vst v15;
	v10 =	vbroadcast v10, $0xF  }
0x2b6: {  	[tilespmem:s15+$0x170] =	vst v16  }
0x2b7: {  	s14 =	simm.s32 $0x4;
	s1 =	simm.s32 $0xD400;
	[tilespmem:v9+s9+$0x0] =	vst.idx.msk $0x1, v10  }
.LBB2_7:
0x2b8: {  	p0 =	slt.u32 s14, $0xC4  }
0x2b9: {  	s15 =	sadd.s32 $0x200, s15;
	s17 =	smov.u32 s14;
	s14 =	sadd.s32 $0x4, s14  }
0x2ba: {  	v9 =	vld [tilespmem:s1+$0x6980]  }
0x2bb: {  	v10 =	vld [tilespmem:s1+$0x180]  }
0x2bc: {  	v11 =	vld [tilespmem:s1+$0x6990]  }
0x2bd: {  	v12 =	vld [tilespmem:s1+$0x190]  }
0x2be: {  	v13 =	vld [tilespmem:s1+$0x69A0]  }
0x2bf: {  	v14 =	vld [tilespmem:s1+$0x1A0]  }
0x2c0: {  	v9 =	vadd.f32 v9, v10;
	v10 =	vld [tilespmem:s1+$0x69B0]  }
0x2c1: {  	v15 =	vld [tilespmem:s1+$0x1B0]  }
0x2c2: {  	v16 =	vmul.f32 $9.999999770e-03, v9;
	v11 =	vadd.f32 v11, v12;
	v12 =	vld [tilespmem:s1+$0x69C0]  }
0x2c3: {  	v17 =	vld [tilespmem:s1+$0x1C0]  }
0x2c4: {  	v9 =	vmax.f32 v9, v16;
	v16 =	vmul.f32 $9.999999770e-03, v11;
	v13 =	vadd.f32 v13, v14;
	v14 =	vld [tilespmem:s1+$0x69D0]  }
0x2c5: {  	[tilespmem:s1+$0x180] =	vst v9;
	v9 =	vmul.f32 v9, v1;
	v18 =	vld [tilespmem:s1+$0x1D0]  }
0x2c6: {  	v11 =	vmax.f32 v11, v16;
	v16 =	vmul.f32 $9.999999770e-03, v13;
	v10 =	vadd.f32 v10, v15;
	v15 =	vld [tilespmem:s1+$0x69E0]  }
0x2c7: {  	v9 =	vadd.f32 $0.0e+00, v9;
	[tilespmem:s1+$0x190] =	vst v11;
	v11 =	vmul.f32 v11, v2;
	v19 =	vld [tilespmem:s1+$0x1E0]  }
0x2c8: {  	v13 =	vmax.f32 v13, v16;
	v16 =	vmul.f32 $9.999999770e-03, v10;
	v12 =	vadd.f32 v12, v17;
	v17 =	vld [tilespmem:s1+$0x69F0]  }
0x2c9: {  	v9 =	vadd.f32 v11, v9;
	[tilespmem:s1+$0x1A0] =	vst v13;
	v11 =	vmul.f32 v13, v3;
	v13 =	vld [tilespmem:s1+$0x1F0]  }
0x2ca: {  	v10 =	vmax.f32 v10, v16;
	v16 =	vmul.f32 $9.999999770e-03, v12;
	v14 =	vadd.f32 v14, v18  }
0x2cb: {  	v9 =	vadd.f32 v11, v9;
	[tilespmem:s1+$0x1B0] =	vst v10;
	v10 =	vmul.f32 v10, v4  }
0x2cc: {  	v11 =	vmax.f32 v12, v16;
	v12 =	vmul.f32 $9.999999770e-03, v14;
	v15 =	vadd.f32 v15, v19  }
0x2cd: {  	v9 =	vadd.f32 v10, v9;
	[tilespmem:s1+$0x1C0] =	vst v11;
	v10 =	vmul.f32 v11, v5  }
0x2ce: {  	v11 =	vmax.f32 v14, v12;
	v12 =	vmul.f32 $9.999999770e-03, v15;
	v13 =	vadd.f32 v17, v13  }
0x2cf: {  	v9 =	vadd.f32 v10, v9;
	[tilespmem:s1+$0x1D0] =	vst v11;
	v10 =	vmul.f32 v11, v6  }
0x2d0: {  	v11 =	vmax.f32 v15, v12;
	v12 =	vmul.f32 $9.999999770e-03, v13  }
0x2d1: {  	v9 =	vadd.f32 v10, v9;
	[tilespmem:s1+$0x1E0] =	vst v11;
	v10 =	vmul.f32 v11, v7  }
0x2d2: {  	v11 =	vmax.f32 v13, v12  }
0x2d3: {  	v9 =	vadd.f32 v10, v9;
	[tilespmem:s1+$0x1F0] =	vst v11;
	v10 =	vmul.f32 v11, v8;
	s1 =	smov.u32 s15;
	_ =	sdelay $0x1  }
0x2d4: {  	v9 =	vadd.f32 v10, v9;
	_ =	sdelay $0x1  }
0x2d5: {  	(xrf2) =	vadd.scan.msk.f32 $0xffff, v9;
	_ =	sdelay $0x6  }
0x2d6: {  	s18 =	sadd.s32 $0x3, s8;
	s8 =	smov.u32 s17  }
0x2d7: {  	v9 =	vmov s18;
	_ =	sdelay $0x1  }
0x2d8: {  	v10, _, _ =	vpop (xrf2)  }
0x2d9: {  	v10 =	vbroadcast v10, $0xF;
	_ =	sdelay $0x1  }
0x2da: {  	[tilespmem:v9+s9+$0x0] =	vst.idx.msk $0x1, v10  }
0x2db: {  	v9 =	vld [tilespmem:s15+$0x6800]  }
0x2dc: {  	v10 =	vld [tilespmem:s15+$0x0]  }
0x2dd: {  	v11 =	vld [tilespmem:s15+$0x6810]  }
0x2de: {  	v12 =	vld [tilespmem:s15+$0x10]  }
0x2df: {  	v13 =	vld [tilespmem:s15+$0x6820]  }
0x2e0: {  	v14 =	vld [tilespmem:s15+$0x20]  }
0x2e1: {  	v9 =	vadd.f32 v9, v10;
	v10 =	vld [tilespmem:s15+$0x6830]  }
0x2e2: {  	v15 =	vld [tilespmem:s15+$0x30]  }
0x2e3: {  	v16 =	vmul.f32 $9.999999770e-03, v9;
	v11 =	vadd.f32 v11, v12;
	v12 =	vld [tilespmem:s15+$0x6840]  }
0x2e4: {  	v17 =	vld [tilespmem:s15+$0x40]  }
0x2e5: {  	v9 =	vmax.f32 v9, v16;
	v16 =	vmul.f32 $9.999999770e-03, v11;
	v13 =	vadd.f32 v13, v14;
	v14 =	vld [tilespmem:s15+$0x6850]  }
0x2e6: {  	v18 =	vmul.f32 v9, v1;
	v19 =	vld [tilespmem:s15+$0x50]  }
0x2e7: {  	v11 =	vmax.f32 v11, v16;
	v16 =	vmul.f32 $9.999999770e-03, v13;
	v10 =	vadd.f32 v10, v15;
	v15 =	vld [tilespmem:s15+$0x6860]  }
0x2e8: {  	v18 =	vadd.f32 $0.0e+00, v18;
	v20 =	vmul.f32 v11, v2;
	v21 =	vld [tilespmem:s15+$0x60]  }
0x2e9: {  	v13 =	vmax.f32 v13, v16;
	v16 =	vmul.f32 $9.999999770e-03, v10;
	v12 =	vadd.f32 v12, v17;
	v17 =	vld [tilespmem:s15+$0x6870]  }
0x2ea: {  	v18 =	vadd.f32 v20, v18;
	v20 =	vmul.f32 v13, v3;
	v22 =	vld [tilespmem:s15+$0x70]  }
0x2eb: {  	v10 =	vmax.f32 v10, v16;
	v16 =	vmul.f32 $9.999999770e-03, v12;
	v14 =	vadd.f32 v14, v19  }
0x2ec: {  	v18 =	vadd.f32 v20, v18;
	v19 =	vmul.f32 v10, v4  }
0x2ed: {  	v12 =	vmax.f32 v12, v16;
	v16 =	vmul.f32 $9.999999770e-03, v14;
	v15 =	vadd.f32 v15, v21  }
0x2ee: {  	v18 =	vadd.f32 v19, v18;
	v19 =	vmul.f32 v12, v5  }
0x2ef: {  	v14 =	vmax.f32 v14, v16;
	v16 =	vmul.f32 $9.999999770e-03, v15;
	v17 =	vadd.f32 v17, v22  }
0x2f0: {  	v18 =	vadd.f32 v19, v18;
	v19 =	vmul.f32 v14, v6  }
0x2f1: {  	v15 =	vmax.f32 v15, v16;
	v16 =	vmul.f32 $9.999999770e-03, v17  }
0x2f2: {  	v18 =	vadd.f32 v19, v18;
	v19 =	vmul.f32 v15, v7  }
0x2f3: {  	v16 =	vmax.f32 v17, v16  }
0x2f4: {  	v17 =	vadd.f32 v19, v18;
	v18 =	vmul.f32 v16, v8;
	_ =	sdelay $0x1  }
0x2f5: {  	v17 =	vadd.f32 v18, v17;
	_ =	sdelay $0x1  }
0x2f6: {  	(xrf2) =	vadd.scan.msk.f32 $0xffff, v17;
	_ =	sdelay $0x4  }
0x2f7: {  	[tilespmem:s15+$0x0] =	vst v9;
	v9 =	vmov s8  }
0x2f8: {  	[tilespmem:s15+$0x10] =	vst v11;
	v9 =	vand.u32 $0xFFFFFFFC, v9  }
0x2f9: {  	[tilespmem:s15+$0x20] =	vst v13;
	v9 =	vbroadcast v9, $0x0  }
0x2fa: {  	[tilespmem:s15+$0x30] =	vst v10  }
0x2fb: {  	[tilespmem:s15+$0x40] =	vst v12  }
0x2fc: {  	[tilespmem:s15+$0x50] =	vst v14;
	v10, _, _ =	vpop (xrf2)  }
0x2fd: {  	[tilespmem:s15+$0x60] =	vst v15;
	v10 =	vbroadcast v10, $0xF  }
0x2fe: {  	[tilespmem:s15+$0x70] =	vst v16  }
0x2ff: {  	[tilespmem:v9+s9+$0x0] =	vst.idx.msk $0x1, v10  }
0x300: {  	v9 =	vld [tilespmem:s15+$0x80]  }
0x301: {  	v10 =	vld [tilespmem:s15+$0x6880]  }
0x302: {  	v11 =	vld [tilespmem:s15+$0x90]  }
0x303: {  	v12 =	vld [tilespmem:s15+$0x6890]  }
0x304: {  	v13 =	vld [tilespmem:s15+$0x68A0]  }
0x305: {  	v14 =	vld [tilespmem:s15+$0xA0]  }
0x306: {  	v9 =	vadd.f32 v10, v9;
	v10 =	vld [tilespmem:s15+$0x68B0]  }
0x307: {  	v15 =	vld [tilespmem:s15+$0xB0]  }
0x308: {  	v16 =	vmul.f32 $9.999999770e-03, v9;
	v11 =	vadd.f32 v12, v11;
	v12 =	vld [tilespmem:s15+$0x68C0]  }
0x309: {  	v17 =	vld [tilespmem:s15+$0xC0]  }
0x30a: {  	v9 =	vmax.f32 v9, v16;
	v16 =	vmul.f32 $9.999999770e-03, v11;
	v13 =	vadd.f32 v13, v14;
	v14 =	vld [tilespmem:s15+$0x68D0]  }
0x30b: {  	v18 =	vmul.f32 v9, v1;
	v19 =	vld [tilespmem:s15+$0xD0]  }
0x30c: {  	v11 =	vmax.f32 v11, v16;
	v16 =	vmul.f32 $9.999999770e-03, v13;
	v10 =	vadd.f32 v10, v15;
	v15 =	vld [tilespmem:s15+$0x68E0]  }
0x30d: {  	v18 =	vadd.f32 $0.0e+00, v18;
	v20 =	vmul.f32 v11, v2;
	v21 =	vld [tilespmem:s15+$0xE0]  }
0x30e: {  	v13 =	vmax.f32 v13, v16;
	v16 =	vmul.f32 $9.999999770e-03, v10;
	v12 =	vadd.f32 v12, v17;
	v17 =	vld [tilespmem:s15+$0x68F0]  }
0x30f: {  	v18 =	vadd.f32 v20, v18;
	v20 =	vmul.f32 v13, v3;
	v22 =	vld [tilespmem:s15+$0xF0]  }
0x310: {  	v10 =	vmax.f32 v10, v16;
	v16 =	vmul.f32 $9.999999770e-03, v12;
	v14 =	vadd.f32 v14, v19  }
0x311: {  	v18 =	vadd.f32 v20, v18;
	v19 =	vmul.f32 v10, v4  }
0x312: {  	v12 =	vmax.f32 v12, v16;
	v16 =	vmul.f32 $9.999999770e-03, v14;
	v15 =	vadd.f32 v15, v21  }
0x313: {  	v18 =	vadd.f32 v19, v18;
	v19 =	vmul.f32 v12, v5  }
0x314: {  	v14 =	vmax.f32 v14, v16;
	v16 =	vmul.f32 $9.999999770e-03, v15;
	v17 =	vadd.f32 v17, v22  }
0x315: {  	v18 =	vadd.f32 v19, v18;
	v19 =	vmul.f32 v14, v6  }
0x316: {  	v15 =	vmax.f32 v15, v16;
	v16 =	vmul.f32 $9.999999770e-03, v17  }
0x317: {  	v18 =	vadd.f32 v19, v18;
	v19 =	vmul.f32 v15, v7  }
0x318: {  	v16 =	vmax.f32 v17, v16  }
0x319: {  	v17 =	vadd.f32 v19, v18;
	v18 =	vmul.f32 v16, v8;
	_ =	sdelay $0x1  }
0x31a: {  	v17 =	vadd.f32 v18, v17;
	_ =	sdelay $0x1  }
0x31b: {  	(xrf2) =	vadd.scan.msk.f32 $0xffff, v17;
	_ =	sdelay $0x3  }
0x31c: {  	s17 =	sadd.s32 $0x1, s8  }
0x31d: {  	[tilespmem:s15+$0x80] =	vst v9;
	v9 =	vmov s17  }
0x31e: {  	[tilespmem:s15+$0x90] =	vst v11;
	v9 =	vand.u32 $0xFFFFFFFD, v9  }
0x31f: {  	[tilespmem:s15+$0xA0] =	vst v13;
	v9 =	vbroadcast v9, $0x0  }
0x320: {  	[tilespmem:s15+$0xB0] =	vst v10  }
0x321: {  	[tilespmem:s15+$0xE0] =	vst v15  }
0x322: {  	[tilespmem:s15+$0xC0] =	vst v12;
	v10, _, _ =	vpop (xrf2)  }
0x323: {  	[tilespmem:s15+$0xD0] =	vst v14;
	v10 =	vbroadcast v10, $0xF  }
0x324: {  	[tilespmem:s15+$0xF0] =	vst v16  }
0x325: {  	[tilespmem:v9+s9+$0x0] =	vst.idx.msk $0x1, v10  }
0x326: {  	v9 =	vld [tilespmem:s15+$0x6900]  }
0x327: {  	v10 =	vld [tilespmem:s15+$0x100]  }
0x328: {  	v11 =	vld [tilespmem:s15+$0x6910]  }
0x329: {  	v12 =	vld [tilespmem:s15+$0x110]  }
0x32a: {  	v13 =	vld [tilespmem:s15+$0x6920]  }
0x32b: {  	v14 =	vld [tilespmem:s15+$0x120]  }
0x32c: {  	v9 =	vadd.f32 v9, v10;
	v10 =	vld [tilespmem:s15+$0x6930]  }
0x32d: {  	v15 =	vld [tilespmem:s15+$0x130]  }
0x32e: {  	v16 =	vmul.f32 $9.999999770e-03, v9;
	v11 =	vadd.f32 v11, v12;
	v12 =	vld [tilespmem:s15+$0x6940]  }
0x32f: {  	v17 =	vld [tilespmem:s15+$0x140]  }
0x330: {  	v9 =	vmax.f32 v9, v16;
	v16 =	vmul.f32 $9.999999770e-03, v11;
	v13 =	vadd.f32 v13, v14;
	v14 =	vld [tilespmem:s15+$0x6950]  }
0x331: {  	[tilespmem:s15+$0x100] =	vst v9;
	v9 =	vmul.f32 v9, v1;
	v18 =	vld [tilespmem:s15+$0x150]  }
0x332: {  	v11 =	vmax.f32 v11, v16;
	v16 =	vmul.f32 $9.999999770e-03, v13;
	v10 =	vadd.f32 v10, v15;
	v15 =	vld [tilespmem:s15+$0x6960]  }
0x333: {  	v9 =	vadd.f32 $0.0e+00, v9;
	[tilespmem:s15+$0x110] =	vst v11;
	v11 =	vmul.f32 v11, v2;
	v19 =	vld [tilespmem:s15+$0x160]  }
0x334: {  	v13 =	vmax.f32 v13, v16;
	v16 =	vmul.f32 $9.999999770e-03, v10;
	v12 =	vadd.f32 v12, v17;
	v17 =	vld [tilespmem:s15+$0x6970]  }
0x335: {  	v9 =	vadd.f32 v11, v9;
	[tilespmem:s15+$0x120] =	vst v13;
	v11 =	vmul.f32 v13, v3;
	v13 =	vld [tilespmem:s15+$0x170]  }
0x336: {  	v10 =	vmax.f32 v10, v16;
	v16 =	vmul.f32 $9.999999770e-03, v12;
	v14 =	vadd.f32 v14, v18  }
0x337: {  	v9 =	vadd.f32 v11, v9;
	[tilespmem:s15+$0x130] =	vst v10;
	v10 =	vmul.f32 v10, v4  }
0x338: {  	v11 =	vmax.f32 v12, v16;
	v12 =	vmul.f32 $9.999999770e-03, v14;
	v15 =	vadd.f32 v15, v19  }
0x339: {  	v9 =	vadd.f32 v10, v9;
	[tilespmem:s15+$0x140] =	vst v11;
	v10 =	vmul.f32 v11, v5  }
0x33a: {  	v11 =	vmax.f32 v14, v12;
	v12 =	vmul.f32 $9.999999770e-03, v15;
	v13 =	vadd.f32 v17, v13  }
0x33b: {  	v9 =	vadd.f32 v10, v9;
	[tilespmem:s15+$0x150] =	vst v11;
	v10 =	vmul.f32 v11, v6  }
0x33c: {  	v11 =	vmax.f32 v15, v12;
	v12 =	vmul.f32 $9.999999770e-03, v13  }
0x33d: {  	v9 =	vadd.f32 v10, v9;
	[tilespmem:s15+$0x160] =	vst v11;
	v10 =	vmul.f32 v11, v7  }
0x33e: {  	v11 =	vmax.f32 v13, v12  }
0x33f: {  	v9 =	vadd.f32 v10, v9;
	[tilespmem:s15+$0x170] =	vst v11;
	v10 =	vmul.f32 v11, v8;
	_ =	sdelay $0x1  }
0x340: {  	v9 =	vadd.f32 v10, v9;
	_ =	sdelay $0x1  }
0x341: {  	(xrf2) =	vadd.scan.msk.f32 $0xffff, v9;
	_ =	sdelay $0x3  }
0x342: {  	s17 =	sadd.s32 $0x2, s8  }
0x343: {  	v9 =	vmov s17  }
0x344: {  	v9 =	vand.u32 $0xFFFFFFFE, v9  }
0x345: {  	v9 =	vbroadcast v9, $0x0;
	_ =	sdelay $0x1  }
.Ltmp2:
0x346: {  	(pc) =	sbr.rel @p0 .LBB2_7-.Ltmp2, $3  }
0x347: {  	v10, _, _ =	vpop (xrf2)  }
0x348: {  	v10 =	vbroadcast v10, $0xF;
	_ =	sdelay $0x1  }
0x349: {  	[tilespmem:v9+s9+$0x0] =	vst.idx.msk $0x1, v10  }
0x34a: {  	v9 =	vld [tilespmem:s1+$0x6980]  }
0x34b: {  	v10 =	vld [tilespmem:s1+$0x180]  }
0x34c: {  	v11 =	vld [tilespmem:s1+$0x6990]  }
0x34d: {  	v12 =	vld [tilespmem:s1+$0x190]  }
0x34e: {  	v13 =	vld [tilespmem:s1+$0x69A0]  }
0x34f: {  	v14 =	vld [tilespmem:s1+$0x1A0]  }
0x350: {  	v15 =	vld [tilespmem:s1+$0x1B0];
	v9 =	vadd.f32 v9, v10  }
0x351: {  	v10 =	vld [tilespmem:s1+$0x69B0]  }
0x352: {  	v17 =	vld [tilespmem:s1+$0x1C0];
	v11 =	vadd.f32 v11, v12;
	v16 =	vmul.f32 $9.999999770e-03, v9  }
0x353: {  	v12 =	vld [tilespmem:s1+$0x69C0]  }
0x354: {  	v19 =	vld [tilespmem:s1+$0x1D0];
	v13 =	vadd.f32 v13, v14;
	v9 =	vmax.f32 v9, v16;
	v16 =	vmul.f32 $9.999999770e-03, v11  }
0x355: {  	v14 =	vld [tilespmem:s1+$0x69D0];
	v18 =	vmul.f32 v9, v1  }
0x356: {  	v21 =	vld [tilespmem:s1+$0x1E0];
	v10 =	vadd.f32 v10, v15;
	v11 =	vmax.f32 v11, v16;
	v16 =	vmul.f32 $9.999999770e-03, v13  }
0x357: {  	v15 =	vld [tilespmem:s1+$0x69E0];
	v18 =	vadd.f32 $0.0e+00, v18;
	v20 =	vmul.f32 v11, v2  }
0x358: {  	v22 =	vld [tilespmem:s1+$0x1F0];
	v12 =	vadd.f32 v12, v17;
	v13 =	vmax.f32 v13, v16;
	v16 =	vmul.f32 $9.999999770e-03, v10  }
0x359: {  	v17 =	vld [tilespmem:s1+$0x69F0];
	v18 =	vadd.f32 v20, v18;
	v20 =	vmul.f32 v13, v3  }
0x35a: {  	v14 =	vadd.f32 v14, v19;
	v10 =	vmax.f32 v10, v16;
	v16 =	vmul.f32 $9.999999770e-03, v12  }
0x35b: {  	v18 =	vadd.f32 v20, v18;
	v19 =	vmul.f32 v10, v4  }
0x35c: {  	v15 =	vadd.f32 v15, v21;
	v12 =	vmax.f32 v12, v16;
	v16 =	vmul.f32 $9.999999770e-03, v14  }
0x35d: {  	v18 =	vadd.f32 v19, v18;
	v19 =	vmul.f32 v12, v5  }
0x35e: {  	v17 =	vadd.f32 v17, v22;
	v14 =	vmax.f32 v14, v16;
	v16 =	vmul.f32 $9.999999770e-03, v15  }
0x35f: {  	v18 =	vadd.f32 v19, v18;
	v19 =	vmul.f32 v14, v6  }
0x360: {  	v15 =	vmax.f32 v15, v16;
	v16 =	vmul.f32 $9.999999770e-03, v17  }
0x361: {  	v18 =	vadd.f32 v19, v18;
	v19 =	vmul.f32 v15, v7  }
0x362: {  	v16 =	vmax.f32 v17, v16  }
0x363: {  	v17 =	vadd.f32 v19, v18;
	v18 =	vmul.f32 v16, v8;
	_ =	sdelay $0x1  }
0x364: {  	v17 =	vadd.f32 v18, v17;
	_ =	sdelay $0x1  }
0x365: {  	(xrf2) =	vadd.scan.msk.f32 $0xffff, v17;
	_ =	sdelay $0x4  }
0x366: {  	[tilespmem:s1+$0x180] =	vst v9  }
0x367: {  	[tilespmem:s1+$0x190] =	vst v11  }
0x368: {  	s8 =	sadd.s32 $0x3, s8;
	[tilespmem:s1+$0x1A0] =	vst v13  }
0x369: {  	v9 =	vmov s8;
	[tilespmem:s1+$0x1B0] =	vst v10  }
0x36a: {  	[tilespmem:s1+$0x1C0] =	vst v12  }
0x36b: {  	[tilespmem:s1+$0x1D0] =	vst v14;
	v10, _, _ =	vpop (xrf2)  }
0x36c: {  	[tilespmem:s1+$0x1E0] =	vst v15;
	v10 =	vbroadcast v10, $0xF  }
0x36d: {  	[tilespmem:s1+$0x1F0] =	vst v16  }
0x36e: {  	[tilespmem:v9+s9+$0x0] =	vst.idx.msk $0x1, v10  }
0x36f: {  	v9 =	vld [tilespmem:$0x1A400]  }
0x370: {  	v10 =	vld [tilespmem:$0x1A410]  }
0x371: {  	v11 =	vld [tilespmem:$0x1A420]  }
0x372: {  	v12 =	vld [tilespmem:$0x1A430]  }
0x373: {  	v13 =	vld [tilespmem:$0x1A440]  }
0x374: {  	v14 =	vld [tilespmem:$0x1A450]  }
0x375: {  	v15 =	vld [tilespmem:$0x1A460];
	v16 =	vmax.f32 v9, v10  }
0x376: {  	v17 =	vld [tilespmem:$0x1A470];
	v16 =	vmax.f32 v16, v11  }
0x377: {  	v18 =	vld [tilespmem:$0x1A480];
	v16 =	vmax.f32 v16, v12  }
0x378: {  	v19 =	vld [tilespmem:$0x1A490];
	v16 =	vmax.f32 v16, v13  }
0x379: {  	v20 =	vld [tilespmem:$0x1A4A0];
	v16 =	vmax.f32 v16, v14  }
0x37a: {  	v21 =	vld [tilespmem:$0x1A4B0];
	v16 =	vmax.f32 v16, v15  }
0x37b: {  	v22 =	vld [tilespmem:$0x1A4C0];
	v16 =	vmax.f32 v16, v17  }
0x37c: {  	v16 =	vmax.f32 v16, v18  }
0x37d: {  	v16 =	vmax.f32 v16, v19  }
0x37e: {  	v16 =	vmax.f32 v16, v20  }
0x37f: {  	v16 =	vmax.f32 v16, v21  }
0x380: {  	v16 =	vmax.f32 v16, v22  }
0x381: {  	(xrf0) =	vmax.scan.msk.f32 $0xffff, v16;
	_ =	sdelay $0x5  }
0x382: {  	v16, _, _ =	vpop (xrf0)  }
0x383: {  	v16 =	vbroadcast v16, $0xF;
	_ =	sdelay $0x1  }
0x384: {  	v9 =	vsub.f32 v9, v16  }
0x385: {  	v10 =	vsub.f32 v10, v16  }
0x386: {  	v11 =	vsub.f32 v11, v16;
	v9 =	vmul.f32 $1.442695020e+00, v9  }
0x387: {  	v10 =	vmul.f32 $1.442695020e+00, v10  }
0x388: {  	v12 =	vsub.f32 v12, v16;
	(erf) = vpow2.f32 v9;
	v9 =	vmul.f32 $1.442695020e+00, v11  }
0x389: {  	v11 =	vsub.f32 v13, v16;
	v13 =	vsub.f32 v21, v16;
	(erf) = vpow2.f32 v10  }
0x38a: {  	v10 =	vmul.f32 $1.442695020e+00, v12;
	v12 =	vsub.f32 v14, v16;
	(erf) = vpow2.f32 v9  }
0x38b: {  	v9 =	vmul.f32 $1.442695020e+00, v11;
	v11 =	vsub.f32 v15, v16;
	v13 =	vmul.f32 $1.442695020e+00, v13  }
0x38c: {  	(erf) = vpow2.f32 v10;
	v10 =	vmul.f32 $1.442695020e+00, v12;
	v12 =	vsub.f32 v17, v16  }
0x38d: {  	(erf) = vpow2.f32 v9;
	v9 =	vmul.f32 $1.442695020e+00, v11;
	v11 =	vsub.f32 v18, v16  }
0x38e: {  	(erf) = vpow2.f32 v10;
	v10 =	vmul.f32 $1.442695020e+00, v12;
	v12 =	vsub.f32 v19, v16  }
0x38f: {  	(erf) = vpow2.f32 v9;
	v9 =	vmul.f32 $1.442695020e+00, v11;
	v11 =	vsub.f32 v20, v16  }
0x390: {  	(erf) = vpow2.f32 v10;
	v12 =	vmul.f32 $1.442695020e+00, v12  }
0x391: {  	v14 =	vsub.f32 v22, v16;
	(erf) = vpow2.f32 v9;
	v9 =	vmul.f32 $1.442695020e+00, v11  }
0x392: {  	v10 =	vpop (erf);
	(erf) = vpow2.f32 v12  }
0x393: {  	[tilespmem:$0x1A500] =	vst v10;
	v11 =	vpop (erf);
	(erf) = vpow2.f32 v9;
	v9 =	vmul.f32 $1.442695020e+00, v14  }
0x394: {  	[tilespmem:$0x1A510] =	vst v11;
	v12 =	vpop (erf);
	(erf) = vpow2.f32 v13  }
0x395: {  	[tilespmem:$0x1A520] =	vst v12;
	v13 =	vpop (erf);
	(erf) = vpow2.f32 v9  }
0x396: {  	v14 =	vpop (erf);
	[tilespmem:$0x1A530] =	vst v13  }
0x397: {  	v15 =	vpop (erf);
	[tilespmem:$0x1A540] =	vst v14  }
0x398: {  	v16 =	vpop (erf);
	[tilespmem:$0x1A550] =	vst v15  }
0x399: {  	v17 =	vpop (erf);
	[tilespmem:$0x1A560] =	vst v16  }
0x39a: {  	v18 =	vpop (erf);
	[tilespmem:$0x1A570] =	vst v17  }
0x39b: {  	v19 =	vpop (erf);
	[tilespmem:$0x1A580] =	vst v18  }
0x39c: {  	v20 =	vpop (erf);
	[tilespmem:$0x1A590] =	vst v19  }
0x39d: {  	v21 =	vpop (erf);
	[tilespmem:$0x1A5A0] =	vst v20  }
0x39e: {  	[tilespmem:$0x1A5B0] =	vst v21;
	v22 =	vpop (erf)  }
0x39f: {  	s1 =	simm.s32 $0xD500;
	[tilespmem:$0x1A5C0] =	vst v22  }
0x3a0: {  	v23 =	vld [tilespmem:s1+$0x80]  }
0x3a1: {  	v24 =	vld [tilespmem:s1+$0x90]  }
0x3a2: {  	v25 =	vld [tilespmem:s1+$0xA0]  }
0x3a3: {  	v26 =	vld [tilespmem:s1+$0xB0]  }
0x3a4: {  	v27 =	vld [tilespmem:s1+$0xC0]  }
0x3a5: {  	s15 =	simm.s32 $0x3;
	v28 =	vld [tilespmem:s1+$0xD0]  }
0x3a6: {  	s14 =	simm.s32 $0x0;
	v9 =	vmov s15;
	v39 =	vld [tilespmem:s1+$0x0]  }
0x3a7: {  	v29 =	vmov s14;
	v40 =	vld [tilespmem:s1+$0x10]  }
0x3a8: {  	v29 =	vand.u32 $0xFFFFFFFC, v29;
	v41 =	vld [tilespmem:s1+$0xFFFFFF80]  }
0x3a9: {  	v29 =	vbroadcast v29, $0x0;
	v42 =	vld [tilespmem:s1+$0xFFFFFF00]  }
0x3aa: {  	s17 =	simm.s32 $0x2;
	v43 =	vld [tilespmem:s1+$0xFFFFFF10]  }
0x3ab: {  	s18 =	simm.s32 $0x1;
	v30 =	vmov s17;
	v9 =	vld.idx.msk [tilespmem:v9+s12+$0x0], $0xffff  }
0x3ac: {  	v31 =	vmov s18;
	v30 =	vand.u32 $0xFFFFFFFE, v30;
	v44 =	vld [tilespmem:s1+$0xFFFFFF20]  }
0x3ad: {  	v31 =	vand.u32 $0xFFFFFFFD, v31;
	v32 =	vbroadcast v30, $0x0;
	v46 =	vld [tilespmem:s1+$0xFFFFFF30]  }
0x3ae: {  	v34 =	vbroadcast v31, $0x0;
	v47 =	vld [tilespmem:s1+$0xFFFFFF40]  }
0x3af: {  	v45 =	vld.idx.msk [tilespmem:v29+s12+$0x0], $0xffff  }
0x3b0: {  	v33 =	vimm.f32 $0.0e+00;
	v30 =	vimm.f32 $0.0e+00;
	v48 =	vld [tilespmem:s1+$0xFFFFFF50]  }
0x3b1: {  	v31 =	vimm.f32 $0.0e+00;
	v49 =	vld [tilespmem:s1+$0xFFFFFF60];
	v37 =	vmul.f32 v23, v9;
	v38 =	vmul.f32 v24, v9  }
0x3b2: {  	v50 =	vld [tilespmem:s1+$0xFFFFFF70];
	v29 =	vimm.f32 $0.0e+00;
	v35 =	vmul.f32 v25, v9;
	v36 =	vmul.f32 v26, v9  }
0x3b3: {  	v24 =	vmul.f32 v27, v9;
	v23 =	vmul.f32 v28, v9;
	v27 =	vld.idx.msk [tilespmem:v32+s12+$0x0], $0xffff;
	v32 =	vimm.f32 $0.0e+00  }
0x3b4: {  	s8 =	simm.s32 $0x4;
	v34 =	vld.idx.msk [tilespmem:v34+s12+$0x0], $0xffff;
	v28 =	vimm.f32 $0.0e+00;
	v25 =	vimm.f32 $0.0e+00;
	v26 =	vimm.f32 $0.0e+00  }
.LBB2_9:
0x3b5: {  	p0 =	slt.u32 s8, $0xC4;
	v42 =	vmul.f32 v42, v45;
	v43 =	vmul.f32 v43, v45;
	v51 =	vld [tilespmem:s1+$0xFFFFFF90]  }
0x3b6: {  	v44 =	vmul.f32 v44, v45;
	v46 =	vmul.f32 v46, v45;
	v52 =	vld [tilespmem:s1+$0xFFFFFFA0]  }
0x3b7: {  	v47 =	vmul.f32 v47, v45;
	v48 =	vmul.f32 v48, v45;
	v53 =	vld [tilespmem:s1+$0xFFFFFFB0]  }
0x3b8: {  	v49 =	vmul.f32 v49, v45;
	v45 =	vmul.f32 v50, v45;
	v50 =	vld [tilespmem:s1+$0x20]  }
0x3b9: {  	v39 =	vmul.f32 v39, v27;
	v40 =	vmul.f32 v40, v27;
	v54 =	vld [tilespmem:s1+$0x30]  }
0x3ba: {  	v41 =	vmul.f32 v41, v34;
	v51 =	vmul.f32 v51, v34;
	v55 =	vld [tilespmem:s1+$0x40]  }
0x3bb: {  	v30 =	vadd.f32 v42, v30;
	v33 =	vadd.f32 v43, v33;
	v42 =	vmul.f32 v52, v34;
	v43 =	vld [tilespmem:s1+$0x50]  }
0x3bc: {  	v31 =	vadd.f32 v44, v31;
	v32 =	vadd.f32 v46, v32;
	v44 =	vmul.f32 v53, v34;
	v46 =	vld [tilespmem:s1+$0xFFFFFFC0]  }
0x3bd: {  	v30 =	vadd.f32 v41, v30;
	v33 =	vadd.f32 v51, v33;
	v41 =	vld [tilespmem:s1+$0xFFFFFFD0];
	v50 =	vmul.f32 v50, v27  }
0x3be: {  	v31 =	vadd.f32 v42, v31;
	v32 =	vadd.f32 v44, v32;
	v42 =	vld [tilespmem:s1+$0xFFFFFFE0];
	v44 =	vmul.f32 v54, v27  }
0x3bf: {  	v30 =	vadd.f32 v39, v30;
	v33 =	vadd.f32 v40, v33;
	v51 =	vld [tilespmem:s1+$0xFFFFFFF0];
	v39 =	vmul.f32 v55, v27  }
0x3c0: {  	v31 =	vadd.f32 v50, v31;
	v32 =	vadd.f32 v44, v32;
	v40 =	vmul.f32 v43, v27;
	v43 =	vld [tilespmem:s1+$0x60]  }
0x3c1: {  	v30 =	vadd.f32 v37, v30;
	v33 =	vadd.f32 v38, v33;
	v44 =	vmul.f32 v46, v34;
	v46 =	vld [tilespmem:s1+$0x70]  }
0x3c2: {  	v31 =	vadd.f32 v35, v31;
	v37 =	vmul.f32 v41, v34;
	v32 =	vadd.f32 v36, v32;
	v35 =	vld [tilespmem:s1+$0xE0]  }
0x3c3: {  	v28 =	vadd.f32 v47, v28;
	v29 =	vadd.f32 v48, v29;
	v36 =	vmul.f32 v42, v34;
	v38 =	vld [tilespmem:s1+$0xF0];
	s1 =	sadd.s32 $0x200, s1  }
0x3c4: {  	v25 =	vadd.f32 v49, v25;
	v26 =	vadd.f32 v45, v26;
	v52 =	vld [tilespmem:s1+$0x80];
	v34 =	vmul.f32 v51, v34  }
0x3c5: {  	v28 =	vadd.f32 v44, v28;
	v29 =	vadd.f32 v37, v29;
	v51 =	vld [tilespmem:s1+$0x90];
	v37 =	vmul.f32 v43, v27  }
0x3c6: {  	v25 =	vadd.f32 v36, v25;
	v53 =	vld [tilespmem:s1+$0xA0];
	v26 =	vadd.f32 v34, v26;
	v27 =	vmul.f32 v46, v27  }
0x3c7: {  	v28 =	vadd.f32 v39, v28;
	v29 =	vadd.f32 v40, v29;
	v34 =	vld [tilespmem:s1+$0xB0];
	v35 =	vmul.f32 v35, v9  }
0x3c8: {  	v25 =	vadd.f32 v37, v25;
	v54 =	vld [tilespmem:s1+$0xC0];
	v26 =	vadd.f32 v27, v26;
	v9 =	vmul.f32 v38, v9  }
0x3c9: {  	v28 =	vadd.f32 v24, v28;
	v29 =	vadd.f32 v23, v29;
	v55 =	vld [tilespmem:s1+$0xD0]  }
0x3ca: {  	s14 =	sadd.s32 $0x3, s8;
	v25 =	vadd.f32 v35, v25;
	v39 =	vld [tilespmem:s1+$0x0];
	v26 =	vadd.f32 v9, v26  }
0x3cb: {  	v23 =	vmov s14;
	v9 =	vmov s8;
	v40 =	vld [tilespmem:s1+$0x10]  }
0x3cc: {  	v9 =	vand.u32 $0xFFFFFFFC, v9;
	v41 =	vld [tilespmem:s1+$0xFFFFFF80]  }
0x3cd: {  	v24 =	vbroadcast v9, $0x0;
	v42 =	vld [tilespmem:s1+$0xFFFFFF00]  }
0x3ce: {  	s14 =	sadd.s32 $0x2, s8;
	v43 =	vld [tilespmem:s1+$0xFFFFFF10]  }
0x3cf: {  	s15 =	sadd.s32 $0x1, s8;
	v9 =	vmov s14;
	v44 =	vld [tilespmem:s1+$0xFFFFFF20]  }
0x3d0: {  	v27 =	vmov s15;
	v35 =	vand.u32 $0xFFFFFFFE, v9;
	v9 =	vld.idx.msk [tilespmem:v23+s12+$0x0], $0xffff  }
0x3d1: {  	v23 =	vand.u32 $0xFFFFFFFD, v27;
	v27 =	vbroadcast v35, $0x0;
	v46 =	vld [tilespmem:s1+$0xFFFFFF30]  }
0x3d2: {  	v23 =	vbroadcast v23, $0x0;
	v47 =	vld [tilespmem:s1+$0xFFFFFF40]  }
0x3d3: {  	v45 =	vld.idx.msk [tilespmem:v24+s12+$0x0], $0xffff  }
.Ltmp3:
0x3d4: {  	v48 =	vld [tilespmem:s1+$0xFFFFFF50];
	(pc) =	sbr.rel @p0 .LBB2_9-.Ltmp3, $4  }
0x3d5: {  	v49 =	vld [tilespmem:s1+$0xFFFFFF60]  }
0x3d6: {  	v37 =	vmul.f32 v52, v9;
	v38 =	vmul.f32 v51, v9;
	v50 =	vld [tilespmem:s1+$0xFFFFFF70]  }
0x3d7: {  	v35 =	vmul.f32 v53, v9;
	v36 =	vmul.f32 v34, v9;
	v27 =	vld.idx.msk [tilespmem:v27+s12+$0x0], $0xffff  }
0x3d8: {  	s8 =	sadd.s32 $0x4, s8;
	v24 =	vmul.f32 v54, v9;
	v34 =	vld.idx.msk [tilespmem:v23+s12+$0x0], $0xffff;
	v23 =	vmul.f32 v55, v9  }
0x3d9: {  	v10 =	vadd.f32 $0.0e+00, v10;
	_ =	sdelay $0x1  }
0x3da: {  	v10 =	vadd.f32 v10, v11;
	_ =	sdelay $0x1  }
0x3db: {  	v10 =	vadd.f32 v10, v12;
	_ =	sdelay $0x1  }
0x3dc: {  	v10 =	vadd.f32 v10, v13;
	_ =	sdelay $0x1  }
0x3dd: {  	v10 =	vadd.f32 v10, v14;
	_ =	sdelay $0x1  }
0x3de: {  	v10 =	vadd.f32 v10, v15;
	_ =	sdelay $0x1  }
0x3df: {  	v10 =	vadd.f32 v10, v16;
	_ =	sdelay $0x1  }
0x3e0: {  	v10 =	vadd.f32 v10, v17;
	_ =	sdelay $0x1  }
0x3e1: {  	v10 =	vadd.f32 v10, v18;
	_ =	sdelay $0x1  }
0x3e2: {  	v10 =	vadd.f32 v10, v19;
	_ =	sdelay $0x1  }
0x3e3: {  	v10 =	vadd.f32 v10, v20;
	_ =	sdelay $0x1  }
0x3e4: {  	v10 =	vadd.f32 v10, v21;
	_ =	sdelay $0x1  }
0x3e5: {  	v10 =	vadd.f32 v10, v22;
	_ =	sdelay $0x1  }
0x3e6: {  	(xrf2) =	vadd.scan.msk.f32 $0xffff, v10;
	_ =	sdelay $0x4  }
0x3e7: {  	v53 =	vld [tilespmem:s1+$0xFFFFFF90];
	_ =	sdelay $0x1  }
0x3e8: {  	v54 =	vmul.f32 v44, v45;
	v55 =	vmul.f32 v46, v45;
	v46 =	vld [tilespmem:s1+$0x50]  }
0x3e9: {  	v57 =	vmul.f32 v47, v45;
	v11 =	vmul.f32 v43, v45  }
0x3ea: {  	v58 =	vmul.f32 v48, v45;
	v47 =	vld [tilespmem:s1+$0xFFFFFFC0];
	v60 =	vmul.f32 v50, v45  }
0x3eb: {  	v56 =	vld [tilespmem:s1+$0xFFFFFFA0];
	v39 =	vmul.f32 v39, v27;
	v11 =	vadd.f32 v11, v33;
	v12 =	vmul.f32 v53, v34;
	v61, _, _ =	vpop (xrf2)  }
0x3ec: {  	v48 =	vld [tilespmem:s1+$0xFFFFFFD0];
	v40 =	vmul.f32 v40, v27;
	v21 =	vbroadcast v61, $0xF  }
0x3ed: {  	v59 =	vld [tilespmem:s1+$0xFFFFFFB0];
	v41 =	vmul.f32 v41, v34;
	v53 =	vmul.f32 v46, v27;
	v11 =	vadd.f32 v12, v11  }
0x3ee: {  	v10 =	vmul.f32 v42, v45;
	(erf) = vrcp.f32 v21  }
0x3ef: {  	v63 =	vld [tilespmem:s1+$0x30];
	v13 =	vadd.f32 v54, v31;
	v54 =	vmul.f32 v47, v34;
	v11 =	vadd.f32 v40, v11  }
0x3f0: {  	v14 =	vadd.f32 v55, v32;
	v15 =	vmul.f32 v56, v34;
	v10 =	vadd.f32 v10, v30  }
0x3f1: {  	v62 =	vld [tilespmem:s1+$0x20];
	v12 =	vmul.f32 v48, v34;
	v11 =	vadd.f32 v38, v11;
	v17 =	vadd.f32 v58, v29  }
0x3f2: {  	v52 =	vld [tilespmem:s1+$0xFFFFFFF0];
	v13 =	vadd.f32 v15, v13;
	v18 =	vmul.f32 v59, v34;
	v10 =	vadd.f32 v41, v10  }
0x3f3: {  	v16 =	vadd.f32 v57, v28;
	v12 =	vadd.f32 v12, v17;
	v19 =	vmul.f32 v49, v45;
	v49 =	vld [tilespmem:s1+$0xFFFFFFE0]  }
0x3f4: {  	v50 =	vmul.f32 v63, v27;
	v14 =	vadd.f32 v18, v14;
	v45 =	vld [tilespmem:s1+$0x40];
	v10 =	vadd.f32 v39, v10  }
0x3f5: {  	v55 =	vld [tilespmem:$0x1A680];
	v16 =	vadd.f32 v54, v16;
	v12 =	vadd.f32 v53, v12  }
0x3f6: {  	v56 =	vld [tilespmem:s1+$0x60];
	v14 =	vadd.f32 v50, v14;
	v22 =	vmul.f32 v62, v27;
	v10 =	vadd.f32 v37, v10  }
0x3f7: {  	v58 =	vld [tilespmem:$0x1A690];
	v19 =	vadd.f32 v19, v25;
	v20 =	vadd.f32 v60, v26;
	v57 =	vpop (erf)  }
0x3f8: {  	v59 =	vld [tilespmem:s1+$0x70];
	v12 =	vadd.f32 v23, v12;
	v13 =	vadd.f32 v22, v13;
	v10 =	vmul.f32 v10, v57  }
0x3f9: {  	v14 =	vadd.f32 v36, v14;
	v15 =	vmul.f32 v49, v34;
	v51 =	vmul.f32 v45, v27;
	v61 =	vld [tilespmem:$0x1A6A0]  }
0x3fa: {  	v62 =	vld [tilespmem:s1+$0xE0];
	v13 =	vadd.f32 v35, v13;
	v11 =	vmul.f32 v11, v57;
	v63 =	vmul.f32 v55, v10  }
0x3fb: {  	v60 =	vmul.f32 v52, v34;
	v34 =	vld [tilespmem:$0x1A6B0];
	v15 =	vadd.f32 v15, v19;
	v16 =	vadd.f32 v51, v16  }
0x3fc: {  	v35 =	vld [tilespmem:s1+$0xF0];
	v13 =	vmul.f32 v13, v57;
	v29 =	vmul.f32 v58, v11;
	v19 =	vadd.f32 $0.0e+00, v63  }
0x3fd: {  	v32 =	vmul.f32 v56, v27;
	v20 =	vadd.f32 v60, v20;
	v37 =	vld [tilespmem:$0x1A6C0];
	v16 =	vadd.f32 v24, v16  }
0x3fe: {  	v14 =	vmul.f32 v14, v57;
	v17 =	vmul.f32 v61, v13;
	v19 =	vadd.f32 v29, v19  }
0x3ff: {  	v38 =	vld [tilespmem:$0x1A6D0];
	v36 =	vmul.f32 v59, v27;
	v15 =	vadd.f32 v32, v15;
	v21 =	vmul.f32 v62, v9  }
0x400: {  	v16 =	vmul.f32 v16, v57;
	v39 =	vmul.f32 v34, v14;
	v17 =	vadd.f32 v17, v19  }
0x401: {  	v40 =	vld [tilespmem:$0x1A6E0];
	v20 =	vadd.f32 v36, v20;
	v9 =	vmul.f32 v35, v9;
	v15 =	vadd.f32 v21, v15  }
0x402: {  	v12 =	vmul.f32 v12, v57;
	v18 =	vmul.f32 v37, v16;
	v17 =	vadd.f32 v39, v17  }
0x403: {  	v41 =	vld [tilespmem:$0x1A6F0];
	v9 =	vadd.f32 v9, v20  }
0x404: {  	v15 =	vmul.f32 v15, v57;
	v42 =	vmul.f32 v38, v12;
	v17 =	vadd.f32 v18, v17;
	_ =	sdelay $0x1  }
0x405: {  	v9 =	vmul.f32 v9, v57;
	v43 =	vmul.f32 v40, v15;
	v17 =	vadd.f32 v42, v17  }
0x406: {  	v44 =	vld [tilespmem:$0x1A700]  }
0x407: {  	v45 =	vmul.f32 v41, v9;
	v17 =	vadd.f32 v43, v17;
	_ =	sdelay $0x1  }
0x408: {  	v17 =	vadd.f32 v45, v17;
	_ =	sdelay $0x1  }
0x409: {  	v17 =	vadd.f32 v17, v44;
	_ =	sdelay $0x1  }
0x40a: {  	(xrf2) =	vadd.scan.msk.f32 $0xffff, v17;
	_ =	sdelay $0x9  }
0x40b: {  	v17, _, _ =	vpop (xrf2)  }
0x40c: {  	v17 =	vsub.f32 $0.0e+00, v17;
	_ =	sdelay $0x1  }
0x40d: {  	v17 =	vmul.f32 $1.442695020e+00, v17;
	_ =	sdelay $0x1  }
0x40e: {  	v17 =	vbroadcast v17, $0xF;
	_ =	sdelay $0x1  }
0x40f: {  	(erf) = vpow2.f32 v17;
	_ =	sdelay $0x8  }
0x410: {  	v17 =	vpop (erf)  }
0x411: {  	v17 =	vadd.f32 $1.000000000e+00, v17;
	_ =	sdelay $0x1  }
0x412: {  	(erf) = vrcp.f32 v17;
	_ =	sdelay $0x6  }
0x413: {  	v46 =	vld [tilespmem:s3+$0x1A900]  }
0x414: {  	v47 =	vld [tilespmem:s3+$0x1A910]  }
0x415: {  	v56 =	vld [tilespmem:s3+$0x1A970];
	v48 =	vpop (erf)  }
0x416: {  	v49 =	vld [tilespmem:s3+$0x1A920];
	v50 =	vsub.f32 $1.000000000e+00, v48  }
0x417: {  	v51 =	vld [tilespmem:s3+$0x1A930]  }
0x418: {  	v52 =	vld [tilespmem:s3+$0x1A940];
	v10 =	vmul.f32 v48, v10;
	v17 =	vmul.f32 v50, v46  }
0x419: {  	v53 =	vld [tilespmem:s3+$0x1A950];
	v11 =	vmul.f32 v48, v11;
	v18 =	vmul.f32 v50, v47  }
0x41a: {  	v54 =	vld [tilespmem:s3+$0x1A960];
	v9 =	vmul.f32 v48, v9;
	v63 =	vmul.f32 v56, v50;
	v10 =	vadd.f32 v17, v10  }
0x41b: {  	v13 =	vmul.f32 v48, v13;
	v55 =	vmul.f32 v50, v49;
	v11 =	vadd.f32 v18, v11  }
0x41c: {  	v14 =	vmul.f32 v48, v14;
	v57 =	vmul.f32 v50, v51;
	v9 =	vadd.f32 v63, v9;
	[tilespmem:s3+$0x1C900] =	vst v10  }
0x41d: {  	s19 =	sadd.s32 $0x1, s19;
	v58 =	vmul.f32 v48, v16;
	v59 =	vmul.f32 v50, v52;
	v10 =	vadd.f32 v55, v13;
	[tilespmem:s3+$0x1C910] =	vst v11  }
0x41e: {  	p0 =	sne.s32 s19, $0x20;
	v12 =	vmul.f32 v48, v12;
	v60 =	vmul.f32 v50, v53;
	v11 =	vadd.f32 v57, v14;
	[tilespmem:s3+$0x1C970] =	vst v9  }
.Ltmp4:
0x41f: {  	v61 =	vmul.f32 v48, v15;
	v62 =	vmul.f32 v54, v50;
	[tilespmem:s3+$0x1C920] =	vst v10;
	v10 =	vadd.f32 v59, v58;
	(pc) =	sbr.rel @p0 .LBB2_2-.Ltmp4, $4  }
0x420: {  	[tilespmem:s3+$0x1C930] =	vst v11;
	v11 =	vadd.f32 v60, v12  }
0x421: {  	[tilespmem:s3+$0x1C940] =	vst v10;
	v10 =	vadd.f32 v62, v61  }
0x422: {  	[tilespmem:s3+$0x1C950] =	vst v11  }
0x423: {  	[tilespmem:s3+$0x1C960] =	vst v10  }
0x424: {  	_ =	swait.ge [sflag:s0], $0x3400  }
0x425: {  	[sflag:s0] =	ssyncset.done $0x0  }
0x426: {  	[sflag:s0] =	ssyncadd.s32 $0xFFFFCC00  }
0x427: {  	_ =	swait.ge [sflag:s0], $0x3000  }
0x428: {  	[sflag:s0] =	ssyncset.done $0x0  }
0x429: {  	[sflag:s0] =	ssyncadd.s32 $0xFFFFD000  }
0x42a: {  	_ =	swait.ge [sflag:s0], $0x3400  }
0x42b: {  	[sflag:s0] =	ssyncset.done $0x0  }
0x42c: {  	[sflag:s0] =	ssyncadd.s32 $0xFFFFCC00  }
0x42d: {  	_ =	swait.ge [sflag:s0], $0x3000  }
0x42e: {  	[sflag:s0] =	ssyncset.done $0x0  }
0x42f: {  	[sflag:s0] =	ssyncadd.s32 $0xFFFFD000  }
0x430: {  	_ =	swait.ge [sflag:s2], $0x200  }
0x431: {  	s8 =	simm.s32 $0x0;
	s3 =	simm.s32 $0x1C880;
	[sflag:s2] =	ssyncset.done $0x0  }
0x432: {  	s14 =	simm.s32 $0x6;
	s1 =	rddreg [dreg:$0x8];
	[sflag:s2] =	ssyncadd.s32 $0xFFFFFE00  }
0x433: {  	[hbm4b:s1+s8] =	stream.linear.scatter [tilespmem:s3], [sflag:$0x6], $0x2000, $0x38;
	[tilespmem:$0x1E880] =	vst v63  }
0x434: {  	_ =	swait.ge [sflag:s14], $0x2000  }
0x435: {  	s18 =	rddreg [dreg:$0xa]  }
0x436: {  	s19 =	rddreg [dreg:$0x9];
	s3 =	sadd.s32 $0x1, s18  }
0x437: {  	p0 =	sne.s32 s3, s19  }
.Ltmp5:
0x438: {  	_ = 	snop;
	(pc) =	sbr.rel @p0 .LBB2_1-.Ltmp5, $3  }
0x439: {  	_ =	sdelay $0x1  }
0x43a: {  	[sflag:s14] =	ssyncset.done $0x0  }
0x43b: {  	[sflag:s14] =	ssyncadd.s32 $0xFFFFE000  }
0x43c: {  	_ =	sfence.sel $0x180000  }
0x43d: {  	[bflag:$0x0] =	sbarrier.arrive $0xFFFF  }
0x43e: {  	_ =	strace $0x90000047  }
0x43f: {  	s0 =	stileid.u32;
	[bflag:$0x2] =	sbarrier.arrive $0xFFFF  }
0x440: {  	p0 =	sne.s32 s0, $0x0;
	s0 =	rddreg [dreg:$0x3]  }
0x441: {  	s0 =	sadd.s32 @!p0 $0x100000, s0  }
0x442: {  	[sflag:s0] =	ssyncadd.tile.s32 @!p0 $0x1;
	_ =	shalt  }
.Lfunc_end2:
_tile_overlayer_lowered:
.L_overlay_start_2:
0x443: {  	(tag) =	ssettag $0x2  }
0x444: {  	s0 =	rddreg [dreg:$0x0];
	s2 =	stileid.u32  }
0x445: {  	s1 =	rddreg [dreg:$0x1];
	p0 =	sne.s32 s2, $0x0  }
0x446: {  	s3 =	rddreg [dreg:$0x2];
	[bflag:$0x3] =	sbarrier.arrive $0xFFFF;
	s2 =	simm.s32 @!p0 $0x1C06  }
0x447: {  	[timem:s3], [sflag:s2] =	dma.local @!p0 [hbm:s0], s1  }
0x448: {  	s0 =	simm.s32 @!p0 $0x6  }
0x449: {  	_ =	swait.ge @!p0 [sflag:s0], s1  }
0x44a: {  	s1 =	ssub.s32 @!p0 $0x0, s1;
	[sflag:s0] =	ssyncset.done @!p0 $0x0  }
0x44b: {  	[sflag:s0] =	ssyncadd.s32 @!p0 s1  }
0x44c: {  	[bflag:$0x3] =	sbarrier.arrive $0xFFFF  }
0x44d: {  	_ =	shalt  }

</sc_bundles>
